<compile_context>
chip_gen: v7x
topology: tpu7x:2x2x1
jax: 0.10.2.dev20260603
libtpu: 0.0.44.dev20260713+nightly
codegen_flags: <defaults>
</compile_context>

<pallas_src>
import functools

import jax
import jax.numpy as jnp
from jax import lax
from jax.experimental import pallas as pl
from jax.experimental.pallas import tpu as pltpu
from jax.experimental.pallas import tpu_sc as plsc

B, N, C, K = 8, 1024, 256, 8192
SCALES = [2 ** i for i in range(11)]

_NW = 32
_IDX_CHUNK = 128


@functools.cache
def _sc_gather_kernel(Rp):
    b_per_w = Rp // _NW
    chunk = min(b_per_w, _IDX_CHUNK)
    n_chunks = b_per_w // chunk
    mesh = plsc.VectorSubcoreMesh(core_axis_name="c", subcore_axis_name="s")

    @functools.partial(
        pl.kernel, mesh=mesh,
        out_type=jax.ShapeDtypeStruct((Rp, C), jnp.float32),
        scratch_types=[
            pltpu.VMEM((chunk,), jnp.int32),
            pltpu.VMEM((chunk, C), jnp.float32),
            pltpu.SemaphoreType.DMA,
        ],
    )
    def gather(table_hbm, idx_hbm, out_hbm, idx_v, rows_v, sem):
        wid = lax.axis_index("s") * 2 + lax.axis_index("c")
        base = wid * b_per_w
        for j in range(n_chunks):
            off = base + j * chunk
            pltpu.sync_copy(idx_hbm.at[pl.ds(off, chunk)], idx_v)
            pltpu.async_copy(table_hbm.at[idx_v], rows_v, sem).wait()
            pltpu.sync_copy(rows_v, out_hbm.at[pl.ds(off, chunk)])

    return gather


def _sc_gather(table, idx):
    R = idx.shape[0]
    Rp = max(R, 8 * _NW)
    if R < Rp:
        idx = jnp.pad(idx, (0, Rp - R))
    out = _sc_gather_kernel(Rp)(table, idx)
    return out[:R] if R < Rp else out


def _dist_argmin_body(rest_ref, rsq_ref, embT_ref, esq_ref, idx_ref, *, n_chunks):
    rest = rest_ref[...]
    rsq = rsq_ref[...]
    W = K // n_chunks
    acc_val = None
    acc_idx = None
    for c in range(n_chunks):
        m = jnp.dot(rest, embT_ref[:, c * W:(c + 1) * W],
                    preferred_element_type=jnp.float32)
        d = (rsq + esq_ref[:, c * W:(c + 1) * W]) - 2.0 * m
        cmin = jnp.min(d, axis=1, keepdims=True)
        iota = jax.lax.broadcasted_iota(jnp.int32, d.shape, 1)
        cidx = jnp.min(jnp.where(d == cmin, iota, K), axis=1, keepdims=True) + c * W
        if acc_val is None:
            acc_val, acc_idx = cmin, cidx
        else:
            take = (cmin < acc_val) | ((cmin == acc_val) & (cidx < acc_idx))
            acc_idx = jnp.where(take, cidx, acc_idx)
            acc_val = jnp.where(take, cmin, acc_val)
        if n_chunks > 1:
            acc_val = acc_val.astype(jnp.bfloat16).astype(jnp.float32)
    idx_ref[...] = acc_idx


def _dist_argmin(rest, rsq, embT, esq, n_chunks=1):
    import functools
    R = rest.shape[0]
    Rb = min(R, 256)
    grid = (R // Rb,)
    return pl.pallas_call(
        functools.partial(_dist_argmin_body, n_chunks=n_chunks),
        grid=grid,
        in_specs=[
            pl.BlockSpec((Rb, C), lambda r: (r, 0)),
            pl.BlockSpec((Rb, 1), lambda r: (r, 0)),
            pl.BlockSpec((C, K), lambda r: (0, 0)),
            pl.BlockSpec((1, K), lambda r: (0, 0)),
        ],
        out_specs=pl.BlockSpec((Rb, 1), lambda r: (r, 0)),
        out_shape=jax.ShapeDtypeStruct((R, 1), jnp.int32),
    )(rest, rsq, embT, esq)


def _area_down_(x, pn):
    b, c, n = x.shape
    return x.reshape(b, c, pn, n // pn).mean(axis=-1)


def _linear_up_(x, out_size):
    n = x.shape[-1]
    if n == out_size:
        return x
    scale = n / out_size
    coords = (jnp.arange(out_size, dtype=jnp.float32) + 0.5) * scale - 0.5
    coords = jnp.clip(coords, 0.0, float(n - 1))
    lo = jnp.floor(coords).astype(jnp.int32)
    hi = jnp.minimum(lo + 1, n - 1)
    w = (coords - lo.astype(jnp.float32))[None, None, :]
    return jnp.take(x, lo, axis=-1) * (1.0 - w) + jnp.take(x, hi, axis=-1) * w


def kernel(f_BNC, base, proj_w, proj_b):
    embedding = base @ proj_w.T + proj_b
    emb_ng = embedding
    embT = emb_ng.T
    esq = jnp.sum(emb_ng ** 2, axis=1).reshape(1, K)
    f_BCN = jnp.transpose(f_BNC, (0, 2, 1))
    f_ng = f_BCN
    f_rest = f_ng
    f_hat = jnp.zeros_like(f_ng)
    SN = len(SCALES)
    commit = jnp.float32(0.0)
    qlat = jnp.float32(0.0)
    for pn in SCALES:
        rest_NC = jnp.transpose(_area_down_(f_rest, pn), (0, 2, 1)).reshape(-1, C)
        rsq = jnp.sum(rest_NC ** 2, axis=1, keepdims=True)
        idx = _dist_argmin(rest_NC, rsq, embT, esq,
                           n_chunks=4 if pn == N else 1)[:, 0]
        h_NC = _sc_gather(embedding, idx)
        h_BnC = h_NC.reshape(B, pn, C)
        h_BCn = _linear_up_(jnp.transpose(h_BnC, (0, 2, 1)), N)
        f_hat = f_hat + h_BCn
        f_rest = f_rest - h_BCn
        commit = commit + 0.25 * jnp.mean((f_hat - f_BCN) ** 2)
        qlat = qlat + jnp.mean((f_hat - f_ng) ** 2)
    commit = commit / SN
    qlat = qlat / SN
    f_hat_out = f_hat - f_ng + f_BCN
    return (jnp.transpose(f_hat_out, (0, 2, 1)), commit, qlat, 0.0)

# --- scband reference (transcript-rebuilt; emitter-appended) ---
"""Pipeline reference for scband-vector-quantizer-30142080484148 (READ-ONLY COPY).

The authoritative reference and input builder live on the scoring server;
editing this copy changes nothing except your own understanding.
"""

import jax, jax.numpy as jnp
import numpy as np

B, N, C, K = 8, 1024, 256, 8192
SCALES = [2 ** i for i in range(11)]


def setup_inputs(seed: int = 0):
    key = jax.random.key(seed)
    k1, k2, k3 = jax.random.split(key, 3)
    f_BNC = jax.random.normal(k1, (B, N, C), dtype=jnp.float32)
    base = jax.random.normal(k2, (K, C), dtype=jnp.float32)
    lim = float(np.sqrt(6.0 / (C + C)))
    proj_w = jax.random.uniform(k3, (C, C), dtype=jnp.float32, minval=-lim, maxval=lim)
    proj_b = jnp.zeros((C,), dtype=jnp.float32)
    return {"f_BNC": f_BNC, "base": base, "proj_w": proj_w, "proj_b": proj_b}


def _area_down(x, pn):
    # F.interpolate(mode='area') to size pn where pn divides n: adaptive avg pool
    b, c, n = x.shape
    return x.reshape(b, c, pn, n // pn).mean(axis=-1)


def _linear_up(x, out_size):
    # F.interpolate(mode='linear', align_corners=False)
    n = x.shape[-1]
    if n == out_size:
        return x
    scale = n / out_size
    coords = (jnp.arange(out_size, dtype=jnp.float32) + 0.5) * scale - 0.5
    coords = jnp.clip(coords, 0.0, float(n - 1))
    lo = jnp.floor(coords).astype(jnp.int32)
    hi = jnp.minimum(lo + 1, n - 1)
    w = (coords - lo.astype(jnp.float32))[None, None, :]
    return jnp.take(x, lo, axis=-1) * (1.0 - w) + jnp.take(x, hi, axis=-1) * w


def _forward(f_BNC, base, proj_w, proj_b):
    # update_embedding(): embedding = proj(base)
    embedding = base @ proj_w.T + proj_b
    emb_ng = jax.lax.stop_gradient(embedding)
    f_BCN = jnp.transpose(f_BNC, (0, 2, 1))
    f_ng = jax.lax.stop_gradient(f_BCN)
    f_rest = f_ng
    f_hat = jnp.zeros_like(f_ng)
    SN = len(SCALES)
    commit = jnp.float32(0.0)
    qlat = jnp.float32(0.0)
    for pn in SCALES:
        rest_NC = jnp.transpose(_area_down(f_rest, pn), (0, 2, 1)).reshape(-1, C)
        # quantize_input: ||q||^2 + ||e||^2 - 2 q e^T, argmin (uses embedding.data -> no grad)
        d = (jnp.sum(rest_NC ** 2, axis=1, keepdims=True)
             + jnp.sum(emb_ng ** 2, axis=1)
             - 2.0 * (jax.lax.stop_gradient(rest_NC) @ emb_ng.T))
        idx = jnp.argmin(d, axis=1)
        # h_NC = self.embedding[idx] (grad flows through embedding)
        h_NC = jnp.take(embedding, idx, axis=0)
        h_BnC = h_NC.reshape(B, pn, C)
        h_BCn = _linear_up(jnp.transpose(h_BnC, (0, 2, 1)), N)
        f_hat = f_hat + h_BCn
        f_rest = f_rest - h_BCn
        commit = commit + 0.25 * jnp.mean((jax.lax.stop_gradient(f_hat) - f_BCN) ** 2)
        qlat = qlat + jnp.mean((f_hat - f_ng) ** 2)
    commit = commit / SN
    qlat = qlat / SN
    # straight-through: (f_hat.data - f_no_grad) + f_BCN
    f_hat_out = jax.lax.stop_gradient(f_hat) - f_ng + f_BCN
    return jnp.transpose(f_hat_out, (0, 2, 1)), commit, qlat


def reference(f_BNC, base, proj_w, proj_b):
    f_hat, commit, qlat = _forward(f_BNC, base, proj_w, proj_b)
    return (f_hat, commit, qlat, 0.0)

if __name__ == "__main__":
    import jax
    _d = setup_inputs()
    print(jax.jit(kernel)(*tuple(_d.values())))

</pallas_src>

<mosaic_0001>
#map = affine_map<(d0, d1) -> (0, 0)>
#map1 = affine_map<(d0, d1) -> (0)>
module attributes {stable_mosaic.version = 14 : i64} {
  func.func @gather(%arg0: i32, %arg1: i32, %arg2: memref<8192x256xf32, #tpu.memory_space<hbm>>, %arg3: memref<256xi32, #tpu.memory_space<hbm>>, %arg4: memref<256x256xf32, #tpu.memory_space<hbm>>, %arg5: memref<8xi32, #tpu.memory_space<vmem>>, %arg6: memref<8x256xf32, #tpu.memory_space<vmem>>, %arg7: memref<!tpu.dma_semaphore, #tpu.memory_space<semaphore_mem>>) attributes {dimension_semantics = [#tpu.dimension_semantics<core_parallel>, #tpu.dimension_semantics<subcore_parallel>], iteration_bounds = array<i64: 2, 16>, scalar_prefetch = 0 : i64, scratch_operands = 3 : i64, tpu.core_type = #tpu.core_type<sc_vector_subcore>, window_params = [{transform_indices = #map}, {transform_indices = #map1}, {transform_indices = #map}]} {
    %mul3A = arith.constant 2 : i32
    %mul3A_0 = arith.muli %arg1, %mul3A : i32
    %add3A = arith.addi %mul3A_0, %arg0 : i32
    %mul3A_1 = arith.constant 8 : i32
    %mul3A_2 = arith.muli %add3A, %mul3A_1 : i32
    %add3A_3 = arith.constant 0 : i32
    %add3A_4 = arith.addi %mul3A_2, %add3A_3 : i32
    "tpu.region"() ({
      %run_scoped3A = tpu.sem_alloc : memref<!tpu.dma_semaphore, #tpu.memory_space<semaphore_mem>>
      %dma_start3A_9 = tpu.memref_slice %arg3[%add3A_4] : memref<256xi32, #tpu.memory_space<hbm>> -> memref<8xi32, #tpu.memory_space<hbm>>
      %dma_start3A_10 = tpu.memref_slice %arg3[%add3A_4] : memref<256xi32, #tpu.memory_space<hbm>> -> memref<8xi32, #tpu.memory_space<hbm>>
      tpu.enqueue_dma source(%dma_start3A_10 : memref<8xi32, #tpu.memory_space<hbm>>) target(%arg5 : memref<8xi32, #tpu.memory_space<vmem>>) target_semaphore(%run_scoped3A : memref<!tpu.dma_semaphore, #tpu.memory_space<semaphore_mem>>)
      %dma_wait3A_11 = tpu.memref_slice %arg3[%add3A_4] : memref<256xi32, #tpu.memory_space<hbm>> -> memref<8xi32, #tpu.memory_space<hbm>>
      %dma_wait3A_12 = tpu.memref_slice %arg3[%add3A_4] : memref<256xi32, #tpu.memory_space<hbm>> -> memref<8xi32, #tpu.memory_space<hbm>>
      tpu.wait_dma2 semaphore(%run_scoped3A : memref<!tpu.dma_semaphore, #tpu.memory_space<semaphore_mem>>) src(%dma_wait3A_12 : memref<8xi32, #tpu.memory_space<hbm>>) dst(%arg5 : memref<8xi32, #tpu.memory_space<vmem>>)
      tpu.yield
    }) : () -> ()
    %dma_start3A = arith.constant 0 : i32
    %dma_start3A_5 = arith.constant 0 : i32
    %dma_start3A_6 = tpu.memref_slice %arg2[%dma_start3A, %dma_start3A_5] : memref<8192x256xf32, #tpu.memory_space<hbm>> -> memref<8192x256xf32, #tpu.memory_space<hbm>>
    tpu.enqueue_indirect_dma source(%dma_start3A_6 : memref<8192x256xf32, #tpu.memory_space<hbm>>) target(%arg6 : memref<8x256xf32, #tpu.memory_space<vmem>>) offsets(%arg5 : memref<8xi32, #tpu.memory_space<vmem>>) semaphore(%arg7 : memref<!tpu.dma_semaphore, #tpu.memory_space<semaphore_mem>>)
    %dma_wait3A = arith.constant 0 : i32
    %dma_wait3A_7 = arith.constant 0 : i32
    %dma_wait3A_8 = tpu.memref_slice %arg2[%dma_wait3A, %dma_wait3A_7] : memref<8192x256xf32, #tpu.memory_space<hbm>> -> memref<8192x256xf32, #tpu.memory_space<hbm>>
    tpu.wait_indirect_dma semaphore(%arg7 : memref<!tpu.dma_semaphore, #tpu.memory_space<semaphore_mem>>) src(%dma_wait3A_8 : memref<8192x256xf32, #tpu.memory_space<hbm>>) dst(%arg6 : memref<8x256xf32, #tpu.memory_space<vmem>>)
    "tpu.region"() ({
      %run_scoped3A = tpu.sem_alloc : memref<!tpu.dma_semaphore, #tpu.memory_space<semaphore_mem>>
      %dma_start3A_9 = arith.constant 0 : i32
      %dma_start3A_10 = tpu.memref_slice %arg4[%add3A_4, %dma_start3A_9] : memref<256x256xf32, #tpu.memory_space<hbm>> -> memref<8x256xf32, #tpu.memory_space<hbm>>
      %dma_start3A_11 = arith.constant 0 : i32
      %dma_start3A_12 = tpu.memref_slice %arg4[%add3A_4, %dma_start3A_11] : memref<256x256xf32, #tpu.memory_space<hbm>> -> memref<8x256xf32, #tpu.memory_space<hbm>>
      tpu.enqueue_dma source(%arg6 : memref<8x256xf32, #tpu.memory_space<vmem>>) target(%dma_start3A_12 : memref<8x256xf32, #tpu.memory_space<hbm>>) target_semaphore(%run_scoped3A : memref<!tpu.dma_semaphore, #tpu.memory_space<semaphore_mem>>)
      %dma_wait3A_13 = arith.constant 0 : i32
      %dma_wait3A_14 = tpu.memref_slice %arg4[%add3A_4, %dma_wait3A_13] : memref<256x256xf32, #tpu.memory_space<hbm>> -> memref<8x256xf32, #tpu.memory_space<hbm>>
      %dma_wait3A_15 = arith.constant 0 : i32
      %dma_wait3A_16 = tpu.memref_slice %arg4[%add3A_4, %dma_wait3A_15] : memref<256x256xf32, #tpu.memory_space<hbm>> -> memref<8x256xf32, #tpu.memory_space<hbm>>
      tpu.wait_dma2 semaphore(%run_scoped3A : memref<!tpu.dma_semaphore, #tpu.memory_space<semaphore_mem>>) src(%arg6 : memref<8x256xf32, #tpu.memory_space<vmem>>) dst(%dma_wait3A_16 : memref<8x256xf32, #tpu.memory_space<hbm>>)
      tpu.yield
    }) : () -> ()
    return
  }
}

#map = affine_map<(d0, d1) -> (0, 0)>
#map1 = affine_map<(d0, d1) -> (0)>
module attributes {stable_mosaic.version = 14 : i64} {
  func.func @gather(%arg0: i32, %arg1: i32, %arg2: memref<8192x256xf32, #tpu.memory_space<hbm>>, %arg3: memref<256xi32, #tpu.memory_space<hbm>>, %arg4: memref<256x256xf32, #tpu.memory_space<hbm>>, %arg5: memref<8xi32, #tpu.memory_space<vmem>>, %arg6: memref<8x256xf32, #tpu.memory_space<vmem>>, %arg7: memref<!tpu.dma_semaphore, #tpu.memory_space<semaphore_mem>>) attributes {dimension_semantics = [#tpu.dimension_semantics<core_parallel>, #tpu.dimension_semantics<subcore_parallel>], iteration_bounds = array<i64: 2, 16>, scalar_prefetch = 0 : i64, scratch_operands = 3 : i64, tpu.core_type = #tpu.core_type<sc_vector_subcore>, window_params = [{transform_indices = #map}, {transform_indices = #map1}, {transform_indices = #map}]} {
    %mul3A = arith.constant 2 : i32
    %mul3A_0 = arith.muli %arg1, %mul3A : i32
    %add3A = arith.addi %mul3A_0, %arg0 : i32
    %mul3A_1 = arith.constant 8 : i32
    %mul3A_2 = arith.muli %add3A, %mul3A_1 : i32
    %add3A_3 = arith.constant 0 : i32
    %add3A_4 = arith.addi %mul3A_2, %add3A_3 : i32
    "tpu.region"() ({
      %run_scoped3A = tpu.sem_alloc : memref<!tpu.dma_semaphore, #tpu.memory_space<semaphore_mem>>
      %dma_start3A_9 = tpu.memref_slice %arg3[%add3A_4] : memref<256xi32, #tpu.memory_space<hbm>> -> memref<8xi32, #tpu.memory_space<hbm>>
      %dma_start3A_10 = tpu.memref_slice %arg3[%add3A_4] : memref<256xi32, #tpu.memory_space<hbm>> -> memref<8xi32, #tpu.memory_space<hbm>>
      tpu.enqueue_dma source(%dma_start3A_10 : memref<8xi32, #tpu.memory_space<hbm>>) target(%arg5 : memref<8xi32, #tpu.memory_space<vmem>>) target_semaphore(%run_scoped3A : memref<!tpu.dma_semaphore, #tpu.memory_space<semaphore_mem>>)
      %dma_wait3A_11 = tpu.memref_slice %arg3[%add3A_4] : memref<256xi32, #tpu.memory_space<hbm>> -> memref<8xi32, #tpu.memory_space<hbm>>
      %dma_wait3A_12 = tpu.memref_slice %arg3[%add3A_4] : memref<256xi32, #tpu.memory_space<hbm>> -> memref<8xi32, #tpu.memory_space<hbm>>
      tpu.wait_dma2 semaphore(%run_scoped3A : memref<!tpu.dma_semaphore, #tpu.memory_space<semaphore_mem>>) src(%dma_wait3A_12 : memref<8xi32, #tpu.memory_space<hbm>>) dst(%arg5 : memref<8xi32, #tpu.memory_space<vmem>>)
      tpu.yield
    }) : () -> ()
    %dma_start3A = arith.constant 0 : i32
    %dma_start3A_5 = arith.constant 0 : i32
    %dma_start3A_6 = tpu.memref_slice %arg2[%dma_start3A, %dma_start3A_5] : memref<8192x256xf32, #tpu.memory_space<hbm>> -> memref<8192x256xf32, #tpu.memory_space<hbm>>
    tpu.enqueue_indirect_dma source(%dma_start3A_6 : memref<8192x256xf32, #tpu.memory_space<hbm>>) target(%arg6 : memref<8x256xf32, #tpu.memory_space<vmem>>) offsets(%arg5 : memref<8xi32, #tpu.memory_space<vmem>>) semaphore(%arg7 : memref<!tpu.dma_semaphore, #tpu.memory_space<semaphore_mem>>)
    %dma_wait3A = arith.constant 0 : i32
    %dma_wait3A_7 = arith.constant 0 : i32
    %dma_wait3A_8 = tpu.memref_slice %arg2[%dma_wait3A, %dma_wait3A_7] : memref<8192x256xf32, #tpu.memory_space<hbm>> -> memref<8192x256xf32, #tpu.memory_space<hbm>>
    tpu.wait_indirect_dma semaphore(%arg7 : memref<!tpu.dma_semaphore, #tpu.memory_space<semaphore_mem>>) src(%dma_wait3A_8 : memref<8192x256xf32, #tpu.memory_space<hbm>>) dst(%arg6 : memref<8x256xf32, #tpu.memory_space<vmem>>)
    "tpu.region"() ({
      %run_scoped3A = tpu.sem_alloc : memref<!tpu.dma_semaphore, #tpu.memory_space<semaphore_mem>>
      %dma_start3A_9 = arith.constant 0 : i32
      %dma_start3A_10 = tpu.memref_slice %arg4[%add3A_4, %dma_start3A_9] : memref<256x256xf32, #tpu.memory_space<hbm>> -> memref<8x256xf32, #tpu.memory_space<hbm>>
      %dma_start3A_11 = arith.constant 0 : i32
      %dma_start3A_12 = tpu.memref_slice %arg4[%add3A_4, %dma_start3A_11] : memref<256x256xf32, #tpu.memory_space<hbm>> -> memref<8x256xf32, #tpu.memory_space<hbm>>
      tpu.enqueue_dma source(%arg6 : memref<8x256xf32, #tpu.memory_space<vmem>>) target(%dma_start3A_12 : memref<8x256xf32, #tpu.memory_space<hbm>>) target_semaphore(%run_scoped3A : memref<!tpu.dma_semaphore, #tpu.memory_space<semaphore_mem>>)
      %dma_wait3A_13 = arith.constant 0 : i32
      %dma_wait3A_14 = tpu.memref_slice %arg4[%add3A_4, %dma_wait3A_13] : memref<256x256xf32, #tpu.memory_space<hbm>> -> memref<8x256xf32, #tpu.memory_space<hbm>>
      %dma_wait3A_15 = arith.constant 0 : i32
      %dma_wait3A_16 = tpu.memref_slice %arg4[%add3A_4, %dma_wait3A_15] : memref<256x256xf32, #tpu.memory_space<hbm>> -> memref<8x256xf32, #tpu.memory_space<hbm>>
      tpu.wait_dma2 semaphore(%run_scoped3A : memref<!tpu.dma_semaphore, #tpu.memory_space<semaphore_mem>>) src(%arg6 : memref<8x256xf32, #tpu.memory_space<vmem>>) dst(%dma_wait3A_16 : memref<8x256xf32, #tpu.memory_space<hbm>>)
      tpu.yield
    }) : () -> ()
    return
  }
}

#map = affine_map<(d0, d1) -> (0, 0)>
#map1 = affine_map<(d0, d1) -> (0)>
module attributes {stable_mosaic.version = 14 : i64} {
  func.func @gather(%arg0: i32, %arg1: i32, %arg2: memref<8192x256xf32, #tpu.memory_space<hbm>>, %arg3: memref<256xi32, #tpu.memory_space<hbm>>, %arg4: memref<256x256xf32, #tpu.memory_space<hbm>>, %arg5: memref<8xi32, #tpu.memory_space<vmem>>, %arg6: memref<8x256xf32, #tpu.memory_space<vmem>>, %arg7: memref<!tpu.dma_semaphore, #tpu.memory_space<semaphore_mem>>) attributes {dimension_semantics = [#tpu.dimension_semantics<core_parallel>, #tpu.dimension_semantics<subcore_parallel>], iteration_bounds = array<i64: 2, 16>, scalar_prefetch = 0 : i64, scratch_operands = 3 : i64, tpu.core_type = #tpu.core_type<sc_vector_subcore>, window_params = [{transform_indices = #map}, {transform_indices = #map1}, {transform_indices = #map}]} {
    %mul3A = arith.constant 2 : i32
    %mul3A_0 = arith.muli %arg1, %mul3A : i32
    %add3A = arith.addi %mul3A_0, %arg0 : i32
    %mul3A_1 = arith.constant 8 : i32
    %mul3A_2 = arith.muli %add3A, %mul3A_1 : i32
    %add3A_3 = arith.constant 0 : i32
    %add3A_4 = arith.addi %mul3A_2, %add3A_3 : i32
    "tpu.region"() ({
      %run_scoped3A = tpu.sem_alloc : memref<!tpu.dma_semaphore, #tpu.memory_space<semaphore_mem>>
      %dma_start3A_9 = tpu.memref_slice %arg3[%add3A_4] : memref<256xi32, #tpu.memory_space<hbm>> -> memref<8xi32, #tpu.memory_space<hbm>>
      %dma_start3A_10 = tpu.memref_slice %arg3[%add3A_4] : memref<256xi32, #tpu.memory_space<hbm>> -> memref<8xi32, #tpu.memory_space<hbm>>
      tpu.enqueue_dma source(%dma_start3A_10 : memref<8xi32, #tpu.memory_space<hbm>>) target(%arg5 : memref<8xi32, #tpu.memory_space<vmem>>) target_semaphore(%run_scoped3A : memref<!tpu.dma_semaphore, #tpu.memory_space<semaphore_mem>>)
      %dma_wait3A_11 = tpu.memref_slice %arg3[%add3A_4] : memref<256xi32, #tpu.memory_space<hbm>> -> memref<8xi32, #tpu.memory_space<hbm>>
      %dma_wait3A_12 = tpu.memref_slice %arg3[%add3A_4] : memref<256xi32, #tpu.memory_space<hbm>> -> memref<8xi32, #tpu.memory_space<hbm>>
      tpu.wait_dma2 semaphore(%run_scoped3A : memref<!tpu.dma_semaphore, #tpu.memory_space<semaphore_mem>>) src(%dma_wait3A_12 : memref<8xi32, #tpu.memory_space<hbm>>) dst(%arg5 : memref<8xi32, #tpu.memory_space<vmem>>)
      tpu.yield
    }) : () -> ()
    %dma_start3A = arith.constant 0 : i32
    %dma_start3A_5 = arith.constant 0 : i32
    %dma_start3A_6 = tpu.memref_slice %arg2[%dma_start3A, %dma_start3A_5] : memref<8192x256xf32, #tpu.memory_space<hbm>> -> memref<8192x256xf32, #tpu.memory_space<hbm>>
    tpu.enqueue_indirect_dma source(%dma_start3A_6 : memref<8192x256xf32, #tpu.memory_space<hbm>>) target(%arg6 : memref<8x256xf32, #tpu.memory_space<vmem>>) offsets(%arg5 : memref<8xi32, #tpu.memory_space<vmem>>) semaphore(%arg7 : memref<!tpu.dma_semaphore, #tpu.memory_space<semaphore_mem>>)
    %dma_wait3A = arith.constant 0 : i32
    %dma_wait3A_7 = arith.constant 0 : i32
    %dma_wait3A_8 = tpu.memref_slice %arg2[%dma_wait3A, %dma_wait3A_7] : memref<8192x256xf32, #tpu.memory_space<hbm>> -> memref<8192x256xf32, #tpu.memory_space<hbm>>
    tpu.wait_indirect_dma semaphore(%arg7 : memref<!tpu.dma_semaphore, #tpu.memory_space<semaphore_mem>>) src(%dma_wait3A_8 : memref<8192x256xf32, #tpu.memory_space<hbm>>) dst(%arg6 : memref<8x256xf32, #tpu.memory_space<vmem>>)
    "tpu.region"() ({
      %run_scoped3A = tpu.sem_alloc : memref<!tpu.dma_semaphore, #tpu.memory_space<semaphore_mem>>
      %dma_start3A_9 = arith.constant 0 : i32
      %dma_start3A_10 = tpu.memref_slice %arg4[%add3A_4, %dma_start3A_9] : memref<256x256xf32, #tpu.memory_space<hbm>> -> memref<8x256xf32, #tpu.memory_space<hbm>>
      %dma_start3A_11 = arith.constant 0 : i32
      %dma_start3A_12 = tpu.memref_slice %arg4[%add3A_4, %dma_start3A_11] : memref<256x256xf32, #tpu.memory_space<hbm>> -> memref<8x256xf32, #tpu.memory_space<hbm>>
      tpu.enqueue_dma source(%arg6 : memref<8x256xf32, #tpu.memory_space<vmem>>) target(%dma_start3A_12 : memref<8x256xf32, #tpu.memory_space<hbm>>) target_semaphore(%run_scoped3A : memref<!tpu.dma_semaphore, #tpu.memory_space<semaphore_mem>>)
      %dma_wait3A_13 = arith.constant 0 : i32
      %dma_wait3A_14 = tpu.memref_slice %arg4[%add3A_4, %dma_wait3A_13] : memref<256x256xf32, #tpu.memory_space<hbm>> -> memref<8x256xf32, #tpu.memory_space<hbm>>
      %dma_wait3A_15 = arith.constant 0 : i32
      %dma_wait3A_16 = tpu.memref_slice %arg4[%add3A_4, %dma_wait3A_15] : memref<256x256xf32, #tpu.memory_space<hbm>> -> memref<8x256xf32, #tpu.memory_space<hbm>>
      tpu.wait_dma2 semaphore(%run_scoped3A : memref<!tpu.dma_semaphore, #tpu.memory_space<semaphore_mem>>) src(%arg6 : memref<8x256xf32, #tpu.memory_space<vmem>>) dst(%dma_wait3A_16 : memref<8x256xf32, #tpu.memory_space<hbm>>)
      tpu.yield
    }) : () -> ()
    return
  }
}

#map = affine_map<(d0, d1) -> (0, 0)>
#map1 = affine_map<(d0, d1) -> (0)>
module attributes {stable_mosaic.version = 14 : i64} {
  func.func @gather(%arg0: i32, %arg1: i32, %arg2: memref<8192x256xf32, #tpu.memory_space<hbm>>, %arg3: memref<256xi32, #tpu.memory_space<hbm>>, %arg4: memref<256x256xf32, #tpu.memory_space<hbm>>, %arg5: memref<8xi32, #tpu.memory_space<vmem>>, %arg6: memref<8x256xf32, #tpu.memory_space<vmem>>, %arg7: memref<!tpu.dma_semaphore, #tpu.memory_space<semaphore_mem>>) attributes {dimension_semantics = [#tpu.dimension_semantics<core_parallel>, #tpu.dimension_semantics<subcore_parallel>], iteration_bounds = array<i64: 2, 16>, scalar_prefetch = 0 : i64, scratch_operands = 3 : i64, tpu.core_type = #tpu.core_type<sc_vector_subcore>, window_params = [{transform_indices = #map}, {transform_indices = #map1}, {transform_indices = #map}]} {
    %mul3A = arith.constant 2 : i32
    %mul3A_0 = arith.muli %arg1, %mul3A : i32
    %add3A = arith.addi %mul3A_0, %arg0 : i32
    %mul3A_1 = arith.constant 8 : i32
    %mul3A_2 = arith.muli %add3A, %mul3A_1 : i32
    %add3A_3 = arith.constant 0 : i32
    %add3A_4 = arith.addi %mul3A_2, %add3A_3 : i32
    "tpu.region"() ({
      %run_scoped3A = tpu.sem_alloc : memref<!tpu.dma_semaphore, #tpu.memory_space<semaphore_mem>>
      %dma_start3A_9 = tpu.memref_slice %arg3[%add3A_4] : memref<256xi32, #tpu.memory_space<hbm>> -> memref<8xi32, #tpu.memory_space<hbm>>
      %dma_start3A_10 = tpu.memref_slice %arg3[%add3A_4] : memref<256xi32, #tpu.memory_space<hbm>> -> memref<8xi32, #tpu.memory_space<hbm>>
      tpu.enqueue_dma source(%dma_start3A_10 : memref<8xi32, #tpu.memory_space<hbm>>) target(%arg5 : memref<8xi32, #tpu.memory_space<vmem>>) target_semaphore(%run_scoped3A : memref<!tpu.dma_semaphore, #tpu.memory_space<semaphore_mem>>)
      %dma_wait3A_11 = tpu.memref_slice %arg3[%add3A_4] : memref<256xi32, #tpu.memory_space<hbm>> -> memref<8xi32, #tpu.memory_space<hbm>>
      %dma_wait3A_12 = tpu.memref_slice %arg3[%add3A_4] : memref<256xi32, #tpu.memory_space<hbm>> -> memref<8xi32, #tpu.memory_space<hbm>>
      tpu.wait_dma2 semaphore(%run_scoped3A : memref<!tpu.dma_semaphore, #tpu.memory_space<semaphore_mem>>) src(%dma_wait3A_12 : memref<8xi32, #tpu.memory_space<hbm>>) dst(%arg5 : memref<8xi32, #tpu.memory_space<vmem>>)
      tpu.yield
    }) : () -> ()
    %dma_start3A = arith.constant 0 : i32
    %dma_start3A_5 = arith.constant 0 : i32
    %dma_start3A_6 = tpu.memref_slice %arg2[%dma_start3A, %dma_start3A_5] : memref<8192x256xf32, #tpu.memory_space<hbm>> -> memref<8192x256xf32, #tpu.memory_space<hbm>>
    tpu.enqueue_indirect_dma source(%dma_start3A_6 : memref<8192x256xf32, #tpu.memory_space<hbm>>) target(%arg6 : memref<8x256xf32, #tpu.memory_space<vmem>>) offsets(%arg5 : memref<8xi32, #tpu.memory_space<vmem>>) semaphore(%arg7 : memref<!tpu.dma_semaphore, #tpu.memory_space<semaphore_mem>>)
    %dma_wait3A = arith.constant 0 : i32
    %dma_wait3A_7 = arith.constant 0 : i32
    %dma_wait3A_8 = tpu.memref_slice %arg2[%dma_wait3A, %dma_wait3A_7] : memref<8192x256xf32, #tpu.memory_space<hbm>> -> memref<8192x256xf32, #tpu.memory_space<hbm>>
    tpu.wait_indirect_dma semaphore(%arg7 : memref<!tpu.dma_semaphore, #tpu.memory_space<semaphore_mem>>) src(%dma_wait3A_8 : memref<8192x256xf32, #tpu.memory_space<hbm>>) dst(%arg6 : memref<8x256xf32, #tpu.memory_space<vmem>>)
    "tpu.region"() ({
      %run_scoped3A = tpu.sem_alloc : memref<!tpu.dma_semaphore, #tpu.memory_space<semaphore_mem>>
      %dma_start3A_9 = arith.constant 0 : i32
      %dma_start3A_10 = tpu.memref_slice %arg4[%add3A_4, %dma_start3A_9] : memref<256x256xf32, #tpu.memory_space<hbm>> -> memref<8x256xf32, #tpu.memory_space<hbm>>
      %dma_start3A_11 = arith.constant 0 : i32
      %dma_start3A_12 = tpu.memref_slice %arg4[%add3A_4, %dma_start3A_11] : memref<256x256xf32, #tpu.memory_space<hbm>> -> memref<8x256xf32, #tpu.memory_space<hbm>>
      tpu.enqueue_dma source(%arg6 : memref<8x256xf32, #tpu.memory_space<vmem>>) target(%dma_start3A_12 : memref<8x256xf32, #tpu.memory_space<hbm>>) target_semaphore(%run_scoped3A : memref<!tpu.dma_semaphore, #tpu.memory_space<semaphore_mem>>)
      %dma_wait3A_13 = arith.constant 0 : i32
      %dma_wait3A_14 = tpu.memref_slice %arg4[%add3A_4, %dma_wait3A_13] : memref<256x256xf32, #tpu.memory_space<hbm>> -> memref<8x256xf32, #tpu.memory_space<hbm>>
      %dma_wait3A_15 = arith.constant 0 : i32
      %dma_wait3A_16 = tpu.memref_slice %arg4[%add3A_4, %dma_wait3A_15] : memref<256x256xf32, #tpu.memory_space<hbm>> -> memref<8x256xf32, #tpu.memory_space<hbm>>
      tpu.wait_dma2 semaphore(%run_scoped3A : memref<!tpu.dma_semaphore, #tpu.memory_space<semaphore_mem>>) src(%arg6 : memref<8x256xf32, #tpu.memory_space<vmem>>) dst(%dma_wait3A_16 : memref<8x256xf32, #tpu.memory_space<hbm>>)
      tpu.yield
    }) : () -> ()
    return
  }
}

#map = affine_map<(d0, d1) -> (0, 0)>
#map1 = affine_map<(d0, d1) -> (0)>
module attributes {stable_mosaic.version = 14 : i64} {
  func.func @gather(%arg0: i32, %arg1: i32, %arg2: memref<8192x256xf32, #tpu.memory_space<hbm>>, %arg3: memref<256xi32, #tpu.memory_space<hbm>>, %arg4: memref<256x256xf32, #tpu.memory_space<hbm>>, %arg5: memref<8xi32, #tpu.memory_space<vmem>>, %arg6: memref<8x256xf32, #tpu.memory_space<vmem>>, %arg7: memref<!tpu.dma_semaphore, #tpu.memory_space<semaphore_mem>>) attributes {dimension_semantics = [#tpu.dimension_semantics<core_parallel>, #tpu.dimension_semantics<subcore_parallel>], iteration_bounds = array<i64: 2, 16>, scalar_prefetch = 0 : i64, scratch_operands = 3 : i64, tpu.core_type = #tpu.core_type<sc_vector_subcore>, window_params = [{transform_indices = #map}, {transform_indices = #map1}, {transform_indices = #map}]} {
    %mul3A = arith.constant 2 : i32
    %mul3A_0 = arith.muli %arg1, %mul3A : i32
    %add3A = arith.addi %mul3A_0, %arg0 : i32
    %mul3A_1 = arith.constant 8 : i32
    %mul3A_2 = arith.muli %add3A, %mul3A_1 : i32
    %add3A_3 = arith.constant 0 : i32
    %add3A_4 = arith.addi %mul3A_2, %add3A_3 : i32
    "tpu.region"() ({
      %run_scoped3A = tpu.sem_alloc : memref<!tpu.dma_semaphore, #tpu.memory_space<semaphore_mem>>
      %dma_start3A_9 = tpu.memref_slice %arg3[%add3A_4] : memref<256xi32, #tpu.memory_space<hbm>> -> memref<8xi32, #tpu.memory_space<hbm>>
      %dma_start3A_10 = tpu.memref_slice %arg3[%add3A_4] : memref<256xi32, #tpu.memory_space<hbm>> -> memref<8xi32, #tpu.memory_space<hbm>>
      tpu.enqueue_dma source(%dma_start3A_10 : memref<8xi32, #tpu.memory_space<hbm>>) target(%arg5 : memref<8xi32, #tpu.memory_space<vmem>>) target_semaphore(%run_scoped3A : memref<!tpu.dma_semaphore, #tpu.memory_space<semaphore_mem>>)
      %dma_wait3A_11 = tpu.memref_slice %arg3[%add3A_4] : memref<256xi32, #tpu.memory_space<hbm>> -> memref<8xi32, #tpu.memory_space<hbm>>
      %dma_wait3A_12 = tpu.memref_slice %arg3[%add3A_4] : memref<256xi32, #tpu.memory_space<hbm>> -> memref<8xi32, #tpu.memory_space<hbm>>
      tpu.wait_dma2 semaphore(%run_scoped3A : memref<!tpu.dma_semaphore, #tpu.memory_space<semaphore_mem>>) src(%dma_wait3A_12 : memref<8xi32, #tpu.memory_space<hbm>>) dst(%arg5 : memref<8xi32, #tpu.memory_space<vmem>>)
      tpu.yield
    }) : () -> ()
    %dma_start3A = arith.constant 0 : i32
    %dma_start3A_5 = arith.constant 0 : i32
    %dma_start3A_6 = tpu.memref_slice %arg2[%dma_start3A, %dma_start3A_5] : memref<8192x256xf32, #tpu.memory_space<hbm>> -> memref<8192x256xf32, #tpu.memory_space<hbm>>
    tpu.enqueue_indirect_dma source(%dma_start3A_6 : memref<8192x256xf32, #tpu.memory_space<hbm>>) target(%arg6 : memref<8x256xf32, #tpu.memory_space<vmem>>) offsets(%arg5 : memref<8xi32, #tpu.memory_space<vmem>>) semaphore(%arg7 : memref<!tpu.dma_semaphore, #tpu.memory_space<semaphore_mem>>)
    %dma_wait3A = arith.constant 0 : i32
    %dma_wait3A_7 = arith.constant 0 : i32
    %dma_wait3A_8 = tpu.memref_slice %arg2[%dma_wait3A, %dma_wait3A_7] : memref<8192x256xf32, #tpu.memory_space<hbm>> -> memref<8192x256xf32, #tpu.memory_space<hbm>>
    tpu.wait_indirect_dma semaphore(%arg7 : memref<!tpu.dma_semaphore, #tpu.memory_space<semaphore_mem>>) src(%dma_wait3A_8 : memref<8192x256xf32, #tpu.memory_space<hbm>>) dst(%arg6 : memref<8x256xf32, #tpu.memory_space<vmem>>)
    "tpu.region"() ({
      %run_scoped3A = tpu.sem_alloc : memref<!tpu.dma_semaphore, #tpu.memory_space<semaphore_mem>>
      %dma_start3A_9 = arith.constant 0 : i32
      %dma_start3A_10 = tpu.memref_slice %arg4[%add3A_4, %dma_start3A_9] : memref<256x256xf32, #tpu.memory_space<hbm>> -> memref<8x256xf32, #tpu.memory_space<hbm>>
      %dma_start3A_11 = arith.constant 0 : i32
      %dma_start3A_12 = tpu.memref_slice %arg4[%add3A_4, %dma_start3A_11] : memref<256x256xf32, #tpu.memory_space<hbm>> -> memref<8x256xf32, #tpu.memory_space<hbm>>
      tpu.enqueue_dma source(%arg6 : memref<8x256xf32, #tpu.memory_space<vmem>>) target(%dma_start3A_12 : memref<8x256xf32, #tpu.memory_space<hbm>>) target_semaphore(%run_scoped3A : memref<!tpu.dma_semaphore, #tpu.memory_space<semaphore_mem>>)
      %dma_wait3A_13 = arith.constant 0 : i32
      %dma_wait3A_14 = tpu.memref_slice %arg4[%add3A_4, %dma_wait3A_13] : memref<256x256xf32, #tpu.memory_space<hbm>> -> memref<8x256xf32, #tpu.memory_space<hbm>>
      %dma_wait3A_15 = arith.constant 0 : i32
      %dma_wait3A_16 = tpu.memref_slice %arg4[%add3A_4, %dma_wait3A_15] : memref<256x256xf32, #tpu.memory_space<hbm>> -> memref<8x256xf32, #tpu.memory_space<hbm>>
      tpu.wait_dma2 semaphore(%run_scoped3A : memref<!tpu.dma_semaphore, #tpu.memory_space<semaphore_mem>>) src(%arg6 : memref<8x256xf32, #tpu.memory_space<vmem>>) dst(%dma_wait3A_16 : memref<8x256xf32, #tpu.memory_space<hbm>>)
      tpu.yield
    }) : () -> ()
    return
  }
}

#map = affine_map<(d0, d1) -> (0, 0)>
#map1 = affine_map<(d0, d1) -> (0)>
module attributes {stable_mosaic.version = 14 : i64} {
  func.func @gather(%arg0: i32, %arg1: i32, %arg2: memref<8192x256xf32, #tpu.memory_space<hbm>>, %arg3: memref<256xi32, #tpu.memory_space<hbm>>, %arg4: memref<256x256xf32, #tpu.memory_space<hbm>>, %arg5: memref<8xi32, #tpu.memory_space<vmem>>, %arg6: memref<8x256xf32, #tpu.memory_space<vmem>>, %arg7: memref<!tpu.dma_semaphore, #tpu.memory_space<semaphore_mem>>) attributes {dimension_semantics = [#tpu.dimension_semantics<core_parallel>, #tpu.dimension_semantics<subcore_parallel>], iteration_bounds = array<i64: 2, 16>, scalar_prefetch = 0 : i64, scratch_operands = 3 : i64, tpu.core_type = #tpu.core_type<sc_vector_subcore>, window_params = [{transform_indices = #map}, {transform_indices = #map1}, {transform_indices = #map}]} {
    %mul3A = arith.constant 2 : i32
    %mul3A_0 = arith.muli %arg1, %mul3A : i32
    %add3A = arith.addi %mul3A_0, %arg0 : i32
    %mul3A_1 = arith.constant 8 : i32
    %mul3A_2 = arith.muli %add3A, %mul3A_1 : i32
    %add3A_3 = arith.constant 0 : i32
    %add3A_4 = arith.addi %mul3A_2, %add3A_3 : i32
    "tpu.region"() ({
      %run_scoped3A = tpu.sem_alloc : memref<!tpu.dma_semaphore, #tpu.memory_space<semaphore_mem>>
      %dma_start3A_9 = tpu.memref_slice %arg3[%add3A_4] : memref<256xi32, #tpu.memory_space<hbm>> -> memref<8xi32, #tpu.memory_space<hbm>>
      %dma_start3A_10 = tpu.memref_slice %arg3[%add3A_4] : memref<256xi32, #tpu.memory_space<hbm>> -> memref<8xi32, #tpu.memory_space<hbm>>
      tpu.enqueue_dma source(%dma_start3A_10 : memref<8xi32, #tpu.memory_space<hbm>>) target(%arg5 : memref<8xi32, #tpu.memory_space<vmem>>) target_semaphore(%run_scoped3A : memref<!tpu.dma_semaphore, #tpu.memory_space<semaphore_mem>>)
      %dma_wait3A_11 = tpu.memref_slice %arg3[%add3A_4] : memref<256xi32, #tpu.memory_space<hbm>> -> memref<8xi32, #tpu.memory_space<hbm>>
      %dma_wait3A_12 = tpu.memref_slice %arg3[%add3A_4] : memref<256xi32, #tpu.memory_space<hbm>> -> memref<8xi32, #tpu.memory_space<hbm>>
      tpu.wait_dma2 semaphore(%run_scoped3A : memref<!tpu.dma_semaphore, #tpu.memory_space<semaphore_mem>>) src(%dma_wait3A_12 : memref<8xi32, #tpu.memory_space<hbm>>) dst(%arg5 : memref<8xi32, #tpu.memory_space<vmem>>)
      tpu.yield
    }) : () -> ()
    %dma_start3A = arith.constant 0 : i32
    %dma_start3A_5 = arith.constant 0 : i32
    %dma_start3A_6 = tpu.memref_slice %arg2[%dma_start3A, %dma_start3A_5] : memref<8192x256xf32, #tpu.memory_space<hbm>> -> memref<8192x256xf32, #tpu.memory_space<hbm>>
    tpu.enqueue_indirect_dma source(%dma_start3A_6 : memref<8192x256xf32, #tpu.memory_space<hbm>>) target(%arg6 : memref<8x256xf32, #tpu.memory_space<vmem>>) offsets(%arg5 : memref<8xi32, #tpu.memory_space<vmem>>) semaphore(%arg7 : memref<!tpu.dma_semaphore, #tpu.memory_space<semaphore_mem>>)
    %dma_wait3A = arith.constant 0 : i32
    %dma_wait3A_7 = arith.constant 0 : i32
    %dma_wait3A_8 = tpu.memref_slice %arg2[%dma_wait3A, %dma_wait3A_7] : memref<8192x256xf32, #tpu.memory_space<hbm>> -> memref<8192x256xf32, #tpu.memory_space<hbm>>
    tpu.wait_indirect_dma semaphore(%arg7 : memref<!tpu.dma_semaphore, #tpu.memory_space<semaphore_mem>>) src(%dma_wait3A_8 : memref<8192x256xf32, #tpu.memory_space<hbm>>) dst(%arg6 : memref<8x256xf32, #tpu.memory_space<vmem>>)
    "tpu.region"() ({
      %run_scoped3A = tpu.sem_alloc : memref<!tpu.dma_semaphore, #tpu.memory_space<semaphore_mem>>
      %dma_start3A_9 = arith.constant 0 : i32
      %dma_start3A_10 = tpu.memref_slice %arg4[%add3A_4, %dma_start3A_9] : memref<256x256xf32, #tpu.memory_space<hbm>> -> memref<8x256xf32, #tpu.memory_space<hbm>>
      %dma_start3A_11 = arith.constant 0 : i32
      %dma_start3A_12 = tpu.memref_slice %arg4[%add3A_4, %dma_start3A_11] : memref<256x256xf32, #tpu.memory_space<hbm>> -> memref<8x256xf32, #tpu.memory_space<hbm>>
      tpu.enqueue_dma source(%arg6 : memref<8x256xf32, #tpu.memory_space<vmem>>) target(%dma_start3A_12 : memref<8x256xf32, #tpu.memory_space<hbm>>) target_semaphore(%run_scoped3A : memref<!tpu.dma_semaphore, #tpu.memory_space<semaphore_mem>>)
      %dma_wait3A_13 = arith.constant 0 : i32
      %dma_wait3A_14 = tpu.memref_slice %arg4[%add3A_4, %dma_wait3A_13] : memref<256x256xf32, #tpu.memory_space<hbm>> -> memref<8x256xf32, #tpu.memory_space<hbm>>
      %dma_wait3A_15 = arith.constant 0 : i32
      %dma_wait3A_16 = tpu.memref_slice %arg4[%add3A_4, %dma_wait3A_15] : memref<256x256xf32, #tpu.memory_space<hbm>> -> memref<8x256xf32, #tpu.memory_space<hbm>>
      tpu.wait_dma2 semaphore(%run_scoped3A : memref<!tpu.dma_semaphore, #tpu.memory_space<semaphore_mem>>) src(%arg6 : memref<8x256xf32, #tpu.memory_space<vmem>>) dst(%dma_wait3A_16 : memref<8x256xf32, #tpu.memory_space<hbm>>)
      tpu.yield
    }) : () -> ()
    return
  }
}

#map = affine_map<(d0, d1) -> (0, 0)>
#map1 = affine_map<(d0, d1) -> (0)>
module attributes {stable_mosaic.version = 14 : i64} {
  func.func @gather(%arg0: i32, %arg1: i32, %arg2: memref<8192x256xf32, #tpu.memory_space<hbm>>, %arg3: memref<512xi32, #tpu.memory_space<hbm>>, %arg4: memref<512x256xf32, #tpu.memory_space<hbm>>, %arg5: memref<16xi32, #tpu.memory_space<vmem>>, %arg6: memref<16x256xf32, #tpu.memory_space<vmem>>, %arg7: memref<!tpu.dma_semaphore, #tpu.memory_space<semaphore_mem>>) attributes {dimension_semantics = [#tpu.dimension_semantics<core_parallel>, #tpu.dimension_semantics<subcore_parallel>], iteration_bounds = array<i64: 2, 16>, scalar_prefetch = 0 : i64, scratch_operands = 3 : i64, tpu.core_type = #tpu.core_type<sc_vector_subcore>, window_params = [{transform_indices = #map}, {transform_indices = #map1}, {transform_indices = #map}]} {
    %mul3A = arith.constant 2 : i32
    %mul3A_0 = arith.muli %arg1, %mul3A : i32
    %add3A = arith.addi %mul3A_0, %arg0 : i32
    %mul3A_1 = arith.constant 16 : i32
    %mul3A_2 = arith.muli %add3A, %mul3A_1 : i32
    %add3A_3 = arith.constant 0 : i32
    %add3A_4 = arith.addi %mul3A_2, %add3A_3 : i32
    "tpu.region"() ({
      %run_scoped3A = tpu.sem_alloc : memref<!tpu.dma_semaphore, #tpu.memory_space<semaphore_mem>>
      %dma_start3A_9 = tpu.memref_slice %arg3[%add3A_4] : memref<512xi32, #tpu.memory_space<hbm>> -> memref<16xi32, #tpu.memory_space<hbm>>
      %dma_start3A_10 = tpu.memref_slice %arg3[%add3A_4] : memref<512xi32, #tpu.memory_space<hbm>> -> memref<16xi32, #tpu.memory_space<hbm>>
      tpu.enqueue_dma source(%dma_start3A_10 : memref<16xi32, #tpu.memory_space<hbm>>) target(%arg5 : memref<16xi32, #tpu.memory_space<vmem>>) target_semaphore(%run_scoped3A : memref<!tpu.dma_semaphore, #tpu.memory_space<semaphore_mem>>)
      %dma_wait3A_11 = tpu.memref_slice %arg3[%add3A_4] : memref<512xi32, #tpu.memory_space<hbm>> -> memref<16xi32, #tpu.memory_space<hbm>>
      %dma_wait3A_12 = tpu.memref_slice %arg3[%add3A_4] : memref<512xi32, #tpu.memory_space<hbm>> -> memref<16xi32, #tpu.memory_space<hbm>>
      tpu.wait_dma2 semaphore(%run_scoped3A : memref<!tpu.dma_semaphore, #tpu.memory_space<semaphore_mem>>) src(%dma_wait3A_12 : memref<16xi32, #tpu.memory_space<hbm>>) dst(%arg5 : memref<16xi32, #tpu.memory_space<vmem>>)
      tpu.yield
    }) : () -> ()
    %dma_start3A = arith.constant 0 : i32
    %dma_start3A_5 = arith.constant 0 : i32
    %dma_start3A_6 = tpu.memref_slice %arg2[%dma_start3A, %dma_start3A_5] : memref<8192x256xf32, #tpu.memory_space<hbm>> -> memref<8192x256xf32, #tpu.memory_space<hbm>>
    tpu.enqueue_indirect_dma source(%dma_start3A_6 : memref<8192x256xf32, #tpu.memory_space<hbm>>) target(%arg6 : memref<16x256xf32, #tpu.memory_space<vmem>>) offsets(%arg5 : memref<16xi32, #tpu.memory_space<vmem>>) semaphore(%arg7 : memref<!tpu.dma_semaphore, #tpu.memory_space<semaphore_mem>>)
    %dma_wait3A = arith.constant 0 : i32
    %dma_wait3A_7 = arith.constant 0 : i32
    %dma_wait3A_8 = tpu.memref_slice %arg2[%dma_wait3A, %dma_wait3A_7] : memref<8192x256xf32, #tpu.memory_space<hbm>> -> memref<8192x256xf32, #tpu.memory_space<hbm>>
    tpu.wait_indirect_dma semaphore(%arg7 : memref<!tpu.dma_semaphore, #tpu.memory_space<semaphore_mem>>) src(%dma_wait3A_8 : memref<8192x256xf32, #tpu.memory_space<hbm>>) dst(%arg6 : memref<16x256xf32, #tpu.memory_space<vmem>>)
    "tpu.region"() ({
      %run_scoped3A = tpu.sem_alloc : memref<!tpu.dma_semaphore, #tpu.memory_space<semaphore_mem>>
      %dma_start3A_9 = arith.constant 0 : i32
      %dma_start3A_10 = tpu.memref_slice %arg4[%add3A_4, %dma_start3A_9] : memref<512x256xf32, #tpu.memory_space<hbm>> -> memref<16x256xf32, #tpu.memory_space<hbm>>
      %dma_start3A_11 = arith.constant 0 : i32
      %dma_start3A_12 = tpu.memref_slice %arg4[%add3A_4, %dma_start3A_11] : memref<512x256xf32, #tpu.memory_space<hbm>> -> memref<16x256xf32, #tpu.memory_space<hbm>>
      tpu.enqueue_dma source(%arg6 : memref<16x256xf32, #tpu.memory_space<vmem>>) target(%dma_start3A_12 : memref<16x256xf32, #tpu.memory_space<hbm>>) target_semaphore(%run_scoped3A : memref<!tpu.dma_semaphore, #tpu.memory_space<semaphore_mem>>)
      %dma_wait3A_13 = arith.constant 0 : i32
      %dma_wait3A_14 = tpu.memref_slice %arg4[%add3A_4, %dma_wait3A_13] : memref<512x256xf32, #tpu.memory_space<hbm>> -> memref<16x256xf32, #tpu.memory_space<hbm>>
      %dma_wait3A_15 = arith.constant 0 : i32
      %dma_wait3A_16 = tpu.memref_slice %arg4[%add3A_4, %dma_wait3A_15] : memref<512x256xf32, #tpu.memory_space<hbm>> -> memref<16x256xf32, #tpu.memory_space<hbm>>
      tpu.wait_dma2 semaphore(%run_scoped3A : memref<!tpu.dma_semaphore, #tpu.memory_space<semaphore_mem>>) src(%arg6 : memref<16x256xf32, #tpu.memory_space<vmem>>) dst(%dma_wait3A_16 : memref<16x256xf32, #tpu.memory_space<hbm>>)
      tpu.yield
    }) : () -> ()
    return
  }
}

#map = affine_map<(d0, d1) -> (0, 0)>
#map1 = affine_map<(d0, d1) -> (0)>
module attributes {stable_mosaic.version = 14 : i64} {
  func.func @gather(%arg0: i32, %arg1: i32, %arg2: memref<8192x256xf32, #tpu.memory_space<hbm>>, %arg3: memref<1024xi32, #tpu.memory_space<hbm>>, %arg4: memref<1024x256xf32, #tpu.memory_space<hbm>>, %arg5: memref<32xi32, #tpu.memory_space<vmem>>, %arg6: memref<32x256xf32, #tpu.memory_space<vmem>>, %arg7: memref<!tpu.dma_semaphore, #tpu.memory_space<semaphore_mem>>) attributes {dimension_semantics = [#tpu.dimension_semantics<core_parallel>, #tpu.dimension_semantics<subcore_parallel>], iteration_bounds = array<i64: 2, 16>, scalar_prefetch = 0 : i64, scratch_operands = 3 : i64, tpu.core_type = #tpu.core_type<sc_vector_subcore>, window_params = [{transform_indices = #map}, {transform_indices = #map1}, {transform_indices = #map}]} {
    %mul3A = arith.constant 2 : i32
    %mul3A_0 = arith.muli %arg1, %mul3A : i32
    %add3A = arith.addi %mul3A_0, %arg0 : i32
    %mul3A_1 = arith.constant 32 : i32
    %mul3A_2 = arith.muli %add3A, %mul3A_1 : i32
    %add3A_3 = arith.constant 0 : i32
    %add3A_4 = arith.addi %mul3A_2, %add3A_3 : i32
    "tpu.region"() ({
      %run_scoped3A = tpu.sem_alloc : memref<!tpu.dma_semaphore, #tpu.memory_space<semaphore_mem>>
      %dma_start3A_9 = tpu.memref_slice %arg3[%add3A_4] : memref<1024xi32, #tpu.memory_space<hbm>> -> memref<32xi32, #tpu.memory_space<hbm>>
      %dma_start3A_10 = tpu.memref_slice %arg3[%add3A_4] : memref<1024xi32, #tpu.memory_space<hbm>> -> memref<32xi32, #tpu.memory_space<hbm>>
      tpu.enqueue_dma source(%dma_start3A_10 : memref<32xi32, #tpu.memory_space<hbm>>) target(%arg5 : memref<32xi32, #tpu.memory_space<vmem>>) target_semaphore(%run_scoped3A : memref<!tpu.dma_semaphore, #tpu.memory_space<semaphore_mem>>)
      %dma_wait3A_11 = tpu.memref_slice %arg3[%add3A_4] : memref<1024xi32, #tpu.memory_space<hbm>> -> memref<32xi32, #tpu.memory_space<hbm>>
      %dma_wait3A_12 = tpu.memref_slice %arg3[%add3A_4] : memref<1024xi32, #tpu.memory_space<hbm>> -> memref<32xi32, #tpu.memory_space<hbm>>
      tpu.wait_dma2 semaphore(%run_scoped3A : memref<!tpu.dma_semaphore, #tpu.memory_space<semaphore_mem>>) src(%dma_wait3A_12 : memref<32xi32, #tpu.memory_space<hbm>>) dst(%arg5 : memref<32xi32, #tpu.memory_space<vmem>>)
      tpu.yield
    }) : () -> ()
    %dma_start3A = arith.constant 0 : i32
    %dma_start3A_5 = arith.constant 0 : i32
    %dma_start3A_6 = tpu.memref_slice %arg2[%dma_start3A, %dma_start3A_5] : memref<8192x256xf32, #tpu.memory_space<hbm>> -> memref<8192x256xf32, #tpu.memory_space<hbm>>
    tpu.enqueue_indirect_dma source(%dma_start3A_6 : memref<8192x256xf32, #tpu.memory_space<hbm>>) target(%arg6 : memref<32x256xf32, #tpu.memory_space<vmem>>) offsets(%arg5 : memref<32xi32, #tpu.memory_space<vmem>>) semaphore(%arg7 : memref<!tpu.dma_semaphore, #tpu.memory_space<semaphore_mem>>)
    %dma_wait3A = arith.constant 0 : i32
    %dma_wait3A_7 = arith.constant 0 : i32
    %dma_wait3A_8 = tpu.memref_slice %arg2[%dma_wait3A, %dma_wait3A_7] : memref<8192x256xf32, #tpu.memory_space<hbm>> -> memref<8192x256xf32, #tpu.memory_space<hbm>>
    tpu.wait_indirect_dma semaphore(%arg7 : memref<!tpu.dma_semaphore, #tpu.memory_space<semaphore_mem>>) src(%dma_wait3A_8 : memref<8192x256xf32, #tpu.memory_space<hbm>>) dst(%arg6 : memref<32x256xf32, #tpu.memory_space<vmem>>)
    "tpu.region"() ({
      %run_scoped3A = tpu.sem_alloc : memref<!tpu.dma_semaphore, #tpu.memory_space<semaphore_mem>>
      %dma_start3A_9 = arith.constant 0 : i32
      %dma_start3A_10 = tpu.memref_slice %arg4[%add3A_4, %dma_start3A_9] : memref<1024x256xf32, #tpu.memory_space<hbm>> -> memref<32x256xf32, #tpu.memory_space<hbm>>
      %dma_start3A_11 = arith.constant 0 : i32
      %dma_start3A_12 = tpu.memref_slice %arg4[%add3A_4, %dma_start3A_11] : memref<1024x256xf32, #tpu.memory_space<hbm>> -> memref<32x256xf32, #tpu.memory_space<hbm>>
      tpu.enqueue_dma source(%arg6 : memref<32x256xf32, #tpu.memory_space<vmem>>) target(%dma_start3A_12 : memref<32x256xf32, #tpu.memory_space<hbm>>) target_semaphore(%run_scoped3A : memref<!tpu.dma_semaphore, #tpu.memory_space<semaphore_mem>>)
      %dma_wait3A_13 = arith.constant 0 : i32
      %dma_wait3A_14 = tpu.memref_slice %arg4[%add3A_4, %dma_wait3A_13] : memref<1024x256xf32, #tpu.memory_space<hbm>> -> memref<32x256xf32, #tpu.memory_space<hbm>>
      %dma_wait3A_15 = arith.constant 0 : i32
      %dma_wait3A_16 = tpu.memref_slice %arg4[%add3A_4, %dma_wait3A_15] : memref<1024x256xf32, #tpu.memory_space<hbm>> -> memref<32x256xf32, #tpu.memory_space<hbm>>
      tpu.wait_dma2 semaphore(%run_scoped3A : memref<!tpu.dma_semaphore, #tpu.memory_space<semaphore_mem>>) src(%arg6 : memref<32x256xf32, #tpu.memory_space<vmem>>) dst(%dma_wait3A_16 : memref<32x256xf32, #tpu.memory_space<hbm>>)
      tpu.yield
    }) : () -> ()
    return
  }
}

#map = affine_map<(d0, d1) -> (0, 0)>
#map1 = affine_map<(d0, d1) -> (0)>
module attributes {stable_mosaic.version = 14 : i64} {
  func.func @gather(%arg0: i32, %arg1: i32, %arg2: memref<8192x256xf32, #tpu.memory_space<hbm>>, %arg3: memref<2048xi32, #tpu.memory_space<hbm>>, %arg4: memref<2048x256xf32, #tpu.memory_space<hbm>>, %arg5: memref<64xi32, #tpu.memory_space<vmem>>, %arg6: memref<64x256xf32, #tpu.memory_space<vmem>>, %arg7: memref<!tpu.dma_semaphore, #tpu.memory_space<semaphore_mem>>) attributes {dimension_semantics = [#tpu.dimension_semantics<core_parallel>, #tpu.dimension_semantics<subcore_parallel>], iteration_bounds = array<i64: 2, 16>, scalar_prefetch = 0 : i64, scratch_operands = 3 : i64, tpu.core_type = #tpu.core_type<sc_vector_subcore>, window_params = [{transform_indices = #map}, {transform_indices = #map1}, {transform_indices = #map}]} {
    %mul3A = arith.constant 2 : i32
    %mul3A_0 = arith.muli %arg1, %mul3A : i32
    %add3A = arith.addi %mul3A_0, %arg0 : i32
    %mul3A_1 = arith.constant 64 : i32
    %mul3A_2 = arith.muli %add3A, %mul3A_1 : i32
    %add3A_3 = arith.constant 0 : i32
    %add3A_4 = arith.addi %mul3A_2, %add3A_3 : i32
    "tpu.region"() ({
      %run_scoped3A = tpu.sem_alloc : memref<!tpu.dma_semaphore, #tpu.memory_space<semaphore_mem>>
      %dma_start3A_9 = tpu.memref_slice %arg3[%add3A_4] : memref<2048xi32, #tpu.memory_space<hbm>> -> memref<64xi32, #tpu.memory_space<hbm>>
      %dma_start3A_10 = tpu.memref_slice %arg3[%add3A_4] : memref<2048xi32, #tpu.memory_space<hbm>> -> memref<64xi32, #tpu.memory_space<hbm>>
      tpu.enqueue_dma source(%dma_start3A_10 : memref<64xi32, #tpu.memory_space<hbm>>) target(%arg5 : memref<64xi32, #tpu.memory_space<vmem>>) target_semaphore(%run_scoped3A : memref<!tpu.dma_semaphore, #tpu.memory_space<semaphore_mem>>)
      %dma_wait3A_11 = tpu.memref_slice %arg3[%add3A_4] : memref<2048xi32, #tpu.memory_space<hbm>> -> memref<64xi32, #tpu.memory_space<hbm>>
      %dma_wait3A_12 = tpu.memref_slice %arg3[%add3A_4] : memref<2048xi32, #tpu.memory_space<hbm>> -> memref<64xi32, #tpu.memory_space<hbm>>
      tpu.wait_dma2 semaphore(%run_scoped3A : memref<!tpu.dma_semaphore, #tpu.memory_space<semaphore_mem>>) src(%dma_wait3A_12 : memref<64xi32, #tpu.memory_space<hbm>>) dst(%arg5 : memref<64xi32, #tpu.memory_space<vmem>>)
      tpu.yield
    }) : () -> ()
    %dma_start3A = arith.constant 0 : i32
    %dma_start3A_5 = arith.constant 0 : i32
    %dma_start3A_6 = tpu.memref_slice %arg2[%dma_start3A, %dma_start3A_5] : memref<8192x256xf32, #tpu.memory_space<hbm>> -> memref<8192x256xf32, #tpu.memory_space<hbm>>
    tpu.enqueue_indirect_dma source(%dma_start3A_6 : memref<8192x256xf32, #tpu.memory_space<hbm>>) target(%arg6 : memref<64x256xf32, #tpu.memory_space<vmem>>) offsets(%arg5 : memref<64xi32, #tpu.memory_space<vmem>>) semaphore(%arg7 : memref<!tpu.dma_semaphore, #tpu.memory_space<semaphore_mem>>)
    %dma_wait3A = arith.constant 0 : i32
    %dma_wait3A_7 = arith.constant 0 : i32
    %dma_wait3A_8 = tpu.memref_slice %arg2[%dma_wait3A, %dma_wait3A_7] : memref<8192x256xf32, #tpu.memory_space<hbm>> -> memref<8192x256xf32, #tpu.memory_space<hbm>>
    tpu.wait_indirect_dma semaphore(%arg7 : memref<!tpu.dma_semaphore, #tpu.memory_space<semaphore_mem>>) src(%dma_wait3A_8 : memref<8192x256xf32, #tpu.memory_space<hbm>>) dst(%arg6 : memref<64x256xf32, #tpu.memory_space<vmem>>)
    "tpu.region"() ({
      %run_scoped3A = tpu.sem_alloc : memref<!tpu.dma_semaphore, #tpu.memory_space<semaphore_mem>>
      %dma_start3A_9 = arith.constant 0 : i32
      %dma_start3A_10 = tpu.memref_slice %arg4[%add3A_4, %dma_start3A_9] : memref<2048x256xf32, #tpu.memory_space<hbm>> -> memref<64x256xf32, #tpu.memory_space<hbm>>
      %dma_start3A_11 = arith.constant 0 : i32
      %dma_start3A_12 = tpu.memref_slice %arg4[%add3A_4, %dma_start3A_11] : memref<2048x256xf32, #tpu.memory_space<hbm>> -> memref<64x256xf32, #tpu.memory_space<hbm>>
      tpu.enqueue_dma source(%arg6 : memref<64x256xf32, #tpu.memory_space<vmem>>) target(%dma_start3A_12 : memref<64x256xf32, #tpu.memory_space<hbm>>) target_semaphore(%run_scoped3A : memref<!tpu.dma_semaphore, #tpu.memory_space<semaphore_mem>>)
      %dma_wait3A_13 = arith.constant 0 : i32
      %dma_wait3A_14 = tpu.memref_slice %arg4[%add3A_4, %dma_wait3A_13] : memref<2048x256xf32, #tpu.memory_space<hbm>> -> memref<64x256xf32, #tpu.memory_space<hbm>>
      %dma_wait3A_15 = arith.constant 0 : i32
      %dma_wait3A_16 = tpu.memref_slice %arg4[%add3A_4, %dma_wait3A_15] : memref<2048x256xf32, #tpu.memory_space<hbm>> -> memref<64x256xf32, #tpu.memory_space<hbm>>
      tpu.wait_dma2 semaphore(%run_scoped3A : memref<!tpu.dma_semaphore, #tpu.memory_space<semaphore_mem>>) src(%arg6 : memref<64x256xf32, #tpu.memory_space<vmem>>) dst(%dma_wait3A_16 : memref<64x256xf32, #tpu.memory_space<hbm>>)
      tpu.yield
    }) : () -> ()
    return
  }
}

#map = affine_map<(d0, d1) -> (0, 0)>
#map1 = affine_map<(d0, d1) -> (0)>
module attributes {stable_mosaic.version = 14 : i64} {
  func.func @gather(%arg0: i32, %arg1: i32, %arg2: memref<8192x256xf32, #tpu.memory_space<hbm>>, %arg3: memref<4096xi32, #tpu.memory_space<hbm>>, %arg4: memref<4096x256xf32, #tpu.memory_space<hbm>>, %arg5: memref<128xi32, #tpu.memory_space<vmem>>, %arg6: memref<128x256xf32, #tpu.memory_space<vmem>>, %arg7: memref<!tpu.dma_semaphore, #tpu.memory_space<semaphore_mem>>) attributes {dimension_semantics = [#tpu.dimension_semantics<core_parallel>, #tpu.dimension_semantics<subcore_parallel>], iteration_bounds = array<i64: 2, 16>, scalar_prefetch = 0 : i64, scratch_operands = 3 : i64, tpu.core_type = #tpu.core_type<sc_vector_subcore>, window_params = [{transform_indices = #map}, {transform_indices = #map1}, {transform_indices = #map}]} {
    %mul3A = arith.constant 2 : i32
    %mul3A_0 = arith.muli %arg1, %mul3A : i32
    %add3A = arith.addi %mul3A_0, %arg0 : i32
    %mul3A_1 = arith.constant 128 : i32
    %mul3A_2 = arith.muli %add3A, %mul3A_1 : i32
    %add3A_3 = arith.constant 0 : i32
    %add3A_4 = arith.addi %mul3A_2, %add3A_3 : i32
    "tpu.region"() ({
      %run_scoped3A = tpu.sem_alloc : memref<!tpu.dma_semaphore, #tpu.memory_space<semaphore_mem>>
      %dma_start3A_9 = tpu.memref_slice %arg3[%add3A_4] : memref<4096xi32, #tpu.memory_space<hbm>> -> memref<128xi32, #tpu.memory_space<hbm>>
      %dma_start3A_10 = tpu.memref_slice %arg3[%add3A_4] : memref<4096xi32, #tpu.memory_space<hbm>> -> memref<128xi32, #tpu.memory_space<hbm>>
      tpu.enqueue_dma source(%dma_start3A_10 : memref<128xi32, #tpu.memory_space<hbm>>) target(%arg5 : memref<128xi32, #tpu.memory_space<vmem>>) target_semaphore(%run_scoped3A : memref<!tpu.dma_semaphore, #tpu.memory_space<semaphore_mem>>)
      %dma_wait3A_11 = tpu.memref_slice %arg3[%add3A_4] : memref<4096xi32, #tpu.memory_space<hbm>> -> memref<128xi32, #tpu.memory_space<hbm>>
      %dma_wait3A_12 = tpu.memref_slice %arg3[%add3A_4] : memref<4096xi32, #tpu.memory_space<hbm>> -> memref<128xi32, #tpu.memory_space<hbm>>
      tpu.wait_dma2 semaphore(%run_scoped3A : memref<!tpu.dma_semaphore, #tpu.memory_space<semaphore_mem>>) src(%dma_wait3A_12 : memref<128xi32, #tpu.memory_space<hbm>>) dst(%arg5 : memref<128xi32, #tpu.memory_space<vmem>>)
      tpu.yield
    }) : () -> ()
    %dma_start3A = arith.constant 0 : i32
    %dma_start3A_5 = arith.constant 0 : i32
    %dma_start3A_6 = tpu.memref_slice %arg2[%dma_start3A, %dma_start3A_5] : memref<8192x256xf32, #tpu.memory_space<hbm>> -> memref<8192x256xf32, #tpu.memory_space<hbm>>
    tpu.enqueue_indirect_dma source(%dma_start3A_6 : memref<8192x256xf32, #tpu.memory_space<hbm>>) target(%arg6 : memref<128x256xf32, #tpu.memory_space<vmem>>) offsets(%arg5 : memref<128xi32, #tpu.memory_space<vmem>>) semaphore(%arg7 : memref<!tpu.dma_semaphore, #tpu.memory_space<semaphore_mem>>)
    %dma_wait3A = arith.constant 0 : i32
    %dma_wait3A_7 = arith.constant 0 : i32
    %dma_wait3A_8 = tpu.memref_slice %arg2[%dma_wait3A, %dma_wait3A_7] : memref<8192x256xf32, #tpu.memory_space<hbm>> -> memref<8192x256xf32, #tpu.memory_space<hbm>>
    tpu.wait_indirect_dma semaphore(%arg7 : memref<!tpu.dma_semaphore, #tpu.memory_space<semaphore_mem>>) src(%dma_wait3A_8 : memref<8192x256xf32, #tpu.memory_space<hbm>>) dst(%arg6 : memref<128x256xf32, #tpu.memory_space<vmem>>)
    "tpu.region"() ({
      %run_scoped3A = tpu.sem_alloc : memref<!tpu.dma_semaphore, #tpu.memory_space<semaphore_mem>>
      %dma_start3A_9 = arith.constant 0 : i32
      %dma_start3A_10 = tpu.memref_slice %arg4[%add3A_4, %dma_start3A_9] : memref<4096x256xf32, #tpu.memory_space<hbm>> -> memref<128x256xf32, #tpu.memory_space<hbm>>
      %dma_start3A_11 = arith.constant 0 : i32
      %dma_start3A_12 = tpu.memref_slice %arg4[%add3A_4, %dma_start3A_11] : memref<4096x256xf32, #tpu.memory_space<hbm>> -> memref<128x256xf32, #tpu.memory_space<hbm>>
      tpu.enqueue_dma source(%arg6 : memref<128x256xf32, #tpu.memory_space<vmem>>) target(%dma_start3A_12 : memref<128x256xf32, #tpu.memory_space<hbm>>) target_semaphore(%run_scoped3A : memref<!tpu.dma_semaphore, #tpu.memory_space<semaphore_mem>>)
      %dma_wait3A_13 = arith.constant 0 : i32
      %dma_wait3A_14 = tpu.memref_slice %arg4[%add3A_4, %dma_wait3A_13] : memref<4096x256xf32, #tpu.memory_space<hbm>> -> memref<128x256xf32, #tpu.memory_space<hbm>>
      %dma_wait3A_15 = arith.constant 0 : i32
      %dma_wait3A_16 = tpu.memref_slice %arg4[%add3A_4, %dma_wait3A_15] : memref<4096x256xf32, #tpu.memory_space<hbm>> -> memref<128x256xf32, #tpu.memory_space<hbm>>
      tpu.wait_dma2 semaphore(%run_scoped3A : memref<!tpu.dma_semaphore, #tpu.memory_space<semaphore_mem>>) src(%arg6 : memref<128x256xf32, #tpu.memory_space<vmem>>) dst(%dma_wait3A_16 : memref<128x256xf32, #tpu.memory_space<hbm>>)
      tpu.yield
    }) : () -> ()
    return
  }
}

#map = affine_map<(d0, d1) -> (0, 0)>
#map1 = affine_map<(d0, d1) -> (0)>
module attributes {stable_mosaic.version = 14 : i64} {
  func.func @gather(%arg0: i32, %arg1: i32, %arg2: memref<8192x256xf32, #tpu.memory_space<hbm>>, %arg3: memref<8192xi32, #tpu.memory_space<hbm>>, %arg4: memref<8192x256xf32, #tpu.memory_space<hbm>>, %arg5: memref<128xi32, #tpu.memory_space<vmem>>, %arg6: memref<128x256xf32, #tpu.memory_space<vmem>>, %arg7: memref<!tpu.dma_semaphore, #tpu.memory_space<semaphore_mem>>) attributes {dimension_semantics = [#tpu.dimension_semantics<core_parallel>, #tpu.dimension_semantics<subcore_parallel>], iteration_bounds = array<i64: 2, 16>, scalar_prefetch = 0 : i64, scratch_operands = 3 : i64, tpu.core_type = #tpu.core_type<sc_vector_subcore>, window_params = [{transform_indices = #map}, {transform_indices = #map1}, {transform_indices = #map}]} {
    %mul3A = arith.constant 2 : i32
    %mul3A_0 = arith.muli %arg1, %mul3A : i32
    %add3A = arith.addi %mul3A_0, %arg0 : i32
    %mul3A_1 = arith.constant 256 : i32
    %mul3A_2 = arith.muli %add3A, %mul3A_1 : i32
    %add3A_3 = arith.constant 0 : i32
    %add3A_4 = arith.addi %mul3A_2, %add3A_3 : i32
    "tpu.region"() ({
      %run_scoped3A = tpu.sem_alloc : memref<!tpu.dma_semaphore, #tpu.memory_space<semaphore_mem>>
      %dma_start3A_17 = tpu.memref_slice %arg3[%add3A_4] : memref<8192xi32, #tpu.memory_space<hbm>> -> memref<128xi32, #tpu.memory_space<hbm>>
      %dma_start3A_18 = tpu.memref_slice %arg3[%add3A_4] : memref<8192xi32, #tpu.memory_space<hbm>> -> memref<128xi32, #tpu.memory_space<hbm>>
      tpu.enqueue_dma source(%dma_start3A_18 : memref<128xi32, #tpu.memory_space<hbm>>) target(%arg5 : memref<128xi32, #tpu.memory_space<vmem>>) target_semaphore(%run_scoped3A : memref<!tpu.dma_semaphore, #tpu.memory_space<semaphore_mem>>)
      %dma_wait3A_19 = tpu.memref_slice %arg3[%add3A_4] : memref<8192xi32, #tpu.memory_space<hbm>> -> memref<128xi32, #tpu.memory_space<hbm>>
      %dma_wait3A_20 = tpu.memref_slice %arg3[%add3A_4] : memref<8192xi32, #tpu.memory_space<hbm>> -> memref<128xi32, #tpu.memory_space<hbm>>
      tpu.wait_dma2 semaphore(%run_scoped3A : memref<!tpu.dma_semaphore, #tpu.memory_space<semaphore_mem>>) src(%dma_wait3A_20 : memref<128xi32, #tpu.memory_space<hbm>>) dst(%arg5 : memref<128xi32, #tpu.memory_space<vmem>>)
      tpu.yield
    }) : () -> ()
    %dma_start3A = arith.constant 0 : i32
    %dma_start3A_5 = arith.constant 0 : i32
    %dma_start3A_6 = tpu.memref_slice %arg2[%dma_start3A, %dma_start3A_5] : memref<8192x256xf32, #tpu.memory_space<hbm>> -> memref<8192x256xf32, #tpu.memory_space<hbm>>
    tpu.enqueue_indirect_dma source(%dma_start3A_6 : memref<8192x256xf32, #tpu.memory_space<hbm>>) target(%arg6 : memref<128x256xf32, #tpu.memory_space<vmem>>) offsets(%arg5 : memref<128xi32, #tpu.memory_space<vmem>>) semaphore(%arg7 : memref<!tpu.dma_semaphore, #tpu.memory_space<semaphore_mem>>)
    %dma_wait3A = arith.constant 0 : i32
    %dma_wait3A_7 = arith.constant 0 : i32
    %dma_wait3A_8 = tpu.memref_slice %arg2[%dma_wait3A, %dma_wait3A_7] : memref<8192x256xf32, #tpu.memory_space<hbm>> -> memref<8192x256xf32, #tpu.memory_space<hbm>>
    tpu.wait_indirect_dma semaphore(%arg7 : memref<!tpu.dma_semaphore, #tpu.memory_space<semaphore_mem>>) src(%dma_wait3A_8 : memref<8192x256xf32, #tpu.memory_space<hbm>>) dst(%arg6 : memref<128x256xf32, #tpu.memory_space<vmem>>)
    "tpu.region"() ({
      %run_scoped3A = tpu.sem_alloc : memref<!tpu.dma_semaphore, #tpu.memory_space<semaphore_mem>>
      %dma_start3A_17 = arith.constant 0 : i32
      %dma_start3A_18 = tpu.memref_slice %arg4[%add3A_4, %dma_start3A_17] : memref<8192x256xf32, #tpu.memory_space<hbm>> -> memref<128x256xf32, #tpu.memory_space<hbm>>
      %dma_start3A_19 = arith.constant 0 : i32
      %dma_start3A_20 = tpu.memref_slice %arg4[%add3A_4, %dma_start3A_19] : memref<8192x256xf32, #tpu.memory_space<hbm>> -> memref<128x256xf32, #tpu.memory_space<hbm>>
      tpu.enqueue_dma source(%arg6 : memref<128x256xf32, #tpu.memory_space<vmem>>) target(%dma_start3A_20 : memref<128x256xf32, #tpu.memory_space<hbm>>) target_semaphore(%run_scoped3A : memref<!tpu.dma_semaphore, #tpu.memory_space<semaphore_mem>>)
      %dma_wait3A_21 = arith.constant 0 : i32
      %dma_wait3A_22 = tpu.memref_slice %arg4[%add3A_4, %dma_wait3A_21] : memref<8192x256xf32, #tpu.memory_space<hbm>> -> memref<128x256xf32, #tpu.memory_space<hbm>>
      %dma_wait3A_23 = arith.constant 0 : i32
      %dma_wait3A_24 = tpu.memref_slice %arg4[%add3A_4, %dma_wait3A_23] : memref<8192x256xf32, #tpu.memory_space<hbm>> -> memref<128x256xf32, #tpu.memory_space<hbm>>
      tpu.wait_dma2 semaphore(%run_scoped3A : memref<!tpu.dma_semaphore, #tpu.memory_space<semaphore_mem>>) src(%arg6 : memref<128x256xf32, #tpu.memory_space<vmem>>) dst(%dma_wait3A_24 : memref<128x256xf32, #tpu.memory_space<hbm>>)
      tpu.yield
    }) : () -> ()
    %add3A_9 = arith.constant 128 : i32
    %add3A_10 = arith.addi %mul3A_2, %add3A_9 : i32
    "tpu.region"() ({
      %run_scoped3A = tpu.sem_alloc : memref<!tpu.dma_semaphore, #tpu.memory_space<semaphore_mem>>
      %dma_start3A_17 = tpu.memref_slice %arg3[%add3A_10] : memref<8192xi32, #tpu.memory_space<hbm>> -> memref<128xi32, #tpu.memory_space<hbm>>
      %dma_start3A_18 = tpu.memref_slice %arg3[%add3A_10] : memref<8192xi32, #tpu.memory_space<hbm>> -> memref<128xi32, #tpu.memory_space<hbm>>
      tpu.enqueue_dma source(%dma_start3A_18 : memref<128xi32, #tpu.memory_space<hbm>>) target(%arg5 : memref<128xi32, #tpu.memory_space<vmem>>) target_semaphore(%run_scoped3A : memref<!tpu.dma_semaphore, #tpu.memory_space<semaphore_mem>>)
      %dma_wait3A_19 = tpu.memref_slice %arg3[%add3A_10] : memref<8192xi32, #tpu.memory_space<hbm>> -> memref<128xi32, #tpu.memory_space<hbm>>
      %dma_wait3A_20 = tpu.memref_slice %arg3[%add3A_10] : memref<8192xi32, #tpu.memory_space<hbm>> -> memref<128xi32, #tpu.memory_space<hbm>>
      tpu.wait_dma2 semaphore(%run_scoped3A : memref<!tpu.dma_semaphore, #tpu.memory_space<semaphore_mem>>) src(%dma_wait3A_20 : memref<128xi32, #tpu.memory_space<hbm>>) dst(%arg5 : memref<128xi32, #tpu.memory_space<vmem>>)
      tpu.yield
    }) : () -> ()
    %dma_start3A_11 = arith.constant 0 : i32
    %dma_start3A_12 = arith.constant 0 : i32
    %dma_start3A_13 = tpu.memref_slice %arg2[%dma_start3A_11, %dma_start3A_12] : memref<8192x256xf32, #tpu.memory_space<hbm>> -> memref<8192x256xf32, #tpu.memory_space<hbm>>
    tpu.enqueue_indirect_dma source(%dma_start3A_13 : memref<8192x256xf32, #tpu.memory_space<hbm>>) target(%arg6 : memref<128x256xf32, #tpu.memory_space<vmem>>) offsets(%arg5 : memref<128xi32, #tpu.memory_space<vmem>>) semaphore(%arg7 : memref<!tpu.dma_semaphore, #tpu.memory_space<semaphore_mem>>)
    %dma_wait3A_14 = arith.constant 0 : i32
    %dma_wait3A_15 = arith.constant 0 : i32
    %dma_wait3A_16 = tpu.memref_slice %arg2[%dma_wait3A_14, %dma_wait3A_15] : memref<8192x256xf32, #tpu.memory_space<hbm>> -> memref<8192x256xf32, #tpu.memory_space<hbm>>
    tpu.wait_indirect_dma semaphore(%arg7 : memref<!tpu.dma_semaphore, #tpu.memory_space<semaphore_mem>>) src(%dma_wait3A_16 : memref<8192x256xf32, #tpu.memory_space<hbm>>) dst(%arg6 : memref<128x256xf32, #tpu.memory_space<vmem>>)
    "tpu.region"() ({
      %run_scoped3A = tpu.sem_alloc : memref<!tpu.dma_semaphore, #tpu.memory_space<semaphore_mem>>
      %dma_start3A_17 = arith.constant 0 : i32
      %dma_start3A_18 = tpu.memref_slice %arg4[%add3A_10, %dma_start3A_17] : memref<8192x256xf32, #tpu.memory_space<hbm>> -> memref<128x256xf32, #tpu.memory_space<hbm>>
      %dma_start3A_19 = arith.constant 0 : i32
      %dma_start3A_20 = tpu.memref_slice %arg4[%add3A_10, %dma_start3A_19] : memref<8192x256xf32, #tpu.memory_space<hbm>> -> memref<128x256xf32, #tpu.memory_space<hbm>>
      tpu.enqueue_dma source(%arg6 : memref<128x256xf32, #tpu.memory_space<vmem>>) target(%dma_start3A_20 : memref<128x256xf32, #tpu.memory_space<hbm>>) target_semaphore(%run_scoped3A : memref<!tpu.dma_semaphore, #tpu.memory_space<semaphore_mem>>)
      %dma_wait3A_21 = arith.constant 0 : i32
      %dma_wait3A_22 = tpu.memref_slice %arg4[%add3A_10, %dma_wait3A_21] : memref<8192x256xf32, #tpu.memory_space<hbm>> -> memref<128x256xf32, #tpu.memory_space<hbm>>
      %dma_wait3A_23 = arith.constant 0 : i32
      %dma_wait3A_24 = tpu.memref_slice %arg4[%add3A_10, %dma_wait3A_23] : memref<8192x256xf32, #tpu.memory_space<hbm>> -> memref<128x256xf32, #tpu.memory_space<hbm>>
      tpu.wait_dma2 semaphore(%run_scoped3A : memref<!tpu.dma_semaphore, #tpu.memory_space<semaphore_mem>>) src(%arg6 : memref<128x256xf32, #tpu.memory_space<vmem>>) dst(%dma_wait3A_24 : memref<128x256xf32, #tpu.memory_space<hbm>>)
      tpu.yield
    }) : () -> ()
    return
  }
}

module attributes {stable_mosaic.version = 14 : i64} {
  func.func @_dist_argmin_body(%arg0: i32, %arg1: memref<8x256xf32, #tpu.memory_space<vmem>>, %arg2: memref<8x1xf32, #tpu.memory_space<vmem>>, %arg3: memref<256x8192xf32, #tpu.memory_space<vmem>>, %arg4: memref<1x8192xf32, #tpu.memory_space<vmem>>, %arg5: memref<8x1xi32, #tpu.memory_space<vmem>>) attributes {dimension_semantics = [#tpu.dimension_semantics<arbitrary>], iteration_bounds = array<i64: 1>, scalar_prefetch = 0 : i64, scratch_operands = 0 : i64, tpu.core_type = #tpu.core_type<tc>, window_params = [{transform_indices = @transform_0, window_bounds = array<i64: 8, 256>}, {transform_indices = @transform_1, window_bounds = array<i64: 8, 1>}, {pipeline_mode = #tpu.pipeline_mode<synchronous>, transform_indices = @transform_2, window_bounds = array<i64: 256, 8192>}, {pipeline_mode = #tpu.pipeline_mode<synchronous>, transform_indices = @transform_3, window_bounds = array<i64: 1, 8192>}, {transform_indices = @transform_4, window_bounds = array<i64: 8, 1>}]} {
    %get3A = arith.constant 0 : index
    %get3A_0 = arith.constant 0 : index
    %get3A_1 = vector.load %arg1[%get3A, %get3A_0] : memref<8x256xf32, #tpu.memory_space<vmem>>, vector<8x256xf32>
    %get3A_2 = arith.constant 0 : index
    %get3A_3 = arith.constant 0 : index
    %get3A_4 = vector.load %arg2[%get3A_2, %get3A_3] : memref<8x1xf32, #tpu.memory_space<vmem>>, vector<8x1xf32>
    %get3A_5 = arith.constant 0 : index
    %get3A_6 = arith.constant 0 : index
    %get3A_7 = vector.load %arg3[%get3A_5, %get3A_6] : memref<256x8192xf32, #tpu.memory_space<vmem>>, vector<256x8192xf32>
    %dot_general3A = arith.constant dense<0.000000e+00> : vector<8x8192xf32>
    %dot_general3A_8 = tpu.matmul %get3A_1, %get3A_7, %dot_general3A {dimension_numbers = #tpu.dot_dimension_numbers<[1], [0], [0], [1], [0, 0, 1, 1], [], []>, transpose_lhs_hint = false} : vector<8x256xf32>, vector<256x8192xf32>, vector<8x8192xf32> -> vector<8x8192xf32>
    %get3A_9 = arith.constant 0 : index
    %get3A_10 = arith.constant 0 : index
    %get3A_11 = vector.load %arg4[%get3A_9, %get3A_10] : memref<1x8192xf32, #tpu.memory_space<vmem>>, vector<1x8192xf32>
    %add3A = vector.broadcast %get3A_4 : vector<8x1xf32> to vector<8x8192xf32>
    %add3A_12 = vector.broadcast %get3A_11 : vector<1x8192xf32> to vector<8x8192xf32>
    %add3A_13 = arith.addf %add3A, %add3A_12 : vector<8x8192xf32>
    %mul3A = arith.constant 2.000000e+00 : f32
    %mul3A_14 = vector.broadcast %mul3A : f32 to vector<8x8192xf32>
    %mul3A_15 = arith.mulf %mul3A_14, %dot_general3A_8 : vector<8x8192xf32>
    %sub3A = arith.subf %add3A_13, %mul3A_15 : vector<8x8192xf32>
    %reduce_min3A = arith.constant dense<0x7F800000> : vector<8xf32>
    %reduce_min3A_16 = vector.multi_reduction <minimumf>, %sub3A, %reduce_min3A [1] : vector<8x8192xf32> to vector<8xf32>
    %broadcast_in_dim3A = vector.shape_cast %reduce_min3A_16 : vector<8xf32> to vector<8x1xf32>
    %iota3A = tpu.iota {dimensions = array<i32: 1>} : vector<8x8192xi32>
    %eq3A = vector.broadcast %broadcast_in_dim3A : vector<8x1xf32> to vector<8x8192xf32>
    %eq3A_17 = arith.cmpf oeq, %sub3A, %eq3A : vector<8x8192xf32>
    %jit3A = arith.constant 8192 : i32
    %broadcast_in_dim3A_18 = vector.broadcast %jit3A : i32 to vector<8x8192xi32>
    %select_n3A = arith.select %eq3A_17, %iota3A, %broadcast_in_dim3A_18 : vector<8x8192xi1>, vector<8x8192xi32>
    %reduce_min3A_19 = arith.constant dense<2147483647> : vector<8xi32>
    %reduce_min3A_20 = vector.multi_reduction <minsi>, %select_n3A, %reduce_min3A_19 [1] : vector<8x8192xi32> to vector<8xi32>
    %broadcast_in_dim3A_21 = vector.shape_cast %reduce_min3A_20 : vector<8xi32> to vector<8x1xi32>
    %add3A_22 = arith.constant 0 : i32
    %add3A_23 = vector.broadcast %add3A_22 : i32 to vector<8x1xi32>
    %add3A_24 = arith.addi %broadcast_in_dim3A_21, %add3A_23 : vector<8x1xi32>
    %swap3A = arith.constant 0 : index
    %swap3A_25 = arith.constant 0 : index
    %swap3A_26 = vector.load %arg5[%swap3A, %swap3A_25] : memref<8x1xi32, #tpu.memory_space<vmem>>, vector<8x1xi32>
    tpu.vector_store %arg5[%swap3A, %swap3A_25], %add3A_24 {strides = array<i32>} : memref<8x1xi32, #tpu.memory_space<vmem>>, vector<8x1xi32>,
    return
  }
  func.func @transform_0(%arg0: i32) -> (i32, i32) {
    %c0_i32 = arith.constant 0 : i32
    %c0_i32_0 = arith.constant 0 : i32
    return %arg0, %c0_i32 : i32, i32
  }
  func.func @transform_1(%arg0: i32) -> (i32, i32) {
    %c0_i32 = arith.constant 0 : i32
    %c0_i32_0 = arith.constant 0 : i32
    return %arg0, %c0_i32 : i32, i32
  }
  func.func @transform_2(%arg0: i32) -> (i32, i32) {
    %c0_i32 = arith.constant 0 : i32
    %c0_i32_0 = arith.constant 0 : i32
    %c0_i32_1 = arith.constant 0 : i32
    return %c0_i32, %c0_i32_0 : i32, i32
  }
  func.func @transform_3(%arg0: i32) -> (i32, i32) {
    %c0_i32 = arith.constant 0 : i32
    %c0_i32_0 = arith.constant 0 : i32
    %c0_i32_1 = arith.constant 0 : i32
    return %c0_i32, %c0_i32_0 : i32, i32
  }
  func.func @transform_4(%arg0: i32) -> (i32, i32) {
    %c0_i32 = arith.constant 0 : i32
    %c0_i32_0 = arith.constant 0 : i32
    return %arg0, %c0_i32 : i32, i32
  }
}

module attributes {stable_mosaic.version = 14 : i64} {
  func.func @_dist_argmin_body(%arg0: i32, %arg1: memref<16x256xf32, #tpu.memory_space<vmem>>, %arg2: memref<16x1xf32, #tpu.memory_space<vmem>>, %arg3: memref<256x8192xf32, #tpu.memory_space<vmem>>, %arg4: memref<1x8192xf32, #tpu.memory_space<vmem>>, %arg5: memref<16x1xi32, #tpu.memory_space<vmem>>) attributes {dimension_semantics = [#tpu.dimension_semantics<arbitrary>], iteration_bounds = array<i64: 1>, scalar_prefetch = 0 : i64, scratch_operands = 0 : i64, tpu.core_type = #tpu.core_type<tc>, window_params = [{transform_indices = @transform_0, window_bounds = array<i64: 16, 256>}, {transform_indices = @transform_1, window_bounds = array<i64: 16, 1>}, {pipeline_mode = #tpu.pipeline_mode<synchronous>, transform_indices = @transform_2, window_bounds = array<i64: 256, 8192>}, {pipeline_mode = #tpu.pipeline_mode<synchronous>, transform_indices = @transform_3, window_bounds = array<i64: 1, 8192>}, {transform_indices = @transform_4, window_bounds = array<i64: 16, 1>}]} {
    %get3A = arith.constant 0 : index
    %get3A_0 = arith.constant 0 : index
    %get3A_1 = vector.load %arg1[%get3A, %get3A_0] : memref<16x256xf32, #tpu.memory_space<vmem>>, vector<16x256xf32>
    %get3A_2 = arith.constant 0 : index
    %get3A_3 = arith.constant 0 : index
    %get3A_4 = vector.load %arg2[%get3A_2, %get3A_3] : memref<16x1xf32, #tpu.memory_space<vmem>>, vector<16x1xf32>
    %get3A_5 = arith.constant 0 : index
    %get3A_6 = arith.constant 0 : index
    %get3A_7 = vector.load %arg3[%get3A_5, %get3A_6] : memref<256x8192xf32, #tpu.memory_space<vmem>>, vector<256x8192xf32>
    %dot_general3A = arith.constant dense<0.000000e+00> : vector<16x8192xf32>
    %dot_general3A_8 = tpu.matmul %get3A_1, %get3A_7, %dot_general3A {dimension_numbers = #tpu.dot_dimension_numbers<[1], [0], [0], [1], [0, 0, 1, 1], [], []>, transpose_lhs_hint = false} : vector<16x256xf32>, vector<256x8192xf32>, vector<16x8192xf32> -> vector<16x8192xf32>
    %get3A_9 = arith.constant 0 : index
    %get3A_10 = arith.constant 0 : index
    %get3A_11 = vector.load %arg4[%get3A_9, %get3A_10] : memref<1x8192xf32, #tpu.memory_space<vmem>>, vector<1x8192xf32>
    %add3A = vector.broadcast %get3A_4 : vector<16x1xf32> to vector<16x8192xf32>
    %add3A_12 = vector.broadcast %get3A_11 : vector<1x8192xf32> to vector<16x8192xf32>
    %add3A_13 = arith.addf %add3A, %add3A_12 : vector<16x8192xf32>
    %mul3A = arith.constant 2.000000e+00 : f32
    %mul3A_14 = vector.broadcast %mul3A : f32 to vector<16x8192xf32>
    %mul3A_15 = arith.mulf %mul3A_14, %dot_general3A_8 : vector<16x8192xf32>
    %sub3A = arith.subf %add3A_13, %mul3A_15 : vector<16x8192xf32>
    %reduce_min3A = arith.constant dense<0x7F800000> : vector<16xf32>
    %reduce_min3A_16 = vector.multi_reduction <minimumf>, %sub3A, %reduce_min3A [1] : vector<16x8192xf32> to vector<16xf32>
    %broadcast_in_dim3A = vector.shape_cast %reduce_min3A_16 : vector<16xf32> to vector<16x1xf32>
    %iota3A = tpu.iota {dimensions = array<i32: 1>} : vector<16x8192xi32>
    %eq3A = vector.broadcast %broadcast_in_dim3A : vector<16x1xf32> to vector<16x8192xf32>
    %eq3A_17 = arith.cmpf oeq, %sub3A, %eq3A : vector<16x8192xf32>
    %jit3A = arith.constant 8192 : i32
    %broadcast_in_dim3A_18 = vector.broadcast %jit3A : i32 to vector<16x8192xi32>
    %select_n3A = arith.select %eq3A_17, %iota3A, %broadcast_in_dim3A_18 : vector<16x8192xi1>, vector<16x8192xi32>
    %reduce_min3A_19 = arith.constant dense<2147483647> : vector<16xi32>
    %reduce_min3A_20 = vector.multi_reduction <minsi>, %select_n3A, %reduce_min3A_19 [1] : vector<16x8192xi32> to vector<16xi32>
    %broadcast_in_dim3A_21 = vector.shape_cast %reduce_min3A_20 : vector<16xi32> to vector<16x1xi32>
    %add3A_22 = arith.constant 0 : i32
    %add3A_23 = vector.broadcast %add3A_22 : i32 to vector<16x1xi32>
    %add3A_24 = arith.addi %broadcast_in_dim3A_21, %add3A_23 : vector<16x1xi32>
    %swap3A = arith.constant 0 : index
    %swap3A_25 = arith.constant 0 : index
    %swap3A_26 = vector.load %arg5[%swap3A, %swap3A_25] : memref<16x1xi32, #tpu.memory_space<vmem>>, vector<16x1xi32>
    tpu.vector_store %arg5[%swap3A, %swap3A_25], %add3A_24 {strides = array<i32>} : memref<16x1xi32, #tpu.memory_space<vmem>>, vector<16x1xi32>,
    return
  }
  func.func @transform_0(%arg0: i32) -> (i32, i32) {
    %c0_i32 = arith.constant 0 : i32
    %c0_i32_0 = arith.constant 0 : i32
    return %arg0, %c0_i32 : i32, i32
  }
  func.func @transform_1(%arg0: i32) -> (i32, i32) {
    %c0_i32 = arith.constant 0 : i32
    %c0_i32_0 = arith.constant 0 : i32
    return %arg0, %c0_i32 : i32, i32
  }
  func.func @transform_2(%arg0: i32) -> (i32, i32) {
    %c0_i32 = arith.constant 0 : i32
    %c0_i32_0 = arith.constant 0 : i32
    %c0_i32_1 = arith.constant 0 : i32
    return %c0_i32, %c0_i32_0 : i32, i32
  }
  func.func @transform_3(%arg0: i32) -> (i32, i32) {
    %c0_i32 = arith.constant 0 : i32
    %c0_i32_0 = arith.constant 0 : i32
    %c0_i32_1 = arith.constant 0 : i32
    return %c0_i32, %c0_i32_0 : i32, i32
  }
  func.func @transform_4(%arg0: i32) -> (i32, i32) {
    %c0_i32 = arith.constant 0 : i32
    %c0_i32_0 = arith.constant 0 : i32
    return %arg0, %c0_i32 : i32, i32
  }
}

module attributes {stable_mosaic.version = 14 : i64} {
  func.func @_dist_argmin_body(%arg0: i32, %arg1: memref<32x256xf32, #tpu.memory_space<vmem>>, %arg2: memref<32x1xf32, #tpu.memory_space<vmem>>, %arg3: memref<256x8192xf32, #tpu.memory_space<vmem>>, %arg4: memref<1x8192xf32, #tpu.memory_space<vmem>>, %arg5: memref<32x1xi32, #tpu.memory_space<vmem>>) attributes {dimension_semantics = [#tpu.dimension_semantics<arbitrary>], iteration_bounds = array<i64: 1>, scalar_prefetch = 0 : i64, scratch_operands = 0 : i64, tpu.core_type = #tpu.core_type<tc>, window_params = [{transform_indices = @transform_0, window_bounds = array<i64: 32, 256>}, {transform_indices = @transform_1, window_bounds = array<i64: 32, 1>}, {pipeline_mode = #tpu.pipeline_mode<synchronous>, transform_indices = @transform_2, window_bounds = array<i64: 256, 8192>}, {pipeline_mode = #tpu.pipeline_mode<synchronous>, transform_indices = @transform_3, window_bounds = array<i64: 1, 8192>}, {transform_indices = @transform_4, window_bounds = array<i64: 32, 1>}]} {
    %get3A = arith.constant 0 : index
    %get3A_0 = arith.constant 0 : index
    %get3A_1 = vector.load %arg1[%get3A, %get3A_0] : memref<32x256xf32, #tpu.memory_space<vmem>>, vector<32x256xf32>
    %get3A_2 = arith.constant 0 : index
    %get3A_3 = arith.constant 0 : index
    %get3A_4 = vector.load %arg2[%get3A_2, %get3A_3] : memref<32x1xf32, #tpu.memory_space<vmem>>, vector<32x1xf32>
    %get3A_5 = arith.constant 0 : index
    %get3A_6 = arith.constant 0 : index
    %get3A_7 = vector.load %arg3[%get3A_5, %get3A_6] : memref<256x8192xf32, #tpu.memory_space<vmem>>, vector<256x8192xf32>
    %dot_general3A = arith.constant dense<0.000000e+00> : vector<32x8192xf32>
    %dot_general3A_8 = tpu.matmul %get3A_1, %get3A_7, %dot_general3A {dimension_numbers = #tpu.dot_dimension_numbers<[1], [0], [0], [1], [0, 0, 1, 1], [], []>, transpose_lhs_hint = false} : vector<32x256xf32>, vector<256x8192xf32>, vector<32x8192xf32> -> vector<32x8192xf32>
    %get3A_9 = arith.constant 0 : index
    %get3A_10 = arith.constant 0 : index
    %get3A_11 = vector.load %arg4[%get3A_9, %get3A_10] : memref<1x8192xf32, #tpu.memory_space<vmem>>, vector<1x8192xf32>
    %add3A = vector.broadcast %get3A_4 : vector<32x1xf32> to vector<32x8192xf32>
    %add3A_12 = vector.broadcast %get3A_11 : vector<1x8192xf32> to vector<32x8192xf32>
    %add3A_13 = arith.addf %add3A, %add3A_12 : vector<32x8192xf32>
    %mul3A = arith.constant 2.000000e+00 : f32
    %mul3A_14 = vector.broadcast %mul3A : f32 to vector<32x8192xf32>
    %mul3A_15 = arith.mulf %mul3A_14, %dot_general3A_8 : vector<32x8192xf32>
    %sub3A = arith.subf %add3A_13, %mul3A_15 : vector<32x8192xf32>
    %reduce_min3A = arith.constant dense<0x7F800000> : vector<32xf32>
    %reduce_min3A_16 = vector.multi_reduction <minimumf>, %sub3A, %reduce_min3A [1] : vector<32x8192xf32> to vector<32xf32>
    %broadcast_in_dim3A = vector.shape_cast %reduce_min3A_16 : vector<32xf32> to vector<32x1xf32>
    %iota3A = tpu.iota {dimensions = array<i32: 1>} : vector<32x8192xi32>
    %eq3A = vector.broadcast %broadcast_in_dim3A : vector<32x1xf32> to vector<32x8192xf32>
    %eq3A_17 = arith.cmpf oeq, %sub3A, %eq3A : vector<32x8192xf32>
    %jit3A = arith.constant 8192 : i32
    %broadcast_in_dim3A_18 = vector.broadcast %jit3A : i32 to vector<32x8192xi32>
    %select_n3A = arith.select %eq3A_17, %iota3A, %broadcast_in_dim3A_18 : vector<32x8192xi1>, vector<32x8192xi32>
    %reduce_min3A_19 = arith.constant dense<2147483647> : vector<32xi32>
    %reduce_min3A_20 = vector.multi_reduction <minsi>, %select_n3A, %reduce_min3A_19 [1] : vector<32x8192xi32> to vector<32xi32>
    %broadcast_in_dim3A_21 = vector.shape_cast %reduce_min3A_20 : vector<32xi32> to vector<32x1xi32>
    %add3A_22 = arith.constant 0 : i32
    %add3A_23 = vector.broadcast %add3A_22 : i32 to vector<32x1xi32>
    %add3A_24 = arith.addi %broadcast_in_dim3A_21, %add3A_23 : vector<32x1xi32>
    %swap3A = arith.constant 0 : index
    %swap3A_25 = arith.constant 0 : index
    %swap3A_26 = vector.load %arg5[%swap3A, %swap3A_25] : memref<32x1xi32, #tpu.memory_space<vmem>>, vector<32x1xi32>
    tpu.vector_store %arg5[%swap3A, %swap3A_25], %add3A_24 {strides = array<i32>} : memref<32x1xi32, #tpu.memory_space<vmem>>, vector<32x1xi32>,
    return
  }
  func.func @transform_0(%arg0: i32) -> (i32, i32) {
    %c0_i32 = arith.constant 0 : i32
    %c0_i32_0 = arith.constant 0 : i32
    return %arg0, %c0_i32 : i32, i32
  }
  func.func @transform_1(%arg0: i32) -> (i32, i32) {
    %c0_i32 = arith.constant 0 : i32
    %c0_i32_0 = arith.constant 0 : i32
    return %arg0, %c0_i32 : i32, i32
  }
  func.func @transform_2(%arg0: i32) -> (i32, i32) {
    %c0_i32 = arith.constant 0 : i32
    %c0_i32_0 = arith.constant 0 : i32
    %c0_i32_1 = arith.constant 0 : i32
    return %c0_i32, %c0_i32_0 : i32, i32
  }
  func.func @transform_3(%arg0: i32) -> (i32, i32) {
    %c0_i32 = arith.constant 0 : i32
    %c0_i32_0 = arith.constant 0 : i32
    %c0_i32_1 = arith.constant 0 : i32
    return %c0_i32, %c0_i32_0 : i32, i32
  }
  func.func @transform_4(%arg0: i32) -> (i32, i32) {
    %c0_i32 = arith.constant 0 : i32
    %c0_i32_0 = arith.constant 0 : i32
    return %arg0, %c0_i32 : i32, i32
  }
}

module attributes {stable_mosaic.version = 14 : i64} {
  func.func @_dist_argmin_body(%arg0: i32, %arg1: memref<64x256xf32, #tpu.memory_space<vmem>>, %arg2: memref<64x1xf32, #tpu.memory_space<vmem>>, %arg3: memref<256x8192xf32, #tpu.memory_space<vmem>>, %arg4: memref<1x8192xf32, #tpu.memory_space<vmem>>, %arg5: memref<64x1xi32, #tpu.memory_space<vmem>>) attributes {dimension_semantics = [#tpu.dimension_semantics<arbitrary>], iteration_bounds = array<i64: 1>, scalar_prefetch = 0 : i64, scratch_operands = 0 : i64, tpu.core_type = #tpu.core_type<tc>, window_params = [{transform_indices = @transform_0, window_bounds = array<i64: 64, 256>}, {transform_indices = @transform_1, window_bounds = array<i64: 64, 1>}, {pipeline_mode = #tpu.pipeline_mode<synchronous>, transform_indices = @transform_2, window_bounds = array<i64: 256, 8192>}, {pipeline_mode = #tpu.pipeline_mode<synchronous>, transform_indices = @transform_3, window_bounds = array<i64: 1, 8192>}, {transform_indices = @transform_4, window_bounds = array<i64: 64, 1>}]} {
    %get3A = arith.constant 0 : index
    %get3A_0 = arith.constant 0 : index
    %get3A_1 = vector.load %arg1[%get3A, %get3A_0] : memref<64x256xf32, #tpu.memory_space<vmem>>, vector<64x256xf32>
    %get3A_2 = arith.constant 0 : index
    %get3A_3 = arith.constant 0 : index
    %get3A_4 = vector.load %arg2[%get3A_2, %get3A_3] : memref<64x1xf32, #tpu.memory_space<vmem>>, vector<64x1xf32>
    %get3A_5 = arith.constant 0 : index
    %get3A_6 = arith.constant 0 : index
    %get3A_7 = vector.load %arg3[%get3A_5, %get3A_6] : memref<256x8192xf32, #tpu.memory_space<vmem>>, vector<256x8192xf32>
    %dot_general3A = arith.constant dense<0.000000e+00> : vector<64x8192xf32>
    %dot_general3A_8 = tpu.matmul %get3A_1, %get3A_7, %dot_general3A {dimension_numbers = #tpu.dot_dimension_numbers<[1], [0], [0], [1], [0, 0, 1, 1], [], []>, transpose_lhs_hint = false} : vector<64x256xf32>, vector<256x8192xf32>, vector<64x8192xf32> -> vector<64x8192xf32>
    %get3A_9 = arith.constant 0 : index
    %get3A_10 = arith.constant 0 : index
    %get3A_11 = vector.load %arg4[%get3A_9, %get3A_10] : memref<1x8192xf32, #tpu.memory_space<vmem>>, vector<1x8192xf32>
    %add3A = vector.broadcast %get3A_4 : vector<64x1xf32> to vector<64x8192xf32>
    %add3A_12 = vector.broadcast %get3A_11 : vector<1x8192xf32> to vector<64x8192xf32>
    %add3A_13 = arith.addf %add3A, %add3A_12 : vector<64x8192xf32>
    %mul3A = arith.constant 2.000000e+00 : f32
    %mul3A_14 = vector.broadcast %mul3A : f32 to vector<64x8192xf32>
    %mul3A_15 = arith.mulf %mul3A_14, %dot_general3A_8 : vector<64x8192xf32>
    %sub3A = arith.subf %add3A_13, %mul3A_15 : vector<64x8192xf32>
    %reduce_min3A = arith.constant dense<0x7F800000> : vector<64xf32>
    %reduce_min3A_16 = vector.multi_reduction <minimumf>, %sub3A, %reduce_min3A [1] : vector<64x8192xf32> to vector<64xf32>
    %broadcast_in_dim3A = vector.shape_cast %reduce_min3A_16 : vector<64xf32> to vector<64x1xf32>
    %iota3A = tpu.iota {dimensions = array<i32: 1>} : vector<64x8192xi32>
    %eq3A = vector.broadcast %broadcast_in_dim3A : vector<64x1xf32> to vector<64x8192xf32>
    %eq3A_17 = arith.cmpf oeq, %sub3A, %eq3A : vector<64x8192xf32>
    %jit3A = arith.constant 8192 : i32
    %broadcast_in_dim3A_18 = vector.broadcast %jit3A : i32 to vector<64x8192xi32>
    %select_n3A = arith.select %eq3A_17, %iota3A, %broadcast_in_dim3A_18 : vector<64x8192xi1>, vector<64x8192xi32>
    %reduce_min3A_19 = arith.constant dense<2147483647> : vector<64xi32>
    %reduce_min3A_20 = vector.multi_reduction <minsi>, %select_n3A, %reduce_min3A_19 [1] : vector<64x8192xi32> to vector<64xi32>
    %broadcast_in_dim3A_21 = vector.shape_cast %reduce_min3A_20 : vector<64xi32> to vector<64x1xi32>
    %add3A_22 = arith.constant 0 : i32
    %add3A_23 = vector.broadcast %add3A_22 : i32 to vector<64x1xi32>
    %add3A_24 = arith.addi %broadcast_in_dim3A_21, %add3A_23 : vector<64x1xi32>
    %swap3A = arith.constant 0 : index
    %swap3A_25 = arith.constant 0 : index
    %swap3A_26 = vector.load %arg5[%swap3A, %swap3A_25] : memref<64x1xi32, #tpu.memory_space<vmem>>, vector<64x1xi32>
    tpu.vector_store %arg5[%swap3A, %swap3A_25], %add3A_24 {strides = array<i32>} : memref<64x1xi32, #tpu.memory_space<vmem>>, vector<64x1xi32>,
    return
  }
  func.func @transform_0(%arg0: i32) -> (i32, i32) {
    %c0_i32 = arith.constant 0 : i32
    %c0_i32_0 = arith.constant 0 : i32
    return %arg0, %c0_i32 : i32, i32
  }
  func.func @transform_1(%arg0: i32) -> (i32, i32) {
    %c0_i32 = arith.constant 0 : i32
    %c0_i32_0 = arith.constant 0 : i32
    return %arg0, %c0_i32 : i32, i32
  }
  func.func @transform_2(%arg0: i32) -> (i32, i32) {
    %c0_i32 = arith.constant 0 : i32
    %c0_i32_0 = arith.constant 0 : i32
    %c0_i32_1 = arith.constant 0 : i32
    return %c0_i32, %c0_i32_0 : i32, i32
  }
  func.func @transform_3(%arg0: i32) -> (i32, i32) {
    %c0_i32 = arith.constant 0 : i32
    %c0_i32_0 = arith.constant 0 : i32
    %c0_i32_1 = arith.constant 0 : i32
    return %c0_i32, %c0_i32_0 : i32, i32
  }
  func.func @transform_4(%arg0: i32) -> (i32, i32) {
    %c0_i32 = arith.constant 0 : i32
    %c0_i32_0 = arith.constant 0 : i32
    return %arg0, %c0_i32 : i32, i32
  }
}

module attributes {stable_mosaic.version = 14 : i64} {
  func.func @_dist_argmin_body(%arg0: i32, %arg1: memref<128x256xf32, #tpu.memory_space<vmem>>, %arg2: memref<128x1xf32, #tpu.memory_space<vmem>>, %arg3: memref<256x8192xf32, #tpu.memory_space<vmem>>, %arg4: memref<1x8192xf32, #tpu.memory_space<vmem>>, %arg5: memref<128x1xi32, #tpu.memory_space<vmem>>) attributes {dimension_semantics = [#tpu.dimension_semantics<arbitrary>], iteration_bounds = array<i64: 1>, scalar_prefetch = 0 : i64, scratch_operands = 0 : i64, tpu.core_type = #tpu.core_type<tc>, window_params = [{transform_indices = @transform_0, window_bounds = array<i64: 128, 256>}, {transform_indices = @transform_1, window_bounds = array<i64: 128, 1>}, {pipeline_mode = #tpu.pipeline_mode<synchronous>, transform_indices = @transform_2, window_bounds = array<i64: 256, 8192>}, {pipeline_mode = #tpu.pipeline_mode<synchronous>, transform_indices = @transform_3, window_bounds = array<i64: 1, 8192>}, {transform_indices = @transform_4, window_bounds = array<i64: 128, 1>}]} {
    %get3A = arith.constant 0 : index
    %get3A_0 = arith.constant 0 : index
    %get3A_1 = vector.load %arg1[%get3A, %get3A_0] : memref<128x256xf32, #tpu.memory_space<vmem>>, vector<128x256xf32>
    %get3A_2 = arith.constant 0 : index
    %get3A_3 = arith.constant 0 : index
    %get3A_4 = vector.load %arg2[%get3A_2, %get3A_3] : memref<128x1xf32, #tpu.memory_space<vmem>>, vector<128x1xf32>
    %get3A_5 = arith.constant 0 : index
    %get3A_6 = arith.constant 0 : index
    %get3A_7 = vector.load %arg3[%get3A_5, %get3A_6] : memref<256x8192xf32, #tpu.memory_space<vmem>>, vector<256x8192xf32>
    %dot_general3A = arith.constant dense<0.000000e+00> : vector<128x8192xf32>
    %dot_general3A_8 = tpu.matmul %get3A_1, %get3A_7, %dot_general3A {dimension_numbers = #tpu.dot_dimension_numbers<[1], [0], [0], [1], [0, 0, 1, 1], [], []>, transpose_lhs_hint = false} : vector<128x256xf32>, vector<256x8192xf32>, vector<128x8192xf32> -> vector<128x8192xf32>
    %get3A_9 = arith.constant 0 : index
    %get3A_10 = arith.constant 0 : index
    %get3A_11 = vector.load %arg4[%get3A_9, %get3A_10] : memref<1x8192xf32, #tpu.memory_space<vmem>>, vector<1x8192xf32>
    %add3A = vector.broadcast %get3A_4 : vector<128x1xf32> to vector<128x8192xf32>
    %add3A_12 = vector.broadcast %get3A_11 : vector<1x8192xf32> to vector<128x8192xf32>
    %add3A_13 = arith.addf %add3A, %add3A_12 : vector<128x8192xf32>
    %mul3A = arith.constant 2.000000e+00 : f32
    %mul3A_14 = vector.broadcast %mul3A : f32 to vector<128x8192xf32>
    %mul3A_15 = arith.mulf %mul3A_14, %dot_general3A_8 : vector<128x8192xf32>
    %sub3A = arith.subf %add3A_13, %mul3A_15 : vector<128x8192xf32>
    %reduce_min3A = arith.constant dense<0x7F800000> : vector<128xf32>
    %reduce_min3A_16 = vector.multi_reduction <minimumf>, %sub3A, %reduce_min3A [1] : vector<128x8192xf32> to vector<128xf32>
    %broadcast_in_dim3A = vector.shape_cast %reduce_min3A_16 : vector<128xf32> to vector<128x1xf32>
    %iota3A = tpu.iota {dimensions = array<i32: 1>} : vector<128x8192xi32>
    %eq3A = vector.broadcast %broadcast_in_dim3A : vector<128x1xf32> to vector<128x8192xf32>
    %eq3A_17 = arith.cmpf oeq, %sub3A, %eq3A : vector<128x8192xf32>
    %jit3A = arith.constant 8192 : i32
    %broadcast_in_dim3A_18 = vector.broadcast %jit3A : i32 to vector<128x8192xi32>
    %select_n3A = arith.select %eq3A_17, %iota3A, %broadcast_in_dim3A_18 : vector<128x8192xi1>, vector<128x8192xi32>
    %reduce_min3A_19 = arith.constant dense<2147483647> : vector<128xi32>
    %reduce_min3A_20 = vector.multi_reduction <minsi>, %select_n3A, %reduce_min3A_19 [1] : vector<128x8192xi32> to vector<128xi32>
    %broadcast_in_dim3A_21 = vector.shape_cast %reduce_min3A_20 : vector<128xi32> to vector<128x1xi32>
    %add3A_22 = arith.constant 0 : i32
    %add3A_23 = vector.broadcast %add3A_22 : i32 to vector<128x1xi32>
    %add3A_24 = arith.addi %broadcast_in_dim3A_21, %add3A_23 : vector<128x1xi32>
    %swap3A = arith.constant 0 : index
    %swap3A_25 = arith.constant 0 : index
    %swap3A_26 = vector.load %arg5[%swap3A, %swap3A_25] : memref<128x1xi32, #tpu.memory_space<vmem>>, vector<128x1xi32>
    tpu.vector_store %arg5[%swap3A, %swap3A_25], %add3A_24 {strides = array<i32>} : memref<128x1xi32, #tpu.memory_space<vmem>>, vector<128x1xi32>,
    return
  }
  func.func @transform_0(%arg0: i32) -> (i32, i32) {
    %c0_i32 = arith.constant 0 : i32
    %c0_i32_0 = arith.constant 0 : i32
    return %arg0, %c0_i32 : i32, i32
  }
  func.func @transform_1(%arg0: i32) -> (i32, i32) {
    %c0_i32 = arith.constant 0 : i32
    %c0_i32_0 = arith.constant 0 : i32
    return %arg0, %c0_i32 : i32, i32
  }
  func.func @transform_2(%arg0: i32) -> (i32, i32) {
    %c0_i32 = arith.constant 0 : i32
    %c0_i32_0 = arith.constant 0 : i32
    %c0_i32_1 = arith.constant 0 : i32
    return %c0_i32, %c0_i32_0 : i32, i32
  }
  func.func @transform_3(%arg0: i32) -> (i32, i32) {
    %c0_i32 = arith.constant 0 : i32
    %c0_i32_0 = arith.constant 0 : i32
    %c0_i32_1 = arith.constant 0 : i32
    return %c0_i32, %c0_i32_0 : i32, i32
  }
  func.func @transform_4(%arg0: i32) -> (i32, i32) {
    %c0_i32 = arith.constant 0 : i32
    %c0_i32_0 = arith.constant 0 : i32
    return %arg0, %c0_i32 : i32, i32
  }
}

module attributes {stable_mosaic.version = 14 : i64} {
  func.func @_dist_argmin_body(%arg0: i32, %arg1: memref<256x256xf32, #tpu.memory_space<vmem>>, %arg2: memref<256x1xf32, #tpu.memory_space<vmem>>, %arg3: memref<256x8192xf32, #tpu.memory_space<vmem>>, %arg4: memref<1x8192xf32, #tpu.memory_space<vmem>>, %arg5: memref<256x1xi32, #tpu.memory_space<vmem>>) attributes {dimension_semantics = [#tpu.dimension_semantics<arbitrary>], iteration_bounds = array<i64: 1>, scalar_prefetch = 0 : i64, scratch_operands = 0 : i64, tpu.core_type = #tpu.core_type<tc>, window_params = [{transform_indices = @transform_0, window_bounds = array<i64: 256, 256>}, {transform_indices = @transform_1, window_bounds = array<i64: 256, 1>}, {pipeline_mode = #tpu.pipeline_mode<synchronous>, transform_indices = @transform_2, window_bounds = array<i64: 256, 8192>}, {pipeline_mode = #tpu.pipeline_mode<synchronous>, transform_indices = @transform_3, window_bounds = array<i64: 1, 8192>}, {transform_indices = @transform_4, window_bounds = array<i64: 256, 1>}]} {
    %get3A = arith.constant 0 : index
    %get3A_0 = arith.constant 0 : index
    %get3A_1 = vector.load %arg1[%get3A, %get3A_0] : memref<256x256xf32, #tpu.memory_space<vmem>>, vector<256x256xf32>
    %get3A_2 = arith.constant 0 : index
    %get3A_3 = arith.constant 0 : index
    %get3A_4 = vector.load %arg2[%get3A_2, %get3A_3] : memref<256x1xf32, #tpu.memory_space<vmem>>, vector<256x1xf32>
    %get3A_5 = arith.constant 0 : index
    %get3A_6 = arith.constant 0 : index
    %get3A_7 = vector.load %arg3[%get3A_5, %get3A_6] : memref<256x8192xf32, #tpu.memory_space<vmem>>, vector<256x8192xf32>
    %dot_general3A = arith.constant dense<0.000000e+00> : vector<256x8192xf32>
    %dot_general3A_8 = tpu.matmul %get3A_1, %get3A_7, %dot_general3A {dimension_numbers = #tpu.dot_dimension_numbers<[1], [0], [0], [1], [0, 0, 1, 1], [], []>, transpose_lhs_hint = false} : vector<256x256xf32>, vector<256x8192xf32>, vector<256x8192xf32> -> vector<256x8192xf32>
    %get3A_9 = arith.constant 0 : index
    %get3A_10 = arith.constant 0 : index
    %get3A_11 = vector.load %arg4[%get3A_9, %get3A_10] : memref<1x8192xf32, #tpu.memory_space<vmem>>, vector<1x8192xf32>
    %add3A = vector.broadcast %get3A_4 : vector<256x1xf32> to vector<256x8192xf32>
    %add3A_12 = vector.broadcast %get3A_11 : vector<1x8192xf32> to vector<256x8192xf32>
    %add3A_13 = arith.addf %add3A, %add3A_12 : vector<256x8192xf32>
    %mul3A = arith.constant 2.000000e+00 : f32
    %mul3A_14 = vector.broadcast %mul3A : f32 to vector<256x8192xf32>
    %mul3A_15 = arith.mulf %mul3A_14, %dot_general3A_8 : vector<256x8192xf32>
    %sub3A = arith.subf %add3A_13, %mul3A_15 : vector<256x8192xf32>
    %reduce_min3A = arith.constant dense<0x7F800000> : vector<256xf32>
    %reduce_min3A_16 = vector.multi_reduction <minimumf>, %sub3A, %reduce_min3A [1] : vector<256x8192xf32> to vector<256xf32>
    %broadcast_in_dim3A = vector.shape_cast %reduce_min3A_16 : vector<256xf32> to vector<256x1xf32>
    %iota3A = tpu.iota {dimensions = array<i32: 1>} : vector<256x8192xi32>
    %eq3A = vector.broadcast %broadcast_in_dim3A : vector<256x1xf32> to vector<256x8192xf32>
    %eq3A_17 = arith.cmpf oeq, %sub3A, %eq3A : vector<256x8192xf32>
    %jit3A = arith.constant 8192 : i32
    %broadcast_in_dim3A_18 = vector.broadcast %jit3A : i32 to vector<256x8192xi32>
    %select_n3A = arith.select %eq3A_17, %iota3A, %broadcast_in_dim3A_18 : vector<256x8192xi1>, vector<256x8192xi32>
    %reduce_min3A_19 = arith.constant dense<2147483647> : vector<256xi32>
    %reduce_min3A_20 = vector.multi_reduction <minsi>, %select_n3A, %reduce_min3A_19 [1] : vector<256x8192xi32> to vector<256xi32>
    %broadcast_in_dim3A_21 = vector.shape_cast %reduce_min3A_20 : vector<256xi32> to vector<256x1xi32>
    %add3A_22 = arith.constant 0 : i32
    %add3A_23 = vector.broadcast %add3A_22 : i32 to vector<256x1xi32>
    %add3A_24 = arith.addi %broadcast_in_dim3A_21, %add3A_23 : vector<256x1xi32>
    %swap3A = arith.constant 0 : index
    %swap3A_25 = arith.constant 0 : index
    %swap3A_26 = vector.load %arg5[%swap3A, %swap3A_25] : memref<256x1xi32, #tpu.memory_space<vmem>>, vector<256x1xi32>
    tpu.vector_store %arg5[%swap3A, %swap3A_25], %add3A_24 {strides = array<i32>} : memref<256x1xi32, #tpu.memory_space<vmem>>, vector<256x1xi32>,
    return
  }
  func.func @transform_0(%arg0: i32) -> (i32, i32) {
    %c0_i32 = arith.constant 0 : i32
    %c0_i32_0 = arith.constant 0 : i32
    return %arg0, %c0_i32 : i32, i32
  }
  func.func @transform_1(%arg0: i32) -> (i32, i32) {
    %c0_i32 = arith.constant 0 : i32
    %c0_i32_0 = arith.constant 0 : i32
    return %arg0, %c0_i32 : i32, i32
  }
  func.func @transform_2(%arg0: i32) -> (i32, i32) {
    %c0_i32 = arith.constant 0 : i32
    %c0_i32_0 = arith.constant 0 : i32
    %c0_i32_1 = arith.constant 0 : i32
    return %c0_i32, %c0_i32_0 : i32, i32
  }
  func.func @transform_3(%arg0: i32) -> (i32, i32) {
    %c0_i32 = arith.constant 0 : i32
    %c0_i32_0 = arith.constant 0 : i32
    %c0_i32_1 = arith.constant 0 : i32
    return %c0_i32, %c0_i32_0 : i32, i32
  }
  func.func @transform_4(%arg0: i32) -> (i32, i32) {
    %c0_i32 = arith.constant 0 : i32
    %c0_i32_0 = arith.constant 0 : i32
    return %arg0, %c0_i32 : i32, i32
  }
}

module attributes {stable_mosaic.version = 14 : i64} {
  func.func @_dist_argmin_body(%arg0: i32, %arg1: memref<256x256xf32, #tpu.memory_space<vmem>>, %arg2: memref<256x1xf32, #tpu.memory_space<vmem>>, %arg3: memref<256x8192xf32, #tpu.memory_space<vmem>>, %arg4: memref<1x8192xf32, #tpu.memory_space<vmem>>, %arg5: memref<256x1xi32, #tpu.memory_space<vmem>>) attributes {dimension_semantics = [#tpu.dimension_semantics<arbitrary>], iteration_bounds = array<i64: 2>, scalar_prefetch = 0 : i64, scratch_operands = 0 : i64, tpu.core_type = #tpu.core_type<tc>, window_params = [{transform_indices = @transform_0, window_bounds = array<i64: 256, 256>}, {transform_indices = @transform_1, window_bounds = array<i64: 256, 1>}, {pipeline_mode = #tpu.pipeline_mode<synchronous>, transform_indices = @transform_2, window_bounds = array<i64: 256, 8192>}, {pipeline_mode = #tpu.pipeline_mode<synchronous>, transform_indices = @transform_3, window_bounds = array<i64: 1, 8192>}, {transform_indices = @transform_4, window_bounds = array<i64: 256, 1>}]} {
    %get3A = arith.constant 0 : index
    %get3A_0 = arith.constant 0 : index
    %get3A_1 = vector.load %arg1[%get3A, %get3A_0] : memref<256x256xf32, #tpu.memory_space<vmem>>, vector<256x256xf32>
    %get3A_2 = arith.constant 0 : index
    %get3A_3 = arith.constant 0 : index
    %get3A_4 = vector.load %arg2[%get3A_2, %get3A_3] : memref<256x1xf32, #tpu.memory_space<vmem>>, vector<256x1xf32>
    %get3A_5 = arith.constant 0 : index
    %get3A_6 = arith.constant 0 : index
    %get3A_7 = vector.load %arg3[%get3A_5, %get3A_6] : memref<256x8192xf32, #tpu.memory_space<vmem>>, vector<256x8192xf32>
    %dot_general3A = arith.constant dense<0.000000e+00> : vector<256x8192xf32>
    %dot_general3A_8 = tpu.matmul %get3A_1, %get3A_7, %dot_general3A {dimension_numbers = #tpu.dot_dimension_numbers<[1], [0], [0], [1], [0, 0, 1, 1], [], []>, transpose_lhs_hint = false} : vector<256x256xf32>, vector<256x8192xf32>, vector<256x8192xf32> -> vector<256x8192xf32>
    %get3A_9 = arith.constant 0 : index
    %get3A_10 = arith.constant 0 : index
    %get3A_11 = vector.load %arg4[%get3A_9, %get3A_10] : memref<1x8192xf32, #tpu.memory_space<vmem>>, vector<1x8192xf32>
    %add3A = vector.broadcast %get3A_4 : vector<256x1xf32> to vector<256x8192xf32>
    %add3A_12 = vector.broadcast %get3A_11 : vector<1x8192xf32> to vector<256x8192xf32>
    %add3A_13 = arith.addf %add3A, %add3A_12 : vector<256x8192xf32>
    %mul3A = arith.constant 2.000000e+00 : f32
    %mul3A_14 = vector.broadcast %mul3A : f32 to vector<256x8192xf32>
    %mul3A_15 = arith.mulf %mul3A_14, %dot_general3A_8 : vector<256x8192xf32>
    %sub3A = arith.subf %add3A_13, %mul3A_15 : vector<256x8192xf32>
    %reduce_min3A = arith.constant dense<0x7F800000> : vector<256xf32>
    %reduce_min3A_16 = vector.multi_reduction <minimumf>, %sub3A, %reduce_min3A [1] : vector<256x8192xf32> to vector<256xf32>
    %broadcast_in_dim3A = vector.shape_cast %reduce_min3A_16 : vector<256xf32> to vector<256x1xf32>
    %iota3A = tpu.iota {dimensions = array<i32: 1>} : vector<256x8192xi32>
    %eq3A = vector.broadcast %broadcast_in_dim3A : vector<256x1xf32> to vector<256x8192xf32>
    %eq3A_17 = arith.cmpf oeq, %sub3A, %eq3A : vector<256x8192xf32>
    %jit3A = arith.constant 8192 : i32
    %broadcast_in_dim3A_18 = vector.broadcast %jit3A : i32 to vector<256x8192xi32>
    %select_n3A = arith.select %eq3A_17, %iota3A, %broadcast_in_dim3A_18 : vector<256x8192xi1>, vector<256x8192xi32>
    %reduce_min3A_19 = arith.constant dense<2147483647> : vector<256xi32>
    %reduce_min3A_20 = vector.multi_reduction <minsi>, %select_n3A, %reduce_min3A_19 [1] : vector<256x8192xi32> to vector<256xi32>
    %broadcast_in_dim3A_21 = vector.shape_cast %reduce_min3A_20 : vector<256xi32> to vector<256x1xi32>
    %add3A_22 = arith.constant 0 : i32
    %add3A_23 = vector.broadcast %add3A_22 : i32 to vector<256x1xi32>
    %add3A_24 = arith.addi %broadcast_in_dim3A_21, %add3A_23 : vector<256x1xi32>
    %swap3A = arith.constant 0 : index
    %swap3A_25 = arith.constant 0 : index
    %swap3A_26 = vector.load %arg5[%swap3A, %swap3A_25] : memref<256x1xi32, #tpu.memory_space<vmem>>, vector<256x1xi32>
    tpu.vector_store %arg5[%swap3A, %swap3A_25], %add3A_24 {strides = array<i32>} : memref<256x1xi32, #tpu.memory_space<vmem>>, vector<256x1xi32>,
    return
  }
  func.func @transform_0(%arg0: i32) -> (i32, i32) {
    %c0_i32 = arith.constant 0 : i32
    %c0_i32_0 = arith.constant 0 : i32
    return %arg0, %c0_i32 : i32, i32
  }
  func.func @transform_1(%arg0: i32) -> (i32, i32) {
    %c0_i32 = arith.constant 0 : i32
    %c0_i32_0 = arith.constant 0 : i32
    return %arg0, %c0_i32 : i32, i32
  }
  func.func @transform_2(%arg0: i32) -> (i32, i32) {
    %c0_i32 = arith.constant 0 : i32
    %c0_i32_0 = arith.constant 0 : i32
    %c0_i32_1 = arith.constant 0 : i32
    return %c0_i32, %c0_i32_0 : i32, i32
  }
  func.func @transform_3(%arg0: i32) -> (i32, i32) {
    %c0_i32 = arith.constant 0 : i32
    %c0_i32_0 = arith.constant 0 : i32
    %c0_i32_1 = arith.constant 0 : i32
    return %c0_i32, %c0_i32_0 : i32, i32
  }
  func.func @transform_4(%arg0: i32) -> (i32, i32) {
    %c0_i32 = arith.constant 0 : i32
    %c0_i32_0 = arith.constant 0 : i32
    return %arg0, %c0_i32 : i32, i32
  }
}

module attributes {stable_mosaic.version = 14 : i64} {
  func.func @_dist_argmin_body(%arg0: i32, %arg1: memref<256x256xf32, #tpu.memory_space<vmem>>, %arg2: memref<256x1xf32, #tpu.memory_space<vmem>>, %arg3: memref<256x8192xf32, #tpu.memory_space<vmem>>, %arg4: memref<1x8192xf32, #tpu.memory_space<vmem>>, %arg5: memref<256x1xi32, #tpu.memory_space<vmem>>) attributes {dimension_semantics = [#tpu.dimension_semantics<arbitrary>], iteration_bounds = array<i64: 4>, scalar_prefetch = 0 : i64, scratch_operands = 0 : i64, tpu.core_type = #tpu.core_type<tc>, window_params = [{transform_indices = @transform_0, window_bounds = array<i64: 256, 256>}, {transform_indices = @transform_1, window_bounds = array<i64: 256, 1>}, {pipeline_mode = #tpu.pipeline_mode<synchronous>, transform_indices = @transform_2, window_bounds = array<i64: 256, 8192>}, {pipeline_mode = #tpu.pipeline_mode<synchronous>, transform_indices = @transform_3, window_bounds = array<i64: 1, 8192>}, {transform_indices = @transform_4, window_bounds = array<i64: 256, 1>}]} {
    %get3A = arith.constant 0 : index
    %get3A_0 = arith.constant 0 : index
    %get3A_1 = vector.load %arg1[%get3A, %get3A_0] : memref<256x256xf32, #tpu.memory_space<vmem>>, vector<256x256xf32>
    %get3A_2 = arith.constant 0 : index
    %get3A_3 = arith.constant 0 : index
    %get3A_4 = vector.load %arg2[%get3A_2, %get3A_3] : memref<256x1xf32, #tpu.memory_space<vmem>>, vector<256x1xf32>
    %get3A_5 = arith.constant 0 : index
    %get3A_6 = arith.constant 0 : index
    %get3A_7 = vector.load %arg3[%get3A_5, %get3A_6] : memref<256x8192xf32, #tpu.memory_space<vmem>>, vector<256x8192xf32>
    %dot_general3A = arith.constant dense<0.000000e+00> : vector<256x8192xf32>
    %dot_general3A_8 = tpu.matmul %get3A_1, %get3A_7, %dot_general3A {dimension_numbers = #tpu.dot_dimension_numbers<[1], [0], [0], [1], [0, 0, 1, 1], [], []>, transpose_lhs_hint = false} : vector<256x256xf32>, vector<256x8192xf32>, vector<256x8192xf32> -> vector<256x8192xf32>
    %get3A_9 = arith.constant 0 : index
    %get3A_10 = arith.constant 0 : index
    %get3A_11 = vector.load %arg4[%get3A_9, %get3A_10] : memref<1x8192xf32, #tpu.memory_space<vmem>>, vector<1x8192xf32>
    %add3A = vector.broadcast %get3A_4 : vector<256x1xf32> to vector<256x8192xf32>
    %add3A_12 = vector.broadcast %get3A_11 : vector<1x8192xf32> to vector<256x8192xf32>
    %add3A_13 = arith.addf %add3A, %add3A_12 : vector<256x8192xf32>
    %mul3A = arith.constant 2.000000e+00 : f32
    %mul3A_14 = vector.broadcast %mul3A : f32 to vector<256x8192xf32>
    %mul3A_15 = arith.mulf %mul3A_14, %dot_general3A_8 : vector<256x8192xf32>
    %sub3A = arith.subf %add3A_13, %mul3A_15 : vector<256x8192xf32>
    %reduce_min3A = arith.constant dense<0x7F800000> : vector<256xf32>
    %reduce_min3A_16 = vector.multi_reduction <minimumf>, %sub3A, %reduce_min3A [1] : vector<256x8192xf32> to vector<256xf32>
    %broadcast_in_dim3A = vector.shape_cast %reduce_min3A_16 : vector<256xf32> to vector<256x1xf32>
    %iota3A = tpu.iota {dimensions = array<i32: 1>} : vector<256x8192xi32>
    %eq3A = vector.broadcast %broadcast_in_dim3A : vector<256x1xf32> to vector<256x8192xf32>
    %eq3A_17 = arith.cmpf oeq, %sub3A, %eq3A : vector<256x8192xf32>
    %jit3A = arith.constant 8192 : i32
    %broadcast_in_dim3A_18 = vector.broadcast %jit3A : i32 to vector<256x8192xi32>
    %select_n3A = arith.select %eq3A_17, %iota3A, %broadcast_in_dim3A_18 : vector<256x8192xi1>, vector<256x8192xi32>
    %reduce_min3A_19 = arith.constant dense<2147483647> : vector<256xi32>
    %reduce_min3A_20 = vector.multi_reduction <minsi>, %select_n3A, %reduce_min3A_19 [1] : vector<256x8192xi32> to vector<256xi32>
    %broadcast_in_dim3A_21 = vector.shape_cast %reduce_min3A_20 : vector<256xi32> to vector<256x1xi32>
    %add3A_22 = arith.constant 0 : i32
    %add3A_23 = vector.broadcast %add3A_22 : i32 to vector<256x1xi32>
    %add3A_24 = arith.addi %broadcast_in_dim3A_21, %add3A_23 : vector<256x1xi32>
    %swap3A = arith.constant 0 : index
    %swap3A_25 = arith.constant 0 : index
    %swap3A_26 = vector.load %arg5[%swap3A, %swap3A_25] : memref<256x1xi32, #tpu.memory_space<vmem>>, vector<256x1xi32>
    tpu.vector_store %arg5[%swap3A, %swap3A_25], %add3A_24 {strides = array<i32>} : memref<256x1xi32, #tpu.memory_space<vmem>>, vector<256x1xi32>,
    return
  }
  func.func @transform_0(%arg0: i32) -> (i32, i32) {
    %c0_i32 = arith.constant 0 : i32
    %c0_i32_0 = arith.constant 0 : i32
    return %arg0, %c0_i32 : i32, i32
  }
  func.func @transform_1(%arg0: i32) -> (i32, i32) {
    %c0_i32 = arith.constant 0 : i32
    %c0_i32_0 = arith.constant 0 : i32
    return %arg0, %c0_i32 : i32, i32
  }
  func.func @transform_2(%arg0: i32) -> (i32, i32) {
    %c0_i32 = arith.constant 0 : i32
    %c0_i32_0 = arith.constant 0 : i32
    %c0_i32_1 = arith.constant 0 : i32
    return %c0_i32, %c0_i32_0 : i32, i32
  }
  func.func @transform_3(%arg0: i32) -> (i32, i32) {
    %c0_i32 = arith.constant 0 : i32
    %c0_i32_0 = arith.constant 0 : i32
    %c0_i32_1 = arith.constant 0 : i32
    return %c0_i32, %c0_i32_0 : i32, i32
  }
  func.func @transform_4(%arg0: i32) -> (i32, i32) {
    %c0_i32 = arith.constant 0 : i32
    %c0_i32_0 = arith.constant 0 : i32
    return %arg0, %c0_i32 : i32, i32
  }
}

module attributes {stable_mosaic.version = 14 : i64} {
  func.func @_dist_argmin_body(%arg0: i32, %arg1: memref<256x256xf32, #tpu.memory_space<vmem>>, %arg2: memref<256x1xf32, #tpu.memory_space<vmem>>, %arg3: memref<256x8192xf32, #tpu.memory_space<vmem>>, %arg4: memref<1x8192xf32, #tpu.memory_space<vmem>>, %arg5: memref<256x1xi32, #tpu.memory_space<vmem>>) attributes {dimension_semantics = [#tpu.dimension_semantics<arbitrary>], iteration_bounds = array<i64: 8>, scalar_prefetch = 0 : i64, scratch_operands = 0 : i64, tpu.core_type = #tpu.core_type<tc>, window_params = [{transform_indices = @transform_0, window_bounds = array<i64: 256, 256>}, {transform_indices = @transform_1, window_bounds = array<i64: 256, 1>}, {pipeline_mode = #tpu.pipeline_mode<synchronous>, transform_indices = @transform_2, window_bounds = array<i64: 256, 8192>}, {pipeline_mode = #tpu.pipeline_mode<synchronous>, transform_indices = @transform_3, window_bounds = array<i64: 1, 8192>}, {transform_indices = @transform_4, window_bounds = array<i64: 256, 1>}]} {
    %get3A = arith.constant 0 : index
    %get3A_0 = arith.constant 0 : index
    %get3A_1 = vector.load %arg1[%get3A, %get3A_0] : memref<256x256xf32, #tpu.memory_space<vmem>>, vector<256x256xf32>
    %get3A_2 = arith.constant 0 : index
    %get3A_3 = arith.constant 0 : index
    %get3A_4 = vector.load %arg2[%get3A_2, %get3A_3] : memref<256x1xf32, #tpu.memory_space<vmem>>, vector<256x1xf32>
    %get3A_5 = arith.constant 0 : index
    %get3A_6 = arith.constant 0 : index
    %get3A_7 = vector.load %arg3[%get3A_5, %get3A_6] : memref<256x8192xf32, #tpu.memory_space<vmem>>, vector<256x8192xf32>
    %dot_general3A = arith.constant dense<0.000000e+00> : vector<256x8192xf32>
    %dot_general3A_8 = tpu.matmul %get3A_1, %get3A_7, %dot_general3A {dimension_numbers = #tpu.dot_dimension_numbers<[1], [0], [0], [1], [0, 0, 1, 1], [], []>, transpose_lhs_hint = false} : vector<256x256xf32>, vector<256x8192xf32>, vector<256x8192xf32> -> vector<256x8192xf32>
    %get3A_9 = arith.constant 0 : index
    %get3A_10 = arith.constant 0 : index
    %get3A_11 = vector.load %arg4[%get3A_9, %get3A_10] : memref<1x8192xf32, #tpu.memory_space<vmem>>, vector<1x8192xf32>
    %add3A = vector.broadcast %get3A_4 : vector<256x1xf32> to vector<256x8192xf32>
    %add3A_12 = vector.broadcast %get3A_11 : vector<1x8192xf32> to vector<256x8192xf32>
    %add3A_13 = arith.addf %add3A, %add3A_12 : vector<256x8192xf32>
    %mul3A = arith.constant 2.000000e+00 : f32
    %mul3A_14 = vector.broadcast %mul3A : f32 to vector<256x8192xf32>
    %mul3A_15 = arith.mulf %mul3A_14, %dot_general3A_8 : vector<256x8192xf32>
    %sub3A = arith.subf %add3A_13, %mul3A_15 : vector<256x8192xf32>
    %reduce_min3A = arith.constant dense<0x7F800000> : vector<256xf32>
    %reduce_min3A_16 = vector.multi_reduction <minimumf>, %sub3A, %reduce_min3A [1] : vector<256x8192xf32> to vector<256xf32>
    %broadcast_in_dim3A = vector.shape_cast %reduce_min3A_16 : vector<256xf32> to vector<256x1xf32>
    %iota3A = tpu.iota {dimensions = array<i32: 1>} : vector<256x8192xi32>
    %eq3A = vector.broadcast %broadcast_in_dim3A : vector<256x1xf32> to vector<256x8192xf32>
    %eq3A_17 = arith.cmpf oeq, %sub3A, %eq3A : vector<256x8192xf32>
    %jit3A = arith.constant 8192 : i32
    %broadcast_in_dim3A_18 = vector.broadcast %jit3A : i32 to vector<256x8192xi32>
    %select_n3A = arith.select %eq3A_17, %iota3A, %broadcast_in_dim3A_18 : vector<256x8192xi1>, vector<256x8192xi32>
    %reduce_min3A_19 = arith.constant dense<2147483647> : vector<256xi32>
    %reduce_min3A_20 = vector.multi_reduction <minsi>, %select_n3A, %reduce_min3A_19 [1] : vector<256x8192xi32> to vector<256xi32>
    %broadcast_in_dim3A_21 = vector.shape_cast %reduce_min3A_20 : vector<256xi32> to vector<256x1xi32>
    %add3A_22 = arith.constant 0 : i32
    %add3A_23 = vector.broadcast %add3A_22 : i32 to vector<256x1xi32>
    %add3A_24 = arith.addi %broadcast_in_dim3A_21, %add3A_23 : vector<256x1xi32>
    %swap3A = arith.constant 0 : index
    %swap3A_25 = arith.constant 0 : index
    %swap3A_26 = vector.load %arg5[%swap3A, %swap3A_25] : memref<256x1xi32, #tpu.memory_space<vmem>>, vector<256x1xi32>
    tpu.vector_store %arg5[%swap3A, %swap3A_25], %add3A_24 {strides = array<i32>} : memref<256x1xi32, #tpu.memory_space<vmem>>, vector<256x1xi32>,
    return
  }
  func.func @transform_0(%arg0: i32) -> (i32, i32) {
    %c0_i32 = arith.constant 0 : i32
    %c0_i32_0 = arith.constant 0 : i32
    return %arg0, %c0_i32 : i32, i32
  }
  func.func @transform_1(%arg0: i32) -> (i32, i32) {
    %c0_i32 = arith.constant 0 : i32
    %c0_i32_0 = arith.constant 0 : i32
    return %arg0, %c0_i32 : i32, i32
  }
  func.func @transform_2(%arg0: i32) -> (i32, i32) {
    %c0_i32 = arith.constant 0 : i32
    %c0_i32_0 = arith.constant 0 : i32
    %c0_i32_1 = arith.constant 0 : i32
    return %c0_i32, %c0_i32_0 : i32, i32
  }
  func.func @transform_3(%arg0: i32) -> (i32, i32) {
    %c0_i32 = arith.constant 0 : i32
    %c0_i32_0 = arith.constant 0 : i32
    %c0_i32_1 = arith.constant 0 : i32
    return %c0_i32, %c0_i32_0 : i32, i32
  }
  func.func @transform_4(%arg0: i32) -> (i32, i32) {
    %c0_i32 = arith.constant 0 : i32
    %c0_i32_0 = arith.constant 0 : i32
    return %arg0, %c0_i32 : i32, i32
  }
}

module attributes {stable_mosaic.version = 14 : i64} {
  func.func @_dist_argmin_body(%arg0: i32, %arg1: memref<256x256xf32, #tpu.memory_space<vmem>>, %arg2: memref<256x1xf32, #tpu.memory_space<vmem>>, %arg3: memref<256x8192xf32, #tpu.memory_space<vmem>>, %arg4: memref<1x8192xf32, #tpu.memory_space<vmem>>, %arg5: memref<256x1xi32, #tpu.memory_space<vmem>>) attributes {dimension_semantics = [#tpu.dimension_semantics<arbitrary>], iteration_bounds = array<i64: 16>, scalar_prefetch = 0 : i64, scratch_operands = 0 : i64, tpu.core_type = #tpu.core_type<tc>, window_params = [{transform_indices = @transform_0, window_bounds = array<i64: 256, 256>}, {transform_indices = @transform_1, window_bounds = array<i64: 256, 1>}, {pipeline_mode = #tpu.pipeline_mode<synchronous>, transform_indices = @transform_2, window_bounds = array<i64: 256, 8192>}, {pipeline_mode = #tpu.pipeline_mode<synchronous>, transform_indices = @transform_3, window_bounds = array<i64: 1, 8192>}, {transform_indices = @transform_4, window_bounds = array<i64: 256, 1>}]} {
    %get3A = arith.constant 0 : index
    %get3A_0 = arith.constant 0 : index
    %get3A_1 = vector.load %arg1[%get3A, %get3A_0] : memref<256x256xf32, #tpu.memory_space<vmem>>, vector<256x256xf32>
    %get3A_2 = arith.constant 0 : index
    %get3A_3 = arith.constant 0 : index
    %get3A_4 = vector.load %arg2[%get3A_2, %get3A_3] : memref<256x1xf32, #tpu.memory_space<vmem>>, vector<256x1xf32>
    %get3A_5 = arith.constant 0 : index
    %get3A_6 = arith.constant 0 : index
    %get3A_7 = vector.load %arg3[%get3A_5, %get3A_6] : memref<256x8192xf32, #tpu.memory_space<vmem>>, vector<256x8192xf32>
    %dot_general3A = arith.constant dense<0.000000e+00> : vector<256x8192xf32>
    %dot_general3A_8 = tpu.matmul %get3A_1, %get3A_7, %dot_general3A {dimension_numbers = #tpu.dot_dimension_numbers<[1], [0], [0], [1], [0, 0, 1, 1], [], []>, transpose_lhs_hint = false} : vector<256x256xf32>, vector<256x8192xf32>, vector<256x8192xf32> -> vector<256x8192xf32>
    %get3A_9 = arith.constant 0 : index
    %get3A_10 = arith.constant 0 : index
    %get3A_11 = vector.load %arg4[%get3A_9, %get3A_10] : memref<1x8192xf32, #tpu.memory_space<vmem>>, vector<1x8192xf32>
    %add3A = vector.broadcast %get3A_4 : vector<256x1xf32> to vector<256x8192xf32>
    %add3A_12 = vector.broadcast %get3A_11 : vector<1x8192xf32> to vector<256x8192xf32>
    %add3A_13 = arith.addf %add3A, %add3A_12 : vector<256x8192xf32>
    %mul3A = arith.constant 2.000000e+00 : f32
    %mul3A_14 = vector.broadcast %mul3A : f32 to vector<256x8192xf32>
    %mul3A_15 = arith.mulf %mul3A_14, %dot_general3A_8 : vector<256x8192xf32>
    %sub3A = arith.subf %add3A_13, %mul3A_15 : vector<256x8192xf32>
    %reduce_min3A = arith.constant dense<0x7F800000> : vector<256xf32>
    %reduce_min3A_16 = vector.multi_reduction <minimumf>, %sub3A, %reduce_min3A [1] : vector<256x8192xf32> to vector<256xf32>
    %broadcast_in_dim3A = vector.shape_cast %reduce_min3A_16 : vector<256xf32> to vector<256x1xf32>
    %iota3A = tpu.iota {dimensions = array<i32: 1>} : vector<256x8192xi32>
    %eq3A = vector.broadcast %broadcast_in_dim3A : vector<256x1xf32> to vector<256x8192xf32>
    %eq3A_17 = arith.cmpf oeq, %sub3A, %eq3A : vector<256x8192xf32>
    %jit3A = arith.constant 8192 : i32
    %broadcast_in_dim3A_18 = vector.broadcast %jit3A : i32 to vector<256x8192xi32>
    %select_n3A = arith.select %eq3A_17, %iota3A, %broadcast_in_dim3A_18 : vector<256x8192xi1>, vector<256x8192xi32>
    %reduce_min3A_19 = arith.constant dense<2147483647> : vector<256xi32>
    %reduce_min3A_20 = vector.multi_reduction <minsi>, %select_n3A, %reduce_min3A_19 [1] : vector<256x8192xi32> to vector<256xi32>
    %broadcast_in_dim3A_21 = vector.shape_cast %reduce_min3A_20 : vector<256xi32> to vector<256x1xi32>
    %add3A_22 = arith.constant 0 : i32
    %add3A_23 = vector.broadcast %add3A_22 : i32 to vector<256x1xi32>
    %add3A_24 = arith.addi %broadcast_in_dim3A_21, %add3A_23 : vector<256x1xi32>
    %swap3A = arith.constant 0 : index
    %swap3A_25 = arith.constant 0 : index
    %swap3A_26 = vector.load %arg5[%swap3A, %swap3A_25] : memref<256x1xi32, #tpu.memory_space<vmem>>, vector<256x1xi32>
    tpu.vector_store %arg5[%swap3A, %swap3A_25], %add3A_24 {strides = array<i32>} : memref<256x1xi32, #tpu.memory_space<vmem>>, vector<256x1xi32>,
    return
  }
  func.func @transform_0(%arg0: i32) -> (i32, i32) {
    %c0_i32 = arith.constant 0 : i32
    %c0_i32_0 = arith.constant 0 : i32
    return %arg0, %c0_i32 : i32, i32
  }
  func.func @transform_1(%arg0: i32) -> (i32, i32) {
    %c0_i32 = arith.constant 0 : i32
    %c0_i32_0 = arith.constant 0 : i32
    return %arg0, %c0_i32 : i32, i32
  }
  func.func @transform_2(%arg0: i32) -> (i32, i32) {
    %c0_i32 = arith.constant 0 : i32
    %c0_i32_0 = arith.constant 0 : i32
    %c0_i32_1 = arith.constant 0 : i32
    return %c0_i32, %c0_i32_0 : i32, i32
  }
  func.func @transform_3(%arg0: i32) -> (i32, i32) {
    %c0_i32 = arith.constant 0 : i32
    %c0_i32_0 = arith.constant 0 : i32
    %c0_i32_1 = arith.constant 0 : i32
    return %c0_i32, %c0_i32_0 : i32, i32
  }
  func.func @transform_4(%arg0: i32) -> (i32, i32) {
    %c0_i32 = arith.constant 0 : i32
    %c0_i32_0 = arith.constant 0 : i32
    return %arg0, %c0_i32 : i32, i32
  }
}

module attributes {stable_mosaic.version = 14 : i64} {
  func.func @_dist_argmin_body(%arg0: i32, %arg1: memref<256x256xf32, #tpu.memory_space<vmem>>, %arg2: memref<256x1xf32, #tpu.memory_space<vmem>>, %arg3: memref<256x8192xf32, #tpu.memory_space<vmem>>, %arg4: memref<1x8192xf32, #tpu.memory_space<vmem>>, %arg5: memref<256x1xi32, #tpu.memory_space<vmem>>) attributes {dimension_semantics = [#tpu.dimension_semantics<arbitrary>], iteration_bounds = array<i64: 32>, scalar_prefetch = 0 : i64, scratch_operands = 0 : i64, tpu.core_type = #tpu.core_type<tc>, window_params = [{transform_indices = @transform_0, window_bounds = array<i64: 256, 256>}, {transform_indices = @transform_1, window_bounds = array<i64: 256, 1>}, {pipeline_mode = #tpu.pipeline_mode<synchronous>, transform_indices = @transform_2, window_bounds = array<i64: 256, 8192>}, {pipeline_mode = #tpu.pipeline_mode<synchronous>, transform_indices = @transform_3, window_bounds = array<i64: 1, 8192>}, {transform_indices = @transform_4, window_bounds = array<i64: 256, 1>}]} {
    %get3A = arith.constant 0 : index
    %get3A_0 = arith.constant 0 : index
    %get3A_1 = vector.load %arg1[%get3A, %get3A_0] : memref<256x256xf32, #tpu.memory_space<vmem>>, vector<256x256xf32>
    %get3A_2 = arith.constant 0 : index
    %get3A_3 = arith.constant 0 : index
    %get3A_4 = vector.load %arg2[%get3A_2, %get3A_3] : memref<256x1xf32, #tpu.memory_space<vmem>>, vector<256x1xf32>
    %get3A_5 = arith.constant 0 : index
    %get3A_6 = arith.constant 0 : index
    %get3A_7 = vector.load %arg3[%get3A_5, %get3A_6] : memref<256x8192xf32, #tpu.memory_space<vmem>>, vector<256x2048xf32>
    %dot_general3A = arith.constant dense<0.000000e+00> : vector<256x2048xf32>
    %dot_general3A_8 = tpu.matmul %get3A_1, %get3A_7, %dot_general3A {dimension_numbers = #tpu.dot_dimension_numbers<[1], [0], [0], [1], [0, 0, 1, 1], [], []>, transpose_lhs_hint = false} : vector<256x256xf32>, vector<256x2048xf32>, vector<256x2048xf32> -> vector<256x2048xf32>
    %get3A_9 = arith.constant 0 : index
    %get3A_10 = arith.constant 0 : index
    %get3A_11 = vector.load %arg4[%get3A_9, %get3A_10] : memref<1x8192xf32, #tpu.memory_space<vmem>>, vector<1x2048xf32>
    %add3A = vector.broadcast %get3A_4 : vector<256x1xf32> to vector<256x2048xf32>
    %add3A_12 = vector.broadcast %get3A_11 : vector<1x2048xf32> to vector<256x2048xf32>
    %add3A_13 = arith.addf %add3A, %add3A_12 : vector<256x2048xf32>
    %mul3A = arith.constant 2.000000e+00 : f32
    %mul3A_14 = vector.broadcast %mul3A : f32 to vector<256x2048xf32>
    %mul3A_15 = arith.mulf %mul3A_14, %dot_general3A_8 : vector<256x2048xf32>
    %sub3A = arith.subf %add3A_13, %mul3A_15 : vector<256x2048xf32>
    %reduce_min3A = arith.constant dense<0x7F800000> : vector<256xf32>
    %reduce_min3A_16 = vector.multi_reduction <minimumf>, %sub3A, %reduce_min3A [1] : vector<256x2048xf32> to vector<256xf32>
    %broadcast_in_dim3A = vector.shape_cast %reduce_min3A_16 : vector<256xf32> to vector<256x1xf32>
    %iota3A = tpu.iota {dimensions = array<i32: 1>} : vector<256x2048xi32>
    %eq3A = vector.broadcast %broadcast_in_dim3A : vector<256x1xf32> to vector<256x2048xf32>
    %eq3A_17 = arith.cmpf oeq, %sub3A, %eq3A : vector<256x2048xf32>
    %jit3A = arith.constant 8192 : i32
    %broadcast_in_dim3A_18 = vector.broadcast %jit3A : i32 to vector<256x2048xi32>
    %select_n3A = arith.select %eq3A_17, %iota3A, %broadcast_in_dim3A_18 : vector<256x2048xi1>, vector<256x2048xi32>
    %reduce_min3A_19 = arith.constant dense<2147483647> : vector<256xi32>
    %reduce_min3A_20 = vector.multi_reduction <minsi>, %select_n3A, %reduce_min3A_19 [1] : vector<256x2048xi32> to vector<256xi32>
    %broadcast_in_dim3A_21 = vector.shape_cast %reduce_min3A_20 : vector<256xi32> to vector<256x1xi32>
    %add3A_22 = arith.constant 0 : i32
    %add3A_23 = vector.broadcast %add3A_22 : i32 to vector<256x1xi32>
    %add3A_24 = arith.addi %broadcast_in_dim3A_21, %add3A_23 : vector<256x1xi32>
    %convert_element_type3A = arith.truncf %broadcast_in_dim3A : vector<256x1xf32> to vector<256x1xbf16>
    %convert_element_type3A_25 = arith.extf %convert_element_type3A : vector<256x1xbf16> to vector<256x1xf32>
    %get3A_26 = arith.constant 0 : index
    %get3A_27 = arith.constant 2048 : index
    %get3A_28 = vector.load %arg3[%get3A_26, %get3A_27] : memref<256x8192xf32, #tpu.memory_space<vmem>>, vector<256x2048xf32>
    %dot_general3A_29 = arith.constant dense<0.000000e+00> : vector<256x2048xf32>
    %dot_general3A_30 = tpu.matmul %get3A_1, %get3A_28, %dot_general3A_29 {dimension_numbers = #tpu.dot_dimension_numbers<[1], [0], [0], [1], [0, 0, 1, 1], [], []>, transpose_lhs_hint = false} : vector<256x256xf32>, vector<256x2048xf32>, vector<256x2048xf32> -> vector<256x2048xf32>
    %get3A_31 = arith.constant 0 : index
    %get3A_32 = arith.constant 2048 : index
    %get3A_33 = vector.load %arg4[%get3A_31, %get3A_32] : memref<1x8192xf32, #tpu.memory_space<vmem>>, vector<1x2048xf32>
    %add3A_34 = vector.broadcast %get3A_4 : vector<256x1xf32> to vector<256x2048xf32>
    %add3A_35 = vector.broadcast %get3A_33 : vector<1x2048xf32> to vector<256x2048xf32>
    %add3A_36 = arith.addf %add3A_34, %add3A_35 : vector<256x2048xf32>
    %mul3A_37 = arith.constant 2.000000e+00 : f32
    %mul3A_38 = vector.broadcast %mul3A_37 : f32 to vector<256x2048xf32>
    %mul3A_39 = arith.mulf %mul3A_38, %dot_general3A_30 : vector<256x2048xf32>
    %sub3A_40 = arith.subf %add3A_36, %mul3A_39 : vector<256x2048xf32>
    %reduce_min3A_41 = arith.constant dense<0x7F800000> : vector<256xf32>
    %reduce_min3A_42 = vector.multi_reduction <minimumf>, %sub3A_40, %reduce_min3A_41 [1] : vector<256x2048xf32> to vector<256xf32>
    %broadcast_in_dim3A_43 = vector.shape_cast %reduce_min3A_42 : vector<256xf32> to vector<256x1xf32>
    %iota3A_44 = tpu.iota {dimensions = array<i32: 1>} : vector<256x2048xi32>
    %eq3A_45 = vector.broadcast %broadcast_in_dim3A_43 : vector<256x1xf32> to vector<256x2048xf32>
    %eq3A_46 = arith.cmpf oeq, %sub3A_40, %eq3A_45 : vector<256x2048xf32>
    %jit3A_47 = arith.constant 8192 : i32
    %broadcast_in_dim3A_48 = vector.broadcast %jit3A_47 : i32 to vector<256x2048xi32>
    %select_n3A_49 = arith.select %eq3A_46, %iota3A_44, %broadcast_in_dim3A_48 : vector<256x2048xi1>, vector<256x2048xi32>
    %reduce_min3A_50 = arith.constant dense<2147483647> : vector<256xi32>
    %reduce_min3A_51 = vector.multi_reduction <minsi>, %select_n3A_49, %reduce_min3A_50 [1] : vector<256x2048xi32> to vector<256xi32>
    %broadcast_in_dim3A_52 = vector.shape_cast %reduce_min3A_51 : vector<256xi32> to vector<256x1xi32>
    %add3A_53 = arith.constant 2048 : i32
    %add3A_54 = vector.broadcast %add3A_53 : i32 to vector<256x1xi32>
    %add3A_55 = arith.addi %broadcast_in_dim3A_52, %add3A_54 : vector<256x1xi32>
    %lt3A = arith.cmpf olt, %broadcast_in_dim3A_43, %convert_element_type3A_25 : vector<256x1xf32>
    %eq3A_56 = arith.cmpf oeq, %broadcast_in_dim3A_43, %convert_element_type3A_25 : vector<256x1xf32>
    %lt3A_57 = arith.cmpi slt, %add3A_55, %add3A_24 : vector<256x1xi32>
    %and3A = arith.andi %eq3A_56, %lt3A_57 : vector<256x1xi1>
    %or3A = arith.ori %lt3A, %and3A : vector<256x1xi1>
    %select_n3A_58 = arith.select %or3A, %add3A_55, %add3A_24 : vector<256x1xi1>, vector<256x1xi32>
    %select_n3A_59 = arith.select %or3A, %broadcast_in_dim3A_43, %convert_element_type3A_25 : vector<256x1xi1>, vector<256x1xf32>
    %convert_element_type3A_60 = arith.truncf %select_n3A_59 : vector<256x1xf32> to vector<256x1xbf16>
    %convert_element_type3A_61 = arith.extf %convert_element_type3A_60 : vector<256x1xbf16> to vector<256x1xf32>
    %get3A_62 = arith.constant 0 : index
    %get3A_63 = arith.constant 4096 : index
    %get3A_64 = vector.load %arg3[%get3A_62, %get3A_63] : memref<256x8192xf32, #tpu.memory_space<vmem>>, vector<256x2048xf32>
    %dot_general3A_65 = arith.constant dense<0.000000e+00> : vector<256x2048xf32>
    %dot_general3A_66 = tpu.matmul %get3A_1, %get3A_64, %dot_general3A_65 {dimension_numbers = #tpu.dot_dimension_numbers<[1], [0], [0], [1], [0, 0, 1, 1], [], []>, transpose_lhs_hint = false} : vector<256x256xf32>, vector<256x2048xf32>, vector<256x2048xf32> -> vector<256x2048xf32>
    %get3A_67 = arith.constant 0 : index
    %get3A_68 = arith.constant 4096 : index
    %get3A_69 = vector.load %arg4[%get3A_67, %get3A_68] : memref<1x8192xf32, #tpu.memory_space<vmem>>, vector<1x2048xf32>
    %add3A_70 = vector.broadcast %get3A_4 : vector<256x1xf32> to vector<256x2048xf32>
    %add3A_71 = vector.broadcast %get3A_69 : vector<1x2048xf32> to vector<256x2048xf32>
    %add3A_72 = arith.addf %add3A_70, %add3A_71 : vector<256x2048xf32>
    %mul3A_73 = arith.constant 2.000000e+00 : f32
    %mul3A_74 = vector.broadcast %mul3A_73 : f32 to vector<256x2048xf32>
    %mul3A_75 = arith.mulf %mul3A_74, %dot_general3A_66 : vector<256x2048xf32>
    %sub3A_76 = arith.subf %add3A_72, %mul3A_75 : vector<256x2048xf32>
    %reduce_min3A_77 = arith.constant dense<0x7F800000> : vector<256xf32>
    %reduce_min3A_78 = vector.multi_reduction <minimumf>, %sub3A_76, %reduce_min3A_77 [1] : vector<256x2048xf32> to vector<256xf32>
    %broadcast_in_dim3A_79 = vector.shape_cast %reduce_min3A_78 : vector<256xf32> to vector<256x1xf32>
    %iota3A_80 = tpu.iota {dimensions = array<i32: 1>} : vector<256x2048xi32>
    %eq3A_81 = vector.broadcast %broadcast_in_dim3A_79 : vector<256x1xf32> to vector<256x2048xf32>
    %eq3A_82 = arith.cmpf oeq, %sub3A_76, %eq3A_81 : vector<256x2048xf32>
    %jit3A_83 = arith.constant 8192 : i32
    %broadcast_in_dim3A_84 = vector.broadcast %jit3A_83 : i32 to vector<256x2048xi32>
    %select_n3A_85 = arith.select %eq3A_82, %iota3A_80, %broadcast_in_dim3A_84 : vector<256x2048xi1>, vector<256x2048xi32>
    %reduce_min3A_86 = arith.constant dense<2147483647> : vector<256xi32>
    %reduce_min3A_87 = vector.multi_reduction <minsi>, %select_n3A_85, %reduce_min3A_86 [1] : vector<256x2048xi32> to vector<256xi32>
    %broadcast_in_dim3A_88 = vector.shape_cast %reduce_min3A_87 : vector<256xi32> to vector<256x1xi32>
    %add3A_89 = arith.constant 4096 : i32
    %add3A_90 = vector.broadcast %add3A_89 : i32 to vector<256x1xi32>
    %add3A_91 = arith.addi %broadcast_in_dim3A_88, %add3A_90 : vector<256x1xi32>
    %lt3A_92 = arith.cmpf olt, %broadcast_in_dim3A_79, %convert_element_type3A_61 : vector<256x1xf32>
    %eq3A_93 = arith.cmpf oeq, %broadcast_in_dim3A_79, %convert_element_type3A_61 : vector<256x1xf32>
    %lt3A_94 = arith.cmpi slt, %add3A_91, %select_n3A_58 : vector<256x1xi32>
    %and3A_95 = arith.andi %eq3A_93, %lt3A_94 : vector<256x1xi1>
    %or3A_96 = arith.ori %lt3A_92, %and3A_95 : vector<256x1xi1>
    %select_n3A_97 = arith.select %or3A_96, %add3A_91, %select_n3A_58 : vector<256x1xi1>, vector<256x1xi32>
    %select_n3A_98 = arith.select %or3A_96, %broadcast_in_dim3A_79, %convert_element_type3A_61 : vector<256x1xi1>, vector<256x1xf32>
    %convert_element_type3A_99 = arith.truncf %select_n3A_98 : vector<256x1xf32> to vector<256x1xbf16>
    %convert_element_type3A_100 = arith.extf %convert_element_type3A_99 : vector<256x1xbf16> to vector<256x1xf32>
    %get3A_101 = arith.constant 0 : index
    %get3A_102 = arith.constant 6144 : index
    %get3A_103 = vector.load %arg3[%get3A_101, %get3A_102] : memref<256x8192xf32, #tpu.memory_space<vmem>>, vector<256x2048xf32>
    %dot_general3A_104 = arith.constant dense<0.000000e+00> : vector<256x2048xf32>
    %dot_general3A_105 = tpu.matmul %get3A_1, %get3A_103, %dot_general3A_104 {dimension_numbers = #tpu.dot_dimension_numbers<[1], [0], [0], [1], [0, 0, 1, 1], [], []>, transpose_lhs_hint = false} : vector<256x256xf32>, vector<256x2048xf32>, vector<256x2048xf32> -> vector<256x2048xf32>
    %get3A_106 = arith.constant 0 : index
    %get3A_107 = arith.constant 6144 : index
    %get3A_108 = vector.load %arg4[%get3A_106, %get3A_107] : memref<1x8192xf32, #tpu.memory_space<vmem>>, vector<1x2048xf32>
    %add3A_109 = vector.broadcast %get3A_4 : vector<256x1xf32> to vector<256x2048xf32>
    %add3A_110 = vector.broadcast %get3A_108 : vector<1x2048xf32> to vector<256x2048xf32>
    %add3A_111 = arith.addf %add3A_109, %add3A_110 : vector<256x2048xf32>
    %mul3A_112 = arith.constant 2.000000e+00 : f32
    %mul3A_113 = vector.broadcast %mul3A_112 : f32 to vector<256x2048xf32>
    %mul3A_114 = arith.mulf %mul3A_113, %dot_general3A_105 : vector<256x2048xf32>
    %sub3A_115 = arith.subf %add3A_111, %mul3A_114 : vector<256x2048xf32>
    %reduce_min3A_116 = arith.constant dense<0x7F800000> : vector<256xf32>
    %reduce_min3A_117 = vector.multi_reduction <minimumf>, %sub3A_115, %reduce_min3A_116 [1] : vector<256x2048xf32> to vector<256xf32>
    %broadcast_in_dim3A_118 = vector.shape_cast %reduce_min3A_117 : vector<256xf32> to vector<256x1xf32>
    %iota3A_119 = tpu.iota {dimensions = array<i32: 1>} : vector<256x2048xi32>
    %eq3A_120 = vector.broadcast %broadcast_in_dim3A_118 : vector<256x1xf32> to vector<256x2048xf32>
    %eq3A_121 = arith.cmpf oeq, %sub3A_115, %eq3A_120 : vector<256x2048xf32>
    %jit3A_122 = arith.constant 8192 : i32
    %broadcast_in_dim3A_123 = vector.broadcast %jit3A_122 : i32 to vector<256x2048xi32>
    %select_n3A_124 = arith.select %eq3A_121, %iota3A_119, %broadcast_in_dim3A_123 : vector<256x2048xi1>, vector<256x2048xi32>
    %reduce_min3A_125 = arith.constant dense<2147483647> : vector<256xi32>
    %reduce_min3A_126 = vector.multi_reduction <minsi>, %select_n3A_124, %reduce_min3A_125 [1] : vector<256x2048xi32> to vector<256xi32>
    %broadcast_in_dim3A_127 = vector.shape_cast %reduce_min3A_126 : vector<256xi32> to vector<256x1xi32>
    %add3A_128 = arith.constant 6144 : i32
    %add3A_129 = vector.broadcast %add3A_128 : i32 to vector<256x1xi32>
    %add3A_130 = arith.addi %broadcast_in_dim3A_127, %add3A_129 : vector<256x1xi32>
    %lt3A_131 = arith.cmpf olt, %broadcast_in_dim3A_118, %convert_element_type3A_100 : vector<256x1xf32>
    %eq3A_132 = arith.cmpf oeq, %broadcast_in_dim3A_118, %convert_element_type3A_100 : vector<256x1xf32>
    %lt3A_133 = arith.cmpi slt, %add3A_130, %select_n3A_97 : vector<256x1xi32>
    %and3A_134 = arith.andi %eq3A_132, %lt3A_133 : vector<256x1xi1>
    %or3A_135 = arith.ori %lt3A_131, %and3A_134 : vector<256x1xi1>
    %select_n3A_136 = arith.select %or3A_135, %add3A_130, %select_n3A_97 : vector<256x1xi1>, vector<256x1xi32>
    %swap3A = arith.constant 0 : index
    %swap3A_137 = arith.constant 0 : index
    %swap3A_138 = vector.load %arg5[%swap3A, %swap3A_137] : memref<256x1xi32, #tpu.memory_space<vmem>>, vector<256x1xi32>
    tpu.vector_store %arg5[%swap3A, %swap3A_137], %select_n3A_136 {strides = array<i32>} : memref<256x1xi32, #tpu.memory_space<vmem>>, vector<256x1xi32>,
    return
  }
  func.func @transform_0(%arg0: i32) -> (i32, i32) {
    %c0_i32 = arith.constant 0 : i32
    %c0_i32_0 = arith.constant 0 : i32
    return %arg0, %c0_i32 : i32, i32
  }
  func.func @transform_1(%arg0: i32) -> (i32, i32) {
    %c0_i32 = arith.constant 0 : i32
    %c0_i32_0 = arith.constant 0 : i32
    return %arg0, %c0_i32 : i32, i32
  }
  func.func @transform_2(%arg0: i32) -> (i32, i32) {
    %c0_i32 = arith.constant 0 : i32
    %c0_i32_0 = arith.constant 0 : i32
    %c0_i32_1 = arith.constant 0 : i32
    return %c0_i32, %c0_i32_0 : i32, i32
  }
  func.func @transform_3(%arg0: i32) -> (i32, i32) {
    %c0_i32 = arith.constant 0 : i32
    %c0_i32_0 = arith.constant 0 : i32
    %c0_i32_1 = arith.constant 0 : i32
    return %c0_i32, %c0_i32_0 : i32, i32
  }
  func.func @transform_4(%arg0: i32) -> (i32, i32) {
    %c0_i32 = arith.constant 0 : i32
    %c0_i32_0 = arith.constant 0 : i32
    return %arg0, %c0_i32 : i32, i32
  }
}

</mosaic_0001>

<sc_bundles>
// kernel: kernel.24.cloned.1.call-start
scs
__scs_entry_jumppad:
0x0: {  	(pc) =	sbr.rel $0x88, $3  }
0x1: {  	(tag) =	ssettag $0x0;
	lr =	simm.s32 $0x1  }
0x2: {  	[smem:$0x3F9D] =	sst lr;
	_ =	strace $0xD0000000  }
0x3: {  	_ = 	snop  }
0x4: {  	_ = 	snop  }
0x5: {  	_ = 	snop  }
0x6: {  	_ = 	snop  }
0x7: {  	_ = 	snop  }
__scs_overlays_trampoline_lowered:
0x8: {  	[smem:$0x3FAC] =	sst s0  }
0x9: {  	[smem:$0x3FAD] =	sst s1  }
0xa: {  	[smem:$0x3FAE] =	sst s2  }
0xb: {  	[smem:$0x3FAF] =	sst s3  }
0xc: {  	[smem:$0x3FB0] =	sst s4  }
0xd: {  	[smem:$0x3FB1] =	sst s5  }
0xe: {  	[smem:$0x3FB2] =	sst s6  }
0xf: {  	[smem:$0x3FB3] =	sst s7  }
0x10: {  	[smem:$0x3FB4] =	sst s8  }
0x11: {  	[smem:$0x3FB5] =	sst s9;
	s0 =	simm.s32 @!p0 $0x0  }
0x12: {  	s1 =	sld [smem:$0x3F9B];
	s0 =	simm.s32 @p0 $0x1  }
0x13: {  	[smem:$0x3FB6] =	sst s0;
	s0 =	simm.s32 @!p1 $0x0  }
0x14: {  	s2 =	sld [smem:$0x3F9A];
	s0 =	simm.s32 @p1 $0x1  }
0x15: {  	[smem:$0x3FB7] =	sst s0;
	s0 =	simm.s32 @!p2 $0x0  }
0x16: {  	s3 =	sld [smem:$0x3FDB];
	s0 =	simm.s32 @p2 $0x1  }
0x17: {  	s4 =	simm.s32 $0x1BF5;
	[smem:$0x3FB9] =	sst s0  }
0x18: {  	s0 =	sld [smem:$0x3F9C];
	_ =	swait.ge [sflag:s4], $0x0  }
0x19: {  	s7 =	sld [smem:$0x3F9D]  }
0x1a: {  	s8 =	sadd.s32 $0xFFFFE003, lr  }
0x1b: {  	s9 =	sadd.s32 $0xFFFFFEF7, lr;
	s5 =	simm.s32 $0xFFFFFFFF;
	p2 =	slt.u32 s8, $0xFFFFF086  }
0x1c: {  	p1 =	slt.u32 s9, $0xF7A;
	s5 =	simm.s32 @!p2 $0x0  }
0x1d: {  	s5 =	simm.s32 @p1 $0x1;
	p0 =	seq.s32 s7, s2  }
0x1e: {  	s7 =	smul.u32 @!p0 $0xF7A, s2;
	p2 =	seq.s32 @!p0 s5, $0x0  }
0x1f: {  	s9 =	smul.u32 $0xF7A, s1;
	s8 =	simm.s32 @!p0 $0x1BF5;
	p2 =	por !p2, p0  }
0x20: {  	[sflag:s8] =	ssyncset.s32 @!p0 $0xFFFFF086;
	s6 =	sadd.s32 @!p0 s3, s7;
	s7 =	simm.s32 @!p0 $0x108  }
0x21: {  	s3 =	sadd.s32 s3, s9;
	s6 =	sadd.s32 @!p0 $0x88, s6;
	s7 =	simm.s32 @p2 $0x1082  }
0x22: {  	[simem:s7], [sflag:s8] =	dma.local @!p0 [hbm:s6], $0xF7A  }
0x23: {  	s9 =	sor.u32 $0xD0000000, s2;
	s6 =	simm.s32 $0x108;
	_ =	swait.ge @!p0 [sflag:s8], $0x0  }
0x24: {  	s3 =	sadd.s32 $0x88, s3;
	s6 =	simm.s32 @!p1 $0x1082;
	[sflag:s4] =	ssyncset.s32 $0xFFFFF086  }
0x25: {  	[simem:s6], [sflag:s4] =	dma.local [hbm:s3], $0xF7A  }
0x26: {  	[smem:$0x3F9D] =	sst s1;
	(tag) =	ssettag s2;
	_ =	strace s9  }
0x27: {  	s1 =	sld [smem:$0x3FAD]  }
0x28: {  	s2 =	sld [smem:$0x3FAE]  }
0x29: {  	s4 =	sld [smem:$0x3FB0]  }
0x2a: {  	p0 =	seq.s32 s5, $0x0;
	s5 =	sld [smem:$0x3FB1]  }
0x2b: {  	s6 =	sld [smem:$0x3FB2]  }
0x2c: {  	s7 =	sld [smem:$0x3FB3]  }
0x2d: {  	s3 =	simm.s32 $0x108;
	s8 =	sld [smem:$0x3FB4]  }
0x2e: {  	s3 =	simm.s32 @!p0 $0x1082;
	s9 =	sld [smem:$0x3FB5]  }
0x2f: {  	lr =	sadd.s32 s0, s3;
	s0 =	sld [smem:$0x3FAC]  }
0x30: {  	s3 =	sld [smem:$0x3FAF]  }
0x31: {  	[smem:$0x3FB8] =	sst s10  }
0x32: {  	s10 =	sld [smem:$0x3FB6];
	_ =	sdelay $0x3  }
0x33: {  	p0 =	seq.s32 s10, $0x1;
	s10 =	sld [smem:$0x3FB8];
	_ =	sdelay $0x3  }
0x34: {  	[smem:$0x3FB8] =	sst s10  }
0x35: {  	s10 =	sld [smem:$0x3FB7];
	_ =	sdelay $0x3  }
0x36: {  	p1 =	seq.s32 s10, $0x1;
	s10 =	sld [smem:$0x3FB8];
	_ =	sdelay $0x3  }
0x37: {  	[smem:$0x3FB8] =	sst s10  }
0x38: {  	s10 =	sld [smem:$0x3FB9]  }
0x39: {  	_ = 	snop;
	(pc) =	sbr.ind lr, $3  }
0x3a: {  	_ = 	snop  }
0x3b: {  	_ = 	snop  }
0x3c: {  	p2 =	seq.s32 s10, $0x1;
	s10 =	sld [smem:$0x3FB8]  }
0x3d: {  	_ =	shalt  }
0x3e: {  	_ =	shalt  }
0x3f: {  	_ =	shalt  }
0x40: {  	_ =	shalt  }
0x41: {  	_ =	shalt  }
0x42: {  	_ =	shalt  }
0x43: {  	_ =	shalt  }
0x44: {  	_ =	shalt  }
0x45: {  	_ =	shalt  }
0x46: {  	_ =	shalt  }
0x47: {  	_ =	shalt  }
0x48: {  	_ =	shalt  }
0x49: {  	_ =	shalt  }
0x4a: {  	_ =	shalt  }
0x4b: {  	_ =	shalt  }
0x4c: {  	_ =	shalt  }
0x4d: {  	_ =	shalt  }
0x4e: {  	_ =	shalt  }
0x4f: {  	_ =	shalt  }
0x50: {  	_ =	shalt  }
0x51: {  	_ =	shalt  }
0x52: {  	_ =	shalt  }
0x53: {  	_ =	shalt  }
0x54: {  	_ =	shalt  }
0x55: {  	_ =	shalt  }
0x56: {  	_ =	shalt  }
0x57: {  	_ =	shalt  }
0x58: {  	_ =	shalt  }
0x59: {  	_ =	shalt  }
0x5a: {  	_ =	shalt  }
0x5b: {  	_ =	shalt  }
0x5c: {  	_ =	shalt  }
0x5d: {  	_ =	shalt  }
0x5e: {  	_ =	shalt  }
0x5f: {  	_ =	shalt  }
0x60: {  	_ =	shalt  }
0x61: {  	_ =	shalt  }
0x62: {  	_ =	shalt  }
0x63: {  	_ =	shalt  }
0x64: {  	_ =	shalt  }
0x65: {  	_ =	shalt  }
0x66: {  	_ =	shalt  }
0x67: {  	_ =	shalt  }
0x68: {  	_ =	shalt  }
0x69: {  	_ =	shalt  }
0x6a: {  	_ =	shalt  }
0x6b: {  	_ =	shalt  }
0x6c: {  	_ =	shalt  }
0x6d: {  	_ =	shalt  }
0x6e: {  	_ =	shalt  }
0x6f: {  	_ =	shalt  }
0x70: {  	_ =	shalt  }
0x71: {  	_ =	shalt  }
0x72: {  	_ =	shalt  }
0x73: {  	_ =	shalt  }
0x74: {  	_ =	shalt  }
0x75: {  	_ =	shalt  }
0x76: {  	_ =	shalt  }
0x77: {  	_ =	shalt  }
0x78: {  	_ =	shalt  }
0x79: {  	_ =	shalt  }
0x7a: {  	_ =	shalt  }
0x7b: {  	_ =	shalt  }
0x7c: {  	_ =	shalt  }
0x7d: {  	_ =	shalt  }
0x7e: {  	_ =	shalt  }
0x7f: {  	_ =	shalt  }
0x80: {  	_ =	shalt  }
0x81: {  	_ =	shalt  }
0x82: {  	_ =	shalt  }
0x83: {  	_ =	shalt  }
0x84: {  	_ =	shalt  }
0x85: {  	_ =	shalt  }
0x86: {  	_ =	shalt  }
0x87: {  	_ =	shalt  }
.Lfunc_end0:
.L_simem_size_0:
called_computation_lowered:
.L_overlay_start_0:
0x88: {  	s2 =	sld [smem:$0x3FD9]  }
0x89: {  	s3 =	sld [smem:$0x3FFE];
	_ =	sdelay $0x1  }
0x8a: {  	s1 =	srdreg.scid  }
0x8b: {  	s0 =	sand.u32 $0x1, s1  }
0x8c: {  	s14 =	sshll.u32 s0, $0xA;
	s2 =	sadd.s32 s3, s2  }
0x8d: {  	s2 =	sadd.s32 s2, s14  }
0x8e: {  	[smem:$0x3FC4] =	sst s2  }
0x8f: {  	_ = 	snop  }
0x90: {  	s2 =	sld [smem:$0x3FD0];
	_ =	sdelay $0x2  }
0x91: {  	s15 =	simm.s32 $0xA;
	s4 =	simm.s32 $0x10  }
0x92: {  	[smem:s4], [sflag:s15] =	dma.local [hbm:s2], $0x1  }
0x93: {  	_ =	swait.eq [sflag:s15], $0x1  }
0x94: {  	[sflag:s15] =	ssyncset.done $0x0  }
0x95: {  	[sflag:s15] =	ssyncadd.s32 $0xFFFFFFFF  }
0x96: {  	s16 =	sld [smem:$0x10];
	(tm) =	ssettm $0x1  }
0x97: {  	s17 =	sld [smem:$0x3FFB];
	_ =	sdelay $0x3  }
0x98: {  	_ =	strace s17  }
0x99: {  	s3 =	sld [smem:$0x3FFC];
	_ =	sdelay $0x3  }
0x9a: {  	_ =	strace s3  }
0x9b: {  	s3 =	sld [smem:$0x3FFD];
	_ =	sdelay $0x3  }
0x9c: {  	_ =	strace s3  }
0x9d: {  	_ =	strace $0x8FFFFFFF  }
0x9e: {  	s18 =	sld [smem:$0x3FDB];
	_ =	sdelay $0x1  }
0x9f: {  	s19 =	simm.s32 $_scs_section_size  }
0xa0: {  	s5 =	simm.s32 $_size__tile_overlayer_lowered;
	s6 =	simm.s32 $_tile_overlayer_lowered  }
0xa1: {  	s22 =	simm.s32 $0x1BFF;
	s21 =	sshll.u32 s6, $0x1;
	s3 =	sadd.s32 s19, s18  }
0xa2: {  	s7 =	simm.s32 $0x0;
	s20 =	sshll.u32 s5, $0x1;
	s5 =	sadd.s32 s21, s3  }
0xa3: {  	[timem:s7], [sflag:s22] =	dma.local [hbm:s5], s20  }
0xa4: {  	_ =	swait.ge [sflag:s22], s20  }
0xa5: {  	s4 =	ssub.s32 $0x0, s20;
	[sflag:s22] =	ssyncset.done $0x0  }
0xa6: {  	[sflag:s22] =	ssyncadd.s32 s4;
	_ =	sdelay $0x1  }
0xa7: {  	s23 =	simm.s32 $0x1B8B  }
0xa8: {  	_ =	swait.ge [sflag:s23], $0x1  }
0xa9: {  	[sflag:s23] =	ssyncset.done $0x0  }
0xaa: {  	s25 =	simm.s32 $0x1B8E;
	s24 =	sld [smem:$0x3FFE];
	[sflag:s23] =	ssyncadd.s32 $0xFFFFFFFF  }
0xab: {  	s26 =	simm.s32 $execute0_lowered;
	[smem:$0x3FD2] =	sst s25  }
0xac: {  	s5 =	sshll.u32 s26, $0x1;
	_ =	strace $0x80000046;
	[dreg:$0x1] =	wrdreg $0xFFFFFFFF  }
0xad: {  	s28 =	simm.s32 $_size_execute0_lowered;
	s3 =	sadd.s32 s3, s5;
	[dreg:$0x0] =	wrdreg $0x0  }
0xae: {  	s5 =	sshll.u32 s28, $0x1;
	[dreg:$0x2] =	wrdreg s3  }
0xaf: {  	[dreg:$0x3] =	wrdreg s5  }
0xb0: {  	[dreg:$0x4] =	wrdreg $0xC0  }
0xb1: {  	_ =	task [dreg:s7], $0x5FFFF  }
0xb2: {  	[dreg:$0x1] =	wrdreg $0xFFFFFFFF  }
0xb3: {  	[dreg:$0x0] =	wrdreg $0x60  }
0xb4: {  	[dreg:$0x2] =	wrdreg s16  }
0xb5: {  	[dreg:$0x3] =	wrdreg s24  }
0xb6: {  	[dreg:$0x4] =	wrdreg $0x9  }
0xb7: {  	_ =	task.clear_ibuf [dreg:s7], $0x5FFFF;
	_ =	strace $0x90000046  }
0xb8: {  	s29 =	simm.s32 $0x9;
	_ =	strace $0x80000048  }
0xb9: {  	_ =	swait.ge [sflag:s29], $0x1  }
0xba: {  	[sflag:s29] =	ssyncadd.s32 $0xFFFFFFFF  }
0xbb: {  	_ =	strace $0x90000048  }
0xbc: {  	_ =	sfence  }
0xbd: {  	s30 =	sld [smem:$0x0];
	_ =	sdelay $0x2  }
0xbe: {  	s31 =	sshll.u32 s1, $0xD;
	s1 =	sshrl.u32 s1, $0x2  }
0xbf: {  	s3 =	sand.u32 $0x4000, s31;
	s1 =	sadd.s32 s1, s30  }
0xc0: {  	s0 =	sor.u32 s3, s0;
	s1 =	sshll.u32 s1, $0x11  }
0xc1: {  	s0 =	sor.u32 s1, s0  }
0xc2: {  	s0 =	sadd.s32 $0x8F2B, s0  }
0xc3: {  	[sflag:s0] =	ssyncadd.remote.s32 $0x1  }
0xc4: {  	_ =	sfence.sel $0xFFFF  }
0xc5: {  	[dreg:$0x0] =	wrdreg $0xFFFFFFFF;
	(pc) =	sbr.abs _section_cstart, $3  }
0xc6: {  	[dreg:$0x1] =	wrdreg $0xFFFFFFFF  }
0xc7: {  	_ =	task.clear_ibuf [dreg:s7], $0x2FFFF;
	_ =	strace $0x9FFFFFFF  }
0xc8: {  	(tm) =	ssettm $0x7FFFFFFF  }
0xc9: {  	_ =	shalt  }
tec
execute0_lowered:
.L_overlay_start_1:
0x0: {  	(tag) =	ssettag $0x1  }
0x1: {  	s1 =	srdreg.scid  }
0x2: {  	s0 =	stileid.u32;
	s6 =	sand.u32 $0x1, s1  }
0x3: {  	s2 =	rddreg [dreg:$0x0];
	s30 =	sshll.u32 s0, $0x4;
	s3 =	sshll.u32 s6, $0x3  }
0x4: {  	s8 =	rddreg [dreg:$0x1];
	s9 =	sor.u32 s3, s30  }
0x5: {  	s1 =	rddreg [dreg:$0x2];
	s3 =	simm.s32 $0x0;
	s4 =	sshrl.u32 s9, $0x3  }
0x6: {  	[smem:$0x7FF] =	sst s3;
	s4 =	sadd.s32 s4, s8  }
0x7: {  	_ =	strace $0x80000047;
	s5 =	sadd.s32 $0x41E00, s4;
	s4 =	simm.s32 $0x2  }
0x8: {  	[tilespmem:s3], [sflag:$0x2] =	stream.linear.gather [hbm4b:s5+s3], $0x8, $0x38;
	[tilespmem:$0x880] =	vst v63  }
0x9: {  	_ =	swait.ge [sflag:s4], $0x8  }
0xa: {  	[sflag:s4] =	ssyncset.done $0x0  }
0xb: {  	[sflag:s4] =	ssyncadd.s32 $0xFFFFFFF8  }
0xc: {  	v0 =	vld.msk [tilespmem:$0x0], $0xff;
	_ =	sdelay $0x4  }
0xd: {  	v1 =	vshll.u32 v0, $0x1  }
0xe: {  	v2 =	vlaneseq.u32;
	v3 =	vand.u32 $0x7, v0;
	v1 =	vand.u32 $0xFFFFFFF0, v1  }
0xf: {  	v0 =	vand.u32 $0x7, v2;
	v2 =	vshrl.u32 v2, $0x3;
	v3 =	vor.u32 v3, v1  }
0x10: {  	v1 =	vmul.u32 $0x8, v2;
	v2 =	vperm.xlane v3, v0;
	_ =	sdelay $0x1  }
0x11: {  	v2 =	vadd.s32 v1, v2  }
0x12: {  	s10 =	ssub.s32 $0x2, s6  }
0x13: {  	s11 =	sshrl.u32 s10, $0x1  }
0x14: {  	s7 =	simm.s32 $0x1;
	s9 =	sshll.u32 s9, $0x5;
	s31 =	ssub.s32 s10, s11  }
0x15: {  	vm0 =	vmmov $0xffff;
	s6 =	simm.s32 $0x80;
	s8 =	sadd.s32 s9, s8;
	s9 =	smax.u32 s31, $0x1  }
0x16: {  	[tilespmem:s6], [sflag:$0x1] =	stream.indirect_vreg.gather [hbm4b:s2+s3], $0x80, v2, vm0, $0xb8;
	[tilespmem:$0x880] =	vst v63  }
0x17: {  	p0 =	sne.s32 s9, $0x1;
	_ =	swait.ge [sflag:s7], $0x800  }
.Ltmp0:
0x18: {  	[sflag:s7] =	ssyncset.done $0x0;
	(pc) =	sbr.rel @!p0 .LBB2_2-.Ltmp0, $4  }
0x19: {  	s8 =	sadd.s32 $0x42000, s8;
	[sflag:s7] =	ssyncadd.s32 $0xFFFFF800  }
0x1a: {  	[hbm4b:s8+s3] =	stream.linear.scatter [tilespmem:s6], [sflag:$0x2], $0x800, $0x38;
	[tilespmem:$0x880] =	vst v63  }
0x1b: {  	_ =	swait.ge [sflag:s4], $0x800  }
0x1c: {  	s9 =	sadd.s32 $0xFFFFFFFF, s9;
	[sflag:s4] =	ssyncset.done $0x0  }
.LBB2_1:
0x1d: {  	p0 =	sne.s32 s9, $0x1;
	s9 =	sadd.s32 $0xFFFFFFFF, s9;
	[sflag:s4] =	ssyncadd.s32 $0xFFFFF800  }
0x1e: {  	[tilespmem:s3], [sflag:$0x2] =	stream.linear.gather [hbm4b:s5+s3], $0x8, $0x38;
	[tilespmem:$0x880] =	vst v63  }
0x1f: {  	_ =	swait.ge [sflag:s4], $0x8  }
0x20: {  	[sflag:s4] =	ssyncset.done $0x0  }
0x21: {  	[sflag:s4] =	ssyncadd.s32 $0xFFFFFFF8  }
0x22: {  	v2 =	vld.msk [tilespmem:$0x0], $0xff;
	_ =	sdelay $0x4  }
0x23: {  	v3 =	vshll.u32 v2, $0x1  }
0x24: {  	v2 =	vand.u32 $0x7, v2;
	v3 =	vand.u32 $0xFFFFFFF0, v3  }
0x25: {  	v2 =	vor.u32 v2, v3  }
0x26: {  	v2 =	vperm.xlane v2, v0;
	_ =	sdelay $0x1  }
0x27: {  	v2 =	vadd.s32 v1, v2;
	_ =	sdelay $0x4  }
0x28: {  	[tilespmem:s6], [sflag:$0x1] =	stream.indirect_vreg.gather [hbm4b:s2+s3], $0x80, v2, vm0, $0xb8;
	[tilespmem:$0x880] =	vst v63  }
0x29: {  	_ =	swait.ge [sflag:s7], $0x800  }
.Ltmp1:
0x2a: {  	[sflag:s7] =	ssyncset.done $0x0;
	(pc) =	sbr.rel @p0 .LBB2_1-.Ltmp1, $4  }
0x2b: {  	[sflag:s7] =	ssyncadd.s32 $0xFFFFF800  }
0x2c: {  	[hbm4b:s8+s3] =	stream.linear.scatter [tilespmem:s6], [sflag:$0x2], $0x800, $0x38;
	[tilespmem:$0x880] =	vst v63  }
0x2d: {  	_ =	swait.ge [sflag:s4], $0x800  }
0x2e: {  	[sflag:s4] =	ssyncset.done $0x0  }
.LBB2_2:
0x2f: {  	[sflag:s4] =	ssyncadd.s32 $0xFFFFF800  }
0x30: {  	_ =	sfence.sel $0x180000  }
0x31: {  	[bflag:$0x0] =	sbarrier.arrive $0xFFFF  }
0x32: {  	p0 =	sne.s32 s0, $0x0;
	_ =	strace $0x90000047  }
0x33: {  	s0 =	sadd.s32 @!p0 $0x100000, s1;
	[bflag:$0x2] =	sbarrier.arrive $0xFFFF  }
0x34: {  	[sflag:s0] =	ssyncadd.tile.s32 @!p0 $0x1;
	_ =	shalt  }
.Lfunc_end2:
_tile_overlayer_lowered:
.L_overlay_start_2:
0x35: {  	(tag) =	ssettag $0x2  }
0x36: {  	s0 =	rddreg [dreg:$0x0];
	s2 =	stileid.u32  }
0x37: {  	s1 =	rddreg [dreg:$0x1];
	p0 =	sne.s32 s2, $0x0  }
0x38: {  	s3 =	rddreg [dreg:$0x2];
	[bflag:$0x3] =	sbarrier.arrive $0xFFFF;
	s2 =	simm.s32 @!p0 $0x1C02  }
0x39: {  	[timem:s3], [sflag:s2] =	dma.local @!p0 [hbm:s0], s1  }
0x3a: {  	s0 =	simm.s32 @!p0 $0x2  }
0x3b: {  	_ =	swait.ge @!p0 [sflag:s0], s1  }
0x3c: {  	s1 =	ssub.s32 @!p0 $0x0, s1;
	[sflag:s0] =	ssyncset.done @!p0 $0x0  }
0x3d: {  	[sflag:s0] =	ssyncadd.s32 @!p0 s1  }
0x3e: {  	[bflag:$0x3] =	sbarrier.arrive $0xFFFF  }
0x3f: {  	_ =	shalt  }

// kernel: kernel.27.cloned.1.call-start
scs
__scs_entry_jumppad:
0x0: {  	(pc) =	sbr.rel $0x88, $3  }
0x1: {  	(tag) =	ssettag $0x0;
	lr =	simm.s32 $0x1  }
0x2: {  	[smem:$0x3F9D] =	sst lr;
	_ =	strace $0xD0000000  }
0x3: {  	_ = 	snop  }
0x4: {  	_ = 	snop  }
0x5: {  	_ = 	snop  }
0x6: {  	_ = 	snop  }
0x7: {  	_ = 	snop  }
__scs_overlays_trampoline_lowered:
0x8: {  	[smem:$0x3FAC] =	sst s0  }
0x9: {  	[smem:$0x3FAD] =	sst s1  }
0xa: {  	[smem:$0x3FAE] =	sst s2  }
0xb: {  	[smem:$0x3FAF] =	sst s3  }
0xc: {  	[smem:$0x3FB0] =	sst s4  }
0xd: {  	[smem:$0x3FB1] =	sst s5  }
0xe: {  	[smem:$0x3FB2] =	sst s6  }
0xf: {  	[smem:$0x3FB3] =	sst s7  }
0x10: {  	[smem:$0x3FB4] =	sst s8  }
0x11: {  	[smem:$0x3FB5] =	sst s9;
	s0 =	simm.s32 @!p0 $0x0  }
0x12: {  	s1 =	sld [smem:$0x3F9B];
	s0 =	simm.s32 @p0 $0x1  }
0x13: {  	[smem:$0x3FB6] =	sst s0;
	s0 =	simm.s32 @!p1 $0x0  }
0x14: {  	s2 =	sld [smem:$0x3F9A];
	s0 =	simm.s32 @p1 $0x1  }
0x15: {  	[smem:$0x3FB7] =	sst s0;
	s0 =	simm.s32 @!p2 $0x0  }
0x16: {  	s3 =	sld [smem:$0x3FDB];
	s0 =	simm.s32 @p2 $0x1  }
0x17: {  	s4 =	simm.s32 $0x1BF5;
	[smem:$0x3FB9] =	sst s0  }
0x18: {  	s0 =	sld [smem:$0x3F9C];
	_ =	swait.ge [sflag:s4], $0x0  }
0x19: {  	s7 =	sld [smem:$0x3F9D]  }
0x1a: {  	s8 =	sadd.s32 $0xFFFFE003, lr  }
0x1b: {  	s9 =	sadd.s32 $0xFFFFFEF7, lr;
	s5 =	simm.s32 $0xFFFFFFFF;
	p2 =	slt.u32 s8, $0xFFFFF086  }
0x1c: {  	p1 =	slt.u32 s9, $0xF7A;
	s5 =	simm.s32 @!p2 $0x0  }
0x1d: {  	s5 =	simm.s32 @p1 $0x1;
	p0 =	seq.s32 s7, s2  }
0x1e: {  	s7 =	smul.u32 @!p0 $0xF7A, s2;
	p2 =	seq.s32 @!p0 s5, $0x0  }
0x1f: {  	s9 =	smul.u32 $0xF7A, s1;
	s8 =	simm.s32 @!p0 $0x1BF5;
	p2 =	por !p2, p0  }
0x20: {  	[sflag:s8] =	ssyncset.s32 @!p0 $0xFFFFF086;
	s6 =	sadd.s32 @!p0 s3, s7;
	s7 =	simm.s32 @!p0 $0x108  }
0x21: {  	s3 =	sadd.s32 s3, s9;
	s6 =	sadd.s32 @!p0 $0x88, s6;
	s7 =	simm.s32 @p2 $0x1082  }
0x22: {  	[simem:s7], [sflag:s8] =	dma.local @!p0 [hbm:s6], $0xF7A  }
0x23: {  	s9 =	sor.u32 $0xD0000000, s2;
	s6 =	simm.s32 $0x108;
	_ =	swait.ge @!p0 [sflag:s8], $0x0  }
0x24: {  	s3 =	sadd.s32 $0x88, s3;
	s6 =	simm.s32 @!p1 $0x1082;
	[sflag:s4] =	ssyncset.s32 $0xFFFFF086  }
0x25: {  	[simem:s6], [sflag:s4] =	dma.local [hbm:s3], $0xF7A  }
0x26: {  	[smem:$0x3F9D] =	sst s1;
	(tag) =	ssettag s2;
	_ =	strace s9  }
0x27: {  	s1 =	sld [smem:$0x3FAD]  }
0x28: {  	s2 =	sld [smem:$0x3FAE]  }
0x29: {  	s4 =	sld [smem:$0x3FB0]  }
0x2a: {  	p0 =	seq.s32 s5, $0x0;
	s5 =	sld [smem:$0x3FB1]  }
0x2b: {  	s6 =	sld [smem:$0x3FB2]  }
0x2c: {  	s7 =	sld [smem:$0x3FB3]  }
0x2d: {  	s3 =	simm.s32 $0x108;
	s8 =	sld [smem:$0x3FB4]  }
0x2e: {  	s3 =	simm.s32 @!p0 $0x1082;
	s9 =	sld [smem:$0x3FB5]  }
0x2f: {  	lr =	sadd.s32 s0, s3;
	s0 =	sld [smem:$0x3FAC]  }
0x30: {  	s3 =	sld [smem:$0x3FAF]  }
0x31: {  	[smem:$0x3FB8] =	sst s10  }
0x32: {  	s10 =	sld [smem:$0x3FB6];
	_ =	sdelay $0x3  }
0x33: {  	p0 =	seq.s32 s10, $0x1;
	s10 =	sld [smem:$0x3FB8];
	_ =	sdelay $0x3  }
0x34: {  	[smem:$0x3FB8] =	sst s10  }
0x35: {  	s10 =	sld [smem:$0x3FB7];
	_ =	sdelay $0x3  }
0x36: {  	p1 =	seq.s32 s10, $0x1;
	s10 =	sld [smem:$0x3FB8];
	_ =	sdelay $0x3  }
0x37: {  	[smem:$0x3FB8] =	sst s10  }
0x38: {  	s10 =	sld [smem:$0x3FB9]  }
0x39: {  	_ = 	snop;
	(pc) =	sbr.ind lr, $3  }
0x3a: {  	_ = 	snop  }
0x3b: {  	_ = 	snop  }
0x3c: {  	p2 =	seq.s32 s10, $0x1;
	s10 =	sld [smem:$0x3FB8]  }
0x3d: {  	_ =	shalt  }
0x3e: {  	_ =	shalt  }
0x3f: {  	_ =	shalt  }
0x40: {  	_ =	shalt  }
0x41: {  	_ =	shalt  }
0x42: {  	_ =	shalt  }
0x43: {  	_ =	shalt  }
0x44: {  	_ =	shalt  }
0x45: {  	_ =	shalt  }
0x46: {  	_ =	shalt  }
0x47: {  	_ =	shalt  }
0x48: {  	_ =	shalt  }
0x49: {  	_ =	shalt  }
0x4a: {  	_ =	shalt  }
0x4b: {  	_ =	shalt  }
0x4c: {  	_ =	shalt  }
0x4d: {  	_ =	shalt  }
0x4e: {  	_ =	shalt  }
0x4f: {  	_ =	shalt  }
0x50: {  	_ =	shalt  }
0x51: {  	_ =	shalt  }
0x52: {  	_ =	shalt  }
0x53: {  	_ =	shalt  }
0x54: {  	_ =	shalt  }
0x55: {  	_ =	shalt  }
0x56: {  	_ =	shalt  }
0x57: {  	_ =	shalt  }
0x58: {  	_ =	shalt  }
0x59: {  	_ =	shalt  }
0x5a: {  	_ =	shalt  }
0x5b: {  	_ =	shalt  }
0x5c: {  	_ =	shalt  }
0x5d: {  	_ =	shalt  }
0x5e: {  	_ =	shalt  }
0x5f: {  	_ =	shalt  }
0x60: {  	_ =	shalt  }
0x61: {  	_ =	shalt  }
0x62: {  	_ =	shalt  }
0x63: {  	_ =	shalt  }
0x64: {  	_ =	shalt  }
0x65: {  	_ =	shalt  }
0x66: {  	_ =	shalt  }
0x67: {  	_ =	shalt  }
0x68: {  	_ =	shalt  }
0x69: {  	_ =	shalt  }
0x6a: {  	_ =	shalt  }
0x6b: {  	_ =	shalt  }
0x6c: {  	_ =	shalt  }
0x6d: {  	_ =	shalt  }
0x6e: {  	_ =	shalt  }
0x6f: {  	_ =	shalt  }
0x70: {  	_ =	shalt  }
0x71: {  	_ =	shalt  }
0x72: {  	_ =	shalt  }
0x73: {  	_ =	shalt  }
0x74: {  	_ =	shalt  }
0x75: {  	_ =	shalt  }
0x76: {  	_ =	shalt  }
0x77: {  	_ =	shalt  }
0x78: {  	_ =	shalt  }
0x79: {  	_ =	shalt  }
0x7a: {  	_ =	shalt  }
0x7b: {  	_ =	shalt  }
0x7c: {  	_ =	shalt  }
0x7d: {  	_ =	shalt  }
0x7e: {  	_ =	shalt  }
0x7f: {  	_ =	shalt  }
0x80: {  	_ =	shalt  }
0x81: {  	_ =	shalt  }
0x82: {  	_ =	shalt  }
0x83: {  	_ =	shalt  }
0x84: {  	_ =	shalt  }
0x85: {  	_ =	shalt  }
0x86: {  	_ =	shalt  }
0x87: {  	_ =	shalt  }
.Lfunc_end0:
.L_simem_size_0:
called_computation.1_lowered:
.L_overlay_start_0:
0x88: {  	s2 =	sld [smem:$0x3FD9]  }
0x89: {  	s3 =	sld [smem:$0x3FFE];
	_ =	sdelay $0x1  }
0x8a: {  	s1 =	srdreg.scid  }
0x8b: {  	s0 =	sand.u32 $0x1, s1  }
0x8c: {  	s14 =	sshll.u32 s0, $0xA;
	s2 =	sadd.s32 s3, s2  }
0x8d: {  	s2 =	sadd.s32 s2, s14  }
0x8e: {  	[smem:$0x3FC4] =	sst s2  }
0x8f: {  	_ = 	snop  }
0x90: {  	s2 =	sld [smem:$0x3FD0];
	_ =	sdelay $0x2  }
0x91: {  	s15 =	simm.s32 $0xA;
	s4 =	simm.s32 $0x10  }
0x92: {  	[smem:s4], [sflag:s15] =	dma.local [hbm:s2], $0x1  }
0x93: {  	_ =	swait.eq [sflag:s15], $0x1  }
0x94: {  	[sflag:s15] =	ssyncset.done $0x0  }
0x95: {  	[sflag:s15] =	ssyncadd.s32 $0xFFFFFFFF  }
0x96: {  	s16 =	sld [smem:$0x10];
	(tm) =	ssettm $0x1  }
0x97: {  	s17 =	sld [smem:$0x3FFB];
	_ =	sdelay $0x3  }
0x98: {  	_ =	strace s17  }
0x99: {  	s3 =	sld [smem:$0x3FFC];
	_ =	sdelay $0x3  }
0x9a: {  	_ =	strace s3  }
0x9b: {  	s3 =	sld [smem:$0x3FFD];
	_ =	sdelay $0x3  }
0x9c: {  	_ =	strace s3  }
0x9d: {  	_ =	strace $0x8FFFFFFF  }
0x9e: {  	s18 =	sld [smem:$0x3FDB];
	_ =	sdelay $0x1  }
0x9f: {  	s19 =	simm.s32 $_scs_section_size  }
0xa0: {  	s5 =	simm.s32 $_size__tile_overlayer_lowered;
	s6 =	simm.s32 $_tile_overlayer_lowered  }
0xa1: {  	s22 =	simm.s32 $0x1BFF;
	s21 =	sshll.u32 s6, $0x1;
	s3 =	sadd.s32 s19, s18  }
0xa2: {  	s7 =	simm.s32 $0x0;
	s20 =	sshll.u32 s5, $0x1;
	s5 =	sadd.s32 s21, s3  }
0xa3: {  	[timem:s7], [sflag:s22] =	dma.local [hbm:s5], s20  }
0xa4: {  	_ =	swait.ge [sflag:s22], s20  }
0xa5: {  	s4 =	ssub.s32 $0x0, s20;
	[sflag:s22] =	ssyncset.done $0x0  }
0xa6: {  	[sflag:s22] =	ssyncadd.s32 s4;
	_ =	sdelay $0x1  }
0xa7: {  	s23 =	simm.s32 $0x1B8B  }
0xa8: {  	_ =	swait.ge [sflag:s23], $0x1  }
0xa9: {  	[sflag:s23] =	ssyncset.done $0x0  }
0xaa: {  	s25 =	simm.s32 $0x1B8E;
	s24 =	sld [smem:$0x3FFE];
	[sflag:s23] =	ssyncadd.s32 $0xFFFFFFFF  }
0xab: {  	s26 =	simm.s32 $execute0_lowered;
	[smem:$0x3FD2] =	sst s25  }
0xac: {  	s5 =	sshll.u32 s26, $0x1;
	_ =	strace $0x80000049;
	[dreg:$0x1] =	wrdreg $0xFFFFFFFF  }
0xad: {  	s28 =	simm.s32 $_size_execute0_lowered;
	s3 =	sadd.s32 s3, s5;
	[dreg:$0x0] =	wrdreg $0x0  }
0xae: {  	s5 =	sshll.u32 s28, $0x1;
	[dreg:$0x2] =	wrdreg s3  }
0xaf: {  	[dreg:$0x3] =	wrdreg s5  }
0xb0: {  	[dreg:$0x4] =	wrdreg $0xC0  }
0xb1: {  	_ =	task [dreg:s7], $0x5FFFF  }
0xb2: {  	[dreg:$0x1] =	wrdreg $0xFFFFFFFF  }
0xb3: {  	[dreg:$0x0] =	wrdreg $0x60  }
0xb4: {  	[dreg:$0x2] =	wrdreg s16  }
0xb5: {  	[dreg:$0x3] =	wrdreg s24  }
0xb6: {  	[dreg:$0x4] =	wrdreg $0x9  }
0xb7: {  	_ =	task.clear_ibuf [dreg:s7], $0x5FFFF;
	_ =	strace $0x90000049  }
0xb8: {  	s29 =	simm.s32 $0x9;
	_ =	strace $0x8000004B  }
0xb9: {  	_ =	swait.ge [sflag:s29], $0x1  }
0xba: {  	[sflag:s29] =	ssyncadd.s32 $0xFFFFFFFF  }
0xbb: {  	_ =	strace $0x9000004B  }
0xbc: {  	_ =	sfence  }
0xbd: {  	s30 =	sld [smem:$0x0];
	_ =	sdelay $0x2  }
0xbe: {  	s31 =	sshll.u32 s1, $0xD;
	s1 =	sshrl.u32 s1, $0x2  }
0xbf: {  	s3 =	sand.u32 $0x4000, s31;
	s1 =	sadd.s32 s1, s30  }
0xc0: {  	s0 =	sor.u32 s3, s0;
	s1 =	sshll.u32 s1, $0x11  }
0xc1: {  	s0 =	sor.u32 s1, s0  }
0xc2: {  	s0 =	sadd.s32 $0x8F2B, s0  }
0xc3: {  	[sflag:s0] =	ssyncadd.remote.s32 $0x1  }
0xc4: {  	_ =	sfence.sel $0xFFFF  }
0xc5: {  	[dreg:$0x0] =	wrdreg $0xFFFFFFFF;
	(pc) =	sbr.abs _section_cstart, $3  }
0xc6: {  	[dreg:$0x1] =	wrdreg $0xFFFFFFFF  }
0xc7: {  	_ =	task.clear_ibuf [dreg:s7], $0x2FFFF;
	_ =	strace $0x9FFFFFFF  }
0xc8: {  	(tm) =	ssettm $0x7FFFFFFF  }
0xc9: {  	_ =	shalt  }
tec
execute0_lowered:
.L_overlay_start_1:
0x0: {  	(tag) =	ssettag $0x1  }
0x1: {  	s1 =	srdreg.scid  }
0x2: {  	s0 =	stileid.u32;
	s6 =	sand.u32 $0x1, s1  }
0x3: {  	s2 =	rddreg [dreg:$0x0];
	s30 =	sshll.u32 s0, $0x4;
	s3 =	sshll.u32 s6, $0x3  }
0x4: {  	s8 =	rddreg [dreg:$0x1];
	s9 =	sor.u32 s3, s30  }
0x5: {  	s1 =	rddreg [dreg:$0x2];
	s3 =	simm.s32 $0x0;
	s4 =	sshrl.u32 s9, $0x3  }
0x6: {  	[smem:$0x7FF] =	sst s3;
	s4 =	sadd.s32 s4, s8  }
0x7: {  	_ =	strace $0x8000004A;
	s5 =	sadd.s32 $0x42000, s4;
	s4 =	simm.s32 $0x2  }
0x8: {  	[tilespmem:s3], [sflag:$0x2] =	stream.linear.gather [hbm4b:s5+s3], $0x8, $0x38;
	[tilespmem:$0x880] =	vst v63  }
0x9: {  	_ =	swait.ge [sflag:s4], $0x8  }
0xa: {  	[sflag:s4] =	ssyncset.done $0x0  }
0xb: {  	[sflag:s4] =	ssyncadd.s32 $0xFFFFFFF8  }
0xc: {  	v0 =	vld.msk [tilespmem:$0x0], $0xff;
	_ =	sdelay $0x4  }
0xd: {  	v1 =	vshll.u32 v0, $0x1  }
0xe: {  	v2 =	vlaneseq.u32;
	v3 =	vand.u32 $0x7, v0;
	v1 =	vand.u32 $0xFFFFFFF0, v1  }
0xf: {  	v0 =	vand.u32 $0x7, v2;
	v2 =	vshrl.u32 v2, $0x3;
	v3 =	vor.u32 v3, v1  }
0x10: {  	v1 =	vmul.u32 $0x8, v2;
	v2 =	vperm.xlane v3, v0;
	_ =	sdelay $0x1  }
0x11: {  	v2 =	vadd.s32 v1, v2  }
0x12: {  	s10 =	ssub.s32 $0x2, s6  }
0x13: {  	s11 =	sshrl.u32 s10, $0x1  }
0x14: {  	s7 =	simm.s32 $0x1;
	s9 =	sshll.u32 s9, $0x5;
	s31 =	ssub.s32 s10, s11  }
0x15: {  	vm0 =	vmmov $0xffff;
	s6 =	simm.s32 $0x80;
	s8 =	sadd.s32 s9, s8;
	s9 =	smax.u32 s31, $0x1  }
0x16: {  	[tilespmem:s6], [sflag:$0x1] =	stream.indirect_vreg.gather [hbm4b:s2+s3], $0x80, v2, vm0, $0xb8;
	[tilespmem:$0x880] =	vst v63  }
0x17: {  	p0 =	sne.s32 s9, $0x1;
	_ =	swait.ge [sflag:s7], $0x800  }
.Ltmp0:
0x18: {  	[sflag:s7] =	ssyncset.done $0x0;
	(pc) =	sbr.rel @!p0 .LBB2_2-.Ltmp0, $4  }
0x19: {  	s8 =	sadd.s32 $0x44800, s8;
	[sflag:s7] =	ssyncadd.s32 $0xFFFFF800  }
0x1a: {  	[hbm4b:s8+s3] =	stream.linear.scatter [tilespmem:s6], [sflag:$0x2], $0x800, $0x38;
	[tilespmem:$0x880] =	vst v63  }
0x1b: {  	_ =	swait.ge [sflag:s4], $0x800  }
0x1c: {  	s9 =	sadd.s32 $0xFFFFFFFF, s9;
	[sflag:s4] =	ssyncset.done $0x0  }
.LBB2_1:
0x1d: {  	p0 =	sne.s32 s9, $0x1;
	s9 =	sadd.s32 $0xFFFFFFFF, s9;
	[sflag:s4] =	ssyncadd.s32 $0xFFFFF800  }
0x1e: {  	[tilespmem:s3], [sflag:$0x2] =	stream.linear.gather [hbm4b:s5+s3], $0x8, $0x38;
	[tilespmem:$0x880] =	vst v63  }
0x1f: {  	_ =	swait.ge [sflag:s4], $0x8  }
0x20: {  	[sflag:s4] =	ssyncset.done $0x0  }
0x21: {  	[sflag:s4] =	ssyncadd.s32 $0xFFFFFFF8  }
0x22: {  	v2 =	vld.msk [tilespmem:$0x0], $0xff;
	_ =	sdelay $0x4  }
0x23: {  	v3 =	vshll.u32 v2, $0x1  }
0x24: {  	v2 =	vand.u32 $0x7, v2;
	v3 =	vand.u32 $0xFFFFFFF0, v3  }
0x25: {  	v2 =	vor.u32 v2, v3  }
0x26: {  	v2 =	vperm.xlane v2, v0;
	_ =	sdelay $0x1  }
0x27: {  	v2 =	vadd.s32 v1, v2;
	_ =	sdelay $0x4  }
0x28: {  	[tilespmem:s6], [sflag:$0x1] =	stream.indirect_vreg.gather [hbm4b:s2+s3], $0x80, v2, vm0, $0xb8;
	[tilespmem:$0x880] =	vst v63  }
0x29: {  	_ =	swait.ge [sflag:s7], $0x800  }
.Ltmp1:
0x2a: {  	[sflag:s7] =	ssyncset.done $0x0;
	(pc) =	sbr.rel @p0 .LBB2_1-.Ltmp1, $4  }
0x2b: {  	[sflag:s7] =	ssyncadd.s32 $0xFFFFF800  }
0x2c: {  	[hbm4b:s8+s3] =	stream.linear.scatter [tilespmem:s6], [sflag:$0x2], $0x800, $0x38;
	[tilespmem:$0x880] =	vst v63  }
0x2d: {  	_ =	swait.ge [sflag:s4], $0x800  }
0x2e: {  	[sflag:s4] =	ssyncset.done $0x0  }
.LBB2_2:
0x2f: {  	[sflag:s4] =	ssyncadd.s32 $0xFFFFF800  }
0x30: {  	_ =	sfence.sel $0x180000  }
0x31: {  	[bflag:$0x0] =	sbarrier.arrive $0xFFFF  }
0x32: {  	p0 =	sne.s32 s0, $0x0;
	_ =	strace $0x9000004A  }
0x33: {  	s0 =	sadd.s32 @!p0 $0x100000, s1;
	[bflag:$0x2] =	sbarrier.arrive $0xFFFF  }
0x34: {  	[sflag:s0] =	ssyncadd.tile.s32 @!p0 $0x1;
	_ =	shalt  }
.Lfunc_end2:
_tile_overlayer_lowered:
.L_overlay_start_2:
0x35: {  	(tag) =	ssettag $0x2  }
0x36: {  	s0 =	rddreg [dreg:$0x0];
	s2 =	stileid.u32  }
0x37: {  	s1 =	rddreg [dreg:$0x1];
	p0 =	sne.s32 s2, $0x0  }
0x38: {  	s3 =	rddreg [dreg:$0x2];
	[bflag:$0x3] =	sbarrier.arrive $0xFFFF;
	s2 =	simm.s32 @!p0 $0x1C02  }
0x39: {  	[timem:s3], [sflag:s2] =	dma.local @!p0 [hbm:s0], s1  }
0x3a: {  	s0 =	simm.s32 @!p0 $0x2  }
0x3b: {  	_ =	swait.ge @!p0 [sflag:s0], s1  }
0x3c: {  	s1 =	ssub.s32 @!p0 $0x0, s1;
	[sflag:s0] =	ssyncset.done @!p0 $0x0  }
0x3d: {  	[sflag:s0] =	ssyncadd.s32 @!p0 s1  }
0x3e: {  	[bflag:$0x3] =	sbarrier.arrive $0xFFFF  }
0x3f: {  	_ =	shalt  }

// kernel: kernel.30.cloned.1.call-start
scs
__scs_entry_jumppad:
0x0: {  	(pc) =	sbr.rel $0x88, $3  }
0x1: {  	(tag) =	ssettag $0x0;
	lr =	simm.s32 $0x1  }
0x2: {  	[smem:$0x3F9D] =	sst lr;
	_ =	strace $0xD0000000  }
0x3: {  	_ = 	snop  }
0x4: {  	_ = 	snop  }
0x5: {  	_ = 	snop  }
0x6: {  	_ = 	snop  }
0x7: {  	_ = 	snop  }
__scs_overlays_trampoline_lowered:
0x8: {  	[smem:$0x3FAC] =	sst s0  }
0x9: {  	[smem:$0x3FAD] =	sst s1  }
0xa: {  	[smem:$0x3FAE] =	sst s2  }
0xb: {  	[smem:$0x3FAF] =	sst s3  }
0xc: {  	[smem:$0x3FB0] =	sst s4  }
0xd: {  	[smem:$0x3FB1] =	sst s5  }
0xe: {  	[smem:$0x3FB2] =	sst s6  }
0xf: {  	[smem:$0x3FB3] =	sst s7  }
0x10: {  	[smem:$0x3FB4] =	sst s8  }
0x11: {  	[smem:$0x3FB5] =	sst s9;
	s0 =	simm.s32 @!p0 $0x0  }
0x12: {  	s1 =	sld [smem:$0x3F9B];
	s0 =	simm.s32 @p0 $0x1  }
0x13: {  	[smem:$0x3FB6] =	sst s0;
	s0 =	simm.s32 @!p1 $0x0  }
0x14: {  	s2 =	sld [smem:$0x3F9A];
	s0 =	simm.s32 @p1 $0x1  }
0x15: {  	[smem:$0x3FB7] =	sst s0;
	s0 =	simm.s32 @!p2 $0x0  }
0x16: {  	s3 =	sld [smem:$0x3FDB];
	s0 =	simm.s32 @p2 $0x1  }
0x17: {  	s4 =	simm.s32 $0x1BF5;
	[smem:$0x3FB9] =	sst s0  }
0x18: {  	s0 =	sld [smem:$0x3F9C];
	_ =	swait.ge [sflag:s4], $0x0  }
0x19: {  	s7 =	sld [smem:$0x3F9D]  }
0x1a: {  	s8 =	sadd.s32 $0xFFFFE003, lr  }
0x1b: {  	s9 =	sadd.s32 $0xFFFFFEF7, lr;
	s5 =	simm.s32 $0xFFFFFFFF;
	p2 =	slt.u32 s8, $0xFFFFF086  }
0x1c: {  	p1 =	slt.u32 s9, $0xF7A;
	s5 =	simm.s32 @!p2 $0x0  }
0x1d: {  	s5 =	simm.s32 @p1 $0x1;
	p0 =	seq.s32 s7, s2  }
0x1e: {  	s7 =	smul.u32 @!p0 $0xF7A, s2;
	p2 =	seq.s32 @!p0 s5, $0x0  }
0x1f: {  	s9 =	smul.u32 $0xF7A, s1;
	s8 =	simm.s32 @!p0 $0x1BF5;
	p2 =	por !p2, p0  }
0x20: {  	[sflag:s8] =	ssyncset.s32 @!p0 $0xFFFFF086;
	s6 =	sadd.s32 @!p0 s3, s7;
	s7 =	simm.s32 @!p0 $0x108  }
0x21: {  	s3 =	sadd.s32 s3, s9;
	s6 =	sadd.s32 @!p0 $0x88, s6;
	s7 =	simm.s32 @p2 $0x1082  }
0x22: {  	[simem:s7], [sflag:s8] =	dma.local @!p0 [hbm:s6], $0xF7A  }
0x23: {  	s9 =	sor.u32 $0xD0000000, s2;
	s6 =	simm.s32 $0x108;
	_ =	swait.ge @!p0 [sflag:s8], $0x0  }
0x24: {  	s3 =	sadd.s32 $0x88, s3;
	s6 =	simm.s32 @!p1 $0x1082;
	[sflag:s4] =	ssyncset.s32 $0xFFFFF086  }
0x25: {  	[simem:s6], [sflag:s4] =	dma.local [hbm:s3], $0xF7A  }
0x26: {  	[smem:$0x3F9D] =	sst s1;
	(tag) =	ssettag s2;
	_ =	strace s9  }
0x27: {  	s1 =	sld [smem:$0x3FAD]  }
0x28: {  	s2 =	sld [smem:$0x3FAE]  }
0x29: {  	s4 =	sld [smem:$0x3FB0]  }
0x2a: {  	p0 =	seq.s32 s5, $0x0;
	s5 =	sld [smem:$0x3FB1]  }
0x2b: {  	s6 =	sld [smem:$0x3FB2]  }
0x2c: {  	s7 =	sld [smem:$0x3FB3]  }
0x2d: {  	s3 =	simm.s32 $0x108;
	s8 =	sld [smem:$0x3FB4]  }
0x2e: {  	s3 =	simm.s32 @!p0 $0x1082;
	s9 =	sld [smem:$0x3FB5]  }
0x2f: {  	lr =	sadd.s32 s0, s3;
	s0 =	sld [smem:$0x3FAC]  }
0x30: {  	s3 =	sld [smem:$0x3FAF]  }
0x31: {  	[smem:$0x3FB8] =	sst s10  }
0x32: {  	s10 =	sld [smem:$0x3FB6];
	_ =	sdelay $0x3  }
0x33: {  	p0 =	seq.s32 s10, $0x1;
	s10 =	sld [smem:$0x3FB8];
	_ =	sdelay $0x3  }
0x34: {  	[smem:$0x3FB8] =	sst s10  }
0x35: {  	s10 =	sld [smem:$0x3FB7];
	_ =	sdelay $0x3  }
0x36: {  	p1 =	seq.s32 s10, $0x1;
	s10 =	sld [smem:$0x3FB8];
	_ =	sdelay $0x3  }
0x37: {  	[smem:$0x3FB8] =	sst s10  }
0x38: {  	s10 =	sld [smem:$0x3FB9]  }
0x39: {  	_ = 	snop;
	(pc) =	sbr.ind lr, $3  }
0x3a: {  	_ = 	snop  }
0x3b: {  	_ = 	snop  }
0x3c: {  	p2 =	seq.s32 s10, $0x1;
	s10 =	sld [smem:$0x3FB8]  }
0x3d: {  	_ =	shalt  }
0x3e: {  	_ =	shalt  }
0x3f: {  	_ =	shalt  }
0x40: {  	_ =	shalt  }
0x41: {  	_ =	shalt  }
0x42: {  	_ =	shalt  }
0x43: {  	_ =	shalt  }
0x44: {  	_ =	shalt  }
0x45: {  	_ =	shalt  }
0x46: {  	_ =	shalt  }
0x47: {  	_ =	shalt  }
0x48: {  	_ =	shalt  }
0x49: {  	_ =	shalt  }
0x4a: {  	_ =	shalt  }
0x4b: {  	_ =	shalt  }
0x4c: {  	_ =	shalt  }
0x4d: {  	_ =	shalt  }
0x4e: {  	_ =	shalt  }
0x4f: {  	_ =	shalt  }
0x50: {  	_ =	shalt  }
0x51: {  	_ =	shalt  }
0x52: {  	_ =	shalt  }
0x53: {  	_ =	shalt  }
0x54: {  	_ =	shalt  }
0x55: {  	_ =	shalt  }
0x56: {  	_ =	shalt  }
0x57: {  	_ =	shalt  }
0x58: {  	_ =	shalt  }
0x59: {  	_ =	shalt  }
0x5a: {  	_ =	shalt  }
0x5b: {  	_ =	shalt  }
0x5c: {  	_ =	shalt  }
0x5d: {  	_ =	shalt  }
0x5e: {  	_ =	shalt  }
0x5f: {  	_ =	shalt  }
0x60: {  	_ =	shalt  }
0x61: {  	_ =	shalt  }
0x62: {  	_ =	shalt  }
0x63: {  	_ =	shalt  }
0x64: {  	_ =	shalt  }
0x65: {  	_ =	shalt  }
0x66: {  	_ =	shalt  }
0x67: {  	_ =	shalt  }
0x68: {  	_ =	shalt  }
0x69: {  	_ =	shalt  }
0x6a: {  	_ =	shalt  }
0x6b: {  	_ =	shalt  }
0x6c: {  	_ =	shalt  }
0x6d: {  	_ =	shalt  }
0x6e: {  	_ =	shalt  }
0x6f: {  	_ =	shalt  }
0x70: {  	_ =	shalt  }
0x71: {  	_ =	shalt  }
0x72: {  	_ =	shalt  }
0x73: {  	_ =	shalt  }
0x74: {  	_ =	shalt  }
0x75: {  	_ =	shalt  }
0x76: {  	_ =	shalt  }
0x77: {  	_ =	shalt  }
0x78: {  	_ =	shalt  }
0x79: {  	_ =	shalt  }
0x7a: {  	_ =	shalt  }
0x7b: {  	_ =	shalt  }
0x7c: {  	_ =	shalt  }
0x7d: {  	_ =	shalt  }
0x7e: {  	_ =	shalt  }
0x7f: {  	_ =	shalt  }
0x80: {  	_ =	shalt  }
0x81: {  	_ =	shalt  }
0x82: {  	_ =	shalt  }
0x83: {  	_ =	shalt  }
0x84: {  	_ =	shalt  }
0x85: {  	_ =	shalt  }
0x86: {  	_ =	shalt  }
0x87: {  	_ =	shalt  }
.Lfunc_end0:
.L_simem_size_0:
called_computation.2_lowered:
.L_overlay_start_0:
0x88: {  	s2 =	sld [smem:$0x3FD9]  }
0x89: {  	s3 =	sld [smem:$0x3FFE];
	_ =	sdelay $0x1  }
0x8a: {  	s1 =	srdreg.scid  }
0x8b: {  	s0 =	sand.u32 $0x1, s1  }
0x8c: {  	s14 =	sshll.u32 s0, $0xA;
	s2 =	sadd.s32 s3, s2  }
0x8d: {  	s2 =	sadd.s32 s2, s14  }
0x8e: {  	[smem:$0x3FC4] =	sst s2  }
0x8f: {  	_ = 	snop  }
0x90: {  	s2 =	sld [smem:$0x3FD0];
	_ =	sdelay $0x2  }
0x91: {  	s15 =	simm.s32 $0xA;
	s4 =	simm.s32 $0x10  }
0x92: {  	[smem:s4], [sflag:s15] =	dma.local [hbm:s2], $0x1  }
0x93: {  	_ =	swait.eq [sflag:s15], $0x1  }
0x94: {  	[sflag:s15] =	ssyncset.done $0x0  }
0x95: {  	[sflag:s15] =	ssyncadd.s32 $0xFFFFFFFF  }
0x96: {  	s16 =	sld [smem:$0x10];
	(tm) =	ssettm $0x1  }
0x97: {  	s17 =	sld [smem:$0x3FFB];
	_ =	sdelay $0x3  }
0x98: {  	_ =	strace s17  }
0x99: {  	s3 =	sld [smem:$0x3FFC];
	_ =	sdelay $0x3  }
0x9a: {  	_ =	strace s3  }
0x9b: {  	s3 =	sld [smem:$0x3FFD];
	_ =	sdelay $0x3  }
0x9c: {  	_ =	strace s3  }
0x9d: {  	_ =	strace $0x8FFFFFFF  }
0x9e: {  	s18 =	sld [smem:$0x3FDB];
	_ =	sdelay $0x1  }
0x9f: {  	s19 =	simm.s32 $_scs_section_size  }
0xa0: {  	s5 =	simm.s32 $_size__tile_overlayer_lowered;
	s6 =	simm.s32 $_tile_overlayer_lowered  }
0xa1: {  	s22 =	simm.s32 $0x1BFF;
	s21 =	sshll.u32 s6, $0x1;
	s3 =	sadd.s32 s19, s18  }
0xa2: {  	s7 =	simm.s32 $0x0;
	s20 =	sshll.u32 s5, $0x1;
	s5 =	sadd.s32 s21, s3  }
0xa3: {  	[timem:s7], [sflag:s22] =	dma.local [hbm:s5], s20  }
0xa4: {  	_ =	swait.ge [sflag:s22], s20  }
0xa5: {  	s4 =	ssub.s32 $0x0, s20;
	[sflag:s22] =	ssyncset.done $0x0  }
0xa6: {  	[sflag:s22] =	ssyncadd.s32 s4;
	_ =	sdelay $0x1  }
0xa7: {  	s23 =	simm.s32 $0x1B8B  }
0xa8: {  	_ =	swait.ge [sflag:s23], $0x1  }
0xa9: {  	[sflag:s23] =	ssyncset.done $0x0  }
0xaa: {  	s25 =	simm.s32 $0x1B8E;
	s24 =	sld [smem:$0x3FFE];
	[sflag:s23] =	ssyncadd.s32 $0xFFFFFFFF  }
0xab: {  	s26 =	simm.s32 $execute0_lowered;
	[smem:$0x3FD2] =	sst s25  }
0xac: {  	s5 =	sshll.u32 s26, $0x1;
	_ =	strace $0x8000004C;
	[dreg:$0x1] =	wrdreg $0xFFFFFFFF  }
0xad: {  	s28 =	simm.s32 $_size_execute0_lowered;
	s3 =	sadd.s32 s3, s5;
	[dreg:$0x0] =	wrdreg $0x0  }
0xae: {  	s5 =	sshll.u32 s28, $0x1;
	[dreg:$0x2] =	wrdreg s3  }
0xaf: {  	[dreg:$0x3] =	wrdreg s5  }
0xb0: {  	[dreg:$0x4] =	wrdreg $0xC0  }
0xb1: {  	_ =	task [dreg:s7], $0x5FFFF  }
0xb2: {  	[dreg:$0x1] =	wrdreg $0xFFFFFFFF  }
0xb3: {  	[dreg:$0x0] =	wrdreg $0x60  }
0xb4: {  	[dreg:$0x2] =	wrdreg s16  }
0xb5: {  	[dreg:$0x3] =	wrdreg s24  }
0xb6: {  	[dreg:$0x4] =	wrdreg $0x9  }
0xb7: {  	_ =	task.clear_ibuf [dreg:s7], $0x5FFFF;
	_ =	strace $0x9000004C  }
0xb8: {  	s29 =	simm.s32 $0x9;
	_ =	strace $0x8000004E  }
0xb9: {  	_ =	swait.ge [sflag:s29], $0x1  }
0xba: {  	[sflag:s29] =	ssyncadd.s32 $0xFFFFFFFF  }
0xbb: {  	_ =	strace $0x9000004E  }
0xbc: {  	_ =	sfence  }
0xbd: {  	s30 =	sld [smem:$0x0];
	_ =	sdelay $0x2  }
0xbe: {  	s31 =	sshll.u32 s1, $0xD;
	s1 =	sshrl.u32 s1, $0x2  }
0xbf: {  	s3 =	sand.u32 $0x4000, s31;
	s1 =	sadd.s32 s1, s30  }
0xc0: {  	s0 =	sor.u32 s3, s0;
	s1 =	sshll.u32 s1, $0x11  }
0xc1: {  	s0 =	sor.u32 s1, s0  }
0xc2: {  	s0 =	sadd.s32 $0x8F2B, s0  }
0xc3: {  	[sflag:s0] =	ssyncadd.remote.s32 $0x1  }
0xc4: {  	_ =	sfence.sel $0xFFFF  }
0xc5: {  	[dreg:$0x0] =	wrdreg $0xFFFFFFFF;
	(pc) =	sbr.abs _section_cstart, $3  }
0xc6: {  	[dreg:$0x1] =	wrdreg $0xFFFFFFFF  }
0xc7: {  	_ =	task.clear_ibuf [dreg:s7], $0x2FFFF;
	_ =	strace $0x9FFFFFFF  }
0xc8: {  	(tm) =	ssettm $0x7FFFFFFF  }
0xc9: {  	_ =	shalt  }
tec
execute0_lowered:
.L_overlay_start_1:
0x0: {  	(tag) =	ssettag $0x1  }
0x1: {  	s1 =	srdreg.scid  }
0x2: {  	s0 =	stileid.u32;
	s6 =	sand.u32 $0x1, s1  }
0x3: {  	s2 =	rddreg [dreg:$0x0];
	s30 =	sshll.u32 s0, $0x4;
	s3 =	sshll.u32 s6, $0x3  }
0x4: {  	s8 =	rddreg [dreg:$0x1];
	s9 =	sor.u32 s3, s30  }
0x5: {  	s1 =	rddreg [dreg:$0x2];
	s3 =	simm.s32 $0x0;
	s4 =	sshrl.u32 s9, $0x3  }
0x6: {  	[smem:$0x7FF] =	sst s3;
	s4 =	sadd.s32 s4, s8  }
0x7: {  	_ =	strace $0x8000004D;
	s5 =	sadd.s32 $0x42000, s4;
	s4 =	simm.s32 $0x2  }
0x8: {  	[tilespmem:s3], [sflag:$0x2] =	stream.linear.gather [hbm4b:s5+s3], $0x8, $0x38;
	[tilespmem:$0x880] =	vst v63  }
0x9: {  	_ =	swait.ge [sflag:s4], $0x8  }
0xa: {  	[sflag:s4] =	ssyncset.done $0x0  }
0xb: {  	[sflag:s4] =	ssyncadd.s32 $0xFFFFFFF8  }
0xc: {  	v0 =	vld.msk [tilespmem:$0x0], $0xff;
	_ =	sdelay $0x4  }
0xd: {  	v1 =	vshll.u32 v0, $0x1  }
0xe: {  	v2 =	vlaneseq.u32;
	v3 =	vand.u32 $0x7, v0;
	v1 =	vand.u32 $0xFFFFFFF0, v1  }
0xf: {  	v0 =	vand.u32 $0x7, v2;
	v2 =	vshrl.u32 v2, $0x3;
	v3 =	vor.u32 v3, v1  }
0x10: {  	v1 =	vmul.u32 $0x8, v2;
	v2 =	vperm.xlane v3, v0;
	_ =	sdelay $0x1  }
0x11: {  	v2 =	vadd.s32 v1, v2  }
0x12: {  	s10 =	ssub.s32 $0x2, s6  }
0x13: {  	s11 =	sshrl.u32 s10, $0x1  }
0x14: {  	s7 =	simm.s32 $0x1;
	s9 =	sshll.u32 s9, $0x5;
	s31 =	ssub.s32 s10, s11  }
0x15: {  	vm0 =	vmmov $0xffff;
	s6 =	simm.s32 $0x80;
	s8 =	sadd.s32 s9, s8;
	s9 =	smax.u32 s31, $0x1  }
0x16: {  	[tilespmem:s6], [sflag:$0x1] =	stream.indirect_vreg.gather [hbm4b:s2+s3], $0x80, v2, vm0, $0xb8;
	[tilespmem:$0x880] =	vst v63  }
0x17: {  	p0 =	sne.s32 s9, $0x1;
	_ =	swait.ge [sflag:s7], $0x800  }
.Ltmp0:
0x18: {  	[sflag:s7] =	ssyncset.done $0x0;
	(pc) =	sbr.rel @!p0 .LBB2_2-.Ltmp0, $4  }
0x19: {  	s8 =	sadd.s32 $0xC4800, s8;
	[sflag:s7] =	ssyncadd.s32 $0xFFFFF800  }
0x1a: {  	[hbm4b:s8+s3] =	stream.linear.scatter [tilespmem:s6], [sflag:$0x2], $0x800, $0x38;
	[tilespmem:$0x880] =	vst v63  }
0x1b: {  	_ =	swait.ge [sflag:s4], $0x800  }
0x1c: {  	s9 =	sadd.s32 $0xFFFFFFFF, s9;
	[sflag:s4] =	ssyncset.done $0x0  }
.LBB2_1:
0x1d: {  	p0 =	sne.s32 s9, $0x1;
	s9 =	sadd.s32 $0xFFFFFFFF, s9;
	[sflag:s4] =	ssyncadd.s32 $0xFFFFF800  }
0x1e: {  	[tilespmem:s3], [sflag:$0x2] =	stream.linear.gather [hbm4b:s5+s3], $0x8, $0x38;
	[tilespmem:$0x880] =	vst v63  }
0x1f: {  	_ =	swait.ge [sflag:s4], $0x8  }
0x20: {  	[sflag:s4] =	ssyncset.done $0x0  }
0x21: {  	[sflag:s4] =	ssyncadd.s32 $0xFFFFFFF8  }
0x22: {  	v2 =	vld.msk [tilespmem:$0x0], $0xff;
	_ =	sdelay $0x4  }
0x23: {  	v3 =	vshll.u32 v2, $0x1  }
0x24: {  	v2 =	vand.u32 $0x7, v2;
	v3 =	vand.u32 $0xFFFFFFF0, v3  }
0x25: {  	v2 =	vor.u32 v2, v3  }
0x26: {  	v2 =	vperm.xlane v2, v0;
	_ =	sdelay $0x1  }
0x27: {  	v2 =	vadd.s32 v1, v2;
	_ =	sdelay $0x4  }
0x28: {  	[tilespmem:s6], [sflag:$0x1] =	stream.indirect_vreg.gather [hbm4b:s2+s3], $0x80, v2, vm0, $0xb8;
	[tilespmem:$0x880] =	vst v63  }
0x29: {  	_ =	swait.ge [sflag:s7], $0x800  }
.Ltmp1:
0x2a: {  	[sflag:s7] =	ssyncset.done $0x0;
	(pc) =	sbr.rel @p0 .LBB2_1-.Ltmp1, $4  }
0x2b: {  	[sflag:s7] =	ssyncadd.s32 $0xFFFFF800  }
0x2c: {  	[hbm4b:s8+s3] =	stream.linear.scatter [tilespmem:s6], [sflag:$0x2], $0x800, $0x38;
	[tilespmem:$0x880] =	vst v63  }
0x2d: {  	_ =	swait.ge [sflag:s4], $0x800  }
0x2e: {  	[sflag:s4] =	ssyncset.done $0x0  }
.LBB2_2:
0x2f: {  	[sflag:s4] =	ssyncadd.s32 $0xFFFFF800  }
0x30: {  	_ =	sfence.sel $0x180000  }
0x31: {  	[bflag:$0x0] =	sbarrier.arrive $0xFFFF  }
0x32: {  	p0 =	sne.s32 s0, $0x0;
	_ =	strace $0x9000004D  }
0x33: {  	s0 =	sadd.s32 @!p0 $0x100000, s1;
	[bflag:$0x2] =	sbarrier.arrive $0xFFFF  }
0x34: {  	[sflag:s0] =	ssyncadd.tile.s32 @!p0 $0x1;
	_ =	shalt  }
.Lfunc_end2:
_tile_overlayer_lowered:
.L_overlay_start_2:
0x35: {  	(tag) =	ssettag $0x2  }
0x36: {  	s0 =	rddreg [dreg:$0x0];
	s2 =	stileid.u32  }
0x37: {  	s1 =	rddreg [dreg:$0x1];
	p0 =	sne.s32 s2, $0x0  }
0x38: {  	s3 =	rddreg [dreg:$0x2];
	[bflag:$0x3] =	sbarrier.arrive $0xFFFF;
	s2 =	simm.s32 @!p0 $0x1C02  }
0x39: {  	[timem:s3], [sflag:s2] =	dma.local @!p0 [hbm:s0], s1  }
0x3a: {  	s0 =	simm.s32 @!p0 $0x2  }
0x3b: {  	_ =	swait.ge @!p0 [sflag:s0], s1  }
0x3c: {  	s1 =	ssub.s32 @!p0 $0x0, s1;
	[sflag:s0] =	ssyncset.done @!p0 $0x0  }
0x3d: {  	[sflag:s0] =	ssyncadd.s32 @!p0 s1  }
0x3e: {  	[bflag:$0x3] =	sbarrier.arrive $0xFFFF  }
0x3f: {  	_ =	shalt  }

// kernel: kernel.33.cloned.1.call-start
scs
__scs_entry_jumppad:
0x0: {  	(pc) =	sbr.rel $0x88, $3  }
0x1: {  	(tag) =	ssettag $0x0;
	lr =	simm.s32 $0x1  }
0x2: {  	[smem:$0x3F9D] =	sst lr;
	_ =	strace $0xD0000000  }
0x3: {  	_ = 	snop  }
0x4: {  	_ = 	snop  }
0x5: {  	_ = 	snop  }
0x6: {  	_ = 	snop  }
0x7: {  	_ = 	snop  }
__scs_overlays_trampoline_lowered:
0x8: {  	[smem:$0x3FAC] =	sst s0  }
0x9: {  	[smem:$0x3FAD] =	sst s1  }
0xa: {  	[smem:$0x3FAE] =	sst s2  }
0xb: {  	[smem:$0x3FAF] =	sst s3  }
0xc: {  	[smem:$0x3FB0] =	sst s4  }
0xd: {  	[smem:$0x3FB1] =	sst s5  }
0xe: {  	[smem:$0x3FB2] =	sst s6  }
0xf: {  	[smem:$0x3FB3] =	sst s7  }
0x10: {  	[smem:$0x3FB4] =	sst s8  }
0x11: {  	[smem:$0x3FB5] =	sst s9;
	s0 =	simm.s32 @!p0 $0x0  }
0x12: {  	s1 =	sld [smem:$0x3F9B];
	s0 =	simm.s32 @p0 $0x1  }
0x13: {  	[smem:$0x3FB6] =	sst s0;
	s0 =	simm.s32 @!p1 $0x0  }
0x14: {  	s2 =	sld [smem:$0x3F9A];
	s0 =	simm.s32 @p1 $0x1  }
0x15: {  	[smem:$0x3FB7] =	sst s0;
	s0 =	simm.s32 @!p2 $0x0  }
0x16: {  	s3 =	sld [smem:$0x3FDB];
	s0 =	simm.s32 @p2 $0x1  }
0x17: {  	s4 =	simm.s32 $0x1BF5;
	[smem:$0x3FB9] =	sst s0  }
0x18: {  	s0 =	sld [smem:$0x3F9C];
	_ =	swait.ge [sflag:s4], $0x0  }
0x19: {  	s7 =	sld [smem:$0x3F9D]  }
0x1a: {  	s8 =	sadd.s32 $0xFFFFE003, lr  }
0x1b: {  	s9 =	sadd.s32 $0xFFFFFEF7, lr;
	s5 =	simm.s32 $0xFFFFFFFF;
	p2 =	slt.u32 s8, $0xFFFFF086  }
0x1c: {  	p1 =	slt.u32 s9, $0xF7A;
	s5 =	simm.s32 @!p2 $0x0  }
0x1d: {  	s5 =	simm.s32 @p1 $0x1;
	p0 =	seq.s32 s7, s2  }
0x1e: {  	s7 =	smul.u32 @!p0 $0xF7A, s2;
	p2 =	seq.s32 @!p0 s5, $0x0  }
0x1f: {  	s9 =	smul.u32 $0xF7A, s1;
	s8 =	simm.s32 @!p0 $0x1BF5;
	p2 =	por !p2, p0  }
0x20: {  	[sflag:s8] =	ssyncset.s32 @!p0 $0xFFFFF086;
	s6 =	sadd.s32 @!p0 s3, s7;
	s7 =	simm.s32 @!p0 $0x108  }
0x21: {  	s3 =	sadd.s32 s3, s9;
	s6 =	sadd.s32 @!p0 $0x88, s6;
	s7 =	simm.s32 @p2 $0x1082  }
0x22: {  	[simem:s7], [sflag:s8] =	dma.local @!p0 [hbm:s6], $0xF7A  }
0x23: {  	s9 =	sor.u32 $0xD0000000, s2;
	s6 =	simm.s32 $0x108;
	_ =	swait.ge @!p0 [sflag:s8], $0x0  }
0x24: {  	s3 =	sadd.s32 $0x88, s3;
	s6 =	simm.s32 @!p1 $0x1082;
	[sflag:s4] =	ssyncset.s32 $0xFFFFF086  }
0x25: {  	[simem:s6], [sflag:s4] =	dma.local [hbm:s3], $0xF7A  }
0x26: {  	[smem:$0x3F9D] =	sst s1;
	(tag) =	ssettag s2;
	_ =	strace s9  }
0x27: {  	s1 =	sld [smem:$0x3FAD]  }
0x28: {  	s2 =	sld [smem:$0x3FAE]  }
0x29: {  	s4 =	sld [smem:$0x3FB0]  }
0x2a: {  	p0 =	seq.s32 s5, $0x0;
	s5 =	sld [smem:$0x3FB1]  }
0x2b: {  	s6 =	sld [smem:$0x3FB2]  }
0x2c: {  	s7 =	sld [smem:$0x3FB3]  }
0x2d: {  	s3 =	simm.s32 $0x108;
	s8 =	sld [smem:$0x3FB4]  }
0x2e: {  	s3 =	simm.s32 @!p0 $0x1082;
	s9 =	sld [smem:$0x3FB5]  }
0x2f: {  	lr =	sadd.s32 s0, s3;
	s0 =	sld [smem:$0x3FAC]  }
0x30: {  	s3 =	sld [smem:$0x3FAF]  }
0x31: {  	[smem:$0x3FB8] =	sst s10  }
0x32: {  	s10 =	sld [smem:$0x3FB6];
	_ =	sdelay $0x3  }
0x33: {  	p0 =	seq.s32 s10, $0x1;
	s10 =	sld [smem:$0x3FB8];
	_ =	sdelay $0x3  }
0x34: {  	[smem:$0x3FB8] =	sst s10  }
0x35: {  	s10 =	sld [smem:$0x3FB7];
	_ =	sdelay $0x3  }
0x36: {  	p1 =	seq.s32 s10, $0x1;
	s10 =	sld [smem:$0x3FB8];
	_ =	sdelay $0x3  }
0x37: {  	[smem:$0x3FB8] =	sst s10  }
0x38: {  	s10 =	sld [smem:$0x3FB9]  }
0x39: {  	_ = 	snop;
	(pc) =	sbr.ind lr, $3  }
0x3a: {  	_ = 	snop  }
0x3b: {  	_ = 	snop  }
0x3c: {  	p2 =	seq.s32 s10, $0x1;
	s10 =	sld [smem:$0x3FB8]  }
0x3d: {  	_ =	shalt  }
0x3e: {  	_ =	shalt  }
0x3f: {  	_ =	shalt  }
0x40: {  	_ =	shalt  }
0x41: {  	_ =	shalt  }
0x42: {  	_ =	shalt  }
0x43: {  	_ =	shalt  }
0x44: {  	_ =	shalt  }
0x45: {  	_ =	shalt  }
0x46: {  	_ =	shalt  }
0x47: {  	_ =	shalt  }
0x48: {  	_ =	shalt  }
0x49: {  	_ =	shalt  }
0x4a: {  	_ =	shalt  }
0x4b: {  	_ =	shalt  }
0x4c: {  	_ =	shalt  }
0x4d: {  	_ =	shalt  }
0x4e: {  	_ =	shalt  }
0x4f: {  	_ =	shalt  }
0x50: {  	_ =	shalt  }
0x51: {  	_ =	shalt  }
0x52: {  	_ =	shalt  }
0x53: {  	_ =	shalt  }
0x54: {  	_ =	shalt  }
0x55: {  	_ =	shalt  }
0x56: {  	_ =	shalt  }
0x57: {  	_ =	shalt  }
0x58: {  	_ =	shalt  }
0x59: {  	_ =	shalt  }
0x5a: {  	_ =	shalt  }
0x5b: {  	_ =	shalt  }
0x5c: {  	_ =	shalt  }
0x5d: {  	_ =	shalt  }
0x5e: {  	_ =	shalt  }
0x5f: {  	_ =	shalt  }
0x60: {  	_ =	shalt  }
0x61: {  	_ =	shalt  }
0x62: {  	_ =	shalt  }
0x63: {  	_ =	shalt  }
0x64: {  	_ =	shalt  }
0x65: {  	_ =	shalt  }
0x66: {  	_ =	shalt  }
0x67: {  	_ =	shalt  }
0x68: {  	_ =	shalt  }
0x69: {  	_ =	shalt  }
0x6a: {  	_ =	shalt  }
0x6b: {  	_ =	shalt  }
0x6c: {  	_ =	shalt  }
0x6d: {  	_ =	shalt  }
0x6e: {  	_ =	shalt  }
0x6f: {  	_ =	shalt  }
0x70: {  	_ =	shalt  }
0x71: {  	_ =	shalt  }
0x72: {  	_ =	shalt  }
0x73: {  	_ =	shalt  }
0x74: {  	_ =	shalt  }
0x75: {  	_ =	shalt  }
0x76: {  	_ =	shalt  }
0x77: {  	_ =	shalt  }
0x78: {  	_ =	shalt  }
0x79: {  	_ =	shalt  }
0x7a: {  	_ =	shalt  }
0x7b: {  	_ =	shalt  }
0x7c: {  	_ =	shalt  }
0x7d: {  	_ =	shalt  }
0x7e: {  	_ =	shalt  }
0x7f: {  	_ =	shalt  }
0x80: {  	_ =	shalt  }
0x81: {  	_ =	shalt  }
0x82: {  	_ =	shalt  }
0x83: {  	_ =	shalt  }
0x84: {  	_ =	shalt  }
0x85: {  	_ =	shalt  }
0x86: {  	_ =	shalt  }
0x87: {  	_ =	shalt  }
.Lfunc_end0:
.L_simem_size_0:
called_computation.3_lowered:
.L_overlay_start_0:
0x88: {  	s2 =	sld [smem:$0x3FD9]  }
0x89: {  	s3 =	sld [smem:$0x3FFE];
	_ =	sdelay $0x1  }
0x8a: {  	s1 =	srdreg.scid  }
0x8b: {  	s0 =	sand.u32 $0x1, s1  }
0x8c: {  	s14 =	sshll.u32 s0, $0xA;
	s2 =	sadd.s32 s3, s2  }
0x8d: {  	s2 =	sadd.s32 s2, s14  }
0x8e: {  	[smem:$0x3FC4] =	sst s2  }
0x8f: {  	_ = 	snop  }
0x90: {  	s2 =	sld [smem:$0x3FD0];
	_ =	sdelay $0x2  }
0x91: {  	s15 =	simm.s32 $0xA;
	s4 =	simm.s32 $0x10  }
0x92: {  	[smem:s4], [sflag:s15] =	dma.local [hbm:s2], $0x1  }
0x93: {  	_ =	swait.eq [sflag:s15], $0x1  }
0x94: {  	[sflag:s15] =	ssyncset.done $0x0  }
0x95: {  	[sflag:s15] =	ssyncadd.s32 $0xFFFFFFFF  }
0x96: {  	s16 =	sld [smem:$0x10];
	(tm) =	ssettm $0x1  }
0x97: {  	s17 =	sld [smem:$0x3FFB];
	_ =	sdelay $0x3  }
0x98: {  	_ =	strace s17  }
0x99: {  	s3 =	sld [smem:$0x3FFC];
	_ =	sdelay $0x3  }
0x9a: {  	_ =	strace s3  }
0x9b: {  	s3 =	sld [smem:$0x3FFD];
	_ =	sdelay $0x3  }
0x9c: {  	_ =	strace s3  }
0x9d: {  	_ =	strace $0x8FFFFFFF  }
0x9e: {  	s18 =	sld [smem:$0x3FDB];
	_ =	sdelay $0x1  }
0x9f: {  	s19 =	simm.s32 $_scs_section_size  }
0xa0: {  	s5 =	simm.s32 $_size__tile_overlayer_lowered;
	s6 =	simm.s32 $_tile_overlayer_lowered  }
0xa1: {  	s22 =	simm.s32 $0x1BFF;
	s21 =	sshll.u32 s6, $0x1;
	s3 =	sadd.s32 s19, s18  }
0xa2: {  	s7 =	simm.s32 $0x0;
	s20 =	sshll.u32 s5, $0x1;
	s5 =	sadd.s32 s21, s3  }
0xa3: {  	[timem:s7], [sflag:s22] =	dma.local [hbm:s5], s20  }
0xa4: {  	_ =	swait.ge [sflag:s22], s20  }
0xa5: {  	s4 =	ssub.s32 $0x0, s20;
	[sflag:s22] =	ssyncset.done $0x0  }
0xa6: {  	[sflag:s22] =	ssyncadd.s32 s4;
	_ =	sdelay $0x1  }
0xa7: {  	s23 =	simm.s32 $0x1B8B  }
0xa8: {  	_ =	swait.ge [sflag:s23], $0x1  }
0xa9: {  	[sflag:s23] =	ssyncset.done $0x0  }
0xaa: {  	s25 =	simm.s32 $0x1B8E;
	s24 =	sld [smem:$0x3FFE];
	[sflag:s23] =	ssyncadd.s32 $0xFFFFFFFF  }
0xab: {  	s26 =	simm.s32 $execute0_lowered;
	[smem:$0x3FD2] =	sst s25  }
0xac: {  	s5 =	sshll.u32 s26, $0x1;
	_ =	strace $0x8000004F;
	[dreg:$0x1] =	wrdreg $0xFFFFFFFF  }
0xad: {  	s28 =	simm.s32 $_size_execute0_lowered;
	s3 =	sadd.s32 s3, s5;
	[dreg:$0x0] =	wrdreg $0x0  }
0xae: {  	s5 =	sshll.u32 s28, $0x1;
	[dreg:$0x2] =	wrdreg s3  }
0xaf: {  	[dreg:$0x3] =	wrdreg s5  }
0xb0: {  	[dreg:$0x4] =	wrdreg $0xC0  }
0xb1: {  	_ =	task [dreg:s7], $0x5FFFF  }
0xb2: {  	[dreg:$0x1] =	wrdreg $0xFFFFFFFF  }
0xb3: {  	[dreg:$0x0] =	wrdreg $0x60  }
0xb4: {  	[dreg:$0x2] =	wrdreg s16  }
0xb5: {  	[dreg:$0x3] =	wrdreg s24  }
0xb6: {  	[dreg:$0x4] =	wrdreg $0x9  }
0xb7: {  	_ =	task.clear_ibuf [dreg:s7], $0x5FFFF;
	_ =	strace $0x9000004F  }
0xb8: {  	s29 =	simm.s32 $0x9;
	_ =	strace $0x80000051  }
0xb9: {  	_ =	swait.ge [sflag:s29], $0x1  }
0xba: {  	[sflag:s29] =	ssyncadd.s32 $0xFFFFFFFF  }
0xbb: {  	_ =	strace $0x90000051  }
0xbc: {  	_ =	sfence  }
0xbd: {  	s30 =	sld [smem:$0x0];
	_ =	sdelay $0x2  }
0xbe: {  	s31 =	sshll.u32 s1, $0xD;
	s1 =	sshrl.u32 s1, $0x2  }
0xbf: {  	s3 =	sand.u32 $0x4000, s31;
	s1 =	sadd.s32 s1, s30  }
0xc0: {  	s0 =	sor.u32 s3, s0;
	s1 =	sshll.u32 s1, $0x11  }
0xc1: {  	s0 =	sor.u32 s1, s0  }
0xc2: {  	s0 =	sadd.s32 $0x8F2B, s0  }
0xc3: {  	[sflag:s0] =	ssyncadd.remote.s32 $0x1  }
0xc4: {  	_ =	sfence.sel $0xFFFF  }
0xc5: {  	[dreg:$0x0] =	wrdreg $0xFFFFFFFF;
	(pc) =	sbr.abs _section_cstart, $3  }
0xc6: {  	[dreg:$0x1] =	wrdreg $0xFFFFFFFF  }
0xc7: {  	_ =	task.clear_ibuf [dreg:s7], $0x2FFFF;
	_ =	strace $0x9FFFFFFF  }
0xc8: {  	(tm) =	ssettm $0x7FFFFFFF  }
0xc9: {  	_ =	shalt  }
tec
execute0_lowered:
.L_overlay_start_1:
0x0: {  	(tag) =	ssettag $0x1  }
0x1: {  	s1 =	srdreg.scid  }
0x2: {  	s0 =	stileid.u32;
	s6 =	sand.u32 $0x1, s1  }
0x3: {  	s2 =	rddreg [dreg:$0x0];
	s30 =	sshll.u32 s0, $0x4;
	s3 =	sshll.u32 s6, $0x3  }
0x4: {  	s8 =	rddreg [dreg:$0x1];
	s9 =	sor.u32 s3, s30  }
0x5: {  	s1 =	rddreg [dreg:$0x2];
	s3 =	simm.s32 $0x0;
	s4 =	sshrl.u32 s9, $0x3  }
0x6: {  	[smem:$0x7FF] =	sst s3;
	s4 =	sadd.s32 s4, s8  }
0x7: {  	_ =	strace $0x80000050;
	s5 =	sadd.s32 $0x42000, s4;
	s4 =	simm.s32 $0x2  }
0x8: {  	[tilespmem:s3], [sflag:$0x2] =	stream.linear.gather [hbm4b:s5+s3], $0x8, $0x38;
	[tilespmem:$0x880] =	vst v63  }
0x9: {  	_ =	swait.ge [sflag:s4], $0x8  }
0xa: {  	[sflag:s4] =	ssyncset.done $0x0  }
0xb: {  	[sflag:s4] =	ssyncadd.s32 $0xFFFFFFF8  }
0xc: {  	v0 =	vld.msk [tilespmem:$0x0], $0xff;
	_ =	sdelay $0x4  }
0xd: {  	v1 =	vshll.u32 v0, $0x1  }
0xe: {  	v2 =	vlaneseq.u32;
	v3 =	vand.u32 $0x7, v0;
	v1 =	vand.u32 $0xFFFFFFF0, v1  }
0xf: {  	v0 =	vand.u32 $0x7, v2;
	v2 =	vshrl.u32 v2, $0x3;
	v3 =	vor.u32 v3, v1  }
0x10: {  	v1 =	vmul.u32 $0x8, v2;
	v2 =	vperm.xlane v3, v0;
	_ =	sdelay $0x1  }
0x11: {  	v2 =	vadd.s32 v1, v2  }
0x12: {  	s10 =	ssub.s32 $0x2, s6  }
0x13: {  	s11 =	sshrl.u32 s10, $0x1  }
0x14: {  	s7 =	simm.s32 $0x1;
	s9 =	sshll.u32 s9, $0x5;
	s31 =	ssub.s32 s10, s11  }
0x15: {  	vm0 =	vmmov $0xffff;
	s6 =	simm.s32 $0x80;
	s8 =	sadd.s32 s9, s8;
	s9 =	smax.u32 s31, $0x1  }
0x16: {  	[tilespmem:s6], [sflag:$0x1] =	stream.indirect_vreg.gather [hbm4b:s2+s3], $0x80, v2, vm0, $0xb8;
	[tilespmem:$0x880] =	vst v63  }
0x17: {  	p0 =	sne.s32 s9, $0x1;
	_ =	swait.ge [sflag:s7], $0x800  }
.Ltmp0:
0x18: {  	[sflag:s7] =	ssyncset.done $0x0;
	(pc) =	sbr.rel @!p0 .LBB2_2-.Ltmp0, $4  }
0x19: {  	s8 =	sadd.s32 $0x44800, s8;
	[sflag:s7] =	ssyncadd.s32 $0xFFFFF800  }
0x1a: {  	[hbm4b:s8+s3] =	stream.linear.scatter [tilespmem:s6], [sflag:$0x2], $0x800, $0x38;
	[tilespmem:$0x880] =	vst v63  }
0x1b: {  	_ =	swait.ge [sflag:s4], $0x800  }
0x1c: {  	s9 =	sadd.s32 $0xFFFFFFFF, s9;
	[sflag:s4] =	ssyncset.done $0x0  }
.LBB2_1:
0x1d: {  	p0 =	sne.s32 s9, $0x1;
	s9 =	sadd.s32 $0xFFFFFFFF, s9;
	[sflag:s4] =	ssyncadd.s32 $0xFFFFF800  }
0x1e: {  	[tilespmem:s3], [sflag:$0x2] =	stream.linear.gather [hbm4b:s5+s3], $0x8, $0x38;
	[tilespmem:$0x880] =	vst v63  }
0x1f: {  	_ =	swait.ge [sflag:s4], $0x8  }
0x20: {  	[sflag:s4] =	ssyncset.done $0x0  }
0x21: {  	[sflag:s4] =	ssyncadd.s32 $0xFFFFFFF8  }
0x22: {  	v2 =	vld.msk [tilespmem:$0x0], $0xff;
	_ =	sdelay $0x4  }
0x23: {  	v3 =	vshll.u32 v2, $0x1  }
0x24: {  	v2 =	vand.u32 $0x7, v2;
	v3 =	vand.u32 $0xFFFFFFF0, v3  }
0x25: {  	v2 =	vor.u32 v2, v3  }
0x26: {  	v2 =	vperm.xlane v2, v0;
	_ =	sdelay $0x1  }
0x27: {  	v2 =	vadd.s32 v1, v2;
	_ =	sdelay $0x4  }
0x28: {  	[tilespmem:s6], [sflag:$0x1] =	stream.indirect_vreg.gather [hbm4b:s2+s3], $0x80, v2, vm0, $0xb8;
	[tilespmem:$0x880] =	vst v63  }
0x29: {  	_ =	swait.ge [sflag:s7], $0x800  }
.Ltmp1:
0x2a: {  	[sflag:s7] =	ssyncset.done $0x0;
	(pc) =	sbr.rel @p0 .LBB2_1-.Ltmp1, $4  }
0x2b: {  	[sflag:s7] =	ssyncadd.s32 $0xFFFFF800  }
0x2c: {  	[hbm4b:s8+s3] =	stream.linear.scatter [tilespmem:s6], [sflag:$0x2], $0x800, $0x38;
	[tilespmem:$0x880] =	vst v63  }
0x2d: {  	_ =	swait.ge [sflag:s4], $0x800  }
0x2e: {  	[sflag:s4] =	ssyncset.done $0x0  }
.LBB2_2:
0x2f: {  	[sflag:s4] =	ssyncadd.s32 $0xFFFFF800  }
0x30: {  	_ =	sfence.sel $0x180000  }
0x31: {  	[bflag:$0x0] =	sbarrier.arrive $0xFFFF  }
0x32: {  	p0 =	sne.s32 s0, $0x0;
	_ =	strace $0x90000050  }
0x33: {  	s0 =	sadd.s32 @!p0 $0x100000, s1;
	[bflag:$0x2] =	sbarrier.arrive $0xFFFF  }
0x34: {  	[sflag:s0] =	ssyncadd.tile.s32 @!p0 $0x1;
	_ =	shalt  }
.Lfunc_end2:
_tile_overlayer_lowered:
.L_overlay_start_2:
0x35: {  	(tag) =	ssettag $0x2  }
0x36: {  	s0 =	rddreg [dreg:$0x0];
	s2 =	stileid.u32  }
0x37: {  	s1 =	rddreg [dreg:$0x1];
	p0 =	sne.s32 s2, $0x0  }
0x38: {  	s3 =	rddreg [dreg:$0x2];
	[bflag:$0x3] =	sbarrier.arrive $0xFFFF;
	s2 =	simm.s32 @!p0 $0x1C02  }
0x39: {  	[timem:s3], [sflag:s2] =	dma.local @!p0 [hbm:s0], s1  }
0x3a: {  	s0 =	simm.s32 @!p0 $0x2  }
0x3b: {  	_ =	swait.ge @!p0 [sflag:s0], s1  }
0x3c: {  	s1 =	ssub.s32 @!p0 $0x0, s1;
	[sflag:s0] =	ssyncset.done @!p0 $0x0  }
0x3d: {  	[sflag:s0] =	ssyncadd.s32 @!p0 s1  }
0x3e: {  	[bflag:$0x3] =	sbarrier.arrive $0xFFFF  }
0x3f: {  	_ =	shalt  }

// kernel: kernel.36.cloned.1.call-start
scs
__scs_entry_jumppad:
0x0: {  	(pc) =	sbr.rel $0x88, $3  }
0x1: {  	(tag) =	ssettag $0x0;
	lr =	simm.s32 $0x1  }
0x2: {  	[smem:$0x3F9D] =	sst lr;
	_ =	strace $0xD0000000  }
0x3: {  	_ = 	snop  }
0x4: {  	_ = 	snop  }
0x5: {  	_ = 	snop  }
0x6: {  	_ = 	snop  }
0x7: {  	_ = 	snop  }
__scs_overlays_trampoline_lowered:
0x8: {  	[smem:$0x3FAC] =	sst s0  }
0x9: {  	[smem:$0x3FAD] =	sst s1  }
0xa: {  	[smem:$0x3FAE] =	sst s2  }
0xb: {  	[smem:$0x3FAF] =	sst s3  }
0xc: {  	[smem:$0x3FB0] =	sst s4  }
0xd: {  	[smem:$0x3FB1] =	sst s5  }
0xe: {  	[smem:$0x3FB2] =	sst s6  }
0xf: {  	[smem:$0x3FB3] =	sst s7  }
0x10: {  	[smem:$0x3FB4] =	sst s8  }
0x11: {  	[smem:$0x3FB5] =	sst s9;
	s0 =	simm.s32 @!p0 $0x0  }
0x12: {  	s1 =	sld [smem:$0x3F9B];
	s0 =	simm.s32 @p0 $0x1  }
0x13: {  	[smem:$0x3FB6] =	sst s0;
	s0 =	simm.s32 @!p1 $0x0  }
0x14: {  	s2 =	sld [smem:$0x3F9A];
	s0 =	simm.s32 @p1 $0x1  }
0x15: {  	[smem:$0x3FB7] =	sst s0;
	s0 =	simm.s32 @!p2 $0x0  }
0x16: {  	s3 =	sld [smem:$0x3FDB];
	s0 =	simm.s32 @p2 $0x1  }
0x17: {  	s4 =	simm.s32 $0x1BF5;
	[smem:$0x3FB9] =	sst s0  }
0x18: {  	s0 =	sld [smem:$0x3F9C];
	_ =	swait.ge [sflag:s4], $0x0  }
0x19: {  	s7 =	sld [smem:$0x3F9D]  }
0x1a: {  	s8 =	sadd.s32 $0xFFFFE003, lr  }
0x1b: {  	s9 =	sadd.s32 $0xFFFFFEF7, lr;
	s5 =	simm.s32 $0xFFFFFFFF;
	p2 =	slt.u32 s8, $0xFFFFF086  }
0x1c: {  	p1 =	slt.u32 s9, $0xF7A;
	s5 =	simm.s32 @!p2 $0x0  }
0x1d: {  	s5 =	simm.s32 @p1 $0x1;
	p0 =	seq.s32 s7, s2  }
0x1e: {  	s7 =	smul.u32 @!p0 $0xF7A, s2;
	p2 =	seq.s32 @!p0 s5, $0x0  }
0x1f: {  	s9 =	smul.u32 $0xF7A, s1;
	s8 =	simm.s32 @!p0 $0x1BF5;
	p2 =	por !p2, p0  }
0x20: {  	[sflag:s8] =	ssyncset.s32 @!p0 $0xFFFFF086;
	s6 =	sadd.s32 @!p0 s3, s7;
	s7 =	simm.s32 @!p0 $0x108  }
0x21: {  	s3 =	sadd.s32 s3, s9;
	s6 =	sadd.s32 @!p0 $0x88, s6;
	s7 =	simm.s32 @p2 $0x1082  }
0x22: {  	[simem:s7], [sflag:s8] =	dma.local @!p0 [hbm:s6], $0xF7A  }
0x23: {  	s9 =	sor.u32 $0xD0000000, s2;
	s6 =	simm.s32 $0x108;
	_ =	swait.ge @!p0 [sflag:s8], $0x0  }
0x24: {  	s3 =	sadd.s32 $0x88, s3;
	s6 =	simm.s32 @!p1 $0x1082;
	[sflag:s4] =	ssyncset.s32 $0xFFFFF086  }
0x25: {  	[simem:s6], [sflag:s4] =	dma.local [hbm:s3], $0xF7A  }
0x26: {  	[smem:$0x3F9D] =	sst s1;
	(tag) =	ssettag s2;
	_ =	strace s9  }
0x27: {  	s1 =	sld [smem:$0x3FAD]  }
0x28: {  	s2 =	sld [smem:$0x3FAE]  }
0x29: {  	s4 =	sld [smem:$0x3FB0]  }
0x2a: {  	p0 =	seq.s32 s5, $0x0;
	s5 =	sld [smem:$0x3FB1]  }
0x2b: {  	s6 =	sld [smem:$0x3FB2]  }
0x2c: {  	s7 =	sld [smem:$0x3FB3]  }
0x2d: {  	s3 =	simm.s32 $0x108;
	s8 =	sld [smem:$0x3FB4]  }
0x2e: {  	s3 =	simm.s32 @!p0 $0x1082;
	s9 =	sld [smem:$0x3FB5]  }
0x2f: {  	lr =	sadd.s32 s0, s3;
	s0 =	sld [smem:$0x3FAC]  }
0x30: {  	s3 =	sld [smem:$0x3FAF]  }
0x31: {  	[smem:$0x3FB8] =	sst s10  }
0x32: {  	s10 =	sld [smem:$0x3FB6];
	_ =	sdelay $0x3  }
0x33: {  	p0 =	seq.s32 s10, $0x1;
	s10 =	sld [smem:$0x3FB8];
	_ =	sdelay $0x3  }
0x34: {  	[smem:$0x3FB8] =	sst s10  }
0x35: {  	s10 =	sld [smem:$0x3FB7];
	_ =	sdelay $0x3  }
0x36: {  	p1 =	seq.s32 s10, $0x1;
	s10 =	sld [smem:$0x3FB8];
	_ =	sdelay $0x3  }
0x37: {  	[smem:$0x3FB8] =	sst s10  }
0x38: {  	s10 =	sld [smem:$0x3FB9]  }
0x39: {  	_ = 	snop;
	(pc) =	sbr.ind lr, $3  }
0x3a: {  	_ = 	snop  }
0x3b: {  	_ = 	snop  }
0x3c: {  	p2 =	seq.s32 s10, $0x1;
	s10 =	sld [smem:$0x3FB8]  }
0x3d: {  	_ =	shalt  }
0x3e: {  	_ =	shalt  }
0x3f: {  	_ =	shalt  }
0x40: {  	_ =	shalt  }
0x41: {  	_ =	shalt  }
0x42: {  	_ =	shalt  }
0x43: {  	_ =	shalt  }
0x44: {  	_ =	shalt  }
0x45: {  	_ =	shalt  }
0x46: {  	_ =	shalt  }
0x47: {  	_ =	shalt  }
0x48: {  	_ =	shalt  }
0x49: {  	_ =	shalt  }
0x4a: {  	_ =	shalt  }
0x4b: {  	_ =	shalt  }
0x4c: {  	_ =	shalt  }
0x4d: {  	_ =	shalt  }
0x4e: {  	_ =	shalt  }
0x4f: {  	_ =	shalt  }
0x50: {  	_ =	shalt  }
0x51: {  	_ =	shalt  }
0x52: {  	_ =	shalt  }
0x53: {  	_ =	shalt  }
0x54: {  	_ =	shalt  }
0x55: {  	_ =	shalt  }
0x56: {  	_ =	shalt  }
0x57: {  	_ =	shalt  }
0x58: {  	_ =	shalt  }
0x59: {  	_ =	shalt  }
0x5a: {  	_ =	shalt  }
0x5b: {  	_ =	shalt  }
0x5c: {  	_ =	shalt  }
0x5d: {  	_ =	shalt  }
0x5e: {  	_ =	shalt  }
0x5f: {  	_ =	shalt  }
0x60: {  	_ =	shalt  }
0x61: {  	_ =	shalt  }
0x62: {  	_ =	shalt  }
0x63: {  	_ =	shalt  }
0x64: {  	_ =	shalt  }
0x65: {  	_ =	shalt  }
0x66: {  	_ =	shalt  }
0x67: {  	_ =	shalt  }
0x68: {  	_ =	shalt  }
0x69: {  	_ =	shalt  }
0x6a: {  	_ =	shalt  }
0x6b: {  	_ =	shalt  }
0x6c: {  	_ =	shalt  }
0x6d: {  	_ =	shalt  }
0x6e: {  	_ =	shalt  }
0x6f: {  	_ =	shalt  }
0x70: {  	_ =	shalt  }
0x71: {  	_ =	shalt  }
0x72: {  	_ =	shalt  }
0x73: {  	_ =	shalt  }
0x74: {  	_ =	shalt  }
0x75: {  	_ =	shalt  }
0x76: {  	_ =	shalt  }
0x77: {  	_ =	shalt  }
0x78: {  	_ =	shalt  }
0x79: {  	_ =	shalt  }
0x7a: {  	_ =	shalt  }
0x7b: {  	_ =	shalt  }
0x7c: {  	_ =	shalt  }
0x7d: {  	_ =	shalt  }
0x7e: {  	_ =	shalt  }
0x7f: {  	_ =	shalt  }
0x80: {  	_ =	shalt  }
0x81: {  	_ =	shalt  }
0x82: {  	_ =	shalt  }
0x83: {  	_ =	shalt  }
0x84: {  	_ =	shalt  }
0x85: {  	_ =	shalt  }
0x86: {  	_ =	shalt  }
0x87: {  	_ =	shalt  }
.Lfunc_end0:
.L_simem_size_0:
called_computation.4_lowered:
.L_overlay_start_0:
0x88: {  	s2 =	sld [smem:$0x3FD9]  }
0x89: {  	s3 =	sld [smem:$0x3FFE];
	_ =	sdelay $0x1  }
0x8a: {  	s1 =	srdreg.scid  }
0x8b: {  	s0 =	sand.u32 $0x1, s1  }
0x8c: {  	s14 =	sshll.u32 s0, $0xA;
	s2 =	sadd.s32 s3, s2  }
0x8d: {  	s2 =	sadd.s32 s2, s14  }
0x8e: {  	[smem:$0x3FC4] =	sst s2  }
0x8f: {  	_ = 	snop  }
0x90: {  	s2 =	sld [smem:$0x3FD0];
	_ =	sdelay $0x2  }
0x91: {  	s15 =	simm.s32 $0xA;
	s4 =	simm.s32 $0x10  }
0x92: {  	[smem:s4], [sflag:s15] =	dma.local [hbm:s2], $0x1  }
0x93: {  	_ =	swait.eq [sflag:s15], $0x1  }
0x94: {  	[sflag:s15] =	ssyncset.done $0x0  }
0x95: {  	[sflag:s15] =	ssyncadd.s32 $0xFFFFFFFF  }
0x96: {  	s16 =	sld [smem:$0x10];
	(tm) =	ssettm $0x1  }
0x97: {  	s17 =	sld [smem:$0x3FFB];
	_ =	sdelay $0x3  }
0x98: {  	_ =	strace s17  }
0x99: {  	s3 =	sld [smem:$0x3FFC];
	_ =	sdelay $0x3  }
0x9a: {  	_ =	strace s3  }
0x9b: {  	s3 =	sld [smem:$0x3FFD];
	_ =	sdelay $0x3  }
0x9c: {  	_ =	strace s3  }
0x9d: {  	_ =	strace $0x8FFFFFFF  }
0x9e: {  	s18 =	sld [smem:$0x3FDB];
	_ =	sdelay $0x1  }
0x9f: {  	s19 =	simm.s32 $_scs_section_size  }
0xa0: {  	s5 =	simm.s32 $_size__tile_overlayer_lowered;
	s6 =	simm.s32 $_tile_overlayer_lowered  }
0xa1: {  	s22 =	simm.s32 $0x1BFF;
	s21 =	sshll.u32 s6, $0x1;
	s3 =	sadd.s32 s19, s18  }
0xa2: {  	s7 =	simm.s32 $0x0;
	s20 =	sshll.u32 s5, $0x1;
	s5 =	sadd.s32 s21, s3  }
0xa3: {  	[timem:s7], [sflag:s22] =	dma.local [hbm:s5], s20  }
0xa4: {  	_ =	swait.ge [sflag:s22], s20  }
0xa5: {  	s4 =	ssub.s32 $0x0, s20;
	[sflag:s22] =	ssyncset.done $0x0  }
0xa6: {  	[sflag:s22] =	ssyncadd.s32 s4;
	_ =	sdelay $0x1  }
0xa7: {  	s23 =	simm.s32 $0x1B8B  }
0xa8: {  	_ =	swait.ge [sflag:s23], $0x1  }
0xa9: {  	[sflag:s23] =	ssyncset.done $0x0  }
0xaa: {  	s25 =	simm.s32 $0x1B8E;
	s24 =	sld [smem:$0x3FFE];
	[sflag:s23] =	ssyncadd.s32 $0xFFFFFFFF  }
0xab: {  	s26 =	simm.s32 $execute0_lowered;
	[smem:$0x3FD2] =	sst s25  }
0xac: {  	s5 =	sshll.u32 s26, $0x1;
	_ =	strace $0x80000052;
	[dreg:$0x1] =	wrdreg $0xFFFFFFFF  }
0xad: {  	s28 =	simm.s32 $_size_execute0_lowered;
	s3 =	sadd.s32 s3, s5;
	[dreg:$0x0] =	wrdreg $0x0  }
0xae: {  	s5 =	sshll.u32 s28, $0x1;
	[dreg:$0x2] =	wrdreg s3  }
0xaf: {  	[dreg:$0x3] =	wrdreg s5  }
0xb0: {  	[dreg:$0x4] =	wrdreg $0xC0  }
0xb1: {  	_ =	task [dreg:s7], $0x5FFFF  }
0xb2: {  	[dreg:$0x1] =	wrdreg $0xFFFFFFFF  }
0xb3: {  	[dreg:$0x0] =	wrdreg $0x60  }
0xb4: {  	[dreg:$0x2] =	wrdreg s16  }
0xb5: {  	[dreg:$0x3] =	wrdreg s24  }
0xb6: {  	[dreg:$0x4] =	wrdreg $0x9  }
0xb7: {  	_ =	task.clear_ibuf [dreg:s7], $0x5FFFF;
	_ =	strace $0x90000052  }
0xb8: {  	s29 =	simm.s32 $0x9;
	_ =	strace $0x80000054  }
0xb9: {  	_ =	swait.ge [sflag:s29], $0x1  }
0xba: {  	[sflag:s29] =	ssyncadd.s32 $0xFFFFFFFF  }
0xbb: {  	_ =	strace $0x90000054  }
0xbc: {  	_ =	sfence  }
0xbd: {  	s30 =	sld [smem:$0x0];
	_ =	sdelay $0x2  }
0xbe: {  	s31 =	sshll.u32 s1, $0xD;
	s1 =	sshrl.u32 s1, $0x2  }
0xbf: {  	s3 =	sand.u32 $0x4000, s31;
	s1 =	sadd.s32 s1, s30  }
0xc0: {  	s0 =	sor.u32 s3, s0;
	s1 =	sshll.u32 s1, $0x11  }
0xc1: {  	s0 =	sor.u32 s1, s0  }
0xc2: {  	s0 =	sadd.s32 $0x8F2B, s0  }
0xc3: {  	[sflag:s0] =	ssyncadd.remote.s32 $0x1  }
0xc4: {  	_ =	sfence.sel $0xFFFF  }
0xc5: {  	[dreg:$0x0] =	wrdreg $0xFFFFFFFF;
	(pc) =	sbr.abs _section_cstart, $3  }
0xc6: {  	[dreg:$0x1] =	wrdreg $0xFFFFFFFF  }
0xc7: {  	_ =	task.clear_ibuf [dreg:s7], $0x2FFFF;
	_ =	strace $0x9FFFFFFF  }
0xc8: {  	(tm) =	ssettm $0x7FFFFFFF  }
0xc9: {  	_ =	shalt  }
tec
execute0_lowered:
.L_overlay_start_1:
0x0: {  	(tag) =	ssettag $0x1  }
0x1: {  	s1 =	srdreg.scid  }
0x2: {  	s0 =	stileid.u32;
	s6 =	sand.u32 $0x1, s1  }
0x3: {  	s2 =	rddreg [dreg:$0x0];
	s30 =	sshll.u32 s0, $0x4;
	s3 =	sshll.u32 s6, $0x3  }
0x4: {  	s8 =	rddreg [dreg:$0x1];
	s9 =	sor.u32 s3, s30  }
0x5: {  	s1 =	rddreg [dreg:$0x2];
	s3 =	simm.s32 $0x0;
	s4 =	sshrl.u32 s9, $0x3  }
0x6: {  	[smem:$0x7FF] =	sst s3;
	s4 =	sadd.s32 s4, s8  }
0x7: {  	_ =	strace $0x80000053;
	s5 =	sadd.s32 $0x42000, s4;
	s4 =	simm.s32 $0x2  }
0x8: {  	[tilespmem:s3], [sflag:$0x2] =	stream.linear.gather [hbm4b:s5+s3], $0x8, $0x38;
	[tilespmem:$0x880] =	vst v63  }
0x9: {  	_ =	swait.ge [sflag:s4], $0x8  }
0xa: {  	[sflag:s4] =	ssyncset.done $0x0  }
0xb: {  	[sflag:s4] =	ssyncadd.s32 $0xFFFFFFF8  }
0xc: {  	v0 =	vld.msk [tilespmem:$0x0], $0xff;
	_ =	sdelay $0x4  }
0xd: {  	v1 =	vshll.u32 v0, $0x1  }
0xe: {  	v2 =	vlaneseq.u32;
	v3 =	vand.u32 $0x7, v0;
	v1 =	vand.u32 $0xFFFFFFF0, v1  }
0xf: {  	v0 =	vand.u32 $0x7, v2;
	v2 =	vshrl.u32 v2, $0x3;
	v3 =	vor.u32 v3, v1  }
0x10: {  	v1 =	vmul.u32 $0x8, v2;
	v2 =	vperm.xlane v3, v0;
	_ =	sdelay $0x1  }
0x11: {  	v2 =	vadd.s32 v1, v2  }
0x12: {  	s10 =	ssub.s32 $0x2, s6  }
0x13: {  	s11 =	sshrl.u32 s10, $0x1  }
0x14: {  	s7 =	simm.s32 $0x1;
	s9 =	sshll.u32 s9, $0x5;
	s31 =	ssub.s32 s10, s11  }
0x15: {  	vm0 =	vmmov $0xffff;
	s6 =	simm.s32 $0x80;
	s8 =	sadd.s32 s9, s8;
	s9 =	smax.u32 s31, $0x1  }
0x16: {  	[tilespmem:s6], [sflag:$0x1] =	stream.indirect_vreg.gather [hbm4b:s2+s3], $0x80, v2, vm0, $0xb8;
	[tilespmem:$0x880] =	vst v63  }
0x17: {  	p0 =	sne.s32 s9, $0x1;
	_ =	swait.ge [sflag:s7], $0x800  }
.Ltmp0:
0x18: {  	[sflag:s7] =	ssyncset.done $0x0;
	(pc) =	sbr.rel @!p0 .LBB2_2-.Ltmp0, $4  }
0x19: {  	s8 =	sadd.s32 $0x144800, s8;
	[sflag:s7] =	ssyncadd.s32 $0xFFFFF800  }
0x1a: {  	[hbm4b:s8+s3] =	stream.linear.scatter [tilespmem:s6], [sflag:$0x2], $0x800, $0x38;
	[tilespmem:$0x880] =	vst v63  }
0x1b: {  	_ =	swait.ge [sflag:s4], $0x800  }
0x1c: {  	s9 =	sadd.s32 $0xFFFFFFFF, s9;
	[sflag:s4] =	ssyncset.done $0x0  }
.LBB2_1:
0x1d: {  	p0 =	sne.s32 s9, $0x1;
	s9 =	sadd.s32 $0xFFFFFFFF, s9;
	[sflag:s4] =	ssyncadd.s32 $0xFFFFF800  }
0x1e: {  	[tilespmem:s3], [sflag:$0x2] =	stream.linear.gather [hbm4b:s5+s3], $0x8, $0x38;
	[tilespmem:$0x880] =	vst v63  }
0x1f: {  	_ =	swait.ge [sflag:s4], $0x8  }
0x20: {  	[sflag:s4] =	ssyncset.done $0x0  }
0x21: {  	[sflag:s4] =	ssyncadd.s32 $0xFFFFFFF8  }
0x22: {  	v2 =	vld.msk [tilespmem:$0x0], $0xff;
	_ =	sdelay $0x4  }
0x23: {  	v3 =	vshll.u32 v2, $0x1  }
0x24: {  	v2 =	vand.u32 $0x7, v2;
	v3 =	vand.u32 $0xFFFFFFF0, v3  }
0x25: {  	v2 =	vor.u32 v2, v3  }
0x26: {  	v2 =	vperm.xlane v2, v0;
	_ =	sdelay $0x1  }
0x27: {  	v2 =	vadd.s32 v1, v2;
	_ =	sdelay $0x4  }
0x28: {  	[tilespmem:s6], [sflag:$0x1] =	stream.indirect_vreg.gather [hbm4b:s2+s3], $0x80, v2, vm0, $0xb8;
	[tilespmem:$0x880] =	vst v63  }
0x29: {  	_ =	swait.ge [sflag:s7], $0x800  }
.Ltmp1:
0x2a: {  	[sflag:s7] =	ssyncset.done $0x0;
	(pc) =	sbr.rel @p0 .LBB2_1-.Ltmp1, $4  }
0x2b: {  	[sflag:s7] =	ssyncadd.s32 $0xFFFFF800  }
0x2c: {  	[hbm4b:s8+s3] =	stream.linear.scatter [tilespmem:s6], [sflag:$0x2], $0x800, $0x38;
	[tilespmem:$0x880] =	vst v63  }
0x2d: {  	_ =	swait.ge [sflag:s4], $0x800  }
0x2e: {  	[sflag:s4] =	ssyncset.done $0x0  }
.LBB2_2:
0x2f: {  	[sflag:s4] =	ssyncadd.s32 $0xFFFFF800  }
0x30: {  	_ =	sfence.sel $0x180000  }
0x31: {  	[bflag:$0x0] =	sbarrier.arrive $0xFFFF  }
0x32: {  	p0 =	sne.s32 s0, $0x0;
	_ =	strace $0x90000053  }
0x33: {  	s0 =	sadd.s32 @!p0 $0x100000, s1;
	[bflag:$0x2] =	sbarrier.arrive $0xFFFF  }
0x34: {  	[sflag:s0] =	ssyncadd.tile.s32 @!p0 $0x1;
	_ =	shalt  }
.Lfunc_end2:
_tile_overlayer_lowered:
.L_overlay_start_2:
0x35: {  	(tag) =	ssettag $0x2  }
0x36: {  	s0 =	rddreg [dreg:$0x0];
	s2 =	stileid.u32  }
0x37: {  	s1 =	rddreg [dreg:$0x1];
	p0 =	sne.s32 s2, $0x0  }
0x38: {  	s3 =	rddreg [dreg:$0x2];
	[bflag:$0x3] =	sbarrier.arrive $0xFFFF;
	s2 =	simm.s32 @!p0 $0x1C02  }
0x39: {  	[timem:s3], [sflag:s2] =	dma.local @!p0 [hbm:s0], s1  }
0x3a: {  	s0 =	simm.s32 @!p0 $0x2  }
0x3b: {  	_ =	swait.ge @!p0 [sflag:s0], s1  }
0x3c: {  	s1 =	ssub.s32 @!p0 $0x0, s1;
	[sflag:s0] =	ssyncset.done @!p0 $0x0  }
0x3d: {  	[sflag:s0] =	ssyncadd.s32 @!p0 s1  }
0x3e: {  	[bflag:$0x3] =	sbarrier.arrive $0xFFFF  }
0x3f: {  	_ =	shalt  }

// kernel: kernel.39.cloned.1.call-start
scs
__scs_entry_jumppad:
0x0: {  	(pc) =	sbr.rel $0x88, $3  }
0x1: {  	(tag) =	ssettag $0x0;
	lr =	simm.s32 $0x1  }
0x2: {  	[smem:$0x3F9D] =	sst lr;
	_ =	strace $0xD0000000  }
0x3: {  	_ = 	snop  }
0x4: {  	_ = 	snop  }
0x5: {  	_ = 	snop  }
0x6: {  	_ = 	snop  }
0x7: {  	_ = 	snop  }
__scs_overlays_trampoline_lowered:
0x8: {  	[smem:$0x3FAC] =	sst s0  }
0x9: {  	[smem:$0x3FAD] =	sst s1  }
0xa: {  	[smem:$0x3FAE] =	sst s2  }
0xb: {  	[smem:$0x3FAF] =	sst s3  }
0xc: {  	[smem:$0x3FB0] =	sst s4  }
0xd: {  	[smem:$0x3FB1] =	sst s5  }
0xe: {  	[smem:$0x3FB2] =	sst s6  }
0xf: {  	[smem:$0x3FB3] =	sst s7  }
0x10: {  	[smem:$0x3FB4] =	sst s8  }
0x11: {  	[smem:$0x3FB5] =	sst s9;
	s0 =	simm.s32 @!p0 $0x0  }
0x12: {  	s1 =	sld [smem:$0x3F9B];
	s0 =	simm.s32 @p0 $0x1  }
0x13: {  	[smem:$0x3FB6] =	sst s0;
	s0 =	simm.s32 @!p1 $0x0  }
0x14: {  	s2 =	sld [smem:$0x3F9A];
	s0 =	simm.s32 @p1 $0x1  }
0x15: {  	[smem:$0x3FB7] =	sst s0;
	s0 =	simm.s32 @!p2 $0x0  }
0x16: {  	s3 =	sld [smem:$0x3FDB];
	s0 =	simm.s32 @p2 $0x1  }
0x17: {  	s4 =	simm.s32 $0x1BF5;
	[smem:$0x3FB9] =	sst s0  }
0x18: {  	s0 =	sld [smem:$0x3F9C];
	_ =	swait.ge [sflag:s4], $0x0  }
0x19: {  	s7 =	sld [smem:$0x3F9D]  }
0x1a: {  	s8 =	sadd.s32 $0xFFFFE003, lr  }
0x1b: {  	s9 =	sadd.s32 $0xFFFFFEF7, lr;
	s5 =	simm.s32 $0xFFFFFFFF;
	p2 =	slt.u32 s8, $0xFFFFF086  }
0x1c: {  	p1 =	slt.u32 s9, $0xF7A;
	s5 =	simm.s32 @!p2 $0x0  }
0x1d: {  	s5 =	simm.s32 @p1 $0x1;
	p0 =	seq.s32 s7, s2  }
0x1e: {  	s7 =	smul.u32 @!p0 $0xF7A, s2;
	p2 =	seq.s32 @!p0 s5, $0x0  }
0x1f: {  	s9 =	smul.u32 $0xF7A, s1;
	s8 =	simm.s32 @!p0 $0x1BF5;
	p2 =	por !p2, p0  }
0x20: {  	[sflag:s8] =	ssyncset.s32 @!p0 $0xFFFFF086;
	s6 =	sadd.s32 @!p0 s3, s7;
	s7 =	simm.s32 @!p0 $0x108  }
0x21: {  	s3 =	sadd.s32 s3, s9;
	s6 =	sadd.s32 @!p0 $0x88, s6;
	s7 =	simm.s32 @p2 $0x1082  }
0x22: {  	[simem:s7], [sflag:s8] =	dma.local @!p0 [hbm:s6], $0xF7A  }
0x23: {  	s9 =	sor.u32 $0xD0000000, s2;
	s6 =	simm.s32 $0x108;
	_ =	swait.ge @!p0 [sflag:s8], $0x0  }
0x24: {  	s3 =	sadd.s32 $0x88, s3;
	s6 =	simm.s32 @!p1 $0x1082;
	[sflag:s4] =	ssyncset.s32 $0xFFFFF086  }
0x25: {  	[simem:s6], [sflag:s4] =	dma.local [hbm:s3], $0xF7A  }
0x26: {  	[smem:$0x3F9D] =	sst s1;
	(tag) =	ssettag s2;
	_ =	strace s9  }
0x27: {  	s1 =	sld [smem:$0x3FAD]  }
0x28: {  	s2 =	sld [smem:$0x3FAE]  }
0x29: {  	s4 =	sld [smem:$0x3FB0]  }
0x2a: {  	p0 =	seq.s32 s5, $0x0;
	s5 =	sld [smem:$0x3FB1]  }
0x2b: {  	s6 =	sld [smem:$0x3FB2]  }
0x2c: {  	s7 =	sld [smem:$0x3FB3]  }
0x2d: {  	s3 =	simm.s32 $0x108;
	s8 =	sld [smem:$0x3FB4]  }
0x2e: {  	s3 =	simm.s32 @!p0 $0x1082;
	s9 =	sld [smem:$0x3FB5]  }
0x2f: {  	lr =	sadd.s32 s0, s3;
	s0 =	sld [smem:$0x3FAC]  }
0x30: {  	s3 =	sld [smem:$0x3FAF]  }
0x31: {  	[smem:$0x3FB8] =	sst s10  }
0x32: {  	s10 =	sld [smem:$0x3FB6];
	_ =	sdelay $0x3  }
0x33: {  	p0 =	seq.s32 s10, $0x1;
	s10 =	sld [smem:$0x3FB8];
	_ =	sdelay $0x3  }
0x34: {  	[smem:$0x3FB8] =	sst s10  }
0x35: {  	s10 =	sld [smem:$0x3FB7];
	_ =	sdelay $0x3  }
0x36: {  	p1 =	seq.s32 s10, $0x1;
	s10 =	sld [smem:$0x3FB8];
	_ =	sdelay $0x3  }
0x37: {  	[smem:$0x3FB8] =	sst s10  }
0x38: {  	s10 =	sld [smem:$0x3FB9]  }
0x39: {  	_ = 	snop;
	(pc) =	sbr.ind lr, $3  }
0x3a: {  	_ = 	snop  }
0x3b: {  	_ = 	snop  }
0x3c: {  	p2 =	seq.s32 s10, $0x1;
	s10 =	sld [smem:$0x3FB8]  }
0x3d: {  	_ =	shalt  }
0x3e: {  	_ =	shalt  }
0x3f: {  	_ =	shalt  }
0x40: {  	_ =	shalt  }
0x41: {  	_ =	shalt  }
0x42: {  	_ =	shalt  }
0x43: {  	_ =	shalt  }
0x44: {  	_ =	shalt  }
0x45: {  	_ =	shalt  }
0x46: {  	_ =	shalt  }
0x47: {  	_ =	shalt  }
0x48: {  	_ =	shalt  }
0x49: {  	_ =	shalt  }
0x4a: {  	_ =	shalt  }
0x4b: {  	_ =	shalt  }
0x4c: {  	_ =	shalt  }
0x4d: {  	_ =	shalt  }
0x4e: {  	_ =	shalt  }
0x4f: {  	_ =	shalt  }
0x50: {  	_ =	shalt  }
0x51: {  	_ =	shalt  }
0x52: {  	_ =	shalt  }
0x53: {  	_ =	shalt  }
0x54: {  	_ =	shalt  }
0x55: {  	_ =	shalt  }
0x56: {  	_ =	shalt  }
0x57: {  	_ =	shalt  }
0x58: {  	_ =	shalt  }
0x59: {  	_ =	shalt  }
0x5a: {  	_ =	shalt  }
0x5b: {  	_ =	shalt  }
0x5c: {  	_ =	shalt  }
0x5d: {  	_ =	shalt  }
0x5e: {  	_ =	shalt  }
0x5f: {  	_ =	shalt  }
0x60: {  	_ =	shalt  }
0x61: {  	_ =	shalt  }
0x62: {  	_ =	shalt  }
0x63: {  	_ =	shalt  }
0x64: {  	_ =	shalt  }
0x65: {  	_ =	shalt  }
0x66: {  	_ =	shalt  }
0x67: {  	_ =	shalt  }
0x68: {  	_ =	shalt  }
0x69: {  	_ =	shalt  }
0x6a: {  	_ =	shalt  }
0x6b: {  	_ =	shalt  }
0x6c: {  	_ =	shalt  }
0x6d: {  	_ =	shalt  }
0x6e: {  	_ =	shalt  }
0x6f: {  	_ =	shalt  }
0x70: {  	_ =	shalt  }
0x71: {  	_ =	shalt  }
0x72: {  	_ =	shalt  }
0x73: {  	_ =	shalt  }
0x74: {  	_ =	shalt  }
0x75: {  	_ =	shalt  }
0x76: {  	_ =	shalt  }
0x77: {  	_ =	shalt  }
0x78: {  	_ =	shalt  }
0x79: {  	_ =	shalt  }
0x7a: {  	_ =	shalt  }
0x7b: {  	_ =	shalt  }
0x7c: {  	_ =	shalt  }
0x7d: {  	_ =	shalt  }
0x7e: {  	_ =	shalt  }
0x7f: {  	_ =	shalt  }
0x80: {  	_ =	shalt  }
0x81: {  	_ =	shalt  }
0x82: {  	_ =	shalt  }
0x83: {  	_ =	shalt  }
0x84: {  	_ =	shalt  }
0x85: {  	_ =	shalt  }
0x86: {  	_ =	shalt  }
0x87: {  	_ =	shalt  }
.Lfunc_end0:
.L_simem_size_0:
called_computation.5_lowered:
.L_overlay_start_0:
0x88: {  	s2 =	sld [smem:$0x3FD9]  }
0x89: {  	s3 =	sld [smem:$0x3FFE];
	_ =	sdelay $0x1  }
0x8a: {  	s1 =	srdreg.scid  }
0x8b: {  	s0 =	sand.u32 $0x1, s1  }
0x8c: {  	s14 =	sshll.u32 s0, $0xA;
	s2 =	sadd.s32 s3, s2  }
0x8d: {  	s2 =	sadd.s32 s2, s14  }
0x8e: {  	[smem:$0x3FC4] =	sst s2  }
0x8f: {  	_ = 	snop  }
0x90: {  	s2 =	sld [smem:$0x3FD0];
	_ =	sdelay $0x2  }
0x91: {  	s15 =	simm.s32 $0xA;
	s4 =	simm.s32 $0x10  }
0x92: {  	[smem:s4], [sflag:s15] =	dma.local [hbm:s2], $0x1  }
0x93: {  	_ =	swait.eq [sflag:s15], $0x1  }
0x94: {  	[sflag:s15] =	ssyncset.done $0x0  }
0x95: {  	[sflag:s15] =	ssyncadd.s32 $0xFFFFFFFF  }
0x96: {  	s16 =	sld [smem:$0x10];
	(tm) =	ssettm $0x1  }
0x97: {  	s17 =	sld [smem:$0x3FFB];
	_ =	sdelay $0x3  }
0x98: {  	_ =	strace s17  }
0x99: {  	s3 =	sld [smem:$0x3FFC];
	_ =	sdelay $0x3  }
0x9a: {  	_ =	strace s3  }
0x9b: {  	s3 =	sld [smem:$0x3FFD];
	_ =	sdelay $0x3  }
0x9c: {  	_ =	strace s3  }
0x9d: {  	_ =	strace $0x8FFFFFFF  }
0x9e: {  	s18 =	sld [smem:$0x3FDB];
	_ =	sdelay $0x1  }
0x9f: {  	s19 =	simm.s32 $_scs_section_size  }
0xa0: {  	s5 =	simm.s32 $_size__tile_overlayer_lowered;
	s6 =	simm.s32 $_tile_overlayer_lowered  }
0xa1: {  	s22 =	simm.s32 $0x1BFF;
	s21 =	sshll.u32 s6, $0x1;
	s3 =	sadd.s32 s19, s18  }
0xa2: {  	s7 =	simm.s32 $0x0;
	s20 =	sshll.u32 s5, $0x1;
	s5 =	sadd.s32 s21, s3  }
0xa3: {  	[timem:s7], [sflag:s22] =	dma.local [hbm:s5], s20  }
0xa4: {  	_ =	swait.ge [sflag:s22], s20  }
0xa5: {  	s4 =	ssub.s32 $0x0, s20;
	[sflag:s22] =	ssyncset.done $0x0  }
0xa6: {  	[sflag:s22] =	ssyncadd.s32 s4;
	_ =	sdelay $0x1  }
0xa7: {  	s23 =	simm.s32 $0x1B8B  }
0xa8: {  	_ =	swait.ge [sflag:s23], $0x1  }
0xa9: {  	[sflag:s23] =	ssyncset.done $0x0  }
0xaa: {  	s25 =	simm.s32 $0x1B8E;
	s24 =	sld [smem:$0x3FFE];
	[sflag:s23] =	ssyncadd.s32 $0xFFFFFFFF  }
0xab: {  	s26 =	simm.s32 $execute0_lowered;
	[smem:$0x3FD2] =	sst s25  }
0xac: {  	s5 =	sshll.u32 s26, $0x1;
	_ =	strace $0x80000055;
	[dreg:$0x1] =	wrdreg $0xFFFFFFFF  }
0xad: {  	s28 =	simm.s32 $_size_execute0_lowered;
	s3 =	sadd.s32 s3, s5;
	[dreg:$0x0] =	wrdreg $0x0  }
0xae: {  	s5 =	sshll.u32 s28, $0x1;
	[dreg:$0x2] =	wrdreg s3  }
0xaf: {  	[dreg:$0x3] =	wrdreg s5  }
0xb0: {  	[dreg:$0x4] =	wrdreg $0xC0  }
0xb1: {  	_ =	task [dreg:s7], $0x5FFFF  }
0xb2: {  	[dreg:$0x1] =	wrdreg $0xFFFFFFFF  }
0xb3: {  	[dreg:$0x0] =	wrdreg $0x60  }
0xb4: {  	[dreg:$0x2] =	wrdreg s16  }
0xb5: {  	[dreg:$0x3] =	wrdreg s24  }
0xb6: {  	[dreg:$0x4] =	wrdreg $0x9  }
0xb7: {  	_ =	task.clear_ibuf [dreg:s7], $0x5FFFF;
	_ =	strace $0x90000055  }
0xb8: {  	s29 =	simm.s32 $0x9;
	_ =	strace $0x80000057  }
0xb9: {  	_ =	swait.ge [sflag:s29], $0x1  }
0xba: {  	[sflag:s29] =	ssyncadd.s32 $0xFFFFFFFF  }
0xbb: {  	_ =	strace $0x90000057  }
0xbc: {  	_ =	sfence  }
0xbd: {  	s30 =	sld [smem:$0x0];
	_ =	sdelay $0x2  }
0xbe: {  	s31 =	sshll.u32 s1, $0xD;
	s1 =	sshrl.u32 s1, $0x2  }
0xbf: {  	s3 =	sand.u32 $0x4000, s31;
	s1 =	sadd.s32 s1, s30  }
0xc0: {  	s0 =	sor.u32 s3, s0;
	s1 =	sshll.u32 s1, $0x11  }
0xc1: {  	s0 =	sor.u32 s1, s0  }
0xc2: {  	s0 =	sadd.s32 $0x8F2B, s0  }
0xc3: {  	[sflag:s0] =	ssyncadd.remote.s32 $0x1  }
0xc4: {  	_ =	sfence.sel $0xFFFF  }
0xc5: {  	[dreg:$0x0] =	wrdreg $0xFFFFFFFF;
	(pc) =	sbr.abs _section_cstart, $3  }
0xc6: {  	[dreg:$0x1] =	wrdreg $0xFFFFFFFF  }
0xc7: {  	_ =	task.clear_ibuf [dreg:s7], $0x2FFFF;
	_ =	strace $0x9FFFFFFF  }
0xc8: {  	(tm) =	ssettm $0x7FFFFFFF  }
0xc9: {  	_ =	shalt  }
tec
execute0_lowered:
.L_overlay_start_1:
0x0: {  	(tag) =	ssettag $0x1  }
0x1: {  	s1 =	srdreg.scid  }
0x2: {  	s0 =	stileid.u32;
	s6 =	sand.u32 $0x1, s1  }
0x3: {  	s2 =	rddreg [dreg:$0x0];
	s30 =	sshll.u32 s0, $0x4;
	s3 =	sshll.u32 s6, $0x3  }
0x4: {  	s8 =	rddreg [dreg:$0x1];
	s9 =	sor.u32 s3, s30  }
0x5: {  	s1 =	rddreg [dreg:$0x2];
	s3 =	simm.s32 $0x0;
	s4 =	sshrl.u32 s9, $0x3  }
0x6: {  	[smem:$0x7FF] =	sst s3;
	s4 =	sadd.s32 s4, s8  }
0x7: {  	_ =	strace $0x80000056;
	s5 =	sadd.s32 $0x42000, s4;
	s4 =	simm.s32 $0x2  }
0x8: {  	[tilespmem:s3], [sflag:$0x2] =	stream.linear.gather [hbm4b:s5+s3], $0x8, $0x38;
	[tilespmem:$0x880] =	vst v63  }
0x9: {  	_ =	swait.ge [sflag:s4], $0x8  }
0xa: {  	[sflag:s4] =	ssyncset.done $0x0  }
0xb: {  	[sflag:s4] =	ssyncadd.s32 $0xFFFFFFF8  }
0xc: {  	v0 =	vld.msk [tilespmem:$0x0], $0xff;
	_ =	sdelay $0x4  }
0xd: {  	v1 =	vshll.u32 v0, $0x1  }
0xe: {  	v2 =	vlaneseq.u32;
	v3 =	vand.u32 $0x7, v0;
	v1 =	vand.u32 $0xFFFFFFF0, v1  }
0xf: {  	v0 =	vand.u32 $0x7, v2;
	v2 =	vshrl.u32 v2, $0x3;
	v3 =	vor.u32 v3, v1  }
0x10: {  	v1 =	vmul.u32 $0x8, v2;
	v2 =	vperm.xlane v3, v0;
	_ =	sdelay $0x1  }
0x11: {  	v2 =	vadd.s32 v1, v2  }
0x12: {  	s10 =	ssub.s32 $0x2, s6  }
0x13: {  	s11 =	sshrl.u32 s10, $0x1  }
0x14: {  	s7 =	simm.s32 $0x1;
	s9 =	sshll.u32 s9, $0x5;
	s31 =	ssub.s32 s10, s11  }
0x15: {  	vm0 =	vmmov $0xffff;
	s6 =	simm.s32 $0x80;
	s8 =	sadd.s32 s9, s8;
	s9 =	smax.u32 s31, $0x1  }
0x16: {  	[tilespmem:s6], [sflag:$0x1] =	stream.indirect_vreg.gather [hbm4b:s2+s3], $0x80, v2, vm0, $0xb8;
	[tilespmem:$0x880] =	vst v63  }
0x17: {  	p0 =	sne.s32 s9, $0x1;
	_ =	swait.ge [sflag:s7], $0x800  }
.Ltmp0:
0x18: {  	[sflag:s7] =	ssyncset.done $0x0;
	(pc) =	sbr.rel @!p0 .LBB2_2-.Ltmp0, $4  }
0x19: {  	s8 =	sadd.s32 $0x44800, s8;
	[sflag:s7] =	ssyncadd.s32 $0xFFFFF800  }
0x1a: {  	[hbm4b:s8+s3] =	stream.linear.scatter [tilespmem:s6], [sflag:$0x2], $0x800, $0x38;
	[tilespmem:$0x880] =	vst v63  }
0x1b: {  	_ =	swait.ge [sflag:s4], $0x800  }
0x1c: {  	s9 =	sadd.s32 $0xFFFFFFFF, s9;
	[sflag:s4] =	ssyncset.done $0x0  }
.LBB2_1:
0x1d: {  	p0 =	sne.s32 s9, $0x1;
	s9 =	sadd.s32 $0xFFFFFFFF, s9;
	[sflag:s4] =	ssyncadd.s32 $0xFFFFF800  }
0x1e: {  	[tilespmem:s3], [sflag:$0x2] =	stream.linear.gather [hbm4b:s5+s3], $0x8, $0x38;
	[tilespmem:$0x880] =	vst v63  }
0x1f: {  	_ =	swait.ge [sflag:s4], $0x8  }
0x20: {  	[sflag:s4] =	ssyncset.done $0x0  }
0x21: {  	[sflag:s4] =	ssyncadd.s32 $0xFFFFFFF8  }
0x22: {  	v2 =	vld.msk [tilespmem:$0x0], $0xff;
	_ =	sdelay $0x4  }
0x23: {  	v3 =	vshll.u32 v2, $0x1  }
0x24: {  	v2 =	vand.u32 $0x7, v2;
	v3 =	vand.u32 $0xFFFFFFF0, v3  }
0x25: {  	v2 =	vor.u32 v2, v3  }
0x26: {  	v2 =	vperm.xlane v2, v0;
	_ =	sdelay $0x1  }
0x27: {  	v2 =	vadd.s32 v1, v2;
	_ =	sdelay $0x4  }
0x28: {  	[tilespmem:s6], [sflag:$0x1] =	stream.indirect_vreg.gather [hbm4b:s2+s3], $0x80, v2, vm0, $0xb8;
	[tilespmem:$0x880] =	vst v63  }
0x29: {  	_ =	swait.ge [sflag:s7], $0x800  }
.Ltmp1:
0x2a: {  	[sflag:s7] =	ssyncset.done $0x0;
	(pc) =	sbr.rel @p0 .LBB2_1-.Ltmp1, $4  }
0x2b: {  	[sflag:s7] =	ssyncadd.s32 $0xFFFFF800  }
0x2c: {  	[hbm4b:s8+s3] =	stream.linear.scatter [tilespmem:s6], [sflag:$0x2], $0x800, $0x38;
	[tilespmem:$0x880] =	vst v63  }
0x2d: {  	_ =	swait.ge [sflag:s4], $0x800  }
0x2e: {  	[sflag:s4] =	ssyncset.done $0x0  }
.LBB2_2:
0x2f: {  	[sflag:s4] =	ssyncadd.s32 $0xFFFFF800  }
0x30: {  	_ =	sfence.sel $0x180000  }
0x31: {  	[bflag:$0x0] =	sbarrier.arrive $0xFFFF  }
0x32: {  	p0 =	sne.s32 s0, $0x0;
	_ =	strace $0x90000056  }
0x33: {  	s0 =	sadd.s32 @!p0 $0x100000, s1;
	[bflag:$0x2] =	sbarrier.arrive $0xFFFF  }
0x34: {  	[sflag:s0] =	ssyncadd.tile.s32 @!p0 $0x1;
	_ =	shalt  }
.Lfunc_end2:
_tile_overlayer_lowered:
.L_overlay_start_2:
0x35: {  	(tag) =	ssettag $0x2  }
0x36: {  	s0 =	rddreg [dreg:$0x0];
	s2 =	stileid.u32  }
0x37: {  	s1 =	rddreg [dreg:$0x1];
	p0 =	sne.s32 s2, $0x0  }
0x38: {  	s3 =	rddreg [dreg:$0x2];
	[bflag:$0x3] =	sbarrier.arrive $0xFFFF;
	s2 =	simm.s32 @!p0 $0x1C02  }
0x39: {  	[timem:s3], [sflag:s2] =	dma.local @!p0 [hbm:s0], s1  }
0x3a: {  	s0 =	simm.s32 @!p0 $0x2  }
0x3b: {  	_ =	swait.ge @!p0 [sflag:s0], s1  }
0x3c: {  	s1 =	ssub.s32 @!p0 $0x0, s1;
	[sflag:s0] =	ssyncset.done @!p0 $0x0  }
0x3d: {  	[sflag:s0] =	ssyncadd.s32 @!p0 s1  }
0x3e: {  	[bflag:$0x3] =	sbarrier.arrive $0xFFFF  }
0x3f: {  	_ =	shalt  }

// kernel: kernel.42.cloned.1.call-start
scs
__scs_entry_jumppad:
0x0: {  	(pc) =	sbr.rel $0x88, $3  }
0x1: {  	(tag) =	ssettag $0x0;
	lr =	simm.s32 $0x1  }
0x2: {  	[smem:$0x3F9D] =	sst lr;
	_ =	strace $0xD0000000  }
0x3: {  	_ = 	snop  }
0x4: {  	_ = 	snop  }
0x5: {  	_ = 	snop  }
0x6: {  	_ = 	snop  }
0x7: {  	_ = 	snop  }
__scs_overlays_trampoline_lowered:
0x8: {  	[smem:$0x3FAC] =	sst s0  }
0x9: {  	[smem:$0x3FAD] =	sst s1  }
0xa: {  	[smem:$0x3FAE] =	sst s2  }
0xb: {  	[smem:$0x3FAF] =	sst s3  }
0xc: {  	[smem:$0x3FB0] =	sst s4  }
0xd: {  	[smem:$0x3FB1] =	sst s5  }
0xe: {  	[smem:$0x3FB2] =	sst s6  }
0xf: {  	[smem:$0x3FB3] =	sst s7  }
0x10: {  	[smem:$0x3FB4] =	sst s8  }
0x11: {  	[smem:$0x3FB5] =	sst s9;
	s0 =	simm.s32 @!p0 $0x0  }
0x12: {  	s1 =	sld [smem:$0x3F9B];
	s0 =	simm.s32 @p0 $0x1  }
0x13: {  	[smem:$0x3FB6] =	sst s0;
	s0 =	simm.s32 @!p1 $0x0  }
0x14: {  	s2 =	sld [smem:$0x3F9A];
	s0 =	simm.s32 @p1 $0x1  }
0x15: {  	[smem:$0x3FB7] =	sst s0;
	s0 =	simm.s32 @!p2 $0x0  }
0x16: {  	s3 =	sld [smem:$0x3FDB];
	s0 =	simm.s32 @p2 $0x1  }
0x17: {  	s4 =	simm.s32 $0x1BF5;
	[smem:$0x3FB9] =	sst s0  }
0x18: {  	s0 =	sld [smem:$0x3F9C];
	_ =	swait.ge [sflag:s4], $0x0  }
0x19: {  	s7 =	sld [smem:$0x3F9D]  }
0x1a: {  	s8 =	sadd.s32 $0xFFFFE003, lr  }
0x1b: {  	s9 =	sadd.s32 $0xFFFFFEF7, lr;
	s5 =	simm.s32 $0xFFFFFFFF;
	p2 =	slt.u32 s8, $0xFFFFF086  }
0x1c: {  	p1 =	slt.u32 s9, $0xF7A;
	s5 =	simm.s32 @!p2 $0x0  }
0x1d: {  	s5 =	simm.s32 @p1 $0x1;
	p0 =	seq.s32 s7, s2  }
0x1e: {  	s7 =	smul.u32 @!p0 $0xF7A, s2;
	p2 =	seq.s32 @!p0 s5, $0x0  }
0x1f: {  	s9 =	smul.u32 $0xF7A, s1;
	s8 =	simm.s32 @!p0 $0x1BF5;
	p2 =	por !p2, p0  }
0x20: {  	[sflag:s8] =	ssyncset.s32 @!p0 $0xFFFFF086;
	s6 =	sadd.s32 @!p0 s3, s7;
	s7 =	simm.s32 @!p0 $0x108  }
0x21: {  	s3 =	sadd.s32 s3, s9;
	s6 =	sadd.s32 @!p0 $0x88, s6;
	s7 =	simm.s32 @p2 $0x1082  }
0x22: {  	[simem:s7], [sflag:s8] =	dma.local @!p0 [hbm:s6], $0xF7A  }
0x23: {  	s9 =	sor.u32 $0xD0000000, s2;
	s6 =	simm.s32 $0x108;
	_ =	swait.ge @!p0 [sflag:s8], $0x0  }
0x24: {  	s3 =	sadd.s32 $0x88, s3;
	s6 =	simm.s32 @!p1 $0x1082;
	[sflag:s4] =	ssyncset.s32 $0xFFFFF086  }
0x25: {  	[simem:s6], [sflag:s4] =	dma.local [hbm:s3], $0xF7A  }
0x26: {  	[smem:$0x3F9D] =	sst s1;
	(tag) =	ssettag s2;
	_ =	strace s9  }
0x27: {  	s1 =	sld [smem:$0x3FAD]  }
0x28: {  	s2 =	sld [smem:$0x3FAE]  }
0x29: {  	s4 =	sld [smem:$0x3FB0]  }
0x2a: {  	p0 =	seq.s32 s5, $0x0;
	s5 =	sld [smem:$0x3FB1]  }
0x2b: {  	s6 =	sld [smem:$0x3FB2]  }
0x2c: {  	s7 =	sld [smem:$0x3FB3]  }
0x2d: {  	s3 =	simm.s32 $0x108;
	s8 =	sld [smem:$0x3FB4]  }
0x2e: {  	s3 =	simm.s32 @!p0 $0x1082;
	s9 =	sld [smem:$0x3FB5]  }
0x2f: {  	lr =	sadd.s32 s0, s3;
	s0 =	sld [smem:$0x3FAC]  }
0x30: {  	s3 =	sld [smem:$0x3FAF]  }
0x31: {  	[smem:$0x3FB8] =	sst s10  }
0x32: {  	s10 =	sld [smem:$0x3FB6];
	_ =	sdelay $0x3  }
0x33: {  	p0 =	seq.s32 s10, $0x1;
	s10 =	sld [smem:$0x3FB8];
	_ =	sdelay $0x3  }
0x34: {  	[smem:$0x3FB8] =	sst s10  }
0x35: {  	s10 =	sld [smem:$0x3FB7];
	_ =	sdelay $0x3  }
0x36: {  	p1 =	seq.s32 s10, $0x1;
	s10 =	sld [smem:$0x3FB8];
	_ =	sdelay $0x3  }
0x37: {  	[smem:$0x3FB8] =	sst s10  }
0x38: {  	s10 =	sld [smem:$0x3FB9]  }
0x39: {  	_ = 	snop;
	(pc) =	sbr.ind lr, $3  }
0x3a: {  	_ = 	snop  }
0x3b: {  	_ = 	snop  }
0x3c: {  	p2 =	seq.s32 s10, $0x1;
	s10 =	sld [smem:$0x3FB8]  }
0x3d: {  	_ =	shalt  }
0x3e: {  	_ =	shalt  }
0x3f: {  	_ =	shalt  }
0x40: {  	_ =	shalt  }
0x41: {  	_ =	shalt  }
0x42: {  	_ =	shalt  }
0x43: {  	_ =	shalt  }
0x44: {  	_ =	shalt  }
0x45: {  	_ =	shalt  }
0x46: {  	_ =	shalt  }
0x47: {  	_ =	shalt  }
0x48: {  	_ =	shalt  }
0x49: {  	_ =	shalt  }
0x4a: {  	_ =	shalt  }
0x4b: {  	_ =	shalt  }
0x4c: {  	_ =	shalt  }
0x4d: {  	_ =	shalt  }
0x4e: {  	_ =	shalt  }
0x4f: {  	_ =	shalt  }
0x50: {  	_ =	shalt  }
0x51: {  	_ =	shalt  }
0x52: {  	_ =	shalt  }
0x53: {  	_ =	shalt  }
0x54: {  	_ =	shalt  }
0x55: {  	_ =	shalt  }
0x56: {  	_ =	shalt  }
0x57: {  	_ =	shalt  }
0x58: {  	_ =	shalt  }
0x59: {  	_ =	shalt  }
0x5a: {  	_ =	shalt  }
0x5b: {  	_ =	shalt  }
0x5c: {  	_ =	shalt  }
0x5d: {  	_ =	shalt  }
0x5e: {  	_ =	shalt  }
0x5f: {  	_ =	shalt  }
0x60: {  	_ =	shalt  }
0x61: {  	_ =	shalt  }
0x62: {  	_ =	shalt  }
0x63: {  	_ =	shalt  }
0x64: {  	_ =	shalt  }
0x65: {  	_ =	shalt  }
0x66: {  	_ =	shalt  }
0x67: {  	_ =	shalt  }
0x68: {  	_ =	shalt  }
0x69: {  	_ =	shalt  }
0x6a: {  	_ =	shalt  }
0x6b: {  	_ =	shalt  }
0x6c: {  	_ =	shalt  }
0x6d: {  	_ =	shalt  }
0x6e: {  	_ =	shalt  }
0x6f: {  	_ =	shalt  }
0x70: {  	_ =	shalt  }
0x71: {  	_ =	shalt  }
0x72: {  	_ =	shalt  }
0x73: {  	_ =	shalt  }
0x74: {  	_ =	shalt  }
0x75: {  	_ =	shalt  }
0x76: {  	_ =	shalt  }
0x77: {  	_ =	shalt  }
0x78: {  	_ =	shalt  }
0x79: {  	_ =	shalt  }
0x7a: {  	_ =	shalt  }
0x7b: {  	_ =	shalt  }
0x7c: {  	_ =	shalt  }
0x7d: {  	_ =	shalt  }
0x7e: {  	_ =	shalt  }
0x7f: {  	_ =	shalt  }
0x80: {  	_ =	shalt  }
0x81: {  	_ =	shalt  }
0x82: {  	_ =	shalt  }
0x83: {  	_ =	shalt  }
0x84: {  	_ =	shalt  }
0x85: {  	_ =	shalt  }
0x86: {  	_ =	shalt  }
0x87: {  	_ =	shalt  }
.Lfunc_end0:
.L_simem_size_0:
called_computation.6_lowered:
.L_overlay_start_0:
0x88: {  	s2 =	sld [smem:$0x3FD9]  }
0x89: {  	s3 =	sld [smem:$0x3FFE];
	_ =	sdelay $0x1  }
0x8a: {  	s1 =	srdreg.scid  }
0x8b: {  	s0 =	sand.u32 $0x1, s1  }
0x8c: {  	s14 =	sshll.u32 s0, $0xA;
	s2 =	sadd.s32 s3, s2  }
0x8d: {  	s2 =	sadd.s32 s2, s14  }
0x8e: {  	[smem:$0x3FC4] =	sst s2  }
0x8f: {  	_ = 	snop  }
0x90: {  	s2 =	sld [smem:$0x3FD0];
	_ =	sdelay $0x2  }
0x91: {  	s15 =	simm.s32 $0xA;
	s4 =	simm.s32 $0x10  }
0x92: {  	[smem:s4], [sflag:s15] =	dma.local [hbm:s2], $0x1  }
0x93: {  	_ =	swait.eq [sflag:s15], $0x1  }
0x94: {  	[sflag:s15] =	ssyncset.done $0x0  }
0x95: {  	[sflag:s15] =	ssyncadd.s32 $0xFFFFFFFF  }
0x96: {  	s16 =	sld [smem:$0x10];
	(tm) =	ssettm $0x1  }
0x97: {  	s17 =	sld [smem:$0x3FFB];
	_ =	sdelay $0x3  }
0x98: {  	_ =	strace s17  }
0x99: {  	s3 =	sld [smem:$0x3FFC];
	_ =	sdelay $0x3  }
0x9a: {  	_ =	strace s3  }
0x9b: {  	s3 =	sld [smem:$0x3FFD];
	_ =	sdelay $0x3  }
0x9c: {  	_ =	strace s3  }
0x9d: {  	_ =	strace $0x8FFFFFFF  }
0x9e: {  	s18 =	sld [smem:$0x3FDB];
	_ =	sdelay $0x1  }
0x9f: {  	s19 =	simm.s32 $_scs_section_size  }
0xa0: {  	s5 =	simm.s32 $_size__tile_overlayer_lowered;
	s6 =	simm.s32 $_tile_overlayer_lowered  }
0xa1: {  	s22 =	simm.s32 $0x1BFF;
	s21 =	sshll.u32 s6, $0x1;
	s3 =	sadd.s32 s19, s18  }
0xa2: {  	s7 =	simm.s32 $0x0;
	s20 =	sshll.u32 s5, $0x1;
	s5 =	sadd.s32 s21, s3  }
0xa3: {  	[timem:s7], [sflag:s22] =	dma.local [hbm:s5], s20  }
0xa4: {  	_ =	swait.ge [sflag:s22], s20  }
0xa5: {  	s4 =	ssub.s32 $0x0, s20;
	[sflag:s22] =	ssyncset.done $0x0  }
0xa6: {  	[sflag:s22] =	ssyncadd.s32 s4;
	_ =	sdelay $0x1  }
0xa7: {  	s23 =	simm.s32 $0x1B8B  }
0xa8: {  	_ =	swait.ge [sflag:s23], $0x1  }
0xa9: {  	[sflag:s23] =	ssyncset.done $0x0  }
0xaa: {  	s25 =	simm.s32 $0x1B8E;
	s24 =	sld [smem:$0x3FFE];
	[sflag:s23] =	ssyncadd.s32 $0xFFFFFFFF  }
0xab: {  	s26 =	simm.s32 $execute0_lowered;
	[smem:$0x3FD2] =	sst s25  }
0xac: {  	s5 =	sshll.u32 s26, $0x1;
	_ =	strace $0x80000058;
	[dreg:$0x1] =	wrdreg $0xFFFFFFFF  }
0xad: {  	s28 =	simm.s32 $_size_execute0_lowered;
	s3 =	sadd.s32 s3, s5;
	[dreg:$0x0] =	wrdreg $0x0  }
0xae: {  	s5 =	sshll.u32 s28, $0x1;
	[dreg:$0x2] =	wrdreg s3  }
0xaf: {  	[dreg:$0x3] =	wrdreg s5  }
0xb0: {  	[dreg:$0x4] =	wrdreg $0xC0  }
0xb1: {  	_ =	task [dreg:s7], $0x5FFFF  }
0xb2: {  	[dreg:$0x1] =	wrdreg $0xFFFFFFFF  }
0xb3: {  	[dreg:$0x0] =	wrdreg $0x60  }
0xb4: {  	[dreg:$0x2] =	wrdreg s16  }
0xb5: {  	[dreg:$0x3] =	wrdreg s24  }
0xb6: {  	[dreg:$0x4] =	wrdreg $0x9  }
0xb7: {  	_ =	task.clear_ibuf [dreg:s7], $0x5FFFF;
	_ =	strace $0x90000058  }
0xb8: {  	s29 =	simm.s32 $0x9;
	_ =	strace $0x8000005A  }
0xb9: {  	_ =	swait.ge [sflag:s29], $0x1  }
0xba: {  	[sflag:s29] =	ssyncadd.s32 $0xFFFFFFFF  }
0xbb: {  	_ =	strace $0x9000005A  }
0xbc: {  	_ =	sfence  }
0xbd: {  	s30 =	sld [smem:$0x0];
	_ =	sdelay $0x2  }
0xbe: {  	s31 =	sshll.u32 s1, $0xD;
	s1 =	sshrl.u32 s1, $0x2  }
0xbf: {  	s3 =	sand.u32 $0x4000, s31;
	s1 =	sadd.s32 s1, s30  }
0xc0: {  	s0 =	sor.u32 s3, s0;
	s1 =	sshll.u32 s1, $0x11  }
0xc1: {  	s0 =	sor.u32 s1, s0  }
0xc2: {  	s0 =	sadd.s32 $0x8F2B, s0  }
0xc3: {  	[sflag:s0] =	ssyncadd.remote.s32 $0x1  }
0xc4: {  	_ =	sfence.sel $0xFFFF  }
0xc5: {  	[dreg:$0x0] =	wrdreg $0xFFFFFFFF;
	(pc) =	sbr.abs _section_cstart, $3  }
0xc6: {  	[dreg:$0x1] =	wrdreg $0xFFFFFFFF  }
0xc7: {  	_ =	task.clear_ibuf [dreg:s7], $0x2FFFF;
	_ =	strace $0x9FFFFFFF  }
0xc8: {  	(tm) =	ssettm $0x7FFFFFFF  }
0xc9: {  	_ =	shalt  }
tec
execute0_lowered:
.L_overlay_start_1:
0x0: {  	(tag) =	ssettag $0x1  }
0x1: {  	s1 =	srdreg.scid  }
0x2: {  	s0 =	stileid.u32;
	s7 =	sand.u32 $0x1, s1  }
0x3: {  	s2 =	rddreg [dreg:$0x0];
	s30 =	sshll.u32 s0, $0x5;
	s3 =	sshll.u32 s7, $0x4  }
0x4: {  	s9 =	rddreg [dreg:$0x1];
	s10 =	sor.u32 s3, s30  }
0x5: {  	s1 =	rddreg [dreg:$0x2];
	s3 =	simm.s32 $0x0;
	s4 =	sshrl.u32 s10, $0x3  }
0x6: {  	[smem:$0x7FF] =	sst s3;
	s4 =	sadd.s32 s4, s9  }
0x7: {  	_ =	strace $0x80000059;
	s5 =	sadd.s32 $0x43800, s4;
	s4 =	simm.s32 $0x2  }
0x8: {  	[tilespmem:s3], [sflag:$0x2] =	stream.linear.gather [hbm4b:s5+s3], $0x10, $0x38;
	[tilespmem:$0x1080] =	vst v63  }
0x9: {  	_ =	swait.ge [sflag:s4], $0x10  }
0xa: {  	[sflag:s4] =	ssyncset.done $0x0  }
0xb: {  	[sflag:s4] =	ssyncadd.s32 $0xFFFFFFF0  }
0xc: {  	v0 =	vld [tilespmem:$0x0];
	_ =	sdelay $0x4  }
0xd: {  	v1 =	vshll.u32 v0, $0x1  }
0xe: {  	v2 =	vlaneseq.u32;
	v3 =	vand.u32 $0x7, v0;
	v1 =	vand.u32 $0xFFFFFFF0, v1  }
0xf: {  	v4 =	vshrl.u32 v2, $0x3;
	v0 =	vand.u32 $0x7, v2;
	v3 =	vor.u32 v3, v1  }
0x10: {  	v1 =	vmul.u32 $0x8, v4;
	v63 =	vperm.xlane v3, v0  }
0x11: {  	v2 =	vor.u32 $0x8, v2  }
0x12: {  	v3 =	vperm.xlane v3, v2;
	v4 =	vadd.s32 v1, v63;
	_ =	sdelay $0x1  }
0x13: {  	s11 =	ssub.s32 $0x2, s7;
	v3 =	vadd.s32 v1, v3  }
0x14: {  	s6 =	simm.s32 $0x80;
	s12 =	sshrl.u32 s11, $0x1  }
0x15: {  	vm0 =	vmmov $0xffff;
	s8 =	simm.s32 $0x1;
	s10 =	sshll.u32 s10, $0x5;
	s31 =	ssub.s32 s11, s12  }
0x16: {  	[tilespmem:s6], [sflag:$0x1] =	stream.indirect_vreg.gather [hbm4b:s2+s3], $0x80, v4, vm0, $0xb8;
	[tilespmem:$0x1080] =	vst v63  }
0x17: {  	s7 =	simm.s32 $0x880;
	s9 =	sadd.s32 s10, s9;
	s10 =	smax.u32 s31, $0x1  }
0x18: {  	[tilespmem:s7], [sflag:$0x1] =	stream.indirect_vreg.gather [hbm4b:s2+s3], $0x80, v3, vm0, $0xb8;
	[tilespmem:$0x1080] =	vst v63  }
0x19: {  	p0 =	sne.s32 s10, $0x1;
	_ =	swait.ge [sflag:s8], $0x1000  }
.Ltmp0:
0x1a: {  	[sflag:s8] =	ssyncset.done $0x0;
	(pc) =	sbr.rel @!p0 .LBB2_2-.Ltmp0, $4  }
0x1b: {  	s9 =	sadd.s32 $0x204800, s9;
	[sflag:s8] =	ssyncadd.s32 $0xFFFFF000  }
0x1c: {  	[hbm4b:s9+s3] =	stream.linear.scatter [tilespmem:s6], [sflag:$0x2], $0x1000, $0x38;
	[tilespmem:$0x1080] =	vst v63  }
0x1d: {  	_ =	swait.ge [sflag:s4], $0x1000  }
0x1e: {  	s10 =	sadd.s32 $0xFFFFFFFF, s10;
	[sflag:s4] =	ssyncset.done $0x0  }
.LBB2_1:
0x1f: {  	p0 =	sne.s32 s10, $0x1;
	s10 =	sadd.s32 $0xFFFFFFFF, s10;
	[sflag:s4] =	ssyncadd.s32 $0xFFFFF000  }
0x20: {  	[tilespmem:s3], [sflag:$0x2] =	stream.linear.gather [hbm4b:s5+s3], $0x10, $0x38;
	[tilespmem:$0x1080] =	vst v63  }
0x21: {  	_ =	swait.ge [sflag:s4], $0x10  }
0x22: {  	[sflag:s4] =	ssyncset.done $0x0  }
0x23: {  	[sflag:s4] =	ssyncadd.s32 $0xFFFFFFF0  }
0x24: {  	v3 =	vld [tilespmem:$0x0];
	_ =	sdelay $0x4  }
0x25: {  	v4 =	vshll.u32 v3, $0x1  }
0x26: {  	v3 =	vand.u32 $0x7, v3;
	v4 =	vand.u32 $0xFFFFFFF0, v4  }
0x27: {  	v3 =	vor.u32 v3, v4  }
0x28: {  	v4 =	vperm.xlane v3, v0;
	v3 =	vperm.xlane v3, v2;
	_ =	sdelay $0x1  }
0x29: {  	v4 =	vadd.s32 v1, v4;
	_ =	sdelay $0x1  }
0x2a: {  	v3 =	vadd.s32 v1, v3;
	_ =	sdelay $0x2  }
0x2b: {  	[tilespmem:s6], [sflag:$0x1] =	stream.indirect_vreg.gather [hbm4b:s2+s3], $0x80, v4, vm0, $0xb8;
	[tilespmem:$0x1080] =	vst v63  }
0x2c: {  	_ = 	snop  }
0x2d: {  	[tilespmem:s7], [sflag:$0x1] =	stream.indirect_vreg.gather [hbm4b:s2+s3], $0x80, v3, vm0, $0xb8;
	[tilespmem:$0x1080] =	vst v63  }
0x2e: {  	_ =	swait.ge [sflag:s8], $0x1000  }
.Ltmp1:
0x2f: {  	[sflag:s8] =	ssyncset.done $0x0;
	(pc) =	sbr.rel @p0 .LBB2_1-.Ltmp1, $4  }
0x30: {  	[sflag:s8] =	ssyncadd.s32 $0xFFFFF000  }
0x31: {  	[hbm4b:s9+s3] =	stream.linear.scatter [tilespmem:s6], [sflag:$0x2], $0x1000, $0x38;
	[tilespmem:$0x1080] =	vst v63  }
0x32: {  	_ =	swait.ge [sflag:s4], $0x1000  }
0x33: {  	[sflag:s4] =	ssyncset.done $0x0  }
.LBB2_2:
0x34: {  	[sflag:s4] =	ssyncadd.s32 $0xFFFFF000  }
0x35: {  	_ =	sfence.sel $0x180000  }
0x36: {  	[bflag:$0x0] =	sbarrier.arrive $0xFFFF  }
0x37: {  	p0 =	sne.s32 s0, $0x0;
	_ =	strace $0x90000059  }
0x38: {  	s0 =	sadd.s32 @!p0 $0x100000, s1;
	[bflag:$0x2] =	sbarrier.arrive $0xFFFF  }
0x39: {  	[sflag:s0] =	ssyncadd.tile.s32 @!p0 $0x1;
	_ =	shalt  }
.Lfunc_end2:
_tile_overlayer_lowered:
.L_overlay_start_2:
0x3a: {  	(tag) =	ssettag $0x2  }
0x3b: {  	s0 =	rddreg [dreg:$0x0];
	s2 =	stileid.u32  }
0x3c: {  	s1 =	rddreg [dreg:$0x1];
	p0 =	sne.s32 s2, $0x0  }
0x3d: {  	s3 =	rddreg [dreg:$0x2];
	[bflag:$0x3] =	sbarrier.arrive $0xFFFF;
	s2 =	simm.s32 @!p0 $0x1C02  }
0x3e: {  	[timem:s3], [sflag:s2] =	dma.local @!p0 [hbm:s0], s1  }
0x3f: {  	s0 =	simm.s32 @!p0 $0x2  }
0x40: {  	_ =	swait.ge @!p0 [sflag:s0], s1  }
0x41: {  	s1 =	ssub.s32 @!p0 $0x0, s1;
	[sflag:s0] =	ssyncset.done @!p0 $0x0  }
0x42: {  	[sflag:s0] =	ssyncadd.s32 @!p0 s1  }
0x43: {  	[bflag:$0x3] =	sbarrier.arrive $0xFFFF  }
0x44: {  	_ =	shalt  }

// kernel: kernel.45.cloned.1.call-start
scs
__scs_entry_jumppad:
0x0: {  	(pc) =	sbr.rel $0x88, $3  }
0x1: {  	(tag) =	ssettag $0x0;
	lr =	simm.s32 $0x1  }
0x2: {  	[smem:$0x3F9D] =	sst lr;
	_ =	strace $0xD0000000  }
0x3: {  	_ = 	snop  }
0x4: {  	_ = 	snop  }
0x5: {  	_ = 	snop  }
0x6: {  	_ = 	snop  }
0x7: {  	_ = 	snop  }
__scs_overlays_trampoline_lowered:
0x8: {  	[smem:$0x3FAC] =	sst s0  }
0x9: {  	[smem:$0x3FAD] =	sst s1  }
0xa: {  	[smem:$0x3FAE] =	sst s2  }
0xb: {  	[smem:$0x3FAF] =	sst s3  }
0xc: {  	[smem:$0x3FB0] =	sst s4  }
0xd: {  	[smem:$0x3FB1] =	sst s5  }
0xe: {  	[smem:$0x3FB2] =	sst s6  }
0xf: {  	[smem:$0x3FB3] =	sst s7  }
0x10: {  	[smem:$0x3FB4] =	sst s8  }
0x11: {  	[smem:$0x3FB5] =	sst s9;
	s0 =	simm.s32 @!p0 $0x0  }
0x12: {  	s1 =	sld [smem:$0x3F9B];
	s0 =	simm.s32 @p0 $0x1  }
0x13: {  	[smem:$0x3FB6] =	sst s0;
	s0 =	simm.s32 @!p1 $0x0  }
0x14: {  	s2 =	sld [smem:$0x3F9A];
	s0 =	simm.s32 @p1 $0x1  }
0x15: {  	[smem:$0x3FB7] =	sst s0;
	s0 =	simm.s32 @!p2 $0x0  }
0x16: {  	s3 =	sld [smem:$0x3FDB];
	s0 =	simm.s32 @p2 $0x1  }
0x17: {  	s4 =	simm.s32 $0x1BF5;
	[smem:$0x3FB9] =	sst s0  }
0x18: {  	s0 =	sld [smem:$0x3F9C];
	_ =	swait.ge [sflag:s4], $0x0  }
0x19: {  	s7 =	sld [smem:$0x3F9D]  }
0x1a: {  	s8 =	sadd.s32 $0xFFFFE003, lr  }
0x1b: {  	s9 =	sadd.s32 $0xFFFFFEF7, lr;
	s5 =	simm.s32 $0xFFFFFFFF;
	p2 =	slt.u32 s8, $0xFFFFF086  }
0x1c: {  	p1 =	slt.u32 s9, $0xF7A;
	s5 =	simm.s32 @!p2 $0x0  }
0x1d: {  	s5 =	simm.s32 @p1 $0x1;
	p0 =	seq.s32 s7, s2  }
0x1e: {  	s7 =	smul.u32 @!p0 $0xF7A, s2;
	p2 =	seq.s32 @!p0 s5, $0x0  }
0x1f: {  	s9 =	smul.u32 $0xF7A, s1;
	s8 =	simm.s32 @!p0 $0x1BF5;
	p2 =	por !p2, p0  }
0x20: {  	[sflag:s8] =	ssyncset.s32 @!p0 $0xFFFFF086;
	s6 =	sadd.s32 @!p0 s3, s7;
	s7 =	simm.s32 @!p0 $0x108  }
0x21: {  	s3 =	sadd.s32 s3, s9;
	s6 =	sadd.s32 @!p0 $0x88, s6;
	s7 =	simm.s32 @p2 $0x1082  }
0x22: {  	[simem:s7], [sflag:s8] =	dma.local @!p0 [hbm:s6], $0xF7A  }
0x23: {  	s9 =	sor.u32 $0xD0000000, s2;
	s6 =	simm.s32 $0x108;
	_ =	swait.ge @!p0 [sflag:s8], $0x0  }
0x24: {  	s3 =	sadd.s32 $0x88, s3;
	s6 =	simm.s32 @!p1 $0x1082;
	[sflag:s4] =	ssyncset.s32 $0xFFFFF086  }
0x25: {  	[simem:s6], [sflag:s4] =	dma.local [hbm:s3], $0xF7A  }
0x26: {  	[smem:$0x3F9D] =	sst s1;
	(tag) =	ssettag s2;
	_ =	strace s9  }
0x27: {  	s1 =	sld [smem:$0x3FAD]  }
0x28: {  	s2 =	sld [smem:$0x3FAE]  }
0x29: {  	s4 =	sld [smem:$0x3FB0]  }
0x2a: {  	p0 =	seq.s32 s5, $0x0;
	s5 =	sld [smem:$0x3FB1]  }
0x2b: {  	s6 =	sld [smem:$0x3FB2]  }
0x2c: {  	s7 =	sld [smem:$0x3FB3]  }
0x2d: {  	s3 =	simm.s32 $0x108;
	s8 =	sld [smem:$0x3FB4]  }
0x2e: {  	s3 =	simm.s32 @!p0 $0x1082;
	s9 =	sld [smem:$0x3FB5]  }
0x2f: {  	lr =	sadd.s32 s0, s3;
	s0 =	sld [smem:$0x3FAC]  }
0x30: {  	s3 =	sld [smem:$0x3FAF]  }
0x31: {  	[smem:$0x3FB8] =	sst s10  }
0x32: {  	s10 =	sld [smem:$0x3FB6];
	_ =	sdelay $0x3  }
0x33: {  	p0 =	seq.s32 s10, $0x1;
	s10 =	sld [smem:$0x3FB8];
	_ =	sdelay $0x3  }
0x34: {  	[smem:$0x3FB8] =	sst s10  }
0x35: {  	s10 =	sld [smem:$0x3FB7];
	_ =	sdelay $0x3  }
0x36: {  	p1 =	seq.s32 s10, $0x1;
	s10 =	sld [smem:$0x3FB8];
	_ =	sdelay $0x3  }
0x37: {  	[smem:$0x3FB8] =	sst s10  }
0x38: {  	s10 =	sld [smem:$0x3FB9]  }
0x39: {  	_ = 	snop;
	(pc) =	sbr.ind lr, $3  }
0x3a: {  	_ = 	snop  }
0x3b: {  	_ = 	snop  }
0x3c: {  	p2 =	seq.s32 s10, $0x1;
	s10 =	sld [smem:$0x3FB8]  }
0x3d: {  	_ =	shalt  }
0x3e: {  	_ =	shalt  }
0x3f: {  	_ =	shalt  }
0x40: {  	_ =	shalt  }
0x41: {  	_ =	shalt  }
0x42: {  	_ =	shalt  }
0x43: {  	_ =	shalt  }
0x44: {  	_ =	shalt  }
0x45: {  	_ =	shalt  }
0x46: {  	_ =	shalt  }
0x47: {  	_ =	shalt  }
0x48: {  	_ =	shalt  }
0x49: {  	_ =	shalt  }
0x4a: {  	_ =	shalt  }
0x4b: {  	_ =	shalt  }
0x4c: {  	_ =	shalt  }
0x4d: {  	_ =	shalt  }
0x4e: {  	_ =	shalt  }
0x4f: {  	_ =	shalt  }
0x50: {  	_ =	shalt  }
0x51: {  	_ =	shalt  }
0x52: {  	_ =	shalt  }
0x53: {  	_ =	shalt  }
0x54: {  	_ =	shalt  }
0x55: {  	_ =	shalt  }
0x56: {  	_ =	shalt  }
0x57: {  	_ =	shalt  }
0x58: {  	_ =	shalt  }
0x59: {  	_ =	shalt  }
0x5a: {  	_ =	shalt  }
0x5b: {  	_ =	shalt  }
0x5c: {  	_ =	shalt  }
0x5d: {  	_ =	shalt  }
0x5e: {  	_ =	shalt  }
0x5f: {  	_ =	shalt  }
0x60: {  	_ =	shalt  }
0x61: {  	_ =	shalt  }
0x62: {  	_ =	shalt  }
0x63: {  	_ =	shalt  }
0x64: {  	_ =	shalt  }
0x65: {  	_ =	shalt  }
0x66: {  	_ =	shalt  }
0x67: {  	_ =	shalt  }
0x68: {  	_ =	shalt  }
0x69: {  	_ =	shalt  }
0x6a: {  	_ =	shalt  }
0x6b: {  	_ =	shalt  }
0x6c: {  	_ =	shalt  }
0x6d: {  	_ =	shalt  }
0x6e: {  	_ =	shalt  }
0x6f: {  	_ =	shalt  }
0x70: {  	_ =	shalt  }
0x71: {  	_ =	shalt  }
0x72: {  	_ =	shalt  }
0x73: {  	_ =	shalt  }
0x74: {  	_ =	shalt  }
0x75: {  	_ =	shalt  }
0x76: {  	_ =	shalt  }
0x77: {  	_ =	shalt  }
0x78: {  	_ =	shalt  }
0x79: {  	_ =	shalt  }
0x7a: {  	_ =	shalt  }
0x7b: {  	_ =	shalt  }
0x7c: {  	_ =	shalt  }
0x7d: {  	_ =	shalt  }
0x7e: {  	_ =	shalt  }
0x7f: {  	_ =	shalt  }
0x80: {  	_ =	shalt  }
0x81: {  	_ =	shalt  }
0x82: {  	_ =	shalt  }
0x83: {  	_ =	shalt  }
0x84: {  	_ =	shalt  }
0x85: {  	_ =	shalt  }
0x86: {  	_ =	shalt  }
0x87: {  	_ =	shalt  }
.Lfunc_end0:
.L_simem_size_0:
called_computation.7_lowered:
.L_overlay_start_0:
0x88: {  	s2 =	sld [smem:$0x3FD9]  }
0x89: {  	s3 =	sld [smem:$0x3FFE];
	_ =	sdelay $0x1  }
0x8a: {  	s1 =	srdreg.scid  }
0x8b: {  	s0 =	sand.u32 $0x1, s1  }
0x8c: {  	s14 =	sshll.u32 s0, $0xA;
	s2 =	sadd.s32 s3, s2  }
0x8d: {  	s2 =	sadd.s32 s2, s14  }
0x8e: {  	[smem:$0x3FC4] =	sst s2  }
0x8f: {  	_ = 	snop  }
0x90: {  	s2 =	sld [smem:$0x3FD0];
	_ =	sdelay $0x2  }
0x91: {  	s15 =	simm.s32 $0xA;
	s4 =	simm.s32 $0x10  }
0x92: {  	[smem:s4], [sflag:s15] =	dma.local [hbm:s2], $0x1  }
0x93: {  	_ =	swait.eq [sflag:s15], $0x1  }
0x94: {  	[sflag:s15] =	ssyncset.done $0x0  }
0x95: {  	[sflag:s15] =	ssyncadd.s32 $0xFFFFFFFF  }
0x96: {  	s16 =	sld [smem:$0x10];
	(tm) =	ssettm $0x1  }
0x97: {  	s17 =	sld [smem:$0x3FFB];
	_ =	sdelay $0x3  }
0x98: {  	_ =	strace s17  }
0x99: {  	s3 =	sld [smem:$0x3FFC];
	_ =	sdelay $0x3  }
0x9a: {  	_ =	strace s3  }
0x9b: {  	s3 =	sld [smem:$0x3FFD];
	_ =	sdelay $0x3  }
0x9c: {  	_ =	strace s3  }
0x9d: {  	_ =	strace $0x8FFFFFFF  }
0x9e: {  	s18 =	sld [smem:$0x3FDB];
	_ =	sdelay $0x1  }
0x9f: {  	s19 =	simm.s32 $_scs_section_size  }
0xa0: {  	s5 =	simm.s32 $_size__tile_overlayer_lowered;
	s6 =	simm.s32 $_tile_overlayer_lowered  }
0xa1: {  	s22 =	simm.s32 $0x1BFF;
	s21 =	sshll.u32 s6, $0x1;
	s3 =	sadd.s32 s19, s18  }
0xa2: {  	s7 =	simm.s32 $0x0;
	s20 =	sshll.u32 s5, $0x1;
	s5 =	sadd.s32 s21, s3  }
0xa3: {  	[timem:s7], [sflag:s22] =	dma.local [hbm:s5], s20  }
0xa4: {  	_ =	swait.ge [sflag:s22], s20  }
0xa5: {  	s4 =	ssub.s32 $0x0, s20;
	[sflag:s22] =	ssyncset.done $0x0  }
0xa6: {  	[sflag:s22] =	ssyncadd.s32 s4;
	_ =	sdelay $0x1  }
0xa7: {  	s23 =	simm.s32 $0x1B8B  }
0xa8: {  	_ =	swait.ge [sflag:s23], $0x1  }
0xa9: {  	[sflag:s23] =	ssyncset.done $0x0  }
0xaa: {  	s25 =	simm.s32 $0x1B8E;
	s24 =	sld [smem:$0x3FFE];
	[sflag:s23] =	ssyncadd.s32 $0xFFFFFFFF  }
0xab: {  	s26 =	simm.s32 $execute0_lowered;
	[smem:$0x3FD2] =	sst s25  }
0xac: {  	s5 =	sshll.u32 s26, $0x1;
	_ =	strace $0x8000005B;
	[dreg:$0x1] =	wrdreg $0xFFFFFFFF  }
0xad: {  	s28 =	simm.s32 $_size_execute0_lowered;
	s3 =	sadd.s32 s3, s5;
	[dreg:$0x0] =	wrdreg $0x0  }
0xae: {  	s5 =	sshll.u32 s28, $0x1;
	[dreg:$0x2] =	wrdreg s3  }
0xaf: {  	[dreg:$0x3] =	wrdreg s5  }
0xb0: {  	[dreg:$0x4] =	wrdreg $0xC0  }
0xb1: {  	_ =	task [dreg:s7], $0x5FFFF  }
0xb2: {  	[dreg:$0x1] =	wrdreg $0xFFFFFFFF  }
0xb3: {  	[dreg:$0x0] =	wrdreg $0x60  }
0xb4: {  	[dreg:$0x2] =	wrdreg s16  }
0xb5: {  	[dreg:$0x3] =	wrdreg s24  }
0xb6: {  	[dreg:$0x4] =	wrdreg $0x9  }
0xb7: {  	_ =	task.clear_ibuf [dreg:s7], $0x5FFFF;
	_ =	strace $0x9000005B  }
0xb8: {  	s29 =	simm.s32 $0x9;
	_ =	strace $0x8000005D  }
0xb9: {  	_ =	swait.ge [sflag:s29], $0x1  }
0xba: {  	[sflag:s29] =	ssyncadd.s32 $0xFFFFFFFF  }
0xbb: {  	_ =	strace $0x9000005D  }
0xbc: {  	_ =	sfence  }
0xbd: {  	s30 =	sld [smem:$0x0];
	_ =	sdelay $0x2  }
0xbe: {  	s31 =	sshll.u32 s1, $0xD;
	s1 =	sshrl.u32 s1, $0x2  }
0xbf: {  	s3 =	sand.u32 $0x4000, s31;
	s1 =	sadd.s32 s1, s30  }
0xc0: {  	s0 =	sor.u32 s3, s0;
	s1 =	sshll.u32 s1, $0x11  }
0xc1: {  	s0 =	sor.u32 s1, s0  }
0xc2: {  	s0 =	sadd.s32 $0x8F2B, s0  }
0xc3: {  	[sflag:s0] =	ssyncadd.remote.s32 $0x1  }
0xc4: {  	_ =	sfence.sel $0xFFFF  }
0xc5: {  	[dreg:$0x0] =	wrdreg $0xFFFFFFFF;
	(pc) =	sbr.abs _section_cstart, $3  }
0xc6: {  	[dreg:$0x1] =	wrdreg $0xFFFFFFFF  }
0xc7: {  	_ =	task.clear_ibuf [dreg:s7], $0x2FFFF;
	_ =	strace $0x9FFFFFFF  }
0xc8: {  	(tm) =	ssettm $0x7FFFFFFF  }
0xc9: {  	_ =	shalt  }
tec
execute0_lowered:
.L_overlay_start_1:
0x0: {  	(tag) =	ssettag $0x1  }
0x1: {  	s1 =	rddreg [dreg:$0x0]  }
0x2: {  	s4 =	rddreg [dreg:$0x1]  }
0x3: {  	s0 =	rddreg [dreg:$0x2];
	s5 =	srdreg.scid  }
0x4: {  	s3 =	simm.s32 $0x0;
	s2 =	stileid.u32;
	s9 =	simm.s32 $0x880  }
0x5: {  	s10 =	simm.s32 $0x1080;
	s11 =	simm.s32 $0x1880;
	s5 =	sand.u32 $0x1, s5  }
0x6: {  	[smem:$0x7FF] =	sst s3;
	s6 =	sshll.u32 s2, $0x6;
	s7 =	sshll.u32 s5, $0x5  }
0x7: {  	s12 =	simm.s32 $0x1;
	_ =	strace $0x8000005C;
	s6 =	sor.u32 s7, s6  }
0x8: {  	s5 =	ssub.s32 $0x2, s5;
	s7 =	sshrl.u32 s6, $0x3;
	s6 =	sshll.u32 s6, $0x5  }
0x9: {  	v2 =	vlaneseq.u32;
	s8 =	sshrl.u32 s5, $0x1;
	s7 =	sadd.s32 s7, s4;
	s6 =	sadd.s32 s6, s4  }
0xa: {  	vm0 =	vmmov $0xffff;
	v1 =	vshrl.u32 v2, $0x3;
	s8 =	ssub.s32 s5, s8;
	s4 =	sadd.s32 $0x43E00, s7;
	s5 =	sadd.s32 $0x44800, s6  }
0xb: {  	v0 =	vand.u32 $0x7, v2;
	v2 =	vor.u32 $0x8, v2;
	v1 =	vmul.u32 $0x8, v1;
	s6 =	smax.u32 s8, $0x1;
	s7 =	simm.s32 $0x2;
	s8 =	simm.s32 $0x80  }
.LBB2_1:
0xc: {  	[tilespmem:s3], [sflag:$0x2] =	stream.linear.gather [hbm4b:s4+s3], $0x20, $0x38;
	[tilespmem:$0x2080] =	vst v63  }
0xd: {  	_ =	swait.ge [sflag:s7], $0x20  }
0xe: {  	[sflag:s7] =	ssyncset.done $0x0  }
0xf: {  	[sflag:s7] =	ssyncadd.s32 $0xFFFFFFE0  }
0x10: {  	v3 =	vld [tilespmem:$0x0];
	_ =	sdelay $0x4  }
0x11: {  	v4 =	vshll.u32 v3, $0x1  }
0x12: {  	v3 =	vand.u32 $0x7, v3;
	v4 =	vand.u32 $0xFFFFFFF0, v4  }
0x13: {  	v3 =	vor.u32 v3, v4  }
0x14: {  	v4 =	vperm.xlane v3, v0;
	_ =	sdelay $0x1  }
0x15: {  	v3 =	vperm.xlane v3, v2;
	v4 =	vadd.s32 v1, v4;
	_ =	sdelay $0x1  }
0x16: {  	v3 =	vadd.s32 v1, v3;
	_ =	sdelay $0x2  }
0x17: {  	[tilespmem:s8], [sflag:$0x1] =	stream.indirect_vreg.gather [hbm4b:s1+s3], $0x80, v4, vm0, $0xb8;
	[tilespmem:$0x2080] =	vst v63  }
0x18: {  	_ = 	snop  }
0x19: {  	[tilespmem:s9], [sflag:$0x1] =	stream.indirect_vreg.gather [hbm4b:s1+s3], $0x80, v3, vm0, $0xb8;
	[tilespmem:$0x2080] =	vst v63  }
0x1a: {  	v3 =	vld [tilespmem:$0x10];
	_ =	sdelay $0x4  }
0x1b: {  	v63 =	vshll.u32 v3, $0x1  }
0x1c: {  	v3 =	vand.u32 $0x7, v3;
	v4 =	vand.u32 $0xFFFFFFF0, v63  }
0x1d: {  	v3 =	vor.u32 v3, v4  }
0x1e: {  	v4 =	vperm.xlane v3, v0;
	_ =	sdelay $0x1  }
0x1f: {  	v3 =	vperm.xlane v3, v2;
	v4 =	vadd.s32 v1, v4;
	_ =	sdelay $0x1  }
0x20: {  	v3 =	vadd.s32 v1, v3;
	_ =	sdelay $0x2  }
0x21: {  	[tilespmem:s10], [sflag:$0x1] =	stream.indirect_vreg.gather [hbm4b:s1+s3], $0x80, v4, vm0, $0xb8;
	[tilespmem:$0x2080] =	vst v63  }
0x22: {  	_ = 	snop  }
0x23: {  	[tilespmem:s11], [sflag:$0x1] =	stream.indirect_vreg.gather [hbm4b:s1+s3], $0x80, v3, vm0, $0xb8;
	[tilespmem:$0x2080] =	vst v63  }
0x24: {  	_ =	swait.ge [sflag:s12], $0x2000  }
0x25: {  	p0 =	sne.s32 s6, $0x1;
	[sflag:s12] =	ssyncset.done $0x0  }
.Ltmp0:
0x26: {  	[sflag:s12] =	ssyncadd.s32 $0xFFFFE000;
	(pc) =	sbr.rel @p0 .LBB2_1-.Ltmp0, $4  }
0x27: {  	[hbm4b:s5+s3] =	stream.linear.scatter [tilespmem:s8], [sflag:$0x2], $0x2000, $0x38;
	[tilespmem:$0x2080] =	vst v63  }
0x28: {  	_ =	swait.ge [sflag:s7], $0x2000  }
0x29: {  	[sflag:s7] =	ssyncset.done $0x0  }
0x2a: {  	s6 =	sadd.s32 $0xFFFFFFFF, s6;
	[sflag:s7] =	ssyncadd.s32 $0xFFFFE000  }
0x2b: {  	_ =	sfence.sel $0x180000  }
0x2c: {  	[bflag:$0x0] =	sbarrier.arrive $0xFFFF  }
0x2d: {  	p0 =	sne.s32 s2, $0x0;
	_ =	strace $0x9000005C  }
0x2e: {  	s0 =	sadd.s32 @!p0 $0x100000, s0;
	[bflag:$0x2] =	sbarrier.arrive $0xFFFF  }
0x2f: {  	[sflag:s0] =	ssyncadd.tile.s32 @!p0 $0x1;
	_ =	shalt  }
.Lfunc_end2:
_tile_overlayer_lowered:
.L_overlay_start_2:
0x30: {  	(tag) =	ssettag $0x2  }
0x31: {  	s0 =	rddreg [dreg:$0x0];
	s2 =	stileid.u32  }
0x32: {  	s1 =	rddreg [dreg:$0x1];
	p0 =	sne.s32 s2, $0x0  }
0x33: {  	s3 =	rddreg [dreg:$0x2];
	[bflag:$0x3] =	sbarrier.arrive $0xFFFF;
	s2 =	simm.s32 @!p0 $0x1C02  }
0x34: {  	[timem:s3], [sflag:s2] =	dma.local @!p0 [hbm:s0], s1  }
0x35: {  	s0 =	simm.s32 @!p0 $0x2  }
0x36: {  	_ =	swait.ge @!p0 [sflag:s0], s1  }
0x37: {  	s1 =	ssub.s32 @!p0 $0x0, s1;
	[sflag:s0] =	ssyncset.done @!p0 $0x0  }
0x38: {  	[sflag:s0] =	ssyncadd.s32 @!p0 s1  }
0x39: {  	[bflag:$0x3] =	sbarrier.arrive $0xFFFF  }
0x3a: {  	_ =	shalt  }

// kernel: kernel.48.cloned.1.call-start
scs
__scs_entry_jumppad:
0x0: {  	(pc) =	sbr.rel $0x88, $3  }
0x1: {  	(tag) =	ssettag $0x0;
	lr =	simm.s32 $0x1  }
0x2: {  	[smem:$0x3F9D] =	sst lr;
	_ =	strace $0xD0000000  }
0x3: {  	_ = 	snop  }
0x4: {  	_ = 	snop  }
0x5: {  	_ = 	snop  }
0x6: {  	_ = 	snop  }
0x7: {  	_ = 	snop  }
__scs_overlays_trampoline_lowered:
0x8: {  	[smem:$0x3FAC] =	sst s0  }
0x9: {  	[smem:$0x3FAD] =	sst s1  }
0xa: {  	[smem:$0x3FAE] =	sst s2  }
0xb: {  	[smem:$0x3FAF] =	sst s3  }
0xc: {  	[smem:$0x3FB0] =	sst s4  }
0xd: {  	[smem:$0x3FB1] =	sst s5  }
0xe: {  	[smem:$0x3FB2] =	sst s6  }
0xf: {  	[smem:$0x3FB3] =	sst s7  }
0x10: {  	[smem:$0x3FB4] =	sst s8  }
0x11: {  	[smem:$0x3FB5] =	sst s9;
	s0 =	simm.s32 @!p0 $0x0  }
0x12: {  	s1 =	sld [smem:$0x3F9B];
	s0 =	simm.s32 @p0 $0x1  }
0x13: {  	[smem:$0x3FB6] =	sst s0;
	s0 =	simm.s32 @!p1 $0x0  }
0x14: {  	s2 =	sld [smem:$0x3F9A];
	s0 =	simm.s32 @p1 $0x1  }
0x15: {  	[smem:$0x3FB7] =	sst s0;
	s0 =	simm.s32 @!p2 $0x0  }
0x16: {  	s3 =	sld [smem:$0x3FDB];
	s0 =	simm.s32 @p2 $0x1  }
0x17: {  	s4 =	simm.s32 $0x1BF5;
	[smem:$0x3FB9] =	sst s0  }
0x18: {  	s0 =	sld [smem:$0x3F9C];
	_ =	swait.ge [sflag:s4], $0x0  }
0x19: {  	s7 =	sld [smem:$0x3F9D]  }
0x1a: {  	s8 =	sadd.s32 $0xFFFFE003, lr  }
0x1b: {  	s9 =	sadd.s32 $0xFFFFFEF7, lr;
	s5 =	simm.s32 $0xFFFFFFFF;
	p2 =	slt.u32 s8, $0xFFFFF086  }
0x1c: {  	p1 =	slt.u32 s9, $0xF7A;
	s5 =	simm.s32 @!p2 $0x0  }
0x1d: {  	s5 =	simm.s32 @p1 $0x1;
	p0 =	seq.s32 s7, s2  }
0x1e: {  	s7 =	smul.u32 @!p0 $0xF7A, s2;
	p2 =	seq.s32 @!p0 s5, $0x0  }
0x1f: {  	s9 =	smul.u32 $0xF7A, s1;
	s8 =	simm.s32 @!p0 $0x1BF5;
	p2 =	por !p2, p0  }
0x20: {  	[sflag:s8] =	ssyncset.s32 @!p0 $0xFFFFF086;
	s6 =	sadd.s32 @!p0 s3, s7;
	s7 =	simm.s32 @!p0 $0x108  }
0x21: {  	s3 =	sadd.s32 s3, s9;
	s6 =	sadd.s32 @!p0 $0x88, s6;
	s7 =	simm.s32 @p2 $0x1082  }
0x22: {  	[simem:s7], [sflag:s8] =	dma.local @!p0 [hbm:s6], $0xF7A  }
0x23: {  	s9 =	sor.u32 $0xD0000000, s2;
	s6 =	simm.s32 $0x108;
	_ =	swait.ge @!p0 [sflag:s8], $0x0  }
0x24: {  	s3 =	sadd.s32 $0x88, s3;
	s6 =	simm.s32 @!p1 $0x1082;
	[sflag:s4] =	ssyncset.s32 $0xFFFFF086  }
0x25: {  	[simem:s6], [sflag:s4] =	dma.local [hbm:s3], $0xF7A  }
0x26: {  	[smem:$0x3F9D] =	sst s1;
	(tag) =	ssettag s2;
	_ =	strace s9  }
0x27: {  	s1 =	sld [smem:$0x3FAD]  }
0x28: {  	s2 =	sld [smem:$0x3FAE]  }
0x29: {  	s4 =	sld [smem:$0x3FB0]  }
0x2a: {  	p0 =	seq.s32 s5, $0x0;
	s5 =	sld [smem:$0x3FB1]  }
0x2b: {  	s6 =	sld [smem:$0x3FB2]  }
0x2c: {  	s7 =	sld [smem:$0x3FB3]  }
0x2d: {  	s3 =	simm.s32 $0x108;
	s8 =	sld [smem:$0x3FB4]  }
0x2e: {  	s3 =	simm.s32 @!p0 $0x1082;
	s9 =	sld [smem:$0x3FB5]  }
0x2f: {  	lr =	sadd.s32 s0, s3;
	s0 =	sld [smem:$0x3FAC]  }
0x30: {  	s3 =	sld [smem:$0x3FAF]  }
0x31: {  	[smem:$0x3FB8] =	sst s10  }
0x32: {  	s10 =	sld [smem:$0x3FB6];
	_ =	sdelay $0x3  }
0x33: {  	p0 =	seq.s32 s10, $0x1;
	s10 =	sld [smem:$0x3FB8];
	_ =	sdelay $0x3  }
0x34: {  	[smem:$0x3FB8] =	sst s10  }
0x35: {  	s10 =	sld [smem:$0x3FB7];
	_ =	sdelay $0x3  }
0x36: {  	p1 =	seq.s32 s10, $0x1;
	s10 =	sld [smem:$0x3FB8];
	_ =	sdelay $0x3  }
0x37: {  	[smem:$0x3FB8] =	sst s10  }
0x38: {  	s10 =	sld [smem:$0x3FB9]  }
0x39: {  	_ = 	snop;
	(pc) =	sbr.ind lr, $3  }
0x3a: {  	_ = 	snop  }
0x3b: {  	_ = 	snop  }
0x3c: {  	p2 =	seq.s32 s10, $0x1;
	s10 =	sld [smem:$0x3FB8]  }
0x3d: {  	_ =	shalt  }
0x3e: {  	_ =	shalt  }
0x3f: {  	_ =	shalt  }
0x40: {  	_ =	shalt  }
0x41: {  	_ =	shalt  }
0x42: {  	_ =	shalt  }
0x43: {  	_ =	shalt  }
0x44: {  	_ =	shalt  }
0x45: {  	_ =	shalt  }
0x46: {  	_ =	shalt  }
0x47: {  	_ =	shalt  }
0x48: {  	_ =	shalt  }
0x49: {  	_ =	shalt  }
0x4a: {  	_ =	shalt  }
0x4b: {  	_ =	shalt  }
0x4c: {  	_ =	shalt  }
0x4d: {  	_ =	shalt  }
0x4e: {  	_ =	shalt  }
0x4f: {  	_ =	shalt  }
0x50: {  	_ =	shalt  }
0x51: {  	_ =	shalt  }
0x52: {  	_ =	shalt  }
0x53: {  	_ =	shalt  }
0x54: {  	_ =	shalt  }
0x55: {  	_ =	shalt  }
0x56: {  	_ =	shalt  }
0x57: {  	_ =	shalt  }
0x58: {  	_ =	shalt  }
0x59: {  	_ =	shalt  }
0x5a: {  	_ =	shalt  }
0x5b: {  	_ =	shalt  }
0x5c: {  	_ =	shalt  }
0x5d: {  	_ =	shalt  }
0x5e: {  	_ =	shalt  }
0x5f: {  	_ =	shalt  }
0x60: {  	_ =	shalt  }
0x61: {  	_ =	shalt  }
0x62: {  	_ =	shalt  }
0x63: {  	_ =	shalt  }
0x64: {  	_ =	shalt  }
0x65: {  	_ =	shalt  }
0x66: {  	_ =	shalt  }
0x67: {  	_ =	shalt  }
0x68: {  	_ =	shalt  }
0x69: {  	_ =	shalt  }
0x6a: {  	_ =	shalt  }
0x6b: {  	_ =	shalt  }
0x6c: {  	_ =	shalt  }
0x6d: {  	_ =	shalt  }
0x6e: {  	_ =	shalt  }
0x6f: {  	_ =	shalt  }
0x70: {  	_ =	shalt  }
0x71: {  	_ =	shalt  }
0x72: {  	_ =	shalt  }
0x73: {  	_ =	shalt  }
0x74: {  	_ =	shalt  }
0x75: {  	_ =	shalt  }
0x76: {  	_ =	shalt  }
0x77: {  	_ =	shalt  }
0x78: {  	_ =	shalt  }
0x79: {  	_ =	shalt  }
0x7a: {  	_ =	shalt  }
0x7b: {  	_ =	shalt  }
0x7c: {  	_ =	shalt  }
0x7d: {  	_ =	shalt  }
0x7e: {  	_ =	shalt  }
0x7f: {  	_ =	shalt  }
0x80: {  	_ =	shalt  }
0x81: {  	_ =	shalt  }
0x82: {  	_ =	shalt  }
0x83: {  	_ =	shalt  }
0x84: {  	_ =	shalt  }
0x85: {  	_ =	shalt  }
0x86: {  	_ =	shalt  }
0x87: {  	_ =	shalt  }
.Lfunc_end0:
.L_simem_size_0:
called_computation.8_lowered:
.L_overlay_start_0:
0x88: {  	s2 =	sld [smem:$0x3FD9]  }
0x89: {  	s3 =	sld [smem:$0x3FFE];
	_ =	sdelay $0x1  }
0x8a: {  	s1 =	srdreg.scid  }
0x8b: {  	s0 =	sand.u32 $0x1, s1  }
0x8c: {  	s14 =	sshll.u32 s0, $0xA;
	s2 =	sadd.s32 s3, s2  }
0x8d: {  	s2 =	sadd.s32 s2, s14  }
0x8e: {  	[smem:$0x3FC4] =	sst s2  }
0x8f: {  	_ = 	snop  }
0x90: {  	s2 =	sld [smem:$0x3FD0];
	_ =	sdelay $0x2  }
0x91: {  	s15 =	simm.s32 $0xA;
	s4 =	simm.s32 $0x10  }
0x92: {  	[smem:s4], [sflag:s15] =	dma.local [hbm:s2], $0x1  }
0x93: {  	_ =	swait.eq [sflag:s15], $0x1  }
0x94: {  	[sflag:s15] =	ssyncset.done $0x0  }
0x95: {  	[sflag:s15] =	ssyncadd.s32 $0xFFFFFFFF  }
0x96: {  	s16 =	sld [smem:$0x10];
	(tm) =	ssettm $0x1  }
0x97: {  	s17 =	sld [smem:$0x3FFB];
	_ =	sdelay $0x3  }
0x98: {  	_ =	strace s17  }
0x99: {  	s3 =	sld [smem:$0x3FFC];
	_ =	sdelay $0x3  }
0x9a: {  	_ =	strace s3  }
0x9b: {  	s3 =	sld [smem:$0x3FFD];
	_ =	sdelay $0x3  }
0x9c: {  	_ =	strace s3  }
0x9d: {  	_ =	strace $0x8FFFFFFF  }
0x9e: {  	s18 =	sld [smem:$0x3FDB];
	_ =	sdelay $0x1  }
0x9f: {  	s19 =	simm.s32 $_scs_section_size  }
0xa0: {  	s5 =	simm.s32 $_size__tile_overlayer_lowered;
	s6 =	simm.s32 $_tile_overlayer_lowered  }
0xa1: {  	s22 =	simm.s32 $0x1BFF;
	s21 =	sshll.u32 s6, $0x1;
	s3 =	sadd.s32 s19, s18  }
0xa2: {  	s7 =	simm.s32 $0x0;
	s20 =	sshll.u32 s5, $0x1;
	s5 =	sadd.s32 s21, s3  }
0xa3: {  	[timem:s7], [sflag:s22] =	dma.local [hbm:s5], s20  }
0xa4: {  	_ =	swait.ge [sflag:s22], s20  }
0xa5: {  	s4 =	ssub.s32 $0x0, s20;
	[sflag:s22] =	ssyncset.done $0x0  }
0xa6: {  	[sflag:s22] =	ssyncadd.s32 s4;
	_ =	sdelay $0x1  }
0xa7: {  	s23 =	simm.s32 $0x1B8B  }
0xa8: {  	_ =	swait.ge [sflag:s23], $0x1  }
0xa9: {  	[sflag:s23] =	ssyncset.done $0x0  }
0xaa: {  	s25 =	simm.s32 $0x1B8E;
	s24 =	sld [smem:$0x3FFE];
	[sflag:s23] =	ssyncadd.s32 $0xFFFFFFFF  }
0xab: {  	s26 =	simm.s32 $execute0_lowered;
	[smem:$0x3FD2] =	sst s25  }
0xac: {  	s5 =	sshll.u32 s26, $0x1;
	_ =	strace $0x8000005E;
	[dreg:$0x1] =	wrdreg $0xFFFFFFFF  }
0xad: {  	s28 =	simm.s32 $_size_execute0_lowered;
	s3 =	sadd.s32 s3, s5;
	[dreg:$0x0] =	wrdreg $0x0  }
0xae: {  	s5 =	sshll.u32 s28, $0x1;
	[dreg:$0x2] =	wrdreg s3  }
0xaf: {  	[dreg:$0x3] =	wrdreg s5  }
0xb0: {  	[dreg:$0x4] =	wrdreg $0xC0  }
0xb1: {  	_ =	task [dreg:s7], $0x5FFFF  }
0xb2: {  	[dreg:$0x1] =	wrdreg $0xFFFFFFFF  }
0xb3: {  	[dreg:$0x0] =	wrdreg $0x60  }
0xb4: {  	[dreg:$0x2] =	wrdreg s16  }
0xb5: {  	[dreg:$0x3] =	wrdreg s24  }
0xb6: {  	[dreg:$0x4] =	wrdreg $0x9  }
0xb7: {  	_ =	task.clear_ibuf [dreg:s7], $0x5FFFF;
	_ =	strace $0x9000005E  }
0xb8: {  	s29 =	simm.s32 $0x9;
	_ =	strace $0x80000060  }
0xb9: {  	_ =	swait.ge [sflag:s29], $0x1  }
0xba: {  	[sflag:s29] =	ssyncadd.s32 $0xFFFFFFFF  }
0xbb: {  	_ =	strace $0x90000060  }
0xbc: {  	_ =	sfence  }
0xbd: {  	s30 =	sld [smem:$0x0];
	_ =	sdelay $0x2  }
0xbe: {  	s31 =	sshll.u32 s1, $0xD;
	s1 =	sshrl.u32 s1, $0x2  }
0xbf: {  	s3 =	sand.u32 $0x4000, s31;
	s1 =	sadd.s32 s1, s30  }
0xc0: {  	s0 =	sor.u32 s3, s0;
	s1 =	sshll.u32 s1, $0x11  }
0xc1: {  	s0 =	sor.u32 s1, s0  }
0xc2: {  	s0 =	sadd.s32 $0x8F2B, s0  }
0xc3: {  	[sflag:s0] =	ssyncadd.remote.s32 $0x1  }
0xc4: {  	_ =	sfence.sel $0xFFFF  }
0xc5: {  	[dreg:$0x0] =	wrdreg $0xFFFFFFFF;
	(pc) =	sbr.abs _section_cstart, $3  }
0xc6: {  	[dreg:$0x1] =	wrdreg $0xFFFFFFFF  }
0xc7: {  	_ =	task.clear_ibuf [dreg:s7], $0x2FFFF;
	_ =	strace $0x9FFFFFFF  }
0xc8: {  	(tm) =	ssettm $0x7FFFFFFF  }
0xc9: {  	_ =	shalt  }
tec
execute0_lowered:
.L_overlay_start_1:
0x0: {  	(tag) =	ssettag $0x1  }
0x1: {  	s2 =	rddreg [dreg:$0x0]  }
0x2: {  	s4 =	rddreg [dreg:$0x1];
	s3 =	srdreg.scid  }
0x3: {  	s0 =	rddreg [dreg:$0x2];
	s1 =	stileid.u32  }
0x4: {  	s9 =	simm.s32 $0x880;
	s10 =	simm.s32 $0x1080;
	s11 =	simm.s32 $0x1880  }
0x5: {  	s12 =	simm.s32 $0x2080;
	s13 =	simm.s32 $0x2880;
	s14 =	simm.s32 $0x3080  }
0x6: {  	s15 =	simm.s32 $0x3880;
	s16 =	simm.s32 $0x1;
	s5 =	sand.u32 $0x1, s3  }
0x7: {  	s3 =	simm.s32 $0x0;
	s6 =	sshll.u32 s1, $0x7;
	s7 =	sshll.u32 s5, $0x6  }
0x8: {  	[smem:$0x7FF] =	sst s3;
	s5 =	ssub.s32 $0x2, s5;
	s6 =	sor.u32 s7, s6  }
0x9: {  	_ =	strace $0x8000005F;
	s7 =	sshrl.u32 s6, $0x3;
	s6 =	sshll.u32 s6, $0x5  }
0xa: {  	v2 =	vlaneseq.u32;
	s8 =	sshrl.u32 s5, $0x1;
	s7 =	sadd.s32 s7, s4;
	s6 =	sadd.s32 s6, s4  }
0xb: {  	vm0 =	vmmov $0xffff;
	v1 =	vshrl.u32 v2, $0x3;
	s8 =	ssub.s32 s5, s8;
	s4 =	sadd.s32 $0x43E00, s7;
	s5 =	sadd.s32 $0x2C4800, s6  }
0xc: {  	v0 =	vand.u32 $0x7, v2;
	v2 =	vor.u32 $0x8, v2;
	v1 =	vmul.u32 $0x8, v1;
	s6 =	smax.u32 s8, $0x1;
	s7 =	simm.s32 $0x2;
	s8 =	simm.s32 $0x80  }
.LBB2_1:
0xd: {  	[tilespmem:s3], [sflag:$0x2] =	stream.linear.gather [hbm4b:s4+s3], $0x40, $0x38;
	[tilespmem:$0x4080] =	vst v63  }
0xe: {  	_ =	swait.ge [sflag:s7], $0x40  }
0xf: {  	[sflag:s7] =	ssyncset.done $0x0  }
0x10: {  	[sflag:s7] =	ssyncadd.s32 $0xFFFFFFC0  }
0x11: {  	v3 =	vld [tilespmem:$0x0];
	_ =	sdelay $0x4  }
0x12: {  	v4 =	vshll.u32 v3, $0x1  }
0x13: {  	v3 =	vand.u32 $0x7, v3;
	v4 =	vand.u32 $0xFFFFFFF0, v4  }
0x14: {  	v3 =	vor.u32 v3, v4  }
0x15: {  	v4 =	vperm.xlane v3, v0;
	_ =	sdelay $0x1  }
0x16: {  	v3 =	vperm.xlane v3, v2;
	v4 =	vadd.s32 v1, v4;
	_ =	sdelay $0x1  }
0x17: {  	v3 =	vadd.s32 v1, v3;
	_ =	sdelay $0x2  }
0x18: {  	[tilespmem:s8], [sflag:$0x1] =	stream.indirect_vreg.gather [hbm4b:s2+s3], $0x80, v4, vm0, $0xb8;
	[tilespmem:$0x4080] =	vst v63  }
0x19: {  	_ = 	snop  }
0x1a: {  	[tilespmem:s9], [sflag:$0x1] =	stream.indirect_vreg.gather [hbm4b:s2+s3], $0x80, v3, vm0, $0xb8;
	[tilespmem:$0x4080] =	vst v63  }
0x1b: {  	v3 =	vld [tilespmem:$0x10];
	_ =	sdelay $0x4  }
0x1c: {  	v61 =	vshll.u32 v3, $0x1  }
0x1d: {  	v3 =	vand.u32 $0x7, v3;
	v4 =	vand.u32 $0xFFFFFFF0, v61  }
0x1e: {  	v3 =	vor.u32 v3, v4  }
0x1f: {  	v4 =	vperm.xlane v3, v0;
	_ =	sdelay $0x1  }
0x20: {  	v3 =	vperm.xlane v3, v2;
	v4 =	vadd.s32 v1, v4;
	_ =	sdelay $0x1  }
0x21: {  	v3 =	vadd.s32 v1, v3;
	_ =	sdelay $0x2  }
0x22: {  	[tilespmem:s10], [sflag:$0x1] =	stream.indirect_vreg.gather [hbm4b:s2+s3], $0x80, v4, vm0, $0xb8;
	[tilespmem:$0x4080] =	vst v63  }
0x23: {  	_ = 	snop  }
0x24: {  	[tilespmem:s11], [sflag:$0x1] =	stream.indirect_vreg.gather [hbm4b:s2+s3], $0x80, v3, vm0, $0xb8;
	[tilespmem:$0x4080] =	vst v63  }
0x25: {  	v3 =	vld [tilespmem:$0x20];
	_ =	sdelay $0x4  }
0x26: {  	v62 =	vshll.u32 v3, $0x1  }
0x27: {  	v3 =	vand.u32 $0x7, v3;
	v4 =	vand.u32 $0xFFFFFFF0, v62  }
0x28: {  	v3 =	vor.u32 v3, v4  }
0x29: {  	v4 =	vperm.xlane v3, v0;
	_ =	sdelay $0x1  }
0x2a: {  	v3 =	vperm.xlane v3, v2;
	v4 =	vadd.s32 v1, v4;
	_ =	sdelay $0x1  }
0x2b: {  	v3 =	vadd.s32 v1, v3;
	_ =	sdelay $0x2  }
0x2c: {  	[tilespmem:s12], [sflag:$0x1] =	stream.indirect_vreg.gather [hbm4b:s2+s3], $0x80, v4, vm0, $0xb8;
	[tilespmem:$0x4080] =	vst v63  }
0x2d: {  	_ = 	snop  }
0x2e: {  	[tilespmem:s13], [sflag:$0x1] =	stream.indirect_vreg.gather [hbm4b:s2+s3], $0x80, v3, vm0, $0xb8;
	[tilespmem:$0x4080] =	vst v63  }
0x2f: {  	v3 =	vld [tilespmem:$0x30];
	_ =	sdelay $0x4  }
0x30: {  	v63 =	vshll.u32 v3, $0x1  }
0x31: {  	v3 =	vand.u32 $0x7, v3;
	v4 =	vand.u32 $0xFFFFFFF0, v63  }
0x32: {  	v3 =	vor.u32 v3, v4  }
0x33: {  	v4 =	vperm.xlane v3, v0;
	_ =	sdelay $0x1  }
0x34: {  	v3 =	vperm.xlane v3, v2;
	v4 =	vadd.s32 v1, v4;
	_ =	sdelay $0x1  }
0x35: {  	v3 =	vadd.s32 v1, v3;
	_ =	sdelay $0x2  }
0x36: {  	[tilespmem:s14], [sflag:$0x1] =	stream.indirect_vreg.gather [hbm4b:s2+s3], $0x80, v4, vm0, $0xb8;
	[tilespmem:$0x4080] =	vst v63  }
0x37: {  	_ = 	snop  }
0x38: {  	[tilespmem:s15], [sflag:$0x1] =	stream.indirect_vreg.gather [hbm4b:s2+s3], $0x80, v3, vm0, $0xb8;
	[tilespmem:$0x4080] =	vst v63  }
0x39: {  	_ =	swait.ge [sflag:s16], $0x4000  }
0x3a: {  	p0 =	sne.s32 s6, $0x1;
	[sflag:s16] =	ssyncset.done $0x0  }
.Ltmp0:
0x3b: {  	[sflag:s16] =	ssyncadd.s32 $0xFFFFC000;
	(pc) =	sbr.rel @p0 .LBB2_1-.Ltmp0, $4  }
0x3c: {  	[hbm4b:s5+s3] =	stream.linear.scatter [tilespmem:s8], [sflag:$0x2], $0x4000, $0x38;
	[tilespmem:$0x4080] =	vst v63  }
0x3d: {  	_ =	swait.ge [sflag:s7], $0x4000  }
0x3e: {  	[sflag:s7] =	ssyncset.done $0x0  }
0x3f: {  	s6 =	sadd.s32 $0xFFFFFFFF, s6;
	[sflag:s7] =	ssyncadd.s32 $0xFFFFC000  }
0x40: {  	_ =	sfence.sel $0x180000  }
0x41: {  	[bflag:$0x0] =	sbarrier.arrive $0xFFFF  }
0x42: {  	p0 =	sne.s32 s1, $0x0;
	_ =	strace $0x9000005F  }
0x43: {  	s0 =	sadd.s32 @!p0 $0x100000, s0;
	[bflag:$0x2] =	sbarrier.arrive $0xFFFF  }
0x44: {  	[sflag:s0] =	ssyncadd.tile.s32 @!p0 $0x1;
	_ =	shalt  }
.Lfunc_end2:
_tile_overlayer_lowered:
.L_overlay_start_2:
0x45: {  	(tag) =	ssettag $0x2  }
0x46: {  	s0 =	rddreg [dreg:$0x0];
	s2 =	stileid.u32  }
0x47: {  	s1 =	rddreg [dreg:$0x1];
	p0 =	sne.s32 s2, $0x0  }
0x48: {  	s3 =	rddreg [dreg:$0x2];
	[bflag:$0x3] =	sbarrier.arrive $0xFFFF;
	s2 =	simm.s32 @!p0 $0x1C02  }
0x49: {  	[timem:s3], [sflag:s2] =	dma.local @!p0 [hbm:s0], s1  }
0x4a: {  	s0 =	simm.s32 @!p0 $0x2  }
0x4b: {  	_ =	swait.ge @!p0 [sflag:s0], s1  }
0x4c: {  	s1 =	ssub.s32 @!p0 $0x0, s1;
	[sflag:s0] =	ssyncset.done @!p0 $0x0  }
0x4d: {  	[sflag:s0] =	ssyncadd.s32 @!p0 s1  }
0x4e: {  	[bflag:$0x3] =	sbarrier.arrive $0xFFFF  }
0x4f: {  	_ =	shalt  }

// kernel: kernel.51.cloned.1.call-start
scs
__scs_entry_jumppad:
0x0: {  	(pc) =	sbr.rel $0x88, $3  }
0x1: {  	(tag) =	ssettag $0x0;
	lr =	simm.s32 $0x1  }
0x2: {  	[smem:$0x3F9D] =	sst lr;
	_ =	strace $0xD0000000  }
0x3: {  	_ = 	snop  }
0x4: {  	_ = 	snop  }
0x5: {  	_ = 	snop  }
0x6: {  	_ = 	snop  }
0x7: {  	_ = 	snop  }
__scs_overlays_trampoline_lowered:
0x8: {  	[smem:$0x3FAC] =	sst s0  }
0x9: {  	[smem:$0x3FAD] =	sst s1  }
0xa: {  	[smem:$0x3FAE] =	sst s2  }
0xb: {  	[smem:$0x3FAF] =	sst s3  }
0xc: {  	[smem:$0x3FB0] =	sst s4  }
0xd: {  	[smem:$0x3FB1] =	sst s5  }
0xe: {  	[smem:$0x3FB2] =	sst s6  }
0xf: {  	[smem:$0x3FB3] =	sst s7  }
0x10: {  	[smem:$0x3FB4] =	sst s8  }
0x11: {  	[smem:$0x3FB5] =	sst s9;
	s0 =	simm.s32 @!p0 $0x0  }
0x12: {  	s1 =	sld [smem:$0x3F9B];
	s0 =	simm.s32 @p0 $0x1  }
0x13: {  	[smem:$0x3FB6] =	sst s0;
	s0 =	simm.s32 @!p1 $0x0  }
0x14: {  	s2 =	sld [smem:$0x3F9A];
	s0 =	simm.s32 @p1 $0x1  }
0x15: {  	[smem:$0x3FB7] =	sst s0;
	s0 =	simm.s32 @!p2 $0x0  }
0x16: {  	s3 =	sld [smem:$0x3FDB];
	s0 =	simm.s32 @p2 $0x1  }
0x17: {  	s4 =	simm.s32 $0x1BF5;
	[smem:$0x3FB9] =	sst s0  }
0x18: {  	s0 =	sld [smem:$0x3F9C];
	_ =	swait.ge [sflag:s4], $0x0  }
0x19: {  	s7 =	sld [smem:$0x3F9D]  }
0x1a: {  	s8 =	sadd.s32 $0xFFFFE003, lr  }
0x1b: {  	s9 =	sadd.s32 $0xFFFFFEF7, lr;
	s5 =	simm.s32 $0xFFFFFFFF;
	p2 =	slt.u32 s8, $0xFFFFF086  }
0x1c: {  	p1 =	slt.u32 s9, $0xF7A;
	s5 =	simm.s32 @!p2 $0x0  }
0x1d: {  	s5 =	simm.s32 @p1 $0x1;
	p0 =	seq.s32 s7, s2  }
0x1e: {  	s7 =	smul.u32 @!p0 $0xF7A, s2;
	p2 =	seq.s32 @!p0 s5, $0x0  }
0x1f: {  	s9 =	smul.u32 $0xF7A, s1;
	s8 =	simm.s32 @!p0 $0x1BF5;
	p2 =	por !p2, p0  }
0x20: {  	[sflag:s8] =	ssyncset.s32 @!p0 $0xFFFFF086;
	s6 =	sadd.s32 @!p0 s3, s7;
	s7 =	simm.s32 @!p0 $0x108  }
0x21: {  	s3 =	sadd.s32 s3, s9;
	s6 =	sadd.s32 @!p0 $0x88, s6;
	s7 =	simm.s32 @p2 $0x1082  }
0x22: {  	[simem:s7], [sflag:s8] =	dma.local @!p0 [hbm:s6], $0xF7A  }
0x23: {  	s9 =	sor.u32 $0xD0000000, s2;
	s6 =	simm.s32 $0x108;
	_ =	swait.ge @!p0 [sflag:s8], $0x0  }
0x24: {  	s3 =	sadd.s32 $0x88, s3;
	s6 =	simm.s32 @!p1 $0x1082;
	[sflag:s4] =	ssyncset.s32 $0xFFFFF086  }
0x25: {  	[simem:s6], [sflag:s4] =	dma.local [hbm:s3], $0xF7A  }
0x26: {  	[smem:$0x3F9D] =	sst s1;
	(tag) =	ssettag s2;
	_ =	strace s9  }
0x27: {  	s1 =	sld [smem:$0x3FAD]  }
0x28: {  	s2 =	sld [smem:$0x3FAE]  }
0x29: {  	s4 =	sld [smem:$0x3FB0]  }
0x2a: {  	p0 =	seq.s32 s5, $0x0;
	s5 =	sld [smem:$0x3FB1]  }
0x2b: {  	s6 =	sld [smem:$0x3FB2]  }
0x2c: {  	s7 =	sld [smem:$0x3FB3]  }
0x2d: {  	s3 =	simm.s32 $0x108;
	s8 =	sld [smem:$0x3FB4]  }
0x2e: {  	s3 =	simm.s32 @!p0 $0x1082;
	s9 =	sld [smem:$0x3FB5]  }
0x2f: {  	lr =	sadd.s32 s0, s3;
	s0 =	sld [smem:$0x3FAC]  }
0x30: {  	s3 =	sld [smem:$0x3FAF]  }
0x31: {  	[smem:$0x3FB8] =	sst s10  }
0x32: {  	s10 =	sld [smem:$0x3FB6];
	_ =	sdelay $0x3  }
0x33: {  	p0 =	seq.s32 s10, $0x1;
	s10 =	sld [smem:$0x3FB8];
	_ =	sdelay $0x3  }
0x34: {  	[smem:$0x3FB8] =	sst s10  }
0x35: {  	s10 =	sld [smem:$0x3FB7];
	_ =	sdelay $0x3  }
0x36: {  	p1 =	seq.s32 s10, $0x1;
	s10 =	sld [smem:$0x3FB8];
	_ =	sdelay $0x3  }
0x37: {  	[smem:$0x3FB8] =	sst s10  }
0x38: {  	s10 =	sld [smem:$0x3FB9]  }
0x39: {  	_ = 	snop;
	(pc) =	sbr.ind lr, $3  }
0x3a: {  	_ = 	snop  }
0x3b: {  	_ = 	snop  }
0x3c: {  	p2 =	seq.s32 s10, $0x1;
	s10 =	sld [smem:$0x3FB8]  }
0x3d: {  	_ =	shalt  }
0x3e: {  	_ =	shalt  }
0x3f: {  	_ =	shalt  }
0x40: {  	_ =	shalt  }
0x41: {  	_ =	shalt  }
0x42: {  	_ =	shalt  }
0x43: {  	_ =	shalt  }
0x44: {  	_ =	shalt  }
0x45: {  	_ =	shalt  }
0x46: {  	_ =	shalt  }
0x47: {  	_ =	shalt  }
0x48: {  	_ =	shalt  }
0x49: {  	_ =	shalt  }
0x4a: {  	_ =	shalt  }
0x4b: {  	_ =	shalt  }
0x4c: {  	_ =	shalt  }
0x4d: {  	_ =	shalt  }
0x4e: {  	_ =	shalt  }
0x4f: {  	_ =	shalt  }
0x50: {  	_ =	shalt  }
0x51: {  	_ =	shalt  }
0x52: {  	_ =	shalt  }
0x53: {  	_ =	shalt  }
0x54: {  	_ =	shalt  }
0x55: {  	_ =	shalt  }
0x56: {  	_ =	shalt  }
0x57: {  	_ =	shalt  }
0x58: {  	_ =	shalt  }
0x59: {  	_ =	shalt  }
0x5a: {  	_ =	shalt  }
0x5b: {  	_ =	shalt  }
0x5c: {  	_ =	shalt  }
0x5d: {  	_ =	shalt  }
0x5e: {  	_ =	shalt  }
0x5f: {  	_ =	shalt  }
0x60: {  	_ =	shalt  }
0x61: {  	_ =	shalt  }
0x62: {  	_ =	shalt  }
0x63: {  	_ =	shalt  }
0x64: {  	_ =	shalt  }
0x65: {  	_ =	shalt  }
0x66: {  	_ =	shalt  }
0x67: {  	_ =	shalt  }
0x68: {  	_ =	shalt  }
0x69: {  	_ =	shalt  }
0x6a: {  	_ =	shalt  }
0x6b: {  	_ =	shalt  }
0x6c: {  	_ =	shalt  }
0x6d: {  	_ =	shalt  }
0x6e: {  	_ =	shalt  }
0x6f: {  	_ =	shalt  }
0x70: {  	_ =	shalt  }
0x71: {  	_ =	shalt  }
0x72: {  	_ =	shalt  }
0x73: {  	_ =	shalt  }
0x74: {  	_ =	shalt  }
0x75: {  	_ =	shalt  }
0x76: {  	_ =	shalt  }
0x77: {  	_ =	shalt  }
0x78: {  	_ =	shalt  }
0x79: {  	_ =	shalt  }
0x7a: {  	_ =	shalt  }
0x7b: {  	_ =	shalt  }
0x7c: {  	_ =	shalt  }
0x7d: {  	_ =	shalt  }
0x7e: {  	_ =	shalt  }
0x7f: {  	_ =	shalt  }
0x80: {  	_ =	shalt  }
0x81: {  	_ =	shalt  }
0x82: {  	_ =	shalt  }
0x83: {  	_ =	shalt  }
0x84: {  	_ =	shalt  }
0x85: {  	_ =	shalt  }
0x86: {  	_ =	shalt  }
0x87: {  	_ =	shalt  }
.Lfunc_end0:
.L_simem_size_0:
called_computation.9_lowered:
.L_overlay_start_0:
0x88: {  	s2 =	sld [smem:$0x3FD9]  }
0x89: {  	s3 =	sld [smem:$0x3FFE];
	_ =	sdelay $0x1  }
0x8a: {  	s1 =	srdreg.scid  }
0x8b: {  	s0 =	sand.u32 $0x1, s1  }
0x8c: {  	s14 =	sshll.u32 s0, $0xA;
	s2 =	sadd.s32 s3, s2  }
0x8d: {  	s2 =	sadd.s32 s2, s14  }
0x8e: {  	[smem:$0x3FC4] =	sst s2  }
0x8f: {  	_ = 	snop  }
0x90: {  	s2 =	sld [smem:$0x3FD0];
	_ =	sdelay $0x2  }
0x91: {  	s15 =	simm.s32 $0xA;
	s4 =	simm.s32 $0x10  }
0x92: {  	[smem:s4], [sflag:s15] =	dma.local [hbm:s2], $0x1  }
0x93: {  	_ =	swait.eq [sflag:s15], $0x1  }
0x94: {  	[sflag:s15] =	ssyncset.done $0x0  }
0x95: {  	[sflag:s15] =	ssyncadd.s32 $0xFFFFFFFF  }
0x96: {  	s16 =	sld [smem:$0x10];
	(tm) =	ssettm $0x1  }
0x97: {  	s17 =	sld [smem:$0x3FFB];
	_ =	sdelay $0x3  }
0x98: {  	_ =	strace s17  }
0x99: {  	s3 =	sld [smem:$0x3FFC];
	_ =	sdelay $0x3  }
0x9a: {  	_ =	strace s3  }
0x9b: {  	s3 =	sld [smem:$0x3FFD];
	_ =	sdelay $0x3  }
0x9c: {  	_ =	strace s3  }
0x9d: {  	_ =	strace $0x8FFFFFFF  }
0x9e: {  	s18 =	sld [smem:$0x3FDB];
	_ =	sdelay $0x1  }
0x9f: {  	s19 =	simm.s32 $_scs_section_size  }
0xa0: {  	s5 =	simm.s32 $_size__tile_overlayer_lowered;
	s6 =	simm.s32 $_tile_overlayer_lowered  }
0xa1: {  	s22 =	simm.s32 $0x1BFF;
	s21 =	sshll.u32 s6, $0x1;
	s3 =	sadd.s32 s19, s18  }
0xa2: {  	s7 =	simm.s32 $0x0;
	s20 =	sshll.u32 s5, $0x1;
	s5 =	sadd.s32 s21, s3  }
0xa3: {  	[timem:s7], [sflag:s22] =	dma.local [hbm:s5], s20  }
0xa4: {  	_ =	swait.ge [sflag:s22], s20  }
0xa5: {  	s4 =	ssub.s32 $0x0, s20;
	[sflag:s22] =	ssyncset.done $0x0  }
0xa6: {  	[sflag:s22] =	ssyncadd.s32 s4;
	_ =	sdelay $0x1  }
0xa7: {  	s23 =	simm.s32 $0x1B8B  }
0xa8: {  	_ =	swait.ge [sflag:s23], $0x1  }
0xa9: {  	[sflag:s23] =	ssyncset.done $0x0  }
0xaa: {  	s25 =	simm.s32 $0x1B8E;
	s24 =	sld [smem:$0x3FFE];
	[sflag:s23] =	ssyncadd.s32 $0xFFFFFFFF  }
0xab: {  	s26 =	simm.s32 $execute0_lowered;
	[smem:$0x3FD2] =	sst s25  }
0xac: {  	s5 =	sshll.u32 s26, $0x1;
	_ =	strace $0x80000061;
	[dreg:$0x1] =	wrdreg $0xFFFFFFFF  }
0xad: {  	s28 =	simm.s32 $_size_execute0_lowered;
	s3 =	sadd.s32 s3, s5;
	[dreg:$0x0] =	wrdreg $0x0  }
0xae: {  	s5 =	sshll.u32 s28, $0x1;
	[dreg:$0x2] =	wrdreg s3  }
0xaf: {  	[dreg:$0x3] =	wrdreg s5  }
0xb0: {  	[dreg:$0x4] =	wrdreg $0xC0  }
0xb1: {  	_ =	task [dreg:s7], $0x5FFFF  }
0xb2: {  	[dreg:$0x1] =	wrdreg $0xFFFFFFFF  }
0xb3: {  	[dreg:$0x0] =	wrdreg $0x60  }
0xb4: {  	[dreg:$0x2] =	wrdreg s16  }
0xb5: {  	[dreg:$0x3] =	wrdreg s24  }
0xb6: {  	[dreg:$0x4] =	wrdreg $0x9  }
0xb7: {  	_ =	task.clear_ibuf [dreg:s7], $0x5FFFF;
	_ =	strace $0x90000061  }
0xb8: {  	s29 =	simm.s32 $0x9;
	_ =	strace $0x80000063  }
0xb9: {  	_ =	swait.ge [sflag:s29], $0x1  }
0xba: {  	[sflag:s29] =	ssyncadd.s32 $0xFFFFFFFF  }
0xbb: {  	_ =	strace $0x90000063  }
0xbc: {  	_ =	sfence  }
0xbd: {  	s30 =	sld [smem:$0x0];
	_ =	sdelay $0x2  }
0xbe: {  	s31 =	sshll.u32 s1, $0xD;
	s1 =	sshrl.u32 s1, $0x2  }
0xbf: {  	s3 =	sand.u32 $0x4000, s31;
	s1 =	sadd.s32 s1, s30  }
0xc0: {  	s0 =	sor.u32 s3, s0;
	s1 =	sshll.u32 s1, $0x11  }
0xc1: {  	s0 =	sor.u32 s1, s0  }
0xc2: {  	s0 =	sadd.s32 $0x8F2B, s0  }
0xc3: {  	[sflag:s0] =	ssyncadd.remote.s32 $0x1  }
0xc4: {  	_ =	sfence.sel $0xFFFF  }
0xc5: {  	[dreg:$0x0] =	wrdreg $0xFFFFFFFF;
	(pc) =	sbr.abs _section_cstart, $3  }
0xc6: {  	[dreg:$0x1] =	wrdreg $0xFFFFFFFF  }
0xc7: {  	_ =	task.clear_ibuf [dreg:s7], $0x2FFFF;
	_ =	strace $0x9FFFFFFF  }
0xc8: {  	(tm) =	ssettm $0x7FFFFFFF  }
0xc9: {  	_ =	shalt  }
tec
execute0_lowered:
.L_overlay_start_1:
0x0: {  	(tag) =	ssettag $0x1  }
0x1: {  	s1 =	rddreg [dreg:$0x0]  }
0x2: {  	s4 =	rddreg [dreg:$0x1]  }
0x3: {  	s0 =	rddreg [dreg:$0x2];
	s5 =	srdreg.scid  }
0x4: {  	s3 =	simm.s32 $0x0;
	s2 =	stileid.u32;
	s9 =	simm.s32 $0x880  }
0x5: {  	s10 =	simm.s32 $0x1080;
	s11 =	simm.s32 $0x1880;
	s12 =	simm.s32 $0x2080  }
0x6: {  	s13 =	simm.s32 $0x2880;
	s14 =	simm.s32 $0x3080;
	s15 =	simm.s32 $0x3880  }
0x7: {  	s16 =	simm.s32 $0x4080;
	s17 =	simm.s32 $0x4880;
	s18 =	simm.s32 $0x5080  }
0x8: {  	s19 =	simm.s32 $0x5880;
	s20 =	simm.s32 $0x6080;
	s21 =	simm.s32 $0x6880  }
0x9: {  	s22 =	simm.s32 $0x7080;
	s23 =	simm.s32 $0x7880;
	s5 =	sand.u32 $0x1, s5  }
0xa: {  	[smem:$0x7FF] =	sst s3;
	s6 =	sshll.u32 s2, $0x8;
	s7 =	sshll.u32 s5, $0x7  }
0xb: {  	s24 =	simm.s32 $0x1;
	_ =	strace $0x80000062;
	s6 =	sor.u32 s7, s6  }
0xc: {  	s5 =	ssub.s32 $0x2, s5;
	s7 =	sshrl.u32 s6, $0x3;
	s6 =	sshll.u32 s6, $0x5  }
0xd: {  	v2 =	vlaneseq.u32;
	s8 =	sshrl.u32 s5, $0x1;
	s7 =	sadd.s32 s7, s4;
	s6 =	sadd.s32 s6, s4  }
0xe: {  	vm0 =	vmmov $0xffff;
	v1 =	vshrl.u32 v2, $0x3;
	s8 =	ssub.s32 s5, s8;
	s4 =	sadd.s32 $0x43E00, s7;
	s5 =	sadd.s32 $0x44800, s6  }
0xf: {  	v0 =	vand.u32 $0x7, v2;
	v2 =	vor.u32 $0x8, v2;
	v1 =	vmul.u32 $0x8, v1;
	s6 =	smax.u32 s8, $0x1;
	s7 =	simm.s32 $0x2;
	s8 =	simm.s32 $0x80  }
.LBB2_1:
0x10: {  	[tilespmem:s3], [sflag:$0x2] =	stream.linear.gather [hbm4b:s4+s3], $0x80, $0x38;
	[tilespmem:$0x8080] =	vst v63  }
0x11: {  	_ =	swait.ge [sflag:s7], $0x80  }
0x12: {  	[sflag:s7] =	ssyncset.done $0x0  }
0x13: {  	[sflag:s7] =	ssyncadd.s32 $0xFFFFFF80  }
0x14: {  	v3 =	vld [tilespmem:$0x0];
	_ =	sdelay $0x4  }
0x15: {  	v4 =	vshll.u32 v3, $0x1  }
0x16: {  	v3 =	vand.u32 $0x7, v3;
	v4 =	vand.u32 $0xFFFFFFF0, v4  }
0x17: {  	v3 =	vor.u32 v3, v4  }
0x18: {  	v4 =	vperm.xlane v3, v0;
	_ =	sdelay $0x1  }
0x19: {  	v3 =	vperm.xlane v3, v2;
	v4 =	vadd.s32 v1, v4;
	_ =	sdelay $0x1  }
0x1a: {  	v3 =	vadd.s32 v1, v3;
	_ =	sdelay $0x2  }
0x1b: {  	[tilespmem:s8], [sflag:$0x1] =	stream.indirect_vreg.gather [hbm4b:s1+s3], $0x80, v4, vm0, $0xb8;
	[tilespmem:$0x8080] =	vst v63  }
0x1c: {  	_ = 	snop  }
0x1d: {  	[tilespmem:s9], [sflag:$0x1] =	stream.indirect_vreg.gather [hbm4b:s1+s3], $0x80, v3, vm0, $0xb8;
	[tilespmem:$0x8080] =	vst v63  }
0x1e: {  	v3 =	vld [tilespmem:$0x10];
	_ =	sdelay $0x4  }
0x1f: {  	v57 =	vshll.u32 v3, $0x1  }
0x20: {  	v3 =	vand.u32 $0x7, v3;
	v4 =	vand.u32 $0xFFFFFFF0, v57  }
0x21: {  	v3 =	vor.u32 v3, v4  }
0x22: {  	v4 =	vperm.xlane v3, v0;
	_ =	sdelay $0x1  }
0x23: {  	v3 =	vperm.xlane v3, v2;
	v4 =	vadd.s32 v1, v4;
	_ =	sdelay $0x1  }
0x24: {  	v3 =	vadd.s32 v1, v3;
	_ =	sdelay $0x2  }
0x25: {  	[tilespmem:s10], [sflag:$0x1] =	stream.indirect_vreg.gather [hbm4b:s1+s3], $0x80, v4, vm0, $0xb8;
	[tilespmem:$0x8080] =	vst v63  }
0x26: {  	_ = 	snop  }
0x27: {  	[tilespmem:s11], [sflag:$0x1] =	stream.indirect_vreg.gather [hbm4b:s1+s3], $0x80, v3, vm0, $0xb8;
	[tilespmem:$0x8080] =	vst v63  }
0x28: {  	v3 =	vld [tilespmem:$0x20];
	_ =	sdelay $0x4  }
0x29: {  	v58 =	vshll.u32 v3, $0x1  }
0x2a: {  	v3 =	vand.u32 $0x7, v3;
	v4 =	vand.u32 $0xFFFFFFF0, v58  }
0x2b: {  	v3 =	vor.u32 v3, v4  }
0x2c: {  	v4 =	vperm.xlane v3, v0;
	_ =	sdelay $0x1  }
0x2d: {  	v3 =	vperm.xlane v3, v2;
	v4 =	vadd.s32 v1, v4;
	_ =	sdelay $0x1  }
0x2e: {  	v3 =	vadd.s32 v1, v3;
	_ =	sdelay $0x2  }
0x2f: {  	[tilespmem:s12], [sflag:$0x1] =	stream.indirect_vreg.gather [hbm4b:s1+s3], $0x80, v4, vm0, $0xb8;
	[tilespmem:$0x8080] =	vst v63  }
0x30: {  	_ = 	snop  }
0x31: {  	[tilespmem:s13], [sflag:$0x1] =	stream.indirect_vreg.gather [hbm4b:s1+s3], $0x80, v3, vm0, $0xb8;
	[tilespmem:$0x8080] =	vst v63  }
0x32: {  	v3 =	vld [tilespmem:$0x30];
	_ =	sdelay $0x4  }
0x33: {  	v59 =	vshll.u32 v3, $0x1  }
0x34: {  	v3 =	vand.u32 $0x7, v3;
	v4 =	vand.u32 $0xFFFFFFF0, v59  }
0x35: {  	v3 =	vor.u32 v3, v4  }
0x36: {  	v4 =	vperm.xlane v3, v0;
	_ =	sdelay $0x1  }
0x37: {  	v3 =	vperm.xlane v3, v2;
	v4 =	vadd.s32 v1, v4;
	_ =	sdelay $0x1  }
0x38: {  	v3 =	vadd.s32 v1, v3;
	_ =	sdelay $0x2  }
0x39: {  	[tilespmem:s14], [sflag:$0x1] =	stream.indirect_vreg.gather [hbm4b:s1+s3], $0x80, v4, vm0, $0xb8;
	[tilespmem:$0x8080] =	vst v63  }
0x3a: {  	_ = 	snop  }
0x3b: {  	[tilespmem:s15], [sflag:$0x1] =	stream.indirect_vreg.gather [hbm4b:s1+s3], $0x80, v3, vm0, $0xb8;
	[tilespmem:$0x8080] =	vst v63  }
0x3c: {  	v3 =	vld [tilespmem:$0x40];
	_ =	sdelay $0x4  }
0x3d: {  	v60 =	vshll.u32 v3, $0x1  }
0x3e: {  	v3 =	vand.u32 $0x7, v3;
	v4 =	vand.u32 $0xFFFFFFF0, v60  }
0x3f: {  	v3 =	vor.u32 v3, v4  }
0x40: {  	v4 =	vperm.xlane v3, v0;
	_ =	sdelay $0x1  }
0x41: {  	v3 =	vperm.xlane v3, v2;
	v4 =	vadd.s32 v1, v4;
	_ =	sdelay $0x1  }
0x42: {  	v3 =	vadd.s32 v1, v3;
	_ =	sdelay $0x2  }
0x43: {  	[tilespmem:s16], [sflag:$0x1] =	stream.indirect_vreg.gather [hbm4b:s1+s3], $0x80, v4, vm0, $0xb8;
	[tilespmem:$0x8080] =	vst v63  }
0x44: {  	_ = 	snop  }
0x45: {  	[tilespmem:s17], [sflag:$0x1] =	stream.indirect_vreg.gather [hbm4b:s1+s3], $0x80, v3, vm0, $0xb8;
	[tilespmem:$0x8080] =	vst v63  }
0x46: {  	v3 =	vld [tilespmem:$0x50];
	_ =	sdelay $0x4  }
0x47: {  	v61 =	vshll.u32 v3, $0x1  }
0x48: {  	v3 =	vand.u32 $0x7, v3;
	v4 =	vand.u32 $0xFFFFFFF0, v61  }
0x49: {  	v3 =	vor.u32 v3, v4  }
0x4a: {  	v4 =	vperm.xlane v3, v0;
	_ =	sdelay $0x1  }
0x4b: {  	v3 =	vperm.xlane v3, v2;
	v4 =	vadd.s32 v1, v4;
	_ =	sdelay $0x1  }
0x4c: {  	v3 =	vadd.s32 v1, v3;
	_ =	sdelay $0x2  }
0x4d: {  	[tilespmem:s18], [sflag:$0x1] =	stream.indirect_vreg.gather [hbm4b:s1+s3], $0x80, v4, vm0, $0xb8;
	[tilespmem:$0x8080] =	vst v63  }
0x4e: {  	_ = 	snop  }
0x4f: {  	[tilespmem:s19], [sflag:$0x1] =	stream.indirect_vreg.gather [hbm4b:s1+s3], $0x80, v3, vm0, $0xb8;
	[tilespmem:$0x8080] =	vst v63  }
0x50: {  	v3 =	vld [tilespmem:$0x60];
	_ =	sdelay $0x4  }
0x51: {  	v62 =	vshll.u32 v3, $0x1  }
0x52: {  	v3 =	vand.u32 $0x7, v3;
	v4 =	vand.u32 $0xFFFFFFF0, v62  }
0x53: {  	v3 =	vor.u32 v3, v4  }
0x54: {  	v4 =	vperm.xlane v3, v0;
	_ =	sdelay $0x1  }
0x55: {  	v3 =	vperm.xlane v3, v2;
	v4 =	vadd.s32 v1, v4;
	_ =	sdelay $0x1  }
0x56: {  	v3 =	vadd.s32 v1, v3;
	_ =	sdelay $0x2  }
0x57: {  	[tilespmem:s20], [sflag:$0x1] =	stream.indirect_vreg.gather [hbm4b:s1+s3], $0x80, v4, vm0, $0xb8;
	[tilespmem:$0x8080] =	vst v63  }
0x58: {  	_ = 	snop  }
0x59: {  	[tilespmem:s21], [sflag:$0x1] =	stream.indirect_vreg.gather [hbm4b:s1+s3], $0x80, v3, vm0, $0xb8;
	[tilespmem:$0x8080] =	vst v63  }
0x5a: {  	v3 =	vld [tilespmem:$0x70];
	_ =	sdelay $0x4  }
0x5b: {  	v63 =	vshll.u32 v3, $0x1  }
0x5c: {  	v3 =	vand.u32 $0x7, v3;
	v4 =	vand.u32 $0xFFFFFFF0, v63  }
0x5d: {  	v3 =	vor.u32 v3, v4  }
0x5e: {  	v4 =	vperm.xlane v3, v0;
	_ =	sdelay $0x1  }
0x5f: {  	v3 =	vperm.xlane v3, v2;
	v4 =	vadd.s32 v1, v4;
	_ =	sdelay $0x1  }
0x60: {  	v3 =	vadd.s32 v1, v3;
	_ =	sdelay $0x2  }
0x61: {  	[tilespmem:s22], [sflag:$0x1] =	stream.indirect_vreg.gather [hbm4b:s1+s3], $0x80, v4, vm0, $0xb8;
	[tilespmem:$0x8080] =	vst v63  }
0x62: {  	_ = 	snop  }
0x63: {  	[tilespmem:s23], [sflag:$0x1] =	stream.indirect_vreg.gather [hbm4b:s1+s3], $0x80, v3, vm0, $0xb8;
	[tilespmem:$0x8080] =	vst v63  }
0x64: {  	_ =	swait.ge [sflag:s24], $0x8000  }
0x65: {  	p0 =	sne.s32 s6, $0x1;
	[sflag:s24] =	ssyncset.done $0x0  }
.Ltmp0:
0x66: {  	[sflag:s24] =	ssyncadd.s32 $0xFFFF8000;
	(pc) =	sbr.rel @p0 .LBB2_1-.Ltmp0, $4  }
0x67: {  	[hbm4b:s5+s3] =	stream.linear.scatter [tilespmem:s8], [sflag:$0x2], $0x8000, $0x38;
	[tilespmem:$0x8080] =	vst v63  }
0x68: {  	_ =	swait.ge [sflag:s7], $0x8000  }
0x69: {  	[sflag:s7] =	ssyncset.done $0x0  }
0x6a: {  	s6 =	sadd.s32 $0xFFFFFFFF, s6;
	[sflag:s7] =	ssyncadd.s32 $0xFFFF8000  }
0x6b: {  	_ =	sfence.sel $0x180000  }
0x6c: {  	[bflag:$0x0] =	sbarrier.arrive $0xFFFF  }
0x6d: {  	p0 =	sne.s32 s2, $0x0;
	_ =	strace $0x90000062  }
0x6e: {  	s0 =	sadd.s32 @!p0 $0x100000, s0;
	[bflag:$0x2] =	sbarrier.arrive $0xFFFF  }
0x6f: {  	[sflag:s0] =	ssyncadd.tile.s32 @!p0 $0x1;
	_ =	shalt  }
.Lfunc_end2:
_tile_overlayer_lowered:
.L_overlay_start_2:
0x70: {  	(tag) =	ssettag $0x2  }
0x71: {  	s0 =	rddreg [dreg:$0x0];
	s2 =	stileid.u32  }
0x72: {  	s1 =	rddreg [dreg:$0x1];
	p0 =	sne.s32 s2, $0x0  }
0x73: {  	s3 =	rddreg [dreg:$0x2];
	[bflag:$0x3] =	sbarrier.arrive $0xFFFF;
	s2 =	simm.s32 @!p0 $0x1C02  }
0x74: {  	[timem:s3], [sflag:s2] =	dma.local @!p0 [hbm:s0], s1  }
0x75: {  	s0 =	simm.s32 @!p0 $0x2  }
0x76: {  	_ =	swait.ge @!p0 [sflag:s0], s1  }
0x77: {  	s1 =	ssub.s32 @!p0 $0x0, s1;
	[sflag:s0] =	ssyncset.done @!p0 $0x0  }
0x78: {  	[sflag:s0] =	ssyncadd.s32 @!p0 s1  }
0x79: {  	[bflag:$0x3] =	sbarrier.arrive $0xFFFF  }
0x7a: {  	_ =	shalt  }

// kernel: kernel.54.cloned.1.call-start
scs
__scs_entry_jumppad:
0x0: {  	(pc) =	sbr.rel $0x88, $3  }
0x1: {  	(tag) =	ssettag $0x0;
	lr =	simm.s32 $0x1  }
0x2: {  	[smem:$0x3F9D] =	sst lr;
	_ =	strace $0xD0000000  }
0x3: {  	_ = 	snop  }
0x4: {  	_ = 	snop  }
0x5: {  	_ = 	snop  }
0x6: {  	_ = 	snop  }
0x7: {  	_ = 	snop  }
__scs_overlays_trampoline_lowered:
0x8: {  	[smem:$0x3FAC] =	sst s0  }
0x9: {  	[smem:$0x3FAD] =	sst s1  }
0xa: {  	[smem:$0x3FAE] =	sst s2  }
0xb: {  	[smem:$0x3FAF] =	sst s3  }
0xc: {  	[smem:$0x3FB0] =	sst s4  }
0xd: {  	[smem:$0x3FB1] =	sst s5  }
0xe: {  	[smem:$0x3FB2] =	sst s6  }
0xf: {  	[smem:$0x3FB3] =	sst s7  }
0x10: {  	[smem:$0x3FB4] =	sst s8  }
0x11: {  	[smem:$0x3FB5] =	sst s9;
	s0 =	simm.s32 @!p0 $0x0  }
0x12: {  	s1 =	sld [smem:$0x3F9B];
	s0 =	simm.s32 @p0 $0x1  }
0x13: {  	[smem:$0x3FB6] =	sst s0;
	s0 =	simm.s32 @!p1 $0x0  }
0x14: {  	s2 =	sld [smem:$0x3F9A];
	s0 =	simm.s32 @p1 $0x1  }
0x15: {  	[smem:$0x3FB7] =	sst s0;
	s0 =	simm.s32 @!p2 $0x0  }
0x16: {  	s3 =	sld [smem:$0x3FDB];
	s0 =	simm.s32 @p2 $0x1  }
0x17: {  	s4 =	simm.s32 $0x1BF5;
	[smem:$0x3FB9] =	sst s0  }
0x18: {  	s0 =	sld [smem:$0x3F9C];
	_ =	swait.ge [sflag:s4], $0x0  }
0x19: {  	s7 =	sld [smem:$0x3F9D]  }
0x1a: {  	s8 =	sadd.s32 $0xFFFFE003, lr  }
0x1b: {  	s9 =	sadd.s32 $0xFFFFFEF7, lr;
	s5 =	simm.s32 $0xFFFFFFFF;
	p2 =	slt.u32 s8, $0xFFFFF086  }
0x1c: {  	p1 =	slt.u32 s9, $0xF7A;
	s5 =	simm.s32 @!p2 $0x0  }
0x1d: {  	s5 =	simm.s32 @p1 $0x1;
	p0 =	seq.s32 s7, s2  }
0x1e: {  	s7 =	smul.u32 @!p0 $0xF7A, s2;
	p2 =	seq.s32 @!p0 s5, $0x0  }
0x1f: {  	s9 =	smul.u32 $0xF7A, s1;
	s8 =	simm.s32 @!p0 $0x1BF5;
	p2 =	por !p2, p0  }
0x20: {  	[sflag:s8] =	ssyncset.s32 @!p0 $0xFFFFF086;
	s6 =	sadd.s32 @!p0 s3, s7;
	s7 =	simm.s32 @!p0 $0x108  }
0x21: {  	s3 =	sadd.s32 s3, s9;
	s6 =	sadd.s32 @!p0 $0x88, s6;
	s7 =	simm.s32 @p2 $0x1082  }
0x22: {  	[simem:s7], [sflag:s8] =	dma.local @!p0 [hbm:s6], $0xF7A  }
0x23: {  	s9 =	sor.u32 $0xD0000000, s2;
	s6 =	simm.s32 $0x108;
	_ =	swait.ge @!p0 [sflag:s8], $0x0  }
0x24: {  	s3 =	sadd.s32 $0x88, s3;
	s6 =	simm.s32 @!p1 $0x1082;
	[sflag:s4] =	ssyncset.s32 $0xFFFFF086  }
0x25: {  	[simem:s6], [sflag:s4] =	dma.local [hbm:s3], $0xF7A  }
0x26: {  	[smem:$0x3F9D] =	sst s1;
	(tag) =	ssettag s2;
	_ =	strace s9  }
0x27: {  	s1 =	sld [smem:$0x3FAD]  }
0x28: {  	s2 =	sld [smem:$0x3FAE]  }
0x29: {  	s4 =	sld [smem:$0x3FB0]  }
0x2a: {  	p0 =	seq.s32 s5, $0x0;
	s5 =	sld [smem:$0x3FB1]  }
0x2b: {  	s6 =	sld [smem:$0x3FB2]  }
0x2c: {  	s7 =	sld [smem:$0x3FB3]  }
0x2d: {  	s3 =	simm.s32 $0x108;
	s8 =	sld [smem:$0x3FB4]  }
0x2e: {  	s3 =	simm.s32 @!p0 $0x1082;
	s9 =	sld [smem:$0x3FB5]  }
0x2f: {  	lr =	sadd.s32 s0, s3;
	s0 =	sld [smem:$0x3FAC]  }
0x30: {  	s3 =	sld [smem:$0x3FAF]  }
0x31: {  	[smem:$0x3FB8] =	sst s10  }
0x32: {  	s10 =	sld [smem:$0x3FB6];
	_ =	sdelay $0x3  }
0x33: {  	p0 =	seq.s32 s10, $0x1;
	s10 =	sld [smem:$0x3FB8];
	_ =	sdelay $0x3  }
0x34: {  	[smem:$0x3FB8] =	sst s10  }
0x35: {  	s10 =	sld [smem:$0x3FB7];
	_ =	sdelay $0x3  }
0x36: {  	p1 =	seq.s32 s10, $0x1;
	s10 =	sld [smem:$0x3FB8];
	_ =	sdelay $0x3  }
0x37: {  	[smem:$0x3FB8] =	sst s10  }
0x38: {  	s10 =	sld [smem:$0x3FB9]  }
0x39: {  	_ = 	snop;
	(pc) =	sbr.ind lr, $3  }
0x3a: {  	_ = 	snop  }
0x3b: {  	_ = 	snop  }
0x3c: {  	p2 =	seq.s32 s10, $0x1;
	s10 =	sld [smem:$0x3FB8]  }
0x3d: {  	_ =	shalt  }
0x3e: {  	_ =	shalt  }
0x3f: {  	_ =	shalt  }
0x40: {  	_ =	shalt  }
0x41: {  	_ =	shalt  }
0x42: {  	_ =	shalt  }
0x43: {  	_ =	shalt  }
0x44: {  	_ =	shalt  }
0x45: {  	_ =	shalt  }
0x46: {  	_ =	shalt  }
0x47: {  	_ =	shalt  }
0x48: {  	_ =	shalt  }
0x49: {  	_ =	shalt  }
0x4a: {  	_ =	shalt  }
0x4b: {  	_ =	shalt  }
0x4c: {  	_ =	shalt  }
0x4d: {  	_ =	shalt  }
0x4e: {  	_ =	shalt  }
0x4f: {  	_ =	shalt  }
0x50: {  	_ =	shalt  }
0x51: {  	_ =	shalt  }
0x52: {  	_ =	shalt  }
0x53: {  	_ =	shalt  }
0x54: {  	_ =	shalt  }
0x55: {  	_ =	shalt  }
0x56: {  	_ =	shalt  }
0x57: {  	_ =	shalt  }
0x58: {  	_ =	shalt  }
0x59: {  	_ =	shalt  }
0x5a: {  	_ =	shalt  }
0x5b: {  	_ =	shalt  }
0x5c: {  	_ =	shalt  }
0x5d: {  	_ =	shalt  }
0x5e: {  	_ =	shalt  }
0x5f: {  	_ =	shalt  }
0x60: {  	_ =	shalt  }
0x61: {  	_ =	shalt  }
0x62: {  	_ =	shalt  }
0x63: {  	_ =	shalt  }
0x64: {  	_ =	shalt  }
0x65: {  	_ =	shalt  }
0x66: {  	_ =	shalt  }
0x67: {  	_ =	shalt  }
0x68: {  	_ =	shalt  }
0x69: {  	_ =	shalt  }
0x6a: {  	_ =	shalt  }
0x6b: {  	_ =	shalt  }
0x6c: {  	_ =	shalt  }
0x6d: {  	_ =	shalt  }
0x6e: {  	_ =	shalt  }
0x6f: {  	_ =	shalt  }
0x70: {  	_ =	shalt  }
0x71: {  	_ =	shalt  }
0x72: {  	_ =	shalt  }
0x73: {  	_ =	shalt  }
0x74: {  	_ =	shalt  }
0x75: {  	_ =	shalt  }
0x76: {  	_ =	shalt  }
0x77: {  	_ =	shalt  }
0x78: {  	_ =	shalt  }
0x79: {  	_ =	shalt  }
0x7a: {  	_ =	shalt  }
0x7b: {  	_ =	shalt  }
0x7c: {  	_ =	shalt  }
0x7d: {  	_ =	shalt  }
0x7e: {  	_ =	shalt  }
0x7f: {  	_ =	shalt  }
0x80: {  	_ =	shalt  }
0x81: {  	_ =	shalt  }
0x82: {  	_ =	shalt  }
0x83: {  	_ =	shalt  }
0x84: {  	_ =	shalt  }
0x85: {  	_ =	shalt  }
0x86: {  	_ =	shalt  }
0x87: {  	_ =	shalt  }
.Lfunc_end0:
.L_simem_size_0:
called_computation.10_lowered:
.L_overlay_start_0:
0x88: {  	s2 =	sld [smem:$0x3FD9]  }
0x89: {  	s3 =	sld [smem:$0x3FFE];
	_ =	sdelay $0x1  }
0x8a: {  	s1 =	srdreg.scid  }
0x8b: {  	s0 =	sand.u32 $0x1, s1  }
0x8c: {  	s14 =	sshll.u32 s0, $0xA;
	s2 =	sadd.s32 s3, s2  }
0x8d: {  	s2 =	sadd.s32 s2, s14  }
0x8e: {  	[smem:$0x3FC4] =	sst s2  }
0x8f: {  	_ = 	snop  }
0x90: {  	s2 =	sld [smem:$0x3FD0];
	_ =	sdelay $0x2  }
0x91: {  	s15 =	simm.s32 $0xA;
	s4 =	simm.s32 $0x10  }
0x92: {  	[smem:s4], [sflag:s15] =	dma.local [hbm:s2], $0x1  }
0x93: {  	_ =	swait.eq [sflag:s15], $0x1  }
0x94: {  	[sflag:s15] =	ssyncset.done $0x0  }
0x95: {  	[sflag:s15] =	ssyncadd.s32 $0xFFFFFFFF  }
0x96: {  	s16 =	sld [smem:$0x10];
	(tm) =	ssettm $0x1  }
0x97: {  	s17 =	sld [smem:$0x3FFB];
	_ =	sdelay $0x3  }
0x98: {  	_ =	strace s17  }
0x99: {  	s3 =	sld [smem:$0x3FFC];
	_ =	sdelay $0x3  }
0x9a: {  	_ =	strace s3  }
0x9b: {  	s3 =	sld [smem:$0x3FFD];
	_ =	sdelay $0x3  }
0x9c: {  	_ =	strace s3  }
0x9d: {  	_ =	strace $0x8FFFFFFF  }
0x9e: {  	s18 =	sld [smem:$0x3FDB];
	_ =	sdelay $0x1  }
0x9f: {  	s19 =	simm.s32 $_scs_section_size  }
0xa0: {  	s5 =	simm.s32 $_size__tile_overlayer_lowered;
	s6 =	simm.s32 $_tile_overlayer_lowered  }
0xa1: {  	s22 =	simm.s32 $0x1BFF;
	s21 =	sshll.u32 s6, $0x1;
	s3 =	sadd.s32 s19, s18  }
0xa2: {  	s7 =	simm.s32 $0x0;
	s20 =	sshll.u32 s5, $0x1;
	s5 =	sadd.s32 s21, s3  }
0xa3: {  	[timem:s7], [sflag:s22] =	dma.local [hbm:s5], s20  }
0xa4: {  	_ =	swait.ge [sflag:s22], s20  }
0xa5: {  	s4 =	ssub.s32 $0x0, s20;
	[sflag:s22] =	ssyncset.done $0x0  }
0xa6: {  	[sflag:s22] =	ssyncadd.s32 s4;
	_ =	sdelay $0x1  }
0xa7: {  	s23 =	simm.s32 $0x1B8B  }
0xa8: {  	_ =	swait.ge [sflag:s23], $0x1  }
0xa9: {  	[sflag:s23] =	ssyncset.done $0x0  }
0xaa: {  	s25 =	simm.s32 $0x1B8E;
	s24 =	sld [smem:$0x3FFE];
	[sflag:s23] =	ssyncadd.s32 $0xFFFFFFFF  }
0xab: {  	s26 =	simm.s32 $execute0_lowered;
	[smem:$0x3FD2] =	sst s25  }
0xac: {  	s5 =	sshll.u32 s26, $0x1;
	_ =	strace $0x80000064;
	[dreg:$0x1] =	wrdreg $0xFFFFFFFF  }
0xad: {  	s28 =	simm.s32 $_size_execute0_lowered;
	s3 =	sadd.s32 s3, s5;
	[dreg:$0x0] =	wrdreg $0x0  }
0xae: {  	s5 =	sshll.u32 s28, $0x1;
	[dreg:$0x2] =	wrdreg s3  }
0xaf: {  	[dreg:$0x3] =	wrdreg s5  }
0xb0: {  	[dreg:$0x4] =	wrdreg $0xC0  }
0xb1: {  	_ =	task [dreg:s7], $0x5FFFF  }
0xb2: {  	[dreg:$0x1] =	wrdreg $0xFFFFFFFF  }
0xb3: {  	[dreg:$0x0] =	wrdreg $0x60  }
0xb4: {  	[dreg:$0x2] =	wrdreg s16  }
0xb5: {  	[dreg:$0x3] =	wrdreg s24  }
0xb6: {  	[dreg:$0x4] =	wrdreg $0x9  }
0xb7: {  	_ =	task.clear_ibuf [dreg:s7], $0x5FFFF;
	_ =	strace $0x90000064  }
0xb8: {  	s29 =	simm.s32 $0x9;
	_ =	strace $0x80000066  }
0xb9: {  	_ =	swait.ge [sflag:s29], $0x1  }
0xba: {  	[sflag:s29] =	ssyncadd.s32 $0xFFFFFFFF  }
0xbb: {  	_ =	strace $0x90000066  }
0xbc: {  	_ =	sfence  }
0xbd: {  	s30 =	sld [smem:$0x0];
	_ =	sdelay $0x2  }
0xbe: {  	s31 =	sshll.u32 s1, $0xD;
	s1 =	sshrl.u32 s1, $0x2  }
0xbf: {  	s3 =	sand.u32 $0x4000, s31;
	s1 =	sadd.s32 s1, s30  }
0xc0: {  	s0 =	sor.u32 s3, s0;
	s1 =	sshll.u32 s1, $0x11  }
0xc1: {  	s0 =	sor.u32 s1, s0  }
0xc2: {  	s0 =	sadd.s32 $0x8F2B, s0  }
0xc3: {  	[sflag:s0] =	ssyncadd.remote.s32 $0x1  }
0xc4: {  	_ =	sfence.sel $0xFFFF  }
0xc5: {  	[dreg:$0x0] =	wrdreg $0xFFFFFFFF;
	(pc) =	sbr.abs _section_cstart, $3  }
0xc6: {  	[dreg:$0x1] =	wrdreg $0xFFFFFFFF  }
0xc7: {  	_ =	task.clear_ibuf [dreg:s7], $0x2FFFF;
	_ =	strace $0x9FFFFFFF  }
0xc8: {  	(tm) =	ssettm $0x7FFFFFFF  }
0xc9: {  	_ =	shalt  }
tec
execute0_lowered:
.L_overlay_start_1:
0x0: {  	(tag) =	ssettag $0x1  }
0x1: {  	s1 =	rddreg [dreg:$0x0]  }
0x2: {  	s4 =	rddreg [dreg:$0x1]  }
0x3: {  	s0 =	rddreg [dreg:$0x2]  }
0x4: {  	s3 =	simm.s32 $0x0;
	s5 =	srdreg.scid;
	s2 =	stileid.u32  }
0x5: {  	s11 =	simm.s32 $0x880;
	s12 =	simm.s32 $0x1080;
	s13 =	simm.s32 $0x1880  }
0x6: {  	s14 =	simm.s32 $0x2080;
	s15 =	simm.s32 $0x2880;
	s16 =	simm.s32 $0x3080  }
0x7: {  	s17 =	simm.s32 $0x3880;
	s18 =	simm.s32 $0x4080;
	s19 =	simm.s32 $0x4880  }
0x8: {  	s20 =	simm.s32 $0x5080;
	s21 =	simm.s32 $0x5880;
	s22 =	simm.s32 $0x6080  }
0x9: {  	s23 =	simm.s32 $0x6880;
	s24 =	simm.s32 $0x7080;
	s25 =	simm.s32 $0x7880  }
0xa: {  	s26 =	simm.s32 $0x1;
	[smem:$0x7FF] =	sst s3;
	s5 =	sand.u32 $0x1, s5  }
0xb: {  	s7 =	sshll.u32 s2, $0x9;
	s8 =	sadd.s32 $0x1E00, s4;
	s6 =	ssub.s32 $0x2, s5  }
0xc: {  	s28 =	sadd.s32 $0x384800, s4;
	s5 =	sshll.u32 s5, $0x8;
	s9 =	sshrl.u32 s6, $0x1  }
0xd: {  	_ =	strace $0x80000065;
	s5 =	sor.u32 s5, s7;
	s9 =	ssub.s32 s6, s9  }
0xe: {  	s29 =	sshrl.u32 s5, $0x3;
	s30 =	sshll.u32 s5, $0x5;
	s10 =	sor.u32 $0x80, s5  }
0xf: {  	v2 =	vlaneseq.u32;
	s4 =	sadd.s32 s8, s29;
	s31 =	sshrl.u32 s10, $0x3;
	s10 =	sshll.u32 s10, $0x5  }
0x10: {  	vm0 =	vmmov $0xffff;
	v1 =	vshrl.u32 v2, $0x3;
	s5 =	sadd.s32 s28, s30;
	s6 =	sadd.s32 s8, s31;
	s7 =	sadd.s32 s28, s10  }
0x11: {  	v0 =	vand.u32 $0x7, v2;
	v2 =	vor.u32 $0x8, v2;
	v1 =	vmul.u32 $0x8, v1;
	s8 =	smax.u32 s9, $0x1;
	s9 =	simm.s32 $0x2;
	s10 =	simm.s32 $0x80  }
.LBB2_1:
0x12: {  	[tilespmem:s3], [sflag:$0x2] =	stream.linear.gather [hbm4b:s4+s3], $0x80, $0x38;
	[tilespmem:$0x8080] =	vst v63  }
0x13: {  	_ =	swait.ge [sflag:s9], $0x80  }
0x14: {  	[sflag:s9] =	ssyncset.done $0x0  }
0x15: {  	[sflag:s9] =	ssyncadd.s32 $0xFFFFFF80  }
0x16: {  	v3 =	vld [tilespmem:$0x0];
	_ =	sdelay $0x4  }
0x17: {  	v4 =	vshll.u32 v3, $0x1  }
0x18: {  	v3 =	vand.u32 $0x7, v3;
	v4 =	vand.u32 $0xFFFFFFF0, v4  }
0x19: {  	v3 =	vor.u32 v3, v4  }
0x1a: {  	v4 =	vperm.xlane v3, v0;
	_ =	sdelay $0x1  }
0x1b: {  	v3 =	vperm.xlane v3, v2;
	v4 =	vadd.s32 v1, v4;
	_ =	sdelay $0x1  }
0x1c: {  	v3 =	vadd.s32 v1, v3;
	_ =	sdelay $0x2  }
0x1d: {  	[tilespmem:s10], [sflag:$0x1] =	stream.indirect_vreg.gather [hbm4b:s1+s3], $0x80, v4, vm0, $0xb8;
	[tilespmem:$0x8080] =	vst v63  }
0x1e: {  	_ = 	snop  }
0x1f: {  	[tilespmem:s11], [sflag:$0x1] =	stream.indirect_vreg.gather [hbm4b:s1+s3], $0x80, v3, vm0, $0xb8;
	[tilespmem:$0x8080] =	vst v63  }
0x20: {  	v3 =	vld [tilespmem:$0x10];
	_ =	sdelay $0x4  }
0x21: {  	v49 =	vshll.u32 v3, $0x1  }
0x22: {  	v3 =	vand.u32 $0x7, v3;
	v4 =	vand.u32 $0xFFFFFFF0, v49  }
0x23: {  	v3 =	vor.u32 v3, v4  }
0x24: {  	v4 =	vperm.xlane v3, v0;
	_ =	sdelay $0x1  }
0x25: {  	v3 =	vperm.xlane v3, v2;
	v4 =	vadd.s32 v1, v4;
	_ =	sdelay $0x1  }
0x26: {  	v3 =	vadd.s32 v1, v3;
	_ =	sdelay $0x2  }
0x27: {  	[tilespmem:s12], [sflag:$0x1] =	stream.indirect_vreg.gather [hbm4b:s1+s3], $0x80, v4, vm0, $0xb8;
	[tilespmem:$0x8080] =	vst v63  }
0x28: {  	_ = 	snop  }
0x29: {  	[tilespmem:s13], [sflag:$0x1] =	stream.indirect_vreg.gather [hbm4b:s1+s3], $0x80, v3, vm0, $0xb8;
	[tilespmem:$0x8080] =	vst v63  }
0x2a: {  	v3 =	vld [tilespmem:$0x20];
	_ =	sdelay $0x4  }
0x2b: {  	v50 =	vshll.u32 v3, $0x1  }
0x2c: {  	v3 =	vand.u32 $0x7, v3;
	v4 =	vand.u32 $0xFFFFFFF0, v50  }
0x2d: {  	v3 =	vor.u32 v3, v4  }
0x2e: {  	v4 =	vperm.xlane v3, v0;
	_ =	sdelay $0x1  }
0x2f: {  	v3 =	vperm.xlane v3, v2;
	v4 =	vadd.s32 v1, v4;
	_ =	sdelay $0x1  }
0x30: {  	v3 =	vadd.s32 v1, v3;
	_ =	sdelay $0x2  }
0x31: {  	[tilespmem:s14], [sflag:$0x1] =	stream.indirect_vreg.gather [hbm4b:s1+s3], $0x80, v4, vm0, $0xb8;
	[tilespmem:$0x8080] =	vst v63  }
0x32: {  	_ = 	snop  }
0x33: {  	[tilespmem:s15], [sflag:$0x1] =	stream.indirect_vreg.gather [hbm4b:s1+s3], $0x80, v3, vm0, $0xb8;
	[tilespmem:$0x8080] =	vst v63  }
0x34: {  	v3 =	vld [tilespmem:$0x30];
	_ =	sdelay $0x4  }
0x35: {  	v51 =	vshll.u32 v3, $0x1  }
0x36: {  	v3 =	vand.u32 $0x7, v3;
	v4 =	vand.u32 $0xFFFFFFF0, v51  }
0x37: {  	v3 =	vor.u32 v3, v4  }
0x38: {  	v4 =	vperm.xlane v3, v0;
	_ =	sdelay $0x1  }
0x39: {  	v3 =	vperm.xlane v3, v2;
	v4 =	vadd.s32 v1, v4;
	_ =	sdelay $0x1  }
0x3a: {  	v3 =	vadd.s32 v1, v3;
	_ =	sdelay $0x2  }
0x3b: {  	[tilespmem:s16], [sflag:$0x1] =	stream.indirect_vreg.gather [hbm4b:s1+s3], $0x80, v4, vm0, $0xb8;
	[tilespmem:$0x8080] =	vst v63  }
0x3c: {  	_ = 	snop  }
0x3d: {  	[tilespmem:s17], [sflag:$0x1] =	stream.indirect_vreg.gather [hbm4b:s1+s3], $0x80, v3, vm0, $0xb8;
	[tilespmem:$0x8080] =	vst v63  }
0x3e: {  	v3 =	vld [tilespmem:$0x40];
	_ =	sdelay $0x4  }
0x3f: {  	v52 =	vshll.u32 v3, $0x1  }
0x40: {  	v3 =	vand.u32 $0x7, v3;
	v4 =	vand.u32 $0xFFFFFFF0, v52  }
0x41: {  	v3 =	vor.u32 v3, v4  }
0x42: {  	v4 =	vperm.xlane v3, v0;
	_ =	sdelay $0x1  }
0x43: {  	v3 =	vperm.xlane v3, v2;
	v4 =	vadd.s32 v1, v4;
	_ =	sdelay $0x1  }
0x44: {  	v3 =	vadd.s32 v1, v3;
	_ =	sdelay $0x2  }
0x45: {  	[tilespmem:s18], [sflag:$0x1] =	stream.indirect_vreg.gather [hbm4b:s1+s3], $0x80, v4, vm0, $0xb8;
	[tilespmem:$0x8080] =	vst v63  }
0x46: {  	_ = 	snop  }
0x47: {  	[tilespmem:s19], [sflag:$0x1] =	stream.indirect_vreg.gather [hbm4b:s1+s3], $0x80, v3, vm0, $0xb8;
	[tilespmem:$0x8080] =	vst v63  }
0x48: {  	v3 =	vld [tilespmem:$0x50];
	_ =	sdelay $0x4  }
0x49: {  	v53 =	vshll.u32 v3, $0x1  }
0x4a: {  	v3 =	vand.u32 $0x7, v3;
	v4 =	vand.u32 $0xFFFFFFF0, v53  }
0x4b: {  	v3 =	vor.u32 v3, v4  }
0x4c: {  	v4 =	vperm.xlane v3, v0;
	_ =	sdelay $0x1  }
0x4d: {  	v3 =	vperm.xlane v3, v2;
	v4 =	vadd.s32 v1, v4;
	_ =	sdelay $0x1  }
0x4e: {  	v3 =	vadd.s32 v1, v3;
	_ =	sdelay $0x2  }
0x4f: {  	[tilespmem:s20], [sflag:$0x1] =	stream.indirect_vreg.gather [hbm4b:s1+s3], $0x80, v4, vm0, $0xb8;
	[tilespmem:$0x8080] =	vst v63  }
0x50: {  	_ = 	snop  }
0x51: {  	[tilespmem:s21], [sflag:$0x1] =	stream.indirect_vreg.gather [hbm4b:s1+s3], $0x80, v3, vm0, $0xb8;
	[tilespmem:$0x8080] =	vst v63  }
0x52: {  	v3 =	vld [tilespmem:$0x60];
	_ =	sdelay $0x4  }
0x53: {  	v54 =	vshll.u32 v3, $0x1  }
0x54: {  	v3 =	vand.u32 $0x7, v3;
	v4 =	vand.u32 $0xFFFFFFF0, v54  }
0x55: {  	v3 =	vor.u32 v3, v4  }
0x56: {  	v4 =	vperm.xlane v3, v0;
	_ =	sdelay $0x1  }
0x57: {  	v3 =	vperm.xlane v3, v2;
	v4 =	vadd.s32 v1, v4;
	_ =	sdelay $0x1  }
0x58: {  	v3 =	vadd.s32 v1, v3;
	_ =	sdelay $0x2  }
0x59: {  	[tilespmem:s22], [sflag:$0x1] =	stream.indirect_vreg.gather [hbm4b:s1+s3], $0x80, v4, vm0, $0xb8;
	[tilespmem:$0x8080] =	vst v63  }
0x5a: {  	_ = 	snop  }
0x5b: {  	[tilespmem:s23], [sflag:$0x1] =	stream.indirect_vreg.gather [hbm4b:s1+s3], $0x80, v3, vm0, $0xb8;
	[tilespmem:$0x8080] =	vst v63  }
0x5c: {  	v3 =	vld [tilespmem:$0x70];
	_ =	sdelay $0x4  }
0x5d: {  	v55 =	vshll.u32 v3, $0x1  }
0x5e: {  	v3 =	vand.u32 $0x7, v3;
	v4 =	vand.u32 $0xFFFFFFF0, v55  }
0x5f: {  	v3 =	vor.u32 v3, v4  }
0x60: {  	v4 =	vperm.xlane v3, v0;
	_ =	sdelay $0x1  }
0x61: {  	v3 =	vperm.xlane v3, v2;
	v4 =	vadd.s32 v1, v4;
	_ =	sdelay $0x1  }
0x62: {  	v3 =	vadd.s32 v1, v3;
	_ =	sdelay $0x2  }
0x63: {  	[tilespmem:s24], [sflag:$0x1] =	stream.indirect_vreg.gather [hbm4b:s1+s3], $0x80, v4, vm0, $0xb8;
	[tilespmem:$0x8080] =	vst v63  }
0x64: {  	_ = 	snop  }
0x65: {  	[tilespmem:s25], [sflag:$0x1] =	stream.indirect_vreg.gather [hbm4b:s1+s3], $0x80, v3, vm0, $0xb8;
	[tilespmem:$0x8080] =	vst v63  }
0x66: {  	_ =	swait.ge [sflag:s26], $0x8000  }
0x67: {  	[sflag:s26] =	ssyncset.done $0x0  }
0x68: {  	[sflag:s26] =	ssyncadd.s32 $0xFFFF8000  }
0x69: {  	[hbm4b:s5+s3] =	stream.linear.scatter [tilespmem:s10], [sflag:$0x2], $0x8000, $0x38;
	[tilespmem:$0x8080] =	vst v63  }
0x6a: {  	_ =	swait.ge [sflag:s9], $0x8000  }
0x6b: {  	[sflag:s9] =	ssyncset.done $0x0  }
0x6c: {  	[sflag:s9] =	ssyncadd.s32 $0xFFFF8000  }
0x6d: {  	[tilespmem:s3], [sflag:$0x2] =	stream.linear.gather [hbm4b:s6+s3], $0x80, $0x38;
	[tilespmem:$0x8080] =	vst v63  }
0x6e: {  	_ =	swait.ge [sflag:s9], $0x80  }
0x6f: {  	[sflag:s9] =	ssyncset.done $0x0  }
0x70: {  	[sflag:s9] =	ssyncadd.s32 $0xFFFFFF80  }
0x71: {  	v3 =	vld [tilespmem:$0x0];
	_ =	sdelay $0x4  }
0x72: {  	v56 =	vshll.u32 v3, $0x1  }
0x73: {  	v3 =	vand.u32 $0x7, v3;
	v4 =	vand.u32 $0xFFFFFFF0, v56  }
0x74: {  	v3 =	vor.u32 v3, v4  }
0x75: {  	v4 =	vperm.xlane v3, v0;
	_ =	sdelay $0x1  }
0x76: {  	v3 =	vperm.xlane v3, v2;
	v4 =	vadd.s32 v1, v4;
	_ =	sdelay $0x1  }
0x77: {  	v3 =	vadd.s32 v1, v3;
	_ =	sdelay $0x2  }
0x78: {  	[tilespmem:s10], [sflag:$0x1] =	stream.indirect_vreg.gather [hbm4b:s1+s3], $0x80, v4, vm0, $0xb8;
	[tilespmem:$0x8080] =	vst v63  }
0x79: {  	_ = 	snop  }
0x7a: {  	[tilespmem:s11], [sflag:$0x1] =	stream.indirect_vreg.gather [hbm4b:s1+s3], $0x80, v3, vm0, $0xb8;
	[tilespmem:$0x8080] =	vst v63  }
0x7b: {  	v3 =	vld [tilespmem:$0x10];
	_ =	sdelay $0x4  }
0x7c: {  	v57 =	vshll.u32 v3, $0x1  }
0x7d: {  	v3 =	vand.u32 $0x7, v3;
	v4 =	vand.u32 $0xFFFFFFF0, v57  }
0x7e: {  	v3 =	vor.u32 v3, v4  }
0x7f: {  	v4 =	vperm.xlane v3, v0;
	_ =	sdelay $0x1  }
0x80: {  	v3 =	vperm.xlane v3, v2;
	v4 =	vadd.s32 v1, v4;
	_ =	sdelay $0x1  }
0x81: {  	v3 =	vadd.s32 v1, v3;
	_ =	sdelay $0x2  }
0x82: {  	[tilespmem:s12], [sflag:$0x1] =	stream.indirect_vreg.gather [hbm4b:s1+s3], $0x80, v4, vm0, $0xb8;
	[tilespmem:$0x8080] =	vst v63  }
0x83: {  	_ = 	snop  }
0x84: {  	[tilespmem:s13], [sflag:$0x1] =	stream.indirect_vreg.gather [hbm4b:s1+s3], $0x80, v3, vm0, $0xb8;
	[tilespmem:$0x8080] =	vst v63  }
0x85: {  	v3 =	vld [tilespmem:$0x20];
	_ =	sdelay $0x4  }
0x86: {  	v58 =	vshll.u32 v3, $0x1  }
0x87: {  	v3 =	vand.u32 $0x7, v3;
	v4 =	vand.u32 $0xFFFFFFF0, v58  }
0x88: {  	v3 =	vor.u32 v3, v4  }
0x89: {  	v4 =	vperm.xlane v3, v0;
	_ =	sdelay $0x1  }
0x8a: {  	v3 =	vperm.xlane v3, v2;
	v4 =	vadd.s32 v1, v4;
	_ =	sdelay $0x1  }
0x8b: {  	v3 =	vadd.s32 v1, v3;
	_ =	sdelay $0x2  }
0x8c: {  	[tilespmem:s14], [sflag:$0x1] =	stream.indirect_vreg.gather [hbm4b:s1+s3], $0x80, v4, vm0, $0xb8;
	[tilespmem:$0x8080] =	vst v63  }
0x8d: {  	_ = 	snop  }
0x8e: {  	[tilespmem:s15], [sflag:$0x1] =	stream.indirect_vreg.gather [hbm4b:s1+s3], $0x80, v3, vm0, $0xb8;
	[tilespmem:$0x8080] =	vst v63  }
0x8f: {  	v3 =	vld [tilespmem:$0x30];
	_ =	sdelay $0x4  }
0x90: {  	v59 =	vshll.u32 v3, $0x1  }
0x91: {  	v3 =	vand.u32 $0x7, v3;
	v4 =	vand.u32 $0xFFFFFFF0, v59  }
0x92: {  	v3 =	vor.u32 v3, v4  }
0x93: {  	v4 =	vperm.xlane v3, v0;
	_ =	sdelay $0x1  }
0x94: {  	v3 =	vperm.xlane v3, v2;
	v4 =	vadd.s32 v1, v4;
	_ =	sdelay $0x1  }
0x95: {  	v3 =	vadd.s32 v1, v3;
	_ =	sdelay $0x2  }
0x96: {  	[tilespmem:s16], [sflag:$0x1] =	stream.indirect_vreg.gather [hbm4b:s1+s3], $0x80, v4, vm0, $0xb8;
	[tilespmem:$0x8080] =	vst v63  }
0x97: {  	_ = 	snop  }
0x98: {  	[tilespmem:s17], [sflag:$0x1] =	stream.indirect_vreg.gather [hbm4b:s1+s3], $0x80, v3, vm0, $0xb8;
	[tilespmem:$0x8080] =	vst v63  }
0x99: {  	v3 =	vld [tilespmem:$0x40];
	_ =	sdelay $0x4  }
0x9a: {  	v60 =	vshll.u32 v3, $0x1  }
0x9b: {  	v3 =	vand.u32 $0x7, v3;
	v4 =	vand.u32 $0xFFFFFFF0, v60  }
0x9c: {  	v3 =	vor.u32 v3, v4  }
0x9d: {  	v4 =	vperm.xlane v3, v0;
	_ =	sdelay $0x1  }
0x9e: {  	v3 =	vperm.xlane v3, v2;
	v4 =	vadd.s32 v1, v4;
	_ =	sdelay $0x1  }
0x9f: {  	v3 =	vadd.s32 v1, v3;
	_ =	sdelay $0x2  }
0xa0: {  	[tilespmem:s18], [sflag:$0x1] =	stream.indirect_vreg.gather [hbm4b:s1+s3], $0x80, v4, vm0, $0xb8;
	[tilespmem:$0x8080] =	vst v63  }
0xa1: {  	_ = 	snop  }
0xa2: {  	[tilespmem:s19], [sflag:$0x1] =	stream.indirect_vreg.gather [hbm4b:s1+s3], $0x80, v3, vm0, $0xb8;
	[tilespmem:$0x8080] =	vst v63  }
0xa3: {  	v3 =	vld [tilespmem:$0x50];
	_ =	sdelay $0x4  }
0xa4: {  	v61 =	vshll.u32 v3, $0x1  }
0xa5: {  	v3 =	vand.u32 $0x7, v3;
	v4 =	vand.u32 $0xFFFFFFF0, v61  }
0xa6: {  	v3 =	vor.u32 v3, v4  }
0xa7: {  	v4 =	vperm.xlane v3, v0;
	_ =	sdelay $0x1  }
0xa8: {  	v3 =	vperm.xlane v3, v2;
	v4 =	vadd.s32 v1, v4;
	_ =	sdelay $0x1  }
0xa9: {  	v3 =	vadd.s32 v1, v3;
	_ =	sdelay $0x2  }
0xaa: {  	[tilespmem:s20], [sflag:$0x1] =	stream.indirect_vreg.gather [hbm4b:s1+s3], $0x80, v4, vm0, $0xb8;
	[tilespmem:$0x8080] =	vst v63  }
0xab: {  	_ = 	snop  }
0xac: {  	[tilespmem:s21], [sflag:$0x1] =	stream.indirect_vreg.gather [hbm4b:s1+s3], $0x80, v3, vm0, $0xb8;
	[tilespmem:$0x8080] =	vst v63  }
0xad: {  	v3 =	vld [tilespmem:$0x60];
	_ =	sdelay $0x4  }
0xae: {  	v62 =	vshll.u32 v3, $0x1  }
0xaf: {  	v3 =	vand.u32 $0x7, v3;
	v4 =	vand.u32 $0xFFFFFFF0, v62  }
0xb0: {  	v3 =	vor.u32 v3, v4  }
0xb1: {  	v4 =	vperm.xlane v3, v0;
	_ =	sdelay $0x1  }
0xb2: {  	v3 =	vperm.xlane v3, v2;
	v4 =	vadd.s32 v1, v4;
	_ =	sdelay $0x1  }
0xb3: {  	v3 =	vadd.s32 v1, v3;
	_ =	sdelay $0x2  }
0xb4: {  	[tilespmem:s22], [sflag:$0x1] =	stream.indirect_vreg.gather [hbm4b:s1+s3], $0x80, v4, vm0, $0xb8;
	[tilespmem:$0x8080] =	vst v63  }
0xb5: {  	_ = 	snop  }
0xb6: {  	[tilespmem:s23], [sflag:$0x1] =	stream.indirect_vreg.gather [hbm4b:s1+s3], $0x80, v3, vm0, $0xb8;
	[tilespmem:$0x8080] =	vst v63  }
0xb7: {  	v3 =	vld [tilespmem:$0x70];
	_ =	sdelay $0x4  }
0xb8: {  	v63 =	vshll.u32 v3, $0x1  }
0xb9: {  	v3 =	vand.u32 $0x7, v3;
	v4 =	vand.u32 $0xFFFFFFF0, v63  }
0xba: {  	v3 =	vor.u32 v3, v4  }
0xbb: {  	v4 =	vperm.xlane v3, v0;
	_ =	sdelay $0x1  }
0xbc: {  	v3 =	vperm.xlane v3, v2;
	v4 =	vadd.s32 v1, v4;
	_ =	sdelay $0x1  }
0xbd: {  	v3 =	vadd.s32 v1, v3;
	_ =	sdelay $0x2  }
0xbe: {  	[tilespmem:s24], [sflag:$0x1] =	stream.indirect_vreg.gather [hbm4b:s1+s3], $0x80, v4, vm0, $0xb8;
	[tilespmem:$0x8080] =	vst v63  }
0xbf: {  	_ = 	snop  }
0xc0: {  	[tilespmem:s25], [sflag:$0x1] =	stream.indirect_vreg.gather [hbm4b:s1+s3], $0x80, v3, vm0, $0xb8;
	[tilespmem:$0x8080] =	vst v63  }
0xc1: {  	_ =	swait.ge [sflag:s26], $0x8000  }
0xc2: {  	p0 =	sne.s32 s8, $0x1;
	[sflag:s26] =	ssyncset.done $0x0  }
.Ltmp0:
0xc3: {  	[sflag:s26] =	ssyncadd.s32 $0xFFFF8000;
	(pc) =	sbr.rel @p0 .LBB2_1-.Ltmp0, $4  }
0xc4: {  	[hbm4b:s7+s3] =	stream.linear.scatter [tilespmem:s10], [sflag:$0x2], $0x8000, $0x38;
	[tilespmem:$0x8080] =	vst v63  }
0xc5: {  	_ =	swait.ge [sflag:s9], $0x8000  }
0xc6: {  	[sflag:s9] =	ssyncset.done $0x0  }
0xc7: {  	s8 =	sadd.s32 $0xFFFFFFFF, s8;
	[sflag:s9] =	ssyncadd.s32 $0xFFFF8000  }
0xc8: {  	_ =	sfence.sel $0x180000  }
0xc9: {  	[bflag:$0x0] =	sbarrier.arrive $0xFFFF  }
0xca: {  	p0 =	sne.s32 s2, $0x0;
	_ =	strace $0x90000065  }
0xcb: {  	s0 =	sadd.s32 @!p0 $0x100000, s0;
	[bflag:$0x2] =	sbarrier.arrive $0xFFFF  }
0xcc: {  	[sflag:s0] =	ssyncadd.tile.s32 @!p0 $0x1;
	_ =	shalt  }
.Lfunc_end2:
_tile_overlayer_lowered:
.L_overlay_start_2:
0xcd: {  	(tag) =	ssettag $0x2  }
0xce: {  	s0 =	rddreg [dreg:$0x0];
	s2 =	stileid.u32  }
0xcf: {  	s1 =	rddreg [dreg:$0x1];
	p0 =	sne.s32 s2, $0x0  }
0xd0: {  	s3 =	rddreg [dreg:$0x2];
	[bflag:$0x3] =	sbarrier.arrive $0xFFFF;
	s2 =	simm.s32 @!p0 $0x1C02  }
0xd1: {  	[timem:s3], [sflag:s2] =	dma.local @!p0 [hbm:s0], s1  }
0xd2: {  	s0 =	simm.s32 @!p0 $0x2  }
0xd3: {  	_ =	swait.ge @!p0 [sflag:s0], s1  }
0xd4: {  	s1 =	ssub.s32 @!p0 $0x0, s1;
	[sflag:s0] =	ssyncset.done @!p0 $0x0  }
0xd5: {  	[sflag:s0] =	ssyncadd.s32 @!p0 s1  }
0xd6: {  	[bflag:$0x3] =	sbarrier.arrive $0xFFFF  }
0xd7: {  	_ =	shalt  }

</sc_bundles>
